<compile_context>
chip_gen: v7x
topology: tpu7x:2x2x1
jax: 0.10.2.dev20260603
libtpu: 0.0.44.dev20260713+nightly
codegen_flags: <defaults>
</compile_context>

<pallas_src>
import functools

import jax
import jax.numpy as jnp
from jax import lax
from jax.experimental import pallas as pl
from jax.experimental.pallas import tpu as pltpu
from jax.experimental.pallas import tpu_sc as plsc

_B, _S, _D = 1, 2048, 768
_F = 3072
_E = 8
_JITTER = 0.01

_BLK = 256
_NBMAX = 24
_NSLOT = _NBMAX * _BLK
_NW = 32
_TPW = _S // _NW

_NRB = _S // _BLK


def _routing_body(x_ref, gw_ref, logits_ref, mult_ref, slots_ref, meta_ref):
    x = x_ref[...]
    gw = gw_ref[...]
    scores = jnp.dot(x, gw, preferred_element_type=jnp.float32)
    logits_ref[...] = scores

    neg = jnp.float32(-jnp.inf)
    lane = jax.lax.broadcasted_iota(jnp.int32, (_S, _E), 1)

    max_vals = jnp.max(scores, axis=-1, keepdims=True)
    max_ind = jnp.min(jnp.where(scores == max_vals, lane, _E),
                      axis=-1, keepdims=True)
    factor = jnp.maximum(jnp.abs(scores), max_vals)
    mask1 = (max_vals - scores) / factor > 2 * _JITTER
    mg = jnp.where(mask1, neg, scores)
    m = jnp.max(mg, axis=-1, keepdims=True)
    p = jnp.exp(mg - m)
    p = p / jnp.sum(p, axis=-1, keepdims=True)
    onehot1 = lane == max_ind
    mult1 = jnp.sum(jnp.where(onehot1, p, 0.0), axis=-1, keepdims=True)

    masked_scores = jnp.where(onehot1, neg, scores)
    max_vals2 = jnp.max(masked_scores, axis=-1, keepdims=True)
    max_ind2 = jnp.min(jnp.where(masked_scores == max_vals2, lane, _E),
                       axis=-1, keepdims=True)
    factor2 = jnp.maximum(jnp.abs(scores), max_vals2)
    mask2 = (max_vals2 - scores) / factor2 > 2 * _JITTER
    mg2 = jnp.where(mask2, neg, masked_scores)
    m2 = jnp.max(mg2, axis=-1, keepdims=True)
    p2 = jnp.exp(mg2 - m2)
    p2 = p2 / jnp.sum(p2, axis=-1, keepdims=True)
    onehot2 = lane == max_ind2
    mult2 = jnp.sum(jnp.where(onehot2, p2, 0.0), axis=-1, keepdims=True)

    mult_ref[...] = jnp.concatenate(
        [jnp.broadcast_to(mult1, (_S, 16)),
         jnp.broadcast_to(mult2, (_S, 16))], axis=-1)

    oh0 = onehot1.astype(jnp.float32)
    oh1 = onehot2.astype(jnp.float32)
    tri = (jax.lax.broadcasted_iota(jnp.int32, (_BLK, _BLK), 1)
           < jax.lax.broadcasted_iota(jnp.int32, (_BLK, _BLK), 0)
           ).astype(jnp.float32)

    def excl_cumsum(oh, carry0):
        blocks = []
        carry = carry0
        for i in range(_NRB):
            blk = oh[i * _BLK:(i + 1) * _BLK, :]
            c = jnp.dot(tri, blk, preferred_element_type=jnp.float32) + carry
            blocks.append(c)
            carry = carry + jnp.sum(blk, axis=0, keepdims=True)
        return jnp.concatenate(blocks, axis=0), carry

    zero8 = jnp.zeros((1, _E), jnp.float32)
    c0, tot0 = excl_cumsum(oh0, zero8)
    c1, tot01 = excl_cumsum(oh1, tot0)

    rank0 = jnp.sum(jnp.where(onehot1, c0, 0.0), axis=-1, keepdims=True)
    rank1 = jnp.sum(jnp.where(onehot2, c1, 0.0), axis=-1, keepdims=True)

    counts = tot01.astype(jnp.int32)
    nb = (counts + (_BLK - 1)) // _BLK
    lane8 = jax.lax.broadcasted_iota(jnp.int32, (1, _E), 1)
    nb_s = [jnp.sum(jnp.where(lane8 == e, nb, 0)) for e in range(_E)]
    cb_s = []
    acc = nb_s[0]
    for e in range(_E):
        if e:
            acc = acc + nb_s[e]
        cb_s.append(acc)
    off_s = [(cb_s[e] - nb_s[e]) * _BLK for e in range(_E)]
    off = jnp.zeros((1, _E), jnp.int32)
    for e in range(_E):
        off = jnp.where(lane8 == e, off_s[e], off)

    offf = off.astype(jnp.float32)
    off0 = jnp.sum(jnp.where(onehot1, offf, 0.0), axis=-1, keepdims=True)
    off1 = jnp.sum(jnp.where(onehot2, offf, 0.0), axis=-1, keepdims=True)
    slot0 = (off0 + rank0).astype(jnp.int32)
    slot1 = (off1 + rank1).astype(jnp.int32)
    slots_ref[...] = (jnp.where(lane == 0, slot0, 0)
                      + jnp.where(lane == 1, slot1, 0))

    nact = cb_s[_E - 1]
    lane128 = jax.lax.broadcasted_iota(jnp.int32, (1, 128), 1)

    has = [(nb_s[e] > 0).astype(jnp.int32) for e in range(_E)]
    rank = []
    racc = jnp.zeros((), jnp.int32)
    for e in range(_E):
        rank.append(racc)
        racc = racc + has[e]
    nruns = racc

    def block_tables(brow):
        raw = jnp.zeros(brow.shape, jnp.int32)
        for e in range(_E):
            raw = raw + (brow >= cb_s[e]).astype(jnp.int32)
        return raw

    raw0 = block_tables(lane128)
    lastex = jnp.max(jnp.where(lane128 < nact, raw0, 0))
    be = jnp.minimum(raw0, lastex)
    xmap = jnp.minimum(lane128 - 32, nact - 1)

    bew_rid = jnp.minimum(block_tables(lane128 - 80), lastex)
    rid = jnp.zeros((1, 128), jnp.int32)
    for e in range(_E):
        rid = jnp.where(bew_rid == e, rank[e], rid)

    bew_st = jnp.minimum(block_tables(lane128 - 104), lastex)
    st = jnp.zeros((1, 128), jnp.int32)
    for e in range(_E):
        st = jnp.where(
            jnp.logical_and(bew_st == e,
                            (lane128 - 104) == cb_s[e] - nb_s[e]),
            1, st)
    st = jnp.where(lane128 - 104 < nact, st, 0)

    re = jnp.zeros((1, 128), jnp.int32)
    for e in range(_E):
        re = jnp.where(
            jnp.logical_and(lane128 == 64 + rank[e], has[e] > 0), e, re)

    meta = jnp.where(lane128 < _NBMAX, be, 0)
    meta = jnp.where((lane128 >= 32) & (lane128 < 32 + _NBMAX), xmap, meta)
    meta = jnp.where(lane128 == 56, nact, meta)
    meta = jnp.where((lane128 >= 64) & (lane128 < 64 + _E), re, meta)
    meta = jnp.where(lane128 == 72, nruns, meta)
    meta = jnp.where((lane128 >= 80) & (lane128 < 80 + _NBMAX), rid, meta)
    meta = jnp.where(lane128 >= 104, st, meta)
    meta_ref[...] = meta


def _routing(x, gate_w):
    return pl.pallas_call(
        _routing_body,
        out_shape=[
            jax.ShapeDtypeStruct((_S, _E), jnp.float32),
            jax.ShapeDtypeStruct((_S, 32), jnp.float32),
            jax.ShapeDtypeStruct((_S, _E), jnp.int32),
            jax.ShapeDtypeStruct((1, 128), jnp.int32),
        ],
    )(x, gate_w)


def _w_copies(w1_hbm, w3_hbm, w2_hbm, vw1, vw3, vw2, sem, e, slot):
    return (
        pltpu.make_async_copy(w1_hbm.at[e], vw1.at[slot], sem.at[slot]),
        pltpu.make_async_copy(w3_hbm.at[e], vw3.at[slot], sem.at[slot]),
        pltpu.make_async_copy(w2_hbm.at[e], vw2.at[slot], sem.at[slot]),
    )


def _gmm_body(meta_ref, xs_ref, w1_hbm, w3_hbm, w2_hbm, ds_ref,
              vw1, vw3, vw2, sem):
    b = pl.program_id(0)
    nact = meta_ref[0, 56]
    nruns = meta_ref[0, 72]
    rid = meta_ref[0, 80 + b]
    is_start = meta_ref[0, 104 + b]
    slot = jax.lax.rem(rid, 2)

    @pl.when(b == 0)
    def _():
        for c in _w_copies(w1_hbm, w3_hbm, w2_hbm, vw1, vw3, vw2, sem,
                           meta_ref[0, 64], 0):
            c.start()

        @pl.when(nruns > 1)
        def _():
            for c in _w_copies(w1_hbm, w3_hbm, w2_hbm, vw1, vw3, vw2, sem,
                               meta_ref[0, 65], 1):
                c.start()

    @pl.when(jnp.logical_and(b < nact, is_start == 1))
    def _():
        for c in _w_copies(w1_hbm, w3_hbm, w2_hbm, vw1, vw3, vw2, sem,
                           meta_ref[0, 64 + rid], slot):
            c.wait()

        @pl.when(jnp.logical_and(rid + 1 < nruns, rid >= 1))
        def _():
            for c in _w_copies(w1_hbm, w3_hbm, w2_hbm, vw1, vw3, vw2, sem,
                               meta_ref[0, 64 + rid + 1], 1 - slot):
                c.start()

    @pl.when(b < nact)
    def _():
        x = xs_ref[...]
        g = jnp.dot(x, vw1[slot], preferred_element_type=jnp.float32)
        u = jnp.dot(x, vw3[slot], preferred_element_type=jnp.float32)
        h = g * (1.0 / (1.0 + jnp.exp(-g))) * u
        ds_ref[...] = jnp.dot(h, vw2[slot], preferred_element_type=jnp.float32)


def _gmm(meta, xs, w1, w3, w2):
    grid_spec = pltpu.PrefetchScalarGridSpec(
        num_scalar_prefetch=1,
        grid=(_NBMAX,),
        in_specs=[
            pl.BlockSpec((_BLK, _D), lambda b, m: (m[0, 32 + b], 0)),
            pl.BlockSpec(memory_space=pl.ANY),
            pl.BlockSpec(memory_space=pl.ANY),
            pl.BlockSpec(memory_space=pl.ANY),
        ],
        out_specs=pl.BlockSpec((_BLK, _D), lambda b, m: (b, 0)),
        scratch_shapes=[
            pltpu.VMEM((2, _D, _F), jnp.float32),
            pltpu.VMEM((2, _D, _F), jnp.float32),
            pltpu.VMEM((2, _F, _D), jnp.float32),
            pltpu.SemaphoreType.DMA((2,)),
        ],
    )
    return pl.pallas_call(
        _gmm_body,
        grid_spec=grid_spec,
        out_shape=jax.ShapeDtypeStruct((_NSLOT, _D), jnp.float32),
        compiler_params=pltpu.CompilerParams(
            dimension_semantics=("arbitrary",),
            vmem_limit_bytes=100 * 1024 * 1024,
        ),
    )(meta, xs, w1, w3, w2)


def _dispatch(x, s0, s1):
    mesh = plsc.VectorSubcoreMesh(core_axis_name="c", subcore_axis_name="s")

    @functools.partial(
        pl.kernel, mesh=mesh,
        out_type=jax.ShapeDtypeStruct((_NSLOT, _D), jnp.float32),
        scratch_types=[
            pltpu.VMEM((_TPW, _D), jnp.float32),
            pltpu.VMEM((2, _TPW // 2), jnp.int32),
            pltpu.VMEM((2, _TPW // 2), jnp.int32),
            pltpu.SemaphoreType.DMA,
            pltpu.SemaphoreType.DMA,
            pltpu.SemaphoreType.DMA,
        ],
    )
    def k(x_hbm, s0_hbm, s1_hbm, out_hbm, xbuf, i0, i1, sem0, sem1, semx):
        wid = lax.axis_index("s") * 2 + lax.axis_index("c")
        base = wid * _TPW
        h = _TPW // 2
        cxa = pltpu.async_copy(x_hbm.at[pl.ds(base, h)],
                               xbuf.at[pl.ds(0, h)], semx)
        cxb = pltpu.async_copy(x_hbm.at[pl.ds(base + h, h)],
                               xbuf.at[pl.ds(h, h)], semx)
        pltpu.sync_copy(s0_hbm.at[wid], i0)
        pltpu.sync_copy(s1_hbm.at[wid], i1)
        cxa.wait()
        c0a = pltpu.async_copy(xbuf.at[pl.ds(0, h)],
                               out_hbm.at[i0.at[0]], sem0)
        c1a = pltpu.async_copy(xbuf.at[pl.ds(0, h)],
                               out_hbm.at[i1.at[0]], sem1)
        cxb.wait()
        c0b = pltpu.async_copy(xbuf.at[pl.ds(h, h)],
                               out_hbm.at[i0.at[1]], sem0)
        c1b = pltpu.async_copy(xbuf.at[pl.ds(h, h)],
                               out_hbm.at[i1.at[1]], sem1)
        c0a.wait()
        c1a.wait()
        c0b.wait()
        c1b.wait()

    return k(x, s0, s1)


def _combine(ds, s0, s1, mult):
    mesh = plsc.VectorSubcoreMesh(core_axis_name="c", subcore_axis_name="s")

    @functools.partial(
        pl.kernel, mesh=mesh,
        out_type=jax.ShapeDtypeStruct((_S, _D), jnp.float32),
        scratch_types=[
            pltpu.VMEM((_TPW, _D), jnp.float32),
            pltpu.VMEM((_TPW, _D), jnp.float32),
            pltpu.VMEM((_TPW, 32), jnp.float32),
            pltpu.VMEM((2, _TPW // 2), jnp.int32),
            pltpu.VMEM((2, _TPW // 2), jnp.int32),
            pltpu.SemaphoreType.DMA,
            pltpu.SemaphoreType.DMA,
        ],
    )
    def k(ds_hbm, s0_hbm, s1_hbm, m_hbm, out_hbm,
          buf0, buf1, mbuf, i0, i1, semA, semB):
        wid = lax.axis_index("s") * 2 + lax.axis_index("c")
        base = wid * _TPW
        h = _TPW // 2
        pltpu.sync_copy(s0_hbm.at[wid], i0)
        pltpu.sync_copy(s1_hbm.at[wid], i1)
        pltpu.sync_copy(m_hbm.at[pl.ds(base, _TPW)], mbuf)
        c0a = pltpu.async_copy(ds_hbm.at[i0.at[0]], buf0.at[pl.ds(0, h)],
                               semA)
        c1a = pltpu.async_copy(ds_hbm.at[i1.at[0]], buf1.at[pl.ds(0, h)],
                               semA)
        c0b = pltpu.async_copy(ds_hbm.at[i0.at[1]], buf0.at[pl.ds(h, h)],
                               semB)
        c1b = pltpu.async_copy(ds_hbm.at[i1.at[1]], buf1.at[pl.ds(h, h)],
                               semB)

        def row(j, _):
            w0 = mbuf[j, pl.ds(0, 16)]
            w1 = mbuf[j, pl.ds(16, 16)]
            for c in range(_D // 16):
                cs = pl.ds(c * 16, 16)
                buf0[j, cs] = buf0[j, cs] * w0 + buf1[j, cs] * w1
            return ()

        c0a.wait()
        c1a.wait()
        lax.fori_loop(0, h, row, ())
        pltpu.sync_copy(buf0.at[pl.ds(0, h)],
                        out_hbm.at[pl.ds(base, h)])
        c0b.wait()
        c1b.wait()
        lax.fori_loop(h, _TPW, row, ())
        pltpu.sync_copy(buf0.at[pl.ds(h, h)],
                        out_hbm.at[pl.ds(base + h, h)])

    return k(ds, s0, s1, mult)


def kernel(hidden_states, gate_w, w1, w2, w3):
    x = hidden_states.reshape(-1, _D)
    logits, mult, slots, meta = _routing(x, gate_w)
    s0 = slots[:, 0].reshape(_NW, 2, _TPW // 2)
    s1 = slots[:, 1].reshape(_NW, 2, _TPW // 2)
    xs = _dispatch(x, s0, s1)
    ds = _gmm(meta, xs, w1, w3, w2)
    out = _combine(ds, s0, s1, mult)
    return (out.reshape(hidden_states.shape),
            logits.reshape(_B, _S, _E))

# --- scband reference (transcript-rebuilt; emitter-appended) ---
"""Pipeline reference for scband-phi-moe-sparse-moe-block-28252294873715 (READ-ONLY COPY).

The authoritative reference and input builder live on the scoring server;
editing this copy changes nothing except your own understanding.
"""

import jax, jax.numpy as jnp
import numpy as np

B, S, D = 1, 2048, 768
F = 3072
E = 8
TOP_K = 2
JITTER = 0.01


def setup_inputs(seed: int = 0) -> dict:
    key = jax.random.key(seed)
    ks = jax.random.split(key, 5)
    hidden_states = jax.random.normal(ks[0], (B, S, D), dtype=jnp.float32)
    gate_w = jax.random.normal(ks[1], (D, E), dtype=jnp.float32) * 0.02
    w1 = jax.random.normal(ks[2], (E, D, F), dtype=jnp.float32) * 0.02
    w2 = jax.random.normal(ks[3], (E, F, D), dtype=jnp.float32) * 0.02
    w3 = jax.random.normal(ks[4], (E, D, F), dtype=jnp.float32) * 0.02
    return {"hidden_states": hidden_states, "gate_w": gate_w, "w1": w1, "w2": w2, "w3": w3}


def _sparsemixer_eval(scores, jitter_eps):
    tokens = scores.shape[0]
    max_vals = jnp.max(scores, axis=-1, keepdims=True)
    max_ind = jnp.argmax(scores, axis=-1, keepdims=True)
    factor = jnp.maximum(jnp.abs(scores), max_vals)
    threshold_mask = (max_vals - scores) / factor > 2 * jitter_eps
    masked_gates = jnp.where(threshold_mask, -jnp.inf, scores)
    masked_probs = jax.nn.softmax(masked_gates, axis=-1)
    multiplier_1 = jnp.take_along_axis(masked_probs, max_ind, axis=-1)
    masked_scores = scores.at[jnp.arange(tokens), max_ind.squeeze(-1)].set(-jnp.inf)
    max_vals_2 = jnp.max(masked_scores, axis=-1, keepdims=True)
    max_ind_2 = jnp.argmax(masked_scores, axis=-1, keepdims=True)
    factor_2 = jnp.maximum(jnp.abs(scores), max_vals_2)
    threshold_mask_2 = (max_vals_2 - scores) / factor_2 > 2 * jitter_eps
    masked_gates_2 = jnp.where(threshold_mask_2, -jnp.inf, masked_scores)
    masked_probs_2 = jax.nn.softmax(masked_gates_2, axis=-1)
    multiplier_2 = jnp.take_along_axis(masked_probs_2, max_ind_2, axis=-1)
    multiplier = jnp.concatenate([multiplier_1, multiplier_2], axis=-1)
    selected_experts = jnp.concatenate([max_ind, max_ind_2], axis=-1).astype(jnp.int32)
    return multiplier, selected_experts


def reference(hidden_states, gate_w, w1, w2, w3):
    bsz, seqlen, hd = hidden_states.shape
    x = hidden_states.reshape(-1, hd)
    router_logits = (x @ gate_w).astype(jnp.float32)
    routing_weights, selected_experts = _sparsemixer_eval(router_logits, JITTER)
    T = x.shape[0]
    # scatter top-k routing weights into a dense (tokens, num_experts) matrix
    dense_rw = jnp.zeros((T, E), dtype=routing_weights.dtype)
    dense_rw = dense_rw.at[jnp.arange(T)[:, None], selected_experts].set(routing_weights)
    # expert SwiGLU MLPs, computed densely and combined by routing weights
    gate_act = jax.nn.silu(jnp.einsum('td,edf->etf', x, w1))
    up = jnp.einsum('td,edf->etf', x, w3)
    down = jnp.einsum('etf,efd->etd', gate_act * up, w2)
    out = jnp.einsum('etd,te->td', down, dense_rw)
    final_hidden = out.reshape(bsz, seqlen, hd)
    return final_hidden, router_logits.reshape(bsz, seqlen, E)

if __name__ == "__main__":
    import jax
    _d = setup_inputs()
    print(jax.jit(kernel)(*tuple(_d.values())))

</pallas_src>

<mosaic_0001>
#map = affine_map<(d0, d1) -> (0, 0)>
#map1 = affine_map<(d0, d1) -> (0, 0, 0)>
module attributes {stable_mosaic.version = 14 : i64} {
  func.func @k(%arg0: i32, %arg1: i32, %arg2: memref<2048x768xf32, #tpu.memory_space<hbm>>, %arg3: memref<32x2x32xi32, #tpu.memory_space<hbm>>, %arg4: memref<32x2x32xi32, #tpu.memory_space<hbm>>, %arg5: memref<6144x768xf32, #tpu.memory_space<hbm>>, %arg6: memref<64x768xf32, #tpu.memory_space<vmem>>, %arg7: memref<2x32xi32, #tpu.memory_space<vmem>>, %arg8: memref<2x32xi32, #tpu.memory_space<vmem>>, %arg9: memref<!tpu.dma_semaphore, #tpu.memory_space<semaphore_mem>>, %arg10: memref<!tpu.dma_semaphore, #tpu.memory_space<semaphore_mem>>, %arg11: memref<!tpu.dma_semaphore, #tpu.memory_space<semaphore_mem>>) attributes {dimension_semantics = [#tpu.dimension_semantics<core_parallel>, #tpu.dimension_semantics<subcore_parallel>], iteration_bounds = array<i64: 2, 16>, scalar_prefetch = 0 : i64, scratch_operands = 6 : i64, tpu.core_type = #tpu.core_type<sc_vector_subcore>, window_params = [{transform_indices = #map}, {transform_indices = #map1}, {transform_indices = #map1}, {transform_indices = #map}]} {
    %mul3A = arith.constant 2 : i32
    %mul3A_0 = arith.muli %arg1, %mul3A : i32
    %add3A = arith.addi %mul3A_0, %arg0 : i32
    %mul3A_1 = arith.constant 64 : i32
    %mul3A_2 = arith.muli %add3A, %mul3A_1 : i32
    %dma_start3A = arith.constant 0 : i32
    %dma_start3A_3 = arith.constant 0 : i32
    %dma_start3A_4 = tpu.memref_slice %arg6[%dma_start3A, %dma_start3A_3] : memref<64x768xf32, #tpu.memory_space<vmem>> -> memref<32x768xf32, #tpu.memory_space<vmem>>
    %dma_start3A_5 = arith.constant 0 : i32
    %dma_start3A_6 = tpu.memref_slice %arg2[%mul3A_2, %dma_start3A_5] : memref<2048x768xf32, #tpu.memory_space<hbm>> -> memref<32x768xf32, #tpu.memory_space<hbm>>
    %dma_start3A_7 = arith.constant 0 : i32
    %dma_start3A_8 = arith.constant 0 : i32
    %dma_start3A_9 = tpu.memref_slice %arg6[%dma_start3A_7, %dma_start3A_8] : memref<64x768xf32, #tpu.memory_space<vmem>> -> memref<32x768xf32, #tpu.memory_space<vmem>>
    %dma_start3A_10 = arith.constant 0 : i32
    %dma_start3A_11 = tpu.memref_slice %arg2[%mul3A_2, %dma_start3A_10] : memref<2048x768xf32, #tpu.memory_space<hbm>> -> memref<32x768xf32, #tpu.memory_space<hbm>>
    tpu.enqueue_dma source(%dma_start3A_11 : memref<32x768xf32, #tpu.memory_space<hbm>>) target(%dma_start3A_9 : memref<32x768xf32, #tpu.memory_space<vmem>>) target_semaphore(%arg11 : memref<!tpu.dma_semaphore, #tpu.memory_space<semaphore_mem>>)
    %add3A_12 = arith.constant 32 : i32
    %add3A_13 = arith.addi %mul3A_2, %add3A_12 : i32
    %dma_start3A_14 = arith.constant 32 : i32
    %dma_start3A_15 = arith.constant 0 : i32
    %dma_start3A_16 = tpu.memref_slice %arg6[%dma_start3A_14, %dma_start3A_15] : memref<64x768xf32, #tpu.memory_space<vmem>> -> memref<32x768xf32, #tpu.memory_space<vmem>>
    %dma_start3A_17 = arith.constant 0 : i32
    %dma_start3A_18 = tpu.memref_slice %arg2[%add3A_13, %dma_start3A_17] : memref<2048x768xf32, #tpu.memory_space<hbm>> -> memref<32x768xf32, #tpu.memory_space<hbm>>
    %dma_start3A_19 = arith.constant 32 : i32
    %dma_start3A_20 = arith.constant 0 : i32
    %dma_start3A_21 = tpu.memref_slice %arg6[%dma_start3A_19, %dma_start3A_20] : memref<64x768xf32, #tpu.memory_space<vmem>> -> memref<32x768xf32, #tpu.memory_space<vmem>>
    %dma_start3A_22 = arith.constant 0 : i32
    %dma_start3A_23 = tpu.memref_slice %arg2[%add3A_13, %dma_start3A_22] : memref<2048x768xf32, #tpu.memory_space<hbm>> -> memref<32x768xf32, #tpu.memory_space<hbm>>
    tpu.enqueue_dma source(%dma_start3A_23 : memref<32x768xf32, #tpu.memory_space<hbm>>) target(%dma_start3A_21 : memref<32x768xf32, #tpu.memory_space<vmem>>) target_semaphore(%arg11 : memref<!tpu.dma_semaphore, #tpu.memory_space<semaphore_mem>>)
    "tpu.region"() ({
      %run_scoped3A = tpu.sem_alloc : memref<!tpu.dma_semaphore, #tpu.memory_space<semaphore_mem>>
      %dma_start3A_123 = arith.constant 0 : i32
      %dma_start3A_124 = arith.constant 0 : i32
      %dma_start3A_125 = tpu.memref_slice %arg3[%add3A, %dma_start3A_123, %dma_start3A_124] : memref<32x2x32xi32, #tpu.memory_space<hbm>> -> memref<1x2x32xi32, #tpu.memory_space<hbm>>
      %dma_start3A_126 = tpu.memref_squeeze %dma_start3A_125 : memref<1x2x32xi32, #tpu.memory_space<hbm>> -> memref<2x32xi32, #tpu.memory_space<hbm>>
      %dma_start3A_127 = arith.constant 0 : i32
      %dma_start3A_128 = arith.constant 0 : i32
      %dma_start3A_129 = tpu.memref_slice %arg3[%add3A, %dma_start3A_127, %dma_start3A_128] : memref<32x2x32xi32, #tpu.memory_space<hbm>> -> memref<1x2x32xi32, #tpu.memory_space<hbm>>
      %dma_start3A_130 = tpu.memref_squeeze %dma_start3A_129 : memref<1x2x32xi32, #tpu.memory_space<hbm>> -> memref<2x32xi32, #tpu.memory_space<hbm>>
      tpu.enqueue_dma source(%dma_start3A_130 : memref<2x32xi32, #tpu.memory_space<hbm>>) target(%arg7 : memref<2x32xi32, #tpu.memory_space<vmem>>) target_semaphore(%run_scoped3A : memref<!tpu.dma_semaphore, #tpu.memory_space<semaphore_mem>>)
      %dma_wait3A_131 = arith.constant 0 : i32
      %dma_wait3A_132 = arith.constant 0 : i32
      %dma_wait3A_133 = tpu.memref_slice %arg3[%add3A, %dma_wait3A_131, %dma_wait3A_132] : memref<32x2x32xi32, #tpu.memory_space<hbm>> -> memref<1x2x32xi32, #tpu.memory_space<hbm>>
      %dma_wait3A_134 = tpu.memref_squeeze %dma_wait3A_133 : memref<1x2x32xi32, #tpu.memory_space<hbm>> -> memref<2x32xi32, #tpu.memory_space<hbm>>
      %dma_wait3A_135 = arith.constant 0 : i32
      %dma_wait3A_136 = arith.constant 0 : i32
      %dma_wait3A_137 = tpu.memref_slice %arg3[%add3A, %dma_wait3A_135, %dma_wait3A_136] : memref<32x2x32xi32, #tpu.memory_space<hbm>> -> memref<1x2x32xi32, #tpu.memory_space<hbm>>
      %dma_wait3A_138 = tpu.memref_squeeze %dma_wait3A_137 : memref<1x2x32xi32, #tpu.memory_space<hbm>> -> memref<2x32xi32, #tpu.memory_space<hbm>>
      tpu.wait_dma2 semaphore(%run_scoped3A : memref<!tpu.dma_semaphore, #tpu.memory_space<semaphore_mem>>) src(%dma_wait3A_138 : memref<2x32xi32, #tpu.memory_space<hbm>>) dst(%arg7 : memref<2x32xi32, #tpu.memory_space<vmem>>)
      tpu.yield
    }) : () -> ()
    "tpu.region"() ({
      %run_scoped3A = tpu.sem_alloc : memref<!tpu.dma_semaphore, #tpu.memory_space<semaphore_mem>>
      %dma_start3A_123 = arith.constant 0 : i32
      %dma_start3A_124 = arith.constant 0 : i32
      %dma_start3A_125 = tpu.memref_slice %arg4[%add3A, %dma_start3A_123, %dma_start3A_124] : memref<32x2x32xi32, #tpu.memory_space<hbm>> -> memref<1x2x32xi32, #tpu.memory_space<hbm>>
      %dma_start3A_126 = tpu.memref_squeeze %dma_start3A_125 : memref<1x2x32xi32, #tpu.memory_space<hbm>> -> memref<2x32xi32, #tpu.memory_space<hbm>>
      %dma_start3A_127 = arith.constant 0 : i32
      %dma_start3A_128 = arith.constant 0 : i32
      %dma_start3A_129 = tpu.memref_slice %arg4[%add3A, %dma_start3A_127, %dma_start3A_128] : memref<32x2x32xi32, #tpu.memory_space<hbm>> -> memref<1x2x32xi32, #tpu.memory_space<hbm>>
      %dma_start3A_130 = tpu.memref_squeeze %dma_start3A_129 : memref<1x2x32xi32, #tpu.memory_space<hbm>> -> memref<2x32xi32, #tpu.memory_space<hbm>>
      tpu.enqueue_dma source(%dma_start3A_130 : memref<2x32xi32, #tpu.memory_space<hbm>>) target(%arg8 : memref<2x32xi32, #tpu.memory_space<vmem>>) target_semaphore(%run_scoped3A : memref<!tpu.dma_semaphore, #tpu.memory_space<semaphore_mem>>)
      %dma_wait3A_131 = arith.constant 0 : i32
      %dma_wait3A_132 = arith.constant 0 : i32
      %dma_wait3A_133 = tpu.memref_slice %arg4[%add3A, %dma_wait3A_131, %dma_wait3A_132] : memref<32x2x32xi32, #tpu.memory_space<hbm>> -> memref<1x2x32xi32, #tpu.memory_space<hbm>>
      %dma_wait3A_134 = tpu.memref_squeeze %dma_wait3A_133 : memref<1x2x32xi32, #tpu.memory_space<hbm>> -> memref<2x32xi32, #tpu.memory_space<hbm>>
      %dma_wait3A_135 = arith.constant 0 : i32
      %dma_wait3A_136 = arith.constant 0 : i32
      %dma_wait3A_137 = tpu.memref_slice %arg4[%add3A, %dma_wait3A_135, %dma_wait3A_136] : memref<32x2x32xi32, #tpu.memory_space<hbm>> -> memref<1x2x32xi32, #tpu.memory_space<hbm>>
      %dma_wait3A_138 = tpu.memref_squeeze %dma_wait3A_137 : memref<1x2x32xi32, #tpu.memory_space<hbm>> -> memref<2x32xi32, #tpu.memory_space<hbm>>
      tpu.wait_dma2 semaphore(%run_scoped3A : memref<!tpu.dma_semaphore, #tpu.memory_space<semaphore_mem>>) src(%dma_wait3A_138 : memref<2x32xi32, #tpu.memory_space<hbm>>) dst(%arg8 : memref<2x32xi32, #tpu.memory_space<vmem>>)
      tpu.yield
    }) : () -> ()
    %dma_wait3A = arith.constant 0 : i32
    %dma_wait3A_24 = arith.constant 0 : i32
    %dma_wait3A_25 = tpu.memref_slice %arg6[%dma_wait3A, %dma_wait3A_24] : memref<64x768xf32, #tpu.memory_space<vmem>> -> memref<32x768xf32, #tpu.memory_space<vmem>>
    %dma_wait3A_26 = arith.constant 0 : i32
    %dma_wait3A_27 = tpu.memref_slice %arg2[%mul3A_2, %dma_wait3A_26] : memref<2048x768xf32, #tpu.memory_space<hbm>> -> memref<32x768xf32, #tpu.memory_space<hbm>>
    %dma_wait3A_28 = arith.constant 0 : i32
    %dma_wait3A_29 = arith.constant 0 : i32
    %dma_wait3A_30 = tpu.memref_slice %arg6[%dma_wait3A_28, %dma_wait3A_29] : memref<64x768xf32, #tpu.memory_space<vmem>> -> memref<32x768xf32, #tpu.memory_space<vmem>>
    %dma_wait3A_31 = arith.constant 0 : i32
    %dma_wait3A_32 = tpu.memref_slice %arg2[%mul3A_2, %dma_wait3A_31] : memref<2048x768xf32, #tpu.memory_space<hbm>> -> memref<32x768xf32, #tpu.memory_space<hbm>>
    tpu.wait_dma2 semaphore(%arg11 : memref<!tpu.dma_semaphore, #tpu.memory_space<semaphore_mem>>) src(%dma_wait3A_32 : memref<32x768xf32, #tpu.memory_space<hbm>>) dst(%dma_wait3A_30 : memref<32x768xf32, #tpu.memory_space<vmem>>)
    %dma_start3A_33 = arith.constant 0 : i32
    %dma_start3A_34 = arith.constant 0 : i32
    %dma_start3A_35 = arith.constant 0 : i32
    %dma_start3A_36 = tpu.memref_slice %arg6[%dma_start3A_34, %dma_start3A_35] : memref<64x768xf32, #tpu.memory_space<vmem>> -> memref<32x768xf32, #tpu.memory_space<vmem>>
    %dma_start3A_37 = arith.constant 0 : i32
    %dma_start3A_38 = tpu.memref_slice %arg7[%dma_start3A_33, %dma_start3A_37] : memref<2x32xi32, #tpu.memory_space<vmem>> -> memref<1x32xi32, #tpu.memory_space<vmem>>
    %dma_start3A_39 = tpu.memref_squeeze %dma_start3A_38 : memref<1x32xi32, #tpu.memory_space<vmem>> -> memref<32xi32, #tpu.memory_space<vmem>>
    %dma_start3A_40 = arith.constant 0 : i32
    %dma_start3A_41 = arith.constant 0 : i32
    %dma_start3A_42 = tpu.memref_slice %arg5[%dma_start3A_40, %dma_start3A_41] : memref<6144x768xf32, #tpu.memory_space<hbm>> -> memref<6144x768xf32, #tpu.memory_space<hbm>>
    tpu.enqueue_indirect_dma source(%dma_start3A_36 : memref<32x768xf32, #tpu.memory_space<vmem>>) target(%dma_start3A_42 : memref<6144x768xf32, #tpu.memory_space<hbm>>) offsets(%dma_start3A_39 : memref<32xi32, #tpu.memory_space<vmem>>) semaphore(%arg9 : memref<!tpu.dma_semaphore, #tpu.memory_space<semaphore_mem>>)
    %dma_start3A_43 = arith.constant 0 : i32
    %dma_start3A_44 = arith.constant 0 : i32
    %dma_start3A_45 = arith.constant 0 : i32
    %dma_start3A_46 = tpu.memref_slice %arg6[%dma_start3A_44, %dma_start3A_45] : memref<64x768xf32, #tpu.memory_space<vmem>> -> memref<32x768xf32, #tpu.memory_space<vmem>>
    %dma_start3A_47 = arith.constant 0 : i32
    %dma_start3A_48 = tpu.memref_slice %arg8[%dma_start3A_43, %dma_start3A_47] : memref<2x32xi32, #tpu.memory_space<vmem>> -> memref<1x32xi32, #tpu.memory_space<vmem>>
    %dma_start3A_49 = tpu.memref_squeeze %dma_start3A_48 : memref<1x32xi32, #tpu.memory_space<vmem>> -> memref<32xi32, #tpu.memory_space<vmem>>
    %dma_start3A_50 = arith.constant 0 : i32
    %dma_start3A_51 = arith.constant 0 : i32
    %dma_start3A_52 = tpu.memref_slice %arg5[%dma_start3A_50, %dma_start3A_51] : memref<6144x768xf32, #tpu.memory_space<hbm>> -> memref<6144x768xf32, #tpu.memory_space<hbm>>
    tpu.enqueue_indirect_dma source(%dma_start3A_46 : memref<32x768xf32, #tpu.memory_space<vmem>>) target(%dma_start3A_52 : memref<6144x768xf32, #tpu.memory_space<hbm>>) offsets(%dma_start3A_49 : memref<32xi32, #tpu.memory_space<vmem>>) semaphore(%arg10 : memref<!tpu.dma_semaphore, #tpu.memory_space<semaphore_mem>>)
    %dma_wait3A_53 = arith.constant 32 : i32
    %dma_wait3A_54 = arith.constant 0 : i32
    %dma_wait3A_55 = tpu.memref_slice %arg6[%dma_wait3A_53, %dma_wait3A_54] : memref<64x768xf32, #tpu.memory_space<vmem>> -> memref<32x768xf32, #tpu.memory_space<vmem>>
    %dma_wait3A_56 = arith.constant 0 : i32
    %dma_wait3A_57 = tpu.memref_slice %arg2[%add3A_13, %dma_wait3A_56] : memref<2048x768xf32, #tpu.memory_space<hbm>> -> memref<32x768xf32, #tpu.memory_space<hbm>>
    %dma_wait3A_58 = arith.constant 32 : i32
    %dma_wait3A_59 = arith.constant 0 : i32
    %dma_wait3A_60 = tpu.memref_slice %arg6[%dma_wait3A_58, %dma_wait3A_59] : memref<64x768xf32, #tpu.memory_space<vmem>> -> memref<32x768xf32, #tpu.memory_space<vmem>>
    %dma_wait3A_61 = arith.constant 0 : i32
    %dma_wait3A_62 = tpu.memref_slice %arg2[%add3A_13, %dma_wait3A_61] : memref<2048x768xf32, #tpu.memory_space<hbm>> -> memref<32x768xf32, #tpu.memory_space<hbm>>
    tpu.wait_dma2 semaphore(%arg11 : memref<!tpu.dma_semaphore, #tpu.memory_space<semaphore_mem>>) src(%dma_wait3A_62 : memref<32x768xf32, #tpu.memory_space<hbm>>) dst(%dma_wait3A_60 : memref<32x768xf32, #tpu.memory_space<vmem>>)
    %dma_start3A_63 = arith.constant 1 : i32
    %dma_start3A_64 = arith.constant 32 : i32
    %dma_start3A_65 = arith.constant 0 : i32
    %dma_start3A_66 = tpu.memref_slice %arg6[%dma_start3A_64, %dma_start3A_65] : memref<64x768xf32, #tpu.memory_space<vmem>> -> memref<32x768xf32, #tpu.memory_space<vmem>>
    %dma_start3A_67 = arith.constant 0 : i32
    %dma_start3A_68 = tpu.memref_slice %arg7[%dma_start3A_63, %dma_start3A_67] : memref<2x32xi32, #tpu.memory_space<vmem>> -> memref<1x32xi32, #tpu.memory_space<vmem>>
    %dma_start3A_69 = tpu.memref_squeeze %dma_start3A_68 : memref<1x32xi32, #tpu.memory_space<vmem>> -> memref<32xi32, #tpu.memory_space<vmem>>
    %dma_start3A_70 = arith.constant 0 : i32
    %dma_start3A_71 = arith.constant 0 : i32
    %dma_start3A_72 = tpu.memref_slice %arg5[%dma_start3A_70, %dma_start3A_71] : memref<6144x768xf32, #tpu.memory_space<hbm>> -> memref<6144x768xf32, #tpu.memory_space<hbm>>
    tpu.enqueue_indirect_dma source(%dma_start3A_66 : memref<32x768xf32, #tpu.memory_space<vmem>>) target(%dma_start3A_72 : memref<6144x768xf32, #tpu.memory_space<hbm>>) offsets(%dma_start3A_69 : memref<32xi32, #tpu.memory_space<vmem>>) semaphore(%arg9 : memref<!tpu.dma_semaphore, #tpu.memory_space<semaphore_mem>>)
    %dma_start3A_73 = arith.constant 1 : i32
    %dma_start3A_74 = arith.constant 32 : i32
    %dma_start3A_75 = arith.constant 0 : i32
    %dma_start3A_76 = tpu.memref_slice %arg6[%dma_start3A_74, %dma_start3A_75] : memref<64x768xf32, #tpu.memory_space<vmem>> -> memref<32x768xf32, #tpu.memory_space<vmem>>
    %dma_start3A_77 = arith.constant 0 : i32
    %dma_start3A_78 = tpu.memref_slice %arg8[%dma_start3A_73, %dma_start3A_77] : memref<2x32xi32, #tpu.memory_space<vmem>> -> memref<1x32xi32, #tpu.memory_space<vmem>>
    %dma_start3A_79 = tpu.memref_squeeze %dma_start3A_78 : memref<1x32xi32, #tpu.memory_space<vmem>> -> memref<32xi32, #tpu.memory_space<vmem>>
    %dma_start3A_80 = arith.constant 0 : i32
    %dma_start3A_81 = arith.constant 0 : i32
    %dma_start3A_82 = tpu.memref_slice %arg5[%dma_start3A_80, %dma_start3A_81] : memref<6144x768xf32, #tpu.memory_space<hbm>> -> memref<6144x768xf32, #tpu.memory_space<hbm>>
    tpu.enqueue_indirect_dma source(%dma_start3A_76 : memref<32x768xf32, #tpu.memory_space<vmem>>) target(%dma_start3A_82 : memref<6144x768xf32, #tpu.memory_space<hbm>>) offsets(%dma_start3A_79 : memref<32xi32, #tpu.memory_space<vmem>>) semaphore(%arg10 : memref<!tpu.dma_semaphore, #tpu.memory_space<semaphore_mem>>)
    %dma_wait3A_83 = arith.constant 0 : i32
    %dma_wait3A_84 = arith.constant 0 : i32
    %dma_wait3A_85 = arith.constant 0 : i32
    %dma_wait3A_86 = tpu.memref_slice %arg6[%dma_wait3A_84, %dma_wait3A_85] : memref<64x768xf32, #tpu.memory_space<vmem>> -> memref<32x768xf32, #tpu.memory_space<vmem>>
    %dma_wait3A_87 = arith.constant 0 : i32
    %dma_wait3A_88 = tpu.memref_slice %arg7[%dma_wait3A_83, %dma_wait3A_87] : memref<2x32xi32, #tpu.memory_space<vmem>> -> memref<1x32xi32, #tpu.memory_space<vmem>>
    %dma_wait3A_89 = tpu.memref_squeeze %dma_wait3A_88 : memref<1x32xi32, #tpu.memory_space<vmem>> -> memref<32xi32, #tpu.memory_space<vmem>>
    %dma_wait3A_90 = arith.constant 0 : i32
    %dma_wait3A_91 = arith.constant 0 : i32
    %dma_wait3A_92 = tpu.memref_slice %arg5[%dma_wait3A_90, %dma_wait3A_91] : memref<6144x768xf32, #tpu.memory_space<hbm>> -> memref<6144x768xf32, #tpu.memory_space<hbm>>
    tpu.wait_indirect_dma semaphore(%arg9 : memref<!tpu.dma_semaphore, #tpu.memory_space<semaphore_mem>>) src(%dma_wait3A_86 : memref<32x768xf32, #tpu.memory_space<vmem>>) dst(%dma_wait3A_92 : memref<6144x768xf32, #tpu.memory_space<hbm>>)
    %dma_wait3A_93 = arith.constant 0 : i32
    %dma_wait3A_94 = arith.constant 0 : i32
    %dma_wait3A_95 = arith.constant 0 : i32
    %dma_wait3A_96 = tpu.memref_slice %arg6[%dma_wait3A_94, %dma_wait3A_95] : memref<64x768xf32, #tpu.memory_space<vmem>> -> memref<32x768xf32, #tpu.memory_space<vmem>>
    %dma_wait3A_97 = arith.constant 0 : i32
    %dma_wait3A_98 = tpu.memref_slice %arg8[%dma_wait3A_93, %dma_wait3A_97] : memref<2x32xi32, #tpu.memory_space<vmem>> -> memref<1x32xi32, #tpu.memory_space<vmem>>
    %dma_wait3A_99 = tpu.memref_squeeze %dma_wait3A_98 : memref<1x32xi32, #tpu.memory_space<vmem>> -> memref<32xi32, #tpu.memory_space<vmem>>
    %dma_wait3A_100 = arith.constant 0 : i32
    %dma_wait3A_101 = arith.constant 0 : i32
    %dma_wait3A_102 = tpu.memref_slice %arg5[%dma_wait3A_100, %dma_wait3A_101] : memref<6144x768xf32, #tpu.memory_space<hbm>> -> memref<6144x768xf32, #tpu.memory_space<hbm>>
    tpu.wait_indirect_dma semaphore(%arg10 : memref<!tpu.dma_semaphore, #tpu.memory_space<semaphore_mem>>) src(%dma_wait3A_96 : memref<32x768xf32, #tpu.memory_space<vmem>>) dst(%dma_wait3A_102 : memref<6144x768xf32, #tpu.memory_space<hbm>>)
    %dma_wait3A_103 = arith.constant 1 : i32
    %dma_wait3A_104 = arith.constant 32 : i32
    %dma_wait3A_105 = arith.constant 0 : i32
    %dma_wait3A_106 = tpu.memref_slice %arg6[%dma_wait3A_104, %dma_wait3A_105] : memref<64x768xf32, #tpu.memory_space<vmem>> -> memref<32x768xf32, #tpu.memory_space<vmem>>
    %dma_wait3A_107 = arith.constant 0 : i32
    %dma_wait3A_108 = tpu.memref_slice %arg7[%dma_wait3A_103, %dma_wait3A_107] : memref<2x32xi32, #tpu.memory_space<vmem>> -> memref<1x32xi32, #tpu.memory_space<vmem>>
    %dma_wait3A_109 = tpu.memref_squeeze %dma_wait3A_108 : memref<1x32xi32, #tpu.memory_space<vmem>> -> memref<32xi32, #tpu.memory_space<vmem>>
    %dma_wait3A_110 = arith.constant 0 : i32
    %dma_wait3A_111 = arith.constant 0 : i32
    %dma_wait3A_112 = tpu.memref_slice %arg5[%dma_wait3A_110, %dma_wait3A_111] : memref<6144x768xf32, #tpu.memory_space<hbm>> -> memref<6144x768xf32, #tpu.memory_space<hbm>>
    tpu.wait_indirect_dma semaphore(%arg9 : memref<!tpu.dma_semaphore, #tpu.memory_space<semaphore_mem>>) src(%dma_wait3A_106 : memref<32x768xf32, #tpu.memory_space<vmem>>) dst(%dma_wait3A_112 : memref<6144x768xf32, #tpu.memory_space<hbm>>)
    %dma_wait3A_113 = arith.constant 1 : i32
    %dma_wait3A_114 = arith.constant 32 : i32
    %dma_wait3A_115 = arith.constant 0 : i32
    %dma_wait3A_116 = tpu.memref_slice %arg6[%dma_wait3A_114, %dma_wait3A_115] : memref<64x768xf32, #tpu.memory_space<vmem>> -> memref<32x768xf32, #tpu.memory_space<vmem>>
    %dma_wait3A_117 = arith.constant 0 : i32
    %dma_wait3A_118 = tpu.memref_slice %arg8[%dma_wait3A_113, %dma_wait3A_117] : memref<2x32xi32, #tpu.memory_space<vmem>> -> memref<1x32xi32, #tpu.memory_space<vmem>>
    %dma_wait3A_119 = tpu.memref_squeeze %dma_wait3A_118 : memref<1x32xi32, #tpu.memory_space<vmem>> -> memref<32xi32, #tpu.memory_space<vmem>>
    %dma_wait3A_120 = arith.constant 0 : i32
    %dma_wait3A_121 = arith.constant 0 : i32
    %dma_wait3A_122 = tpu.memref_slice %arg5[%dma_wait3A_120, %dma_wait3A_121] : memref<6144x768xf32, #tpu.memory_space<hbm>> -> memref<6144x768xf32, #tpu.memory_space<hbm>>
    tpu.wait_indirect_dma semaphore(%arg10 : memref<!tpu.dma_semaphore, #tpu.memory_space<semaphore_mem>>) src(%dma_wait3A_116 : memref<32x768xf32, #tpu.memory_space<vmem>>) dst(%dma_wait3A_122 : memref<6144x768xf32, #tpu.memory_space<hbm>>)
    return
  }
}

#map = affine_map<(d0, d1) -> (0, 0)>
#map1 = affine_map<(d0, d1) -> (0, 0, 0)>
module attributes {stable_mosaic.version = 14 : i64} {
  func.func @k(%arg0: i32, %arg1: i32, %arg2: memref<6144x768xf32, #tpu.memory_space<hbm>>, %arg3: memref<32x2x32xi32, #tpu.memory_space<hbm>>, %arg4: memref<32x2x32xi32, #tpu.memory_space<hbm>>, %arg5: memref<2048x32xf32, #tpu.memory_space<hbm>>, %arg6: memref<2048x768xf32, #tpu.memory_space<hbm>>, %arg7: memref<64x768xf32, #tpu.memory_space<vmem>>, %arg8: memref<64x768xf32, #tpu.memory_space<vmem>>, %arg9: memref<64x32xf32, #tpu.memory_space<vmem>>, %arg10: memref<2x32xi32, #tpu.memory_space<vmem>>, %arg11: memref<2x32xi32, #tpu.memory_space<vmem>>, %arg12: memref<!tpu.dma_semaphore, #tpu.memory_space<semaphore_mem>>, %arg13: memref<!tpu.dma_semaphore, #tpu.memory_space<semaphore_mem>>) attributes {dimension_semantics = [#tpu.dimension_semantics<core_parallel>, #tpu.dimension_semantics<subcore_parallel>], iteration_bounds = array<i64: 2, 16>, scalar_prefetch = 0 : i64, scratch_operands = 7 : i64, tpu.core_type = #tpu.core_type<sc_vector_subcore>, window_params = [{transform_indices = #map}, {transform_indices = #map1}, {transform_indices = #map1}, {transform_indices = #map}, {transform_indices = #map}]} {
    %mul3A = arith.constant 2 : i32
    %mul3A_0 = arith.muli %arg1, %mul3A : i32
    %add3A = arith.addi %mul3A_0, %arg0 : i32
    %mul3A_1 = arith.constant 64 : i32
    %mul3A_2 = arith.muli %add3A, %mul3A_1 : i32
    "tpu.region"() ({
      %run_scoped3A = tpu.sem_alloc : memref<!tpu.dma_semaphore, #tpu.memory_space<semaphore_mem>>
      %dma_start3A_92 = arith.constant 0 : i32
      %dma_start3A_93 = arith.constant 0 : i32
      %dma_start3A_94 = tpu.memref_slice %arg3[%add3A, %dma_start3A_92, %dma_start3A_93] : memref<32x2x32xi32, #tpu.memory_space<hbm>> -> memref<1x2x32xi32, #tpu.memory_space<hbm>>
      %dma_start3A_95 = tpu.memref_squeeze %dma_start3A_94 : memref<1x2x32xi32, #tpu.memory_space<hbm>> -> memref<2x32xi32, #tpu.memory_space<hbm>>
      %dma_start3A_96 = arith.constant 0 : i32
      %dma_start3A_97 = arith.constant 0 : i32
      %dma_start3A_98 = tpu.memref_slice %arg3[%add3A, %dma_start3A_96, %dma_start3A_97] : memref<32x2x32xi32, #tpu.memory_space<hbm>> -> memref<1x2x32xi32, #tpu.memory_space<hbm>>
      %dma_start3A_99 = tpu.memref_squeeze %dma_start3A_98 : memref<1x2x32xi32, #tpu.memory_space<hbm>> -> memref<2x32xi32, #tpu.memory_space<hbm>>
      tpu.enqueue_dma source(%dma_start3A_99 : memref<2x32xi32, #tpu.memory_space<hbm>>) target(%arg10 : memref<2x32xi32, #tpu.memory_space<vmem>>) target_semaphore(%run_scoped3A : memref<!tpu.dma_semaphore, #tpu.memory_space<semaphore_mem>>)
      %dma_wait3A_100 = arith.constant 0 : i32
      %dma_wait3A_101 = arith.constant 0 : i32
      %dma_wait3A_102 = tpu.memref_slice %arg3[%add3A, %dma_wait3A_100, %dma_wait3A_101] : memref<32x2x32xi32, #tpu.memory_space<hbm>> -> memref<1x2x32xi32, #tpu.memory_space<hbm>>
      %dma_wait3A_103 = tpu.memref_squeeze %dma_wait3A_102 : memref<1x2x32xi32, #tpu.memory_space<hbm>> -> memref<2x32xi32, #tpu.memory_space<hbm>>
      %dma_wait3A_104 = arith.constant 0 : i32
      %dma_wait3A_105 = arith.constant 0 : i32
      %dma_wait3A_106 = tpu.memref_slice %arg3[%add3A, %dma_wait3A_104, %dma_wait3A_105] : memref<32x2x32xi32, #tpu.memory_space<hbm>> -> memref<1x2x32xi32, #tpu.memory_space<hbm>>
      %dma_wait3A_107 = tpu.memref_squeeze %dma_wait3A_106 : memref<1x2x32xi32, #tpu.memory_space<hbm>> -> memref<2x32xi32, #tpu.memory_space<hbm>>
      tpu.wait_dma2 semaphore(%run_scoped3A : memref<!tpu.dma_semaphore, #tpu.memory_space<semaphore_mem>>) src(%dma_wait3A_107 : memref<2x32xi32, #tpu.memory_space<hbm>>) dst(%arg10 : memref<2x32xi32, #tpu.memory_space<vmem>>)
      tpu.yield
    }) : () -> ()
    "tpu.region"() ({
      %run_scoped3A = tpu.sem_alloc : memref<!tpu.dma_semaphore, #tpu.memory_space<semaphore_mem>>
      %dma_start3A_92 = arith.constant 0 : i32
      %dma_start3A_93 = arith.constant 0 : i32
      %dma_start3A_94 = tpu.memref_slice %arg4[%add3A, %dma_start3A_92, %dma_start3A_93] : memref<32x2x32xi32, #tpu.memory_space<hbm>> -> memref<1x2x32xi32, #tpu.memory_space<hbm>>
      %dma_start3A_95 = tpu.memref_squeeze %dma_start3A_94 : memref<1x2x32xi32, #tpu.memory_space<hbm>> -> memref<2x32xi32, #tpu.memory_space<hbm>>
      %dma_start3A_96 = arith.constant 0 : i32
      %dma_start3A_97 = arith.constant 0 : i32
      %dma_start3A_98 = tpu.memref_slice %arg4[%add3A, %dma_start3A_96, %dma_start3A_97] : memref<32x2x32xi32, #tpu.memory_space<hbm>> -> memref<1x2x32xi32, #tpu.memory_space<hbm>>
      %dma_start3A_99 = tpu.memref_squeeze %dma_start3A_98 : memref<1x2x32xi32, #tpu.memory_space<hbm>> -> memref<2x32xi32, #tpu.memory_space<hbm>>
      tpu.enqueue_dma source(%dma_start3A_99 : memref<2x32xi32, #tpu.memory_space<hbm>>) target(%arg11 : memref<2x32xi32, #tpu.memory_space<vmem>>) target_semaphore(%run_scoped3A : memref<!tpu.dma_semaphore, #tpu.memory_space<semaphore_mem>>)
      %dma_wait3A_100 = arith.constant 0 : i32
      %dma_wait3A_101 = arith.constant 0 : i32
      %dma_wait3A_102 = tpu.memref_slice %arg4[%add3A, %dma_wait3A_100, %dma_wait3A_101] : memref<32x2x32xi32, #tpu.memory_space<hbm>> -> memref<1x2x32xi32, #tpu.memory_space<hbm>>
      %dma_wait3A_103 = tpu.memref_squeeze %dma_wait3A_102 : memref<1x2x32xi32, #tpu.memory_space<hbm>> -> memref<2x32xi32, #tpu.memory_space<hbm>>
      %dma_wait3A_104 = arith.constant 0 : i32
      %dma_wait3A_105 = arith.constant 0 : i32
      %dma_wait3A_106 = tpu.memref_slice %arg4[%add3A, %dma_wait3A_104, %dma_wait3A_105] : memref<32x2x32xi32, #tpu.memory_space<hbm>> -> memref<1x2x32xi32, #tpu.memory_space<hbm>>
      %dma_wait3A_107 = tpu.memref_squeeze %dma_wait3A_106 : memref<1x2x32xi32, #tpu.memory_space<hbm>> -> memref<2x32xi32, #tpu.memory_space<hbm>>
      tpu.wait_dma2 semaphore(%run_scoped3A : memref<!tpu.dma_semaphore, #tpu.memory_space<semaphore_mem>>) src(%dma_wait3A_107 : memref<2x32xi32, #tpu.memory_space<hbm>>) dst(%arg11 : memref<2x32xi32, #tpu.memory_space<vmem>>)
      tpu.yield
    }) : () -> ()
    "tpu.region"() ({
      %run_scoped3A = tpu.sem_alloc : memref<!tpu.dma_semaphore, #tpu.memory_space<semaphore_mem>>
      %dma_start3A_92 = arith.constant 0 : i32
      %dma_start3A_93 = tpu.memref_slice %arg5[%mul3A_2, %dma_start3A_92] : memref<2048x32xf32, #tpu.memory_space<hbm>> -> memref<64x32xf32, #tpu.memory_space<hbm>>
      %dma_start3A_94 = arith.constant 0 : i32
      %dma_start3A_95 = tpu.memref_slice %arg5[%mul3A_2, %dma_start3A_94] : memref<2048x32xf32, #tpu.memory_space<hbm>> -> memref<64x32xf32, #tpu.memory_space<hbm>>
      tpu.enqueue_dma source(%dma_start3A_95 : memref<64x32xf32, #tpu.memory_space<hbm>>) target(%arg9 : memref<64x32xf32, #tpu.memory_space<vmem>>) target_semaphore(%run_scoped3A : memref<!tpu.dma_semaphore, #tpu.memory_space<semaphore_mem>>)
      %dma_wait3A_96 = arith.constant 0 : i32
      %dma_wait3A_97 = tpu.memref_slice %arg5[%mul3A_2, %dma_wait3A_96] : memref<2048x32xf32, #tpu.memory_space<hbm>> -> memref<64x32xf32, #tpu.memory_space<hbm>>
      %dma_wait3A_98 = arith.constant 0 : i32
      %dma_wait3A_99 = tpu.memref_slice %arg5[%mul3A_2, %dma_wait3A_98] : memref<2048x32xf32, #tpu.memory_space<hbm>> -> memref<64x32xf32, #tpu.memory_space<hbm>>
      tpu.wait_dma2 semaphore(%run_scoped3A : memref<!tpu.dma_semaphore, #tpu.memory_space<semaphore_mem>>) src(%dma_wait3A_99 : memref<64x32xf32, #tpu.memory_space<hbm>>) dst(%arg9 : memref<64x32xf32, #tpu.memory_space<vmem>>)
      tpu.yield
    }) : () -> ()
    %dma_start3A = arith.constant 0 : i32
    %dma_start3A_3 = arith.constant 0 : i32
    %dma_start3A_4 = arith.constant 0 : i32
    %dma_start3A_5 = tpu.memref_slice %arg7[%dma_start3A_3, %dma_start3A_4] : memref<64x768xf32, #tpu.memory_space<vmem>> -> memref<32x768xf32, #tpu.memory_space<vmem>>
    %dma_start3A_6 = arith.constant 0 : i32
    %dma_start3A_7 = tpu.memref_slice %arg10[%dma_start3A, %dma_start3A_6] : memref<2x32xi32, #tpu.memory_space<vmem>> -> memref<1x32xi32, #tpu.memory_space<vmem>>
    %dma_start3A_8 = tpu.memref_squeeze %dma_start3A_7 : memref<1x32xi32, #tpu.memory_space<vmem>> -> memref<32xi32, #tpu.memory_space<vmem>>
    %dma_start3A_9 = arith.constant 0 : i32
    %dma_start3A_10 = arith.constant 0 : i32
    %dma_start3A_11 = tpu.memref_slice %arg2[%dma_start3A_9, %dma_start3A_10] : memref<6144x768xf32, #tpu.memory_space<hbm>> -> memref<6144x768xf32, #tpu.memory_space<hbm>>
    tpu.enqueue_indirect_dma source(%dma_start3A_11 : memref<6144x768xf32, #tpu.memory_space<hbm>>) target(%dma_start3A_5 : memref<32x768xf32, #tpu.memory_space<vmem>>) offsets(%dma_start3A_8 : memref<32xi32, #tpu.memory_space<vmem>>) semaphore(%arg12 : memref<!tpu.dma_semaphore, #tpu.memory_space<semaphore_mem>>)
    %dma_start3A_12 = arith.constant 0 : i32
    %dma_start3A_13 = arith.constant 0 : i32
    %dma_start3A_14 = arith.constant 0 : i32
    %dma_start3A_15 = tpu.memref_slice %arg8[%dma_start3A_13, %dma_start3A_14] : memref<64x768xf32, #tpu.memory_space<vmem>> -> memref<32x768xf32, #tpu.memory_space<vmem>>
    %dma_start3A_16 = arith.constant 0 : i32
    %dma_start3A_17 = tpu.memref_slice %arg11[%dma_start3A_12, %dma_start3A_16] : memref<2x32xi32, #tpu.memory_space<vmem>> -> memref<1x32xi32, #tpu.memory_space<vmem>>
    %dma_start3A_18 = tpu.memref_squeeze %dma_start3A_17 : memref<1x32xi32, #tpu.memory_space<vmem>> -> memref<32xi32, #tpu.memory_space<vmem>>
    %dma_start3A_19 = arith.constant 0 : i32
    %dma_start3A_20 = arith.constant 0 : i32
    %dma_start3A_21 = tpu.memref_slice %arg2[%dma_start3A_19, %dma_start3A_20] : memref<6144x768xf32, #tpu.memory_space<hbm>> -> memref<6144x768xf32, #tpu.memory_space<hbm>>
    tpu.enqueue_indirect_dma source(%dma_start3A_21 : memref<6144x768xf32, #tpu.memory_space<hbm>>) target(%dma_start3A_15 : memref<32x768xf32, #tpu.memory_space<vmem>>) offsets(%dma_start3A_18 : memref<32xi32, #tpu.memory_space<vmem>>) semaphore(%arg12 : memref<!tpu.dma_semaphore, #tpu.memory_space<semaphore_mem>>)
    %dma_start3A_22 = arith.constant 1 : i32
    %dma_start3A_23 = arith.constant 32 : i32
    %dma_start3A_24 = arith.constant 0 : i32
    %dma_start3A_25 = tpu.memref_slice %arg7[%dma_start3A_23, %dma_start3A_24] : memref<64x768xf32, #tpu.memory_space<vmem>> -> memref<32x768xf32, #tpu.memory_space<vmem>>
    %dma_start3A_26 = arith.constant 0 : i32
    %dma_start3A_27 = tpu.memref_slice %arg10[%dma_start3A_22, %dma_start3A_26] : memref<2x32xi32, #tpu.memory_space<vmem>> -> memref<1x32xi32, #tpu.memory_space<vmem>>
    %dma_start3A_28 = tpu.memref_squeeze %dma_start3A_27 : memref<1x32xi32, #tpu.memory_space<vmem>> -> memref<32xi32, #tpu.memory_space<vmem>>
    %dma_start3A_29 = arith.constant 0 : i32
    %dma_start3A_30 = arith.constant 0 : i32
    %dma_start3A_31 = tpu.memref_slice %arg2[%dma_start3A_29, %dma_start3A_30] : memref<6144x768xf32, #tpu.memory_space<hbm>> -> memref<6144x768xf32, #tpu.memory_space<hbm>>
    tpu.enqueue_indirect_dma source(%dma_start3A_31 : memref<6144x768xf32, #tpu.memory_space<hbm>>) target(%dma_start3A_25 : memref<32x768xf32, #tpu.memory_space<vmem>>) offsets(%dma_start3A_28 : memref<32xi32, #tpu.memory_space<vmem>>) semaphore(%arg13 : memref<!tpu.dma_semaphore, #tpu.memory_space<semaphore_mem>>)
    %dma_start3A_32 = arith.constant 1 : i32
    %dma_start3A_33 = arith.constant 32 : i32
    %dma_start3A_34 = arith.constant 0 : i32
    %dma_start3A_35 = tpu.memref_slice %arg8[%dma_start3A_33, %dma_start3A_34] : memref<64x768xf32, #tpu.memory_space<vmem>> -> memref<32x768xf32, #tpu.memory_space<vmem>>
    %dma_start3A_36 = arith.constant 0 : i32
    %dma_start3A_37 = tpu.memref_slice %arg11[%dma_start3A_32, %dma_start3A_36] : memref<2x32xi32, #tpu.memory_space<vmem>> -> memref<1x32xi32, #tpu.memory_space<vmem>>
    %dma_start3A_38 = tpu.memref_squeeze %dma_start3A_37 : memref<1x32xi32, #tpu.memory_space<vmem>> -> memref<32xi32, #tpu.memory_space<vmem>>
    %dma_start3A_39 = arith.constant 0 : i32
    %dma_start3A_40 = arith.constant 0 : i32
    %dma_start3A_41 = tpu.memref_slice %arg2[%dma_start3A_39, %dma_start3A_40] : memref<6144x768xf32, #tpu.memory_space<hbm>> -> memref<6144x768xf32, #tpu.memory_space<hbm>>
    tpu.enqueue_indirect_dma source(%dma_start3A_41 : memref<6144x768xf32, #tpu.memory_space<hbm>>) target(%dma_start3A_35 : memref<32x768xf32, #tpu.memory_space<vmem>>) offsets(%dma_start3A_38 : memref<32xi32, #tpu.memory_space<vmem>>) semaphore(%arg13 : memref<!tpu.dma_semaphore, #tpu.memory_space<semaphore_mem>>)
    %dma_wait3A = arith.constant 0 : i32
    %dma_wait3A_42 = arith.constant 0 : i32
    %dma_wait3A_43 = arith.constant 0 : i32
    %dma_wait3A_44 = tpu.memref_slice %arg7[%dma_wait3A_42, %dma_wait3A_43] : memref<64x768xf32, #tpu.memory_space<vmem>> -> memref<32x768xf32, #tpu.memory_space<vmem>>
    %dma_wait3A_45 = arith.constant 0 : i32
    %dma_wait3A_46 = tpu.memref_slice %arg10[%dma_wait3A, %dma_wait3A_45] : memref<2x32xi32, #tpu.memory_space<vmem>> -> memref<1x32xi32, #tpu.memory_space<vmem>>
    %dma_wait3A_47 = tpu.memref_squeeze %dma_wait3A_46 : memref<1x32xi32, #tpu.memory_space<vmem>> -> memref<32xi32, #tpu.memory_space<vmem>>
    %dma_wait3A_48 = arith.constant 0 : i32
    %dma_wait3A_49 = arith.constant 0 : i32
    %dma_wait3A_50 = tpu.memref_slice %arg2[%dma_wait3A_48, %dma_wait3A_49] : memref<6144x768xf32, #tpu.memory_space<hbm>> -> memref<6144x768xf32, #tpu.memory_space<hbm>>
    tpu.wait_indirect_dma semaphore(%arg12 : memref<!tpu.dma_semaphore, #tpu.memory_space<semaphore_mem>>) src(%dma_wait3A_50 : memref<6144x768xf32, #tpu.memory_space<hbm>>) dst(%dma_wait3A_44 : memref<32x768xf32, #tpu.memory_space<vmem>>)
    %dma_wait3A_51 = arith.constant 0 : i32
    %dma_wait3A_52 = arith.constant 0 : i32
    %dma_wait3A_53 = arith.constant 0 : i32
    %dma_wait3A_54 = tpu.memref_slice %arg8[%dma_wait3A_52, %dma_wait3A_53] : memref<64x768xf32, #tpu.memory_space<vmem>> -> memref<32x768xf32, #tpu.memory_space<vmem>>
    %dma_wait3A_55 = arith.constant 0 : i32
    %dma_wait3A_56 = tpu.memref_slice %arg11[%dma_wait3A_51, %dma_wait3A_55] : memref<2x32xi32, #tpu.memory_space<vmem>> -> memref<1x32xi32, #tpu.memory_space<vmem>>
    %dma_wait3A_57 = tpu.memref_squeeze %dma_wait3A_56 : memref<1x32xi32, #tpu.memory_space<vmem>> -> memref<32xi32, #tpu.memory_space<vmem>>
    %dma_wait3A_58 = arith.constant 0 : i32
    %dma_wait3A_59 = arith.constant 0 : i32
    %dma_wait3A_60 = tpu.memref_slice %arg2[%dma_wait3A_58, %dma_wait3A_59] : memref<6144x768xf32, #tpu.memory_space<hbm>> -> memref<6144x768xf32, #tpu.memory_space<hbm>>
    tpu.wait_indirect_dma semaphore(%arg12 : memref<!tpu.dma_semaphore, #tpu.memory_space<semaphore_mem>>) src(%dma_wait3A_60 : memref<6144x768xf32, #tpu.memory_space<hbm>>) dst(%dma_wait3A_54 : memref<32x768xf32, #tpu.memory_space<vmem>>)
    %scan3A = arith.constant 0 : i32
    %scan3A_61 = arith.constant 32 : i32
    %scan3A_62 = arith.addi %scan3A, %scan3A_61 : i32
    %scan3A_63 = arith.constant 1 : i32
    scf.for %scan3A_92 = %scan3A to %scan3A_62 step %scan3A_63  : i32 {
      %get3A = arith.index_cast %scan3A_92 : i32 to index
      %get3A_93 = arith.constant 0 : index
      %get3A_94 = tpu.vector_load %arg9[%get3A, %get3A_93] {strides = array<i32>} : memref<64x32xf32, #tpu.memory_space<vmem>>, vector<1x16xf32>,
      %get3A_95 = vector.shape_cast %get3A_94 : vector<1x16xf32> to vector<16xf32>
      %get3A_96 = arith.index_cast %scan3A_92 : i32 to index
      %get3A_97 = arith.constant 16 : index
      %get3A_98 = tpu.vector_load %arg9[%get3A_96, %get3A_97] {strides = array<i32>} : memref<64x32xf32, #tpu.memory_space<vmem>>, vector<1x16xf32>,
      %get3A_99 = vector.shape_cast %get3A_98 : vector<1x16xf32> to vector<16xf32>
      %get3A_100 = arith.index_cast %scan3A_92 : i32 to index
      %get3A_101 = arith.constant 0 : index
      %get3A_102 = tpu.vector_load %arg7[%get3A_100, %get3A_101] {strides = array<i32>} : memref<64x768xf32, #tpu.memory_space<vmem>>, vector<1x16xf32>,
      %get3A_103 = vector.shape_cast %get3A_102 : vector<1x16xf32> to vector<16xf32>
      %mul3A_104 = arith.mulf %get3A_103, %get3A_95 : vector<16xf32>
      %get3A_105 = arith.index_cast %scan3A_92 : i32 to index
      %get3A_106 = arith.constant 0 : index
      %get3A_107 = tpu.vector_load %arg8[%get3A_105, %get3A_106] {strides = array<i32>} : memref<64x768xf32, #tpu.memory_space<vmem>>, vector<1x16xf32>,
      %get3A_108 = vector.shape_cast %get3A_107 : vector<1x16xf32> to vector<16xf32>
      %mul3A_109 = arith.mulf %get3A_108, %get3A_99 : vector<16xf32>
      %add3A_110 = arith.addf %mul3A_104, %mul3A_109 : vector<16xf32>
      %swap3A = arith.index_cast %scan3A_92 : i32 to index
      %swap3A_111 = arith.constant 0 : index
      %swap3A_112 = tpu.vector_load %arg7[%swap3A, %swap3A_111] {strides = array<i32>} : memref<64x768xf32, #tpu.memory_space<vmem>>, vector<1x16xf32>,
      %swap3A_113 = vector.shape_cast %swap3A_112 : vector<1x16xf32> to vector<16xf32>
      %swap3A_114 = vector.shape_cast %add3A_110 : vector<16xf32> to vector<1x16xf32>
      tpu.vector_store %arg7[%swap3A, %swap3A_111], %swap3A_114 {strides = array<i32>} : memref<64x768xf32, #tpu.memory_space<vmem>>, vector<1x16xf32>,
      %get3A_115 = arith.index_cast %scan3A_92 : i32 to index
      %get3A_116 = arith.constant 16 : index
      %get3A_117 = tpu.vector_load %arg7[%get3A_115, %get3A_116] {strides = array<i32>} : memref<64x768xf32, #tpu.memory_space<vmem>>, vector<1x16xf32>,
      %get3A_118 = vector.shape_cast %get3A_117 : vector<1x16xf32> to vector<16xf32>
      %mul3A_119 = arith.mulf %get3A_118, %get3A_95 : vector<16xf32>
      %get3A_120 = arith.index_cast %scan3A_92 : i32 to index
      %get3A_121 = arith.constant 16 : index
      %get3A_122 = tpu.vector_load %arg8[%get3A_120, %get3A_121] {strides = array<i32>} : memref<64x768xf32, #tpu.memory_space<vmem>>, vector<1x16xf32>,
      %get3A_123 = vector.shape_cast %get3A_122 : vector<1x16xf32> to vector<16xf32>
      %mul3A_124 = arith.mulf %get3A_123, %get3A_99 : vector<16xf32>
      %add3A_125 = arith.addf %mul3A_119, %mul3A_124 : vector<16xf32>
      %swap3A_126 = arith.index_cast %scan3A_92 : i32 to index
      %swap3A_127 = arith.constant 16 : index
      %swap3A_128 = tpu.vector_load %arg7[%swap3A_126, %swap3A_127] {strides = array<i32>} : memref<64x768xf32, #tpu.memory_space<vmem>>, vector<1x16xf32>,
      %swap3A_129 = vector.shape_cast %swap3A_128 : vector<1x16xf32> to vector<16xf32>
      %swap3A_130 = vector.shape_cast %add3A_125 : vector<16xf32> to vector<1x16xf32>
      tpu.vector_store %arg7[%swap3A_126, %swap3A_127], %swap3A_130 {strides = array<i32>} : memref<64x768xf32, #tpu.memory_space<vmem>>, vector<1x16xf32>,
      %get3A_131 = arith.index_cast %scan3A_92 : i32 to index
      %get3A_132 = arith.constant 32 : index
      %get3A_133 = tpu.vector_load %arg7[%get3A_131, %get3A_132] {strides = array<i32>} : memref<64x768xf32, #tpu.memory_space<vmem>>, vector<1x16xf32>,
      %get3A_134 = vector.shape_cast %get3A_133 : vector<1x16xf32> to vector<16xf32>
      %mul3A_135 = arith.mulf %get3A_134, %get3A_95 : vector<16xf32>
      %get3A_136 = arith.index_cast %scan3A_92 : i32 to index
      %get3A_137 = arith.constant 32 : index
      %get3A_138 = tpu.vector_load %arg8[%get3A_136, %get3A_137] {strides = array<i32>} : memref<64x768xf32, #tpu.memory_space<vmem>>, vector<1x16xf32>,
      %get3A_139 = vector.shape_cast %get3A_138 : vector<1x16xf32> to vector<16xf32>
      %mul3A_140 = arith.mulf %get3A_139, %get3A_99 : vector<16xf32>
      %add3A_141 = arith.addf %mul3A_135, %mul3A_140 : vector<16xf32>
      %swap3A_142 = arith.index_cast %scan3A_92 : i32 to index
      %swap3A_143 = arith.constant 32 : index
      %swap3A_144 = tpu.vector_load %arg7[%swap3A_142, %swap3A_143] {strides = array<i32>} : memref<64x768xf32, #tpu.memory_space<vmem>>, vector<1x16xf32>,
      %swap3A_145 = vector.shape_cast %swap3A_144 : vector<1x16xf32> to vector<16xf32>
      %swap3A_146 = vector.shape_cast %add3A_141 : vector<16xf32> to vector<1x16xf32>
      tpu.vector_store %arg7[%swap3A_142, %swap3A_143], %swap3A_146 {strides = array<i32>} : memref<64x768xf32, #tpu.memory_space<vmem>>, vector<1x16xf32>,
      %get3A_147 = arith.index_cast %scan3A_92 : i32 to index
      %get3A_148 = arith.constant 48 : index
      %get3A_149 = tpu.vector_load %arg7[%get3A_147, %get3A_148] {strides = array<i32>} : memref<64x768xf32, #tpu.memory_space<vmem>>, vector<1x16xf32>,
      %get3A_150 = vector.shape_cast %get3A_149 : vector<1x16xf32> to vector<16xf32>
      %mul3A_151 = arith.mulf %get3A_150, %get3A_95 : vector<16xf32>
      %get3A_152 = arith.index_cast %scan3A_92 : i32 to index
      %get3A_153 = arith.constant 48 : index
      %get3A_154 = tpu.vector_load %arg8[%get3A_152, %get3A_153] {strides = array<i32>} : memref<64x768xf32, #tpu.memory_space<vmem>>, vector<1x16xf32>,
      %get3A_155 = vector.shape_cast %get3A_154 : vector<1x16xf32> to vector<16xf32>
      %mul3A_156 = arith.mulf %get3A_155, %get3A_99 : vector<16xf32>
      %add3A_157 = arith.addf %mul3A_151, %mul3A_156 : vector<16xf32>
      %swap3A_158 = arith.index_cast %scan3A_92 : i32 to index
      %swap3A_159 = arith.constant 48 : index
      %swap3A_160 = tpu.vector_load %arg7[%swap3A_158, %swap3A_159] {strides = array<i32>} : memref<64x768xf32, #tpu.memory_space<vmem>>, vector<1x16xf32>,
      %swap3A_161 = vector.shape_cast %swap3A_160 : vector<1x16xf32> to vector<16xf32>
      %swap3A_162 = vector.shape_cast %add3A_157 : vector<16xf32> to vector<1x16xf32>
      tpu.vector_store %arg7[%swap3A_158, %swap3A_159], %swap3A_162 {strides = array<i32>} : memref<64x768xf32, #tpu.memory_space<vmem>>, vector<1x16xf32>,
      %get3A_163 = arith.index_cast %scan3A_92 : i32 to index
      %get3A_164 = arith.constant 64 : index
      %get3A_165 = tpu.vector_load %arg7[%get3A_163, %get3A_164] {strides = array<i32>} : memref<64x768xf32, #tpu.memory_space<vmem>>, vector<1x16xf32>,
      %get3A_166 = vector.shape_cast %get3A_165 : vector<1x16xf32> to vector<16xf32>
      %mul3A_167 = arith.mulf %get3A_166, %get3A_95 : vector<16xf32>
      %get3A_168 = arith.index_cast %scan3A_92 : i32 to index
      %get3A_169 = arith.constant 64 : index
      %get3A_170 = tpu.vector_load %arg8[%get3A_168, %get3A_169] {strides = array<i32>} : memref<64x768xf32, #tpu.memory_space<vmem>>, vector<1x16xf32>,
      %get3A_171 = vector.shape_cast %get3A_170 : vector<1x16xf32> to vector<16xf32>
      %mul3A_172 = arith.mulf %get3A_171, %get3A_99 : vector<16xf32>
      %add3A_173 = arith.addf %mul3A_167, %mul3A_172 : vector<16xf32>
      %swap3A_174 = arith.index_cast %scan3A_92 : i32 to index
      %swap3A_175 = arith.constant 64 : index
      %swap3A_176 = tpu.vector_load %arg7[%swap3A_174, %swap3A_175] {strides = array<i32>} : memref<64x768xf32, #tpu.memory_space<vmem>>, vector<1x16xf32>,
      %swap3A_177 = vector.shape_cast %swap3A_176 : vector<1x16xf32> to vector<16xf32>
      %swap3A_178 = vector.shape_cast %add3A_173 : vector<16xf32> to vector<1x16xf32>
      tpu.vector_store %arg7[%swap3A_174, %swap3A_175], %swap3A_178 {strides = array<i32>} : memref<64x768xf32, #tpu.memory_space<vmem>>, vector<1x16xf32>,
      %get3A_179 = arith.index_cast %scan3A_92 : i32 to index
      %get3A_180 = arith.constant 80 : index
      %get3A_181 = tpu.vector_load %arg7[%get3A_179, %get3A_180] {strides = array<i32>} : memref<64x768xf32, #tpu.memory_space<vmem>>, vector<1x16xf32>,
      %get3A_182 = vector.shape_cast %get3A_181 : vector<1x16xf32> to vector<16xf32>
      %mul3A_183 = arith.mulf %get3A_182, %get3A_95 : vector<16xf32>
      %get3A_184 = arith.index_cast %scan3A_92 : i32 to index
      %get3A_185 = arith.constant 80 : index
      %get3A_186 = tpu.vector_load %arg8[%get3A_184, %get3A_185] {strides = array<i32>} : memref<64x768xf32, #tpu.memory_space<vmem>>, vector<1x16xf32>,
      %get3A_187 = vector.shape_cast %get3A_186 : vector<1x16xf32> to vector<16xf32>
      %mul3A_188 = arith.mulf %get3A_187, %get3A_99 : vector<16xf32>
      %add3A_189 = arith.addf %mul3A_183, %mul3A_188 : vector<16xf32>
      %swap3A_190 = arith.index_cast %scan3A_92 : i32 to index
      %swap3A_191 = arith.constant 80 : index
      %swap3A_192 = tpu.vector_load %arg7[%swap3A_190, %swap3A_191] {strides = array<i32>} : memref<64x768xf32, #tpu.memory_space<vmem>>, vector<1x16xf32>,
      %swap3A_193 = vector.shape_cast %swap3A_192 : vector<1x16xf32> to vector<16xf32>
      %swap3A_194 = vector.shape_cast %add3A_189 : vector<16xf32> to vector<1x16xf32>
      tpu.vector_store %arg7[%swap3A_190, %swap3A_191], %swap3A_194 {strides = array<i32>} : memref<64x768xf32, #tpu.memory_space<vmem>>, vector<1x16xf32>,
      %get3A_195 = arith.index_cast %scan3A_92 : i32 to index
      %get3A_196 = arith.constant 96 : index
      %get3A_197 = tpu.vector_load %arg7[%get3A_195, %get3A_196] {strides = array<i32>} : memref<64x768xf32, #tpu.memory_space<vmem>>, vector<1x16xf32>,
      %get3A_198 = vector.shape_cast %get3A_197 : vector<1x16xf32> to vector<16xf32>
      %mul3A_199 = arith.mulf %get3A_198, %get3A_95 : vector<16xf32>
      %get3A_200 = arith.index_cast %scan3A_92 : i32 to index
      %get3A_201 = arith.constant 96 : index
      %get3A_202 = tpu.vector_load %arg8[%get3A_200, %get3A_201] {strides = array<i32>} : memref<64x768xf32, #tpu.memory_space<vmem>>, vector<1x16xf32>,
      %get3A_203 = vector.shape_cast %get3A_202 : vector<1x16xf32> to vector<16xf32>
      %mul3A_204 = arith.mulf %get3A_203, %get3A_99 : vector<16xf32>
      %add3A_205 = arith.addf %mul3A_199, %mul3A_204 : vector<16xf32>
      %swap3A_206 = arith.index_cast %scan3A_92 : i32 to index
      %swap3A_207 = arith.constant 96 : index
      %swap3A_208 = tpu.vector_load %arg7[%swap3A_206, %swap3A_207] {strides = array<i32>} : memref<64x768xf32, #tpu.memory_space<vmem>>, vector<1x16xf32>,
      %swap3A_209 = vector.shape_cast %swap3A_208 : vector<1x16xf32> to vector<16xf32>
      %swap3A_210 = vector.shape_cast %add3A_205 : vector<16xf32> to vector<1x16xf32>
      tpu.vector_store %arg7[%swap3A_206, %swap3A_207], %swap3A_210 {strides = array<i32>} : memref<64x768xf32, #tpu.memory_space<vmem>>, vector<1x16xf32>,
      %get3A_211 = arith.index_cast %scan3A_92 : i32 to index
      %get3A_212 = arith.constant 112 : index
      %get3A_213 = tpu.vector_load %arg7[%get3A_211, %get3A_212] {strides = array<i32>} : memref<64x768xf32, #tpu.memory_space<vmem>>, vector<1x16xf32>,
      %get3A_214 = vector.shape_cast %get3A_213 : vector<1x16xf32> to vector<16xf32>
      %mul3A_215 = arith.mulf %get3A_214, %get3A_95 : vector<16xf32>
      %get3A_216 = arith.index_cast %scan3A_92 : i32 to index
      %get3A_217 = arith.constant 112 : index
      %get3A_218 = tpu.vector_load %arg8[%get3A_216, %get3A_217] {strides = array<i32>} : memref<64x768xf32, #tpu.memory_space<vmem>>, vector<1x16xf32>,
      %get3A_219 = vector.shape_cast %get3A_218 : vector<1x16xf32> to vector<16xf32>
      %mul3A_220 = arith.mulf %get3A_219, %get3A_99 : vector<16xf32>
      %add3A_221 = arith.addf %mul3A_215, %mul3A_220 : vector<16xf32>
      %swap3A_222 = arith.index_cast %scan3A_92 : i32 to index
      %swap3A_223 = arith.constant 112 : index
      %swap3A_224 = tpu.vector_load %arg7[%swap3A_222, %swap3A_223] {strides = array<i32>} : memref<64x768xf32, #tpu.memory_space<vmem>>, vector<1x16xf32>,
      %swap3A_225 = vector.shape_cast %swap3A_224 : vector<1x16xf32> to vector<16xf32>
      %swap3A_226 = vector.shape_cast %add3A_221 : vector<16xf32> to vector<1x16xf32>
      tpu.vector_store %arg7[%swap3A_222, %swap3A_223], %swap3A_226 {strides = array<i32>} : memref<64x768xf32, #tpu.memory_space<vmem>>, vector<1x16xf32>,
      %get3A_227 = arith.index_cast %scan3A_92 : i32 to index
      %get3A_228 = arith.constant 128 : index
      %get3A_229 = tpu.vector_load %arg7[%get3A_227, %get3A_228] {strides = array<i32>} : memref<64x768xf32, #tpu.memory_space<vmem>>, vector<1x16xf32>,
      %get3A_230 = vector.shape_cast %get3A_229 : vector<1x16xf32> to vector<16xf32>
      %mul3A_231 = arith.mulf %get3A_230, %get3A_95 : vector<16xf32>
      %get3A_232 = arith.index_cast %scan3A_92 : i32 to index
      %get3A_233 = arith.constant 128 : index
      %get3A_234 = tpu.vector_load %arg8[%get3A_232, %get3A_233] {strides = array<i32>} : memref<64x768xf32, #tpu.memory_space<vmem>>, vector<1x16xf32>,
      %get3A_235 = vector.shape_cast %get3A_234 : vector<1x16xf32> to vector<16xf32>
      %mul3A_236 = arith.mulf %get3A_235, %get3A_99 : vector<16xf32>
      %add3A_237 = arith.addf %mul3A_231, %mul3A_236 : vector<16xf32>
      %swap3A_238 = arith.index_cast %scan3A_92 : i32 to index
      %swap3A_239 = arith.constant 128 : index
      %swap3A_240 = tpu.vector_load %arg7[%swap3A_238, %swap3A_239] {strides = array<i32>} : memref<64x768xf32, #tpu.memory_space<vmem>>, vector<1x16xf32>,
      %swap3A_241 = vector.shape_cast %swap3A_240 : vector<1x16xf32> to vector<16xf32>
      %swap3A_242 = vector.shape_cast %add3A_237 : vector<16xf32> to vector<1x16xf32>
      tpu.vector_store %arg7[%swap3A_238, %swap3A_239], %swap3A_242 {strides = array<i32>} : memref<64x768xf32, #tpu.memory_space<vmem>>, vector<1x16xf32>,
      %get3A_243 = arith.index_cast %scan3A_92 : i32 to index
      %get3A_244 = arith.constant 144 : index
      %get3A_245 = tpu.vector_load %arg7[%get3A_243, %get3A_244] {strides = array<i32>} : memref<64x768xf32, #tpu.memory_space<vmem>>, vector<1x16xf32>,
      %get3A_246 = vector.shape_cast %get3A_245 : vector<1x16xf32> to vector<16xf32>
      %mul3A_247 = arith.mulf %get3A_246, %get3A_95 : vector<16xf32>
      %get3A_248 = arith.index_cast %scan3A_92 : i32 to index
      %get3A_249 = arith.constant 144 : index
      %get3A_250 = tpu.vector_load %arg8[%get3A_248, %get3A_249] {strides = array<i32>} : memref<64x768xf32, #tpu.memory_space<vmem>>, vector<1x16xf32>,
      %get3A_251 = vector.shape_cast %get3A_250 : vector<1x16xf32> to vector<16xf32>
      %mul3A_252 = arith.mulf %get3A_251, %get3A_99 : vector<16xf32>
      %add3A_253 = arith.addf %mul3A_247, %mul3A_252 : vector<16xf32>
      %swap3A_254 = arith.index_cast %scan3A_92 : i32 to index
      %swap3A_255 = arith.constant 144 : index
      %swap3A_256 = tpu.vector_load %arg7[%swap3A_254, %swap3A_255] {strides = array<i32>} : memref<64x768xf32, #tpu.memory_space<vmem>>, vector<1x16xf32>,
      %swap3A_257 = vector.shape_cast %swap3A_256 : vector<1x16xf32> to vector<16xf32>
      %swap3A_258 = vector.shape_cast %add3A_253 : vector<16xf32> to vector<1x16xf32>
      tpu.vector_store %arg7[%swap3A_254, %swap3A_255], %swap3A_258 {strides = array<i32>} : memref<64x768xf32, #tpu.memory_space<vmem>>, vector<1x16xf32>,
      %get3A_259 = arith.index_cast %scan3A_92 : i32 to index
      %get3A_260 = arith.constant 160 : index
      %get3A_261 = tpu.vector_load %arg7[%get3A_259, %get3A_260] {strides = array<i32>} : memref<64x768xf32, #tpu.memory_space<vmem>>, vector<1x16xf32>,
      %get3A_262 = vector.shape_cast %get3A_261 : vector<1x16xf32> to vector<16xf32>
      %mul3A_263 = arith.mulf %get3A_262, %get3A_95 : vector<16xf32>
      %get3A_264 = arith.index_cast %scan3A_92 : i32 to index
      %get3A_265 = arith.constant 160 : index
      %get3A_266 = tpu.vector_load %arg8[%get3A_264, %get3A_265] {strides = array<i32>} : memref<64x768xf32, #tpu.memory_space<vmem>>, vector<1x16xf32>,
      %get3A_267 = vector.shape_cast %get3A_266 : vector<1x16xf32> to vector<16xf32>
      %mul3A_268 = arith.mulf %get3A_267, %get3A_99 : vector<16xf32>
      %add3A_269 = arith.addf %mul3A_263, %mul3A_268 : vector<16xf32>
      %swap3A_270 = arith.index_cast %scan3A_92 : i32 to index
      %swap3A_271 = arith.constant 160 : index
      %swap3A_272 = tpu.vector_load %arg7[%swap3A_270, %swap3A_271] {strides = array<i32>} : memref<64x768xf32, #tpu.memory_space<vmem>>, vector<1x16xf32>,
      %swap3A_273 = vector.shape_cast %swap3A_272 : vector<1x16xf32> to vector<16xf32>
      %swap3A_274 = vector.shape_cast %add3A_269 : vector<16xf32> to vector<1x16xf32>
      tpu.vector_store %arg7[%swap3A_270, %swap3A_271], %swap3A_274 {strides = array<i32>} : memref<64x768xf32, #tpu.memory_space<vmem>>, vector<1x16xf32>,
      %get3A_275 = arith.index_cast %scan3A_92 : i32 to index
      %get3A_276 = arith.constant 176 : index
      %get3A_277 = tpu.vector_load %arg7[%get3A_275, %get3A_276] {strides = array<i32>} : memref<64x768xf32, #tpu.memory_space<vmem>>, vector<1x16xf32>,
      %get3A_278 = vector.shape_cast %get3A_277 : vector<1x16xf32> to vector<16xf32>
      %mul3A_279 = arith.mulf %get3A_278, %get3A_95 : vector<16xf32>
      %get3A_280 = arith.index_cast %scan3A_92 : i32 to index
      %get3A_281 = arith.constant 176 : index
      %get3A_282 = tpu.vector_load %arg8[%get3A_280, %get3A_281] {strides = array<i32>} : memref<64x768xf32, #tpu.memory_space<vmem>>, vector<1x16xf32>,
      %get3A_283 = vector.shape_cast %get3A_282 : vector<1x16xf32> to vector<16xf32>
      %mul3A_284 = arith.mulf %get3A_283, %get3A_99 : vector<16xf32>
      %add3A_285 = arith.addf %mul3A_279, %mul3A_284 : vector<16xf32>
      %swap3A_286 = arith.index_cast %scan3A_92 : i32 to index
      %swap3A_287 = arith.constant 176 : index
      %swap3A_288 = tpu.vector_load %arg7[%swap3A_286, %swap3A_287] {strides = array<i32>} : memref<64x768xf32, #tpu.memory_space<vmem>>, vector<1x16xf32>,
      %swap3A_289 = vector.shape_cast %swap3A_288 : vector<1x16xf32> to vector<16xf32>
      %swap3A_290 = vector.shape_cast %add3A_285 : vector<16xf32> to vector<1x16xf32>
      tpu.vector_store %arg7[%swap3A_286, %swap3A_287], %swap3A_290 {strides = array<i32>} : memref<64x768xf32, #tpu.memory_space<vmem>>, vector<1x16xf32>,
      %get3A_291 = arith.index_cast %scan3A_92 : i32 to index
      %get3A_292 = arith.constant 192 : index
      %get3A_293 = tpu.vector_load %arg7[%get3A_291, %get3A_292] {strides = array<i32>} : memref<64x768xf32, #tpu.memory_space<vmem>>, vector<1x16xf32>,
      %get3A_294 = vector.shape_cast %get3A_293 : vector<1x16xf32> to vector<16xf32>
      %mul3A_295 = arith.mulf %get3A_294, %get3A_95 : vector<16xf32>
      %get3A_296 = arith.index_cast %scan3A_92 : i32 to index
      %get3A_297 = arith.constant 192 : index
      %get3A_298 = tpu.vector_load %arg8[%get3A_296, %get3A_297] {strides = array<i32>} : memref<64x768xf32, #tpu.memory_space<vmem>>, vector<1x16xf32>,
      %get3A_299 = vector.shape_cast %get3A_298 : vector<1x16xf32> to vector<16xf32>
      %mul3A_300 = arith.mulf %get3A_299, %get3A_99 : vector<16xf32>
      %add3A_301 = arith.addf %mul3A_295, %mul3A_300 : vector<16xf32>
      %swap3A_302 = arith.index_cast %scan3A_92 : i32 to index
      %swap3A_303 = arith.constant 192 : index
      %swap3A_304 = tpu.vector_load %arg7[%swap3A_302, %swap3A_303] {strides = array<i32>} : memref<64x768xf32, #tpu.memory_space<vmem>>, vector<1x16xf32>,
      %swap3A_305 = vector.shape_cast %swap3A_304 : vector<1x16xf32> to vector<16xf32>
      %swap3A_306 = vector.shape_cast %add3A_301 : vector<16xf32> to vector<1x16xf32>
      tpu.vector_store %arg7[%swap3A_302, %swap3A_303], %swap3A_306 {strides = array<i32>} : memref<64x768xf32, #tpu.memory_space<vmem>>, vector<1x16xf32>,
      %get3A_307 = arith.index_cast %scan3A_92 : i32 to index
      %get3A_308 = arith.constant 208 : index
      %get3A_309 = tpu.vector_load %arg7[%get3A_307, %get3A_308] {strides = array<i32>} : memref<64x768xf32, #tpu.memory_space<vmem>>, vector<1x16xf32>,
      %get3A_310 = vector.shape_cast %get3A_309 : vector<1x16xf32> to vector<16xf32>
      %mul3A_311 = arith.mulf %get3A_310, %get3A_95 : vector<16xf32>
      %get3A_312 = arith.index_cast %scan3A_92 : i32 to index
      %get3A_313 = arith.constant 208 : index
      %get3A_314 = tpu.vector_load %arg8[%get3A_312, %get3A_313] {strides = array<i32>} : memref<64x768xf32, #tpu.memory_space<vmem>>, vector<1x16xf32>,
      %get3A_315 = vector.shape_cast %get3A_314 : vector<1x16xf32> to vector<16xf32>
      %mul3A_316 = arith.mulf %get3A_315, %get3A_99 : vector<16xf32>
      %add3A_317 = arith.addf %mul3A_311, %mul3A_316 : vector<16xf32>
      %swap3A_318 = arith.index_cast %scan3A_92 : i32 to index
      %swap3A_319 = arith.constant 208 : index
      %swap3A_320 = tpu.vector_load %arg7[%swap3A_318, %swap3A_319] {strides = array<i32>} : memref<64x768xf32, #tpu.memory_space<vmem>>, vector<1x16xf32>,
      %swap3A_321 = vector.shape_cast %swap3A_320 : vector<1x16xf32> to vector<16xf32>
      %swap3A_322 = vector.shape_cast %add3A_317 : vector<16xf32> to vector<1x16xf32>
      tpu.vector_store %arg7[%swap3A_318, %swap3A_319], %swap3A_322 {strides = array<i32>} : memref<64x768xf32, #tpu.memory_space<vmem>>, vector<1x16xf32>,
      %get3A_323 = arith.index_cast %scan3A_92 : i32 to index
      %get3A_324 = arith.constant 224 : index
      %get3A_325 = tpu.vector_load %arg7[%get3A_323, %get3A_324] {strides = array<i32>} : memref<64x768xf32, #tpu.memory_space<vmem>>, vector<1x16xf32>,
      %get3A_326 = vector.shape_cast %get3A_325 : vector<1x16xf32> to vector<16xf32>
      %mul3A_327 = arith.mulf %get3A_326, %get3A_95 : vector<16xf32>
      %get3A_328 = arith.index_cast %scan3A_92 : i32 to index
      %get3A_329 = arith.constant 224 : index
      %get3A_330 = tpu.vector_load %arg8[%get3A_328, %get3A_329] {strides = array<i32>} : memref<64x768xf32, #tpu.memory_space<vmem>>, vector<1x16xf32>,
      %get3A_331 = vector.shape_cast %get3A_330 : vector<1x16xf32> to vector<16xf32>
      %mul3A_332 = arith.mulf %get3A_331, %get3A_99 : vector<16xf32>
      %add3A_333 = arith.addf %mul3A_327, %mul3A_332 : vector<16xf32>
      %swap3A_334 = arith.index_cast %scan3A_92 : i32 to index
      %swap3A_335 = arith.constant 224 : index
      %swap3A_336 = tpu.vector_load %arg7[%swap3A_334, %swap3A_335] {strides = array<i32>} : memref<64x768xf32, #tpu.memory_space<vmem>>, vector<1x16xf32>,
      %swap3A_337 = vector.shape_cast %swap3A_336 : vector<1x16xf32> to vector<16xf32>
      %swap3A_338 = vector.shape_cast %add3A_333 : vector<16xf32> to vector<1x16xf32>
      tpu.vector_store %arg7[%swap3A_334, %swap3A_335], %swap3A_338 {strides = array<i32>} : memref<64x768xf32, #tpu.memory_space<vmem>>, vector<1x16xf32>,
      %get3A_339 = arith.index_cast %scan3A_92 : i32 to index
      %get3A_340 = arith.constant 240 : index
      %get3A_341 = tpu.vector_load %arg7[%get3A_339, %get3A_340] {strides = array<i32>} : memref<64x768xf32, #tpu.memory_space<vmem>>, vector<1x16xf32>,
      %get3A_342 = vector.shape_cast %get3A_341 : vector<1x16xf32> to vector<16xf32>
      %mul3A_343 = arith.mulf %get3A_342, %get3A_95 : vector<16xf32>
      %get3A_344 = arith.index_cast %scan3A_92 : i32 to index
      %get3A_345 = arith.constant 240 : index
      %get3A_346 = tpu.vector_load %arg8[%get3A_344, %get3A_345] {strides = array<i32>} : memref<64x768xf32, #tpu.memory_space<vmem>>, vector<1x16xf32>,
      %get3A_347 = vector.shape_cast %get3A_346 : vector<1x16xf32> to vector<16xf32>
      %mul3A_348 = arith.mulf %get3A_347, %get3A_99 : vector<16xf32>
      %add3A_349 = arith.addf %mul3A_343, %mul3A_348 : vector<16xf32>
      %swap3A_350 = arith.index_cast %scan3A_92 : i32 to index
      %swap3A_351 = arith.constant 240 : index
      %swap3A_352 = tpu.vector_load %arg7[%swap3A_350, %swap3A_351] {strides = array<i32>} : memref<64x768xf32, #tpu.memory_space<vmem>>, vector<1x16xf32>,
      %swap3A_353 = vector.shape_cast %swap3A_352 : vector<1x16xf32> to vector<16xf32>
      %swap3A_354 = vector.shape_cast %add3A_349 : vector<16xf32> to vector<1x16xf32>
      tpu.vector_store %arg7[%swap3A_350, %swap3A_351], %swap3A_354 {strides = array<i32>} : memref<64x768xf32, #tpu.memory_space<vmem>>, vector<1x16xf32>,
      %get3A_355 = arith.index_cast %scan3A_92 : i32 to index
      %get3A_356 = arith.constant 256 : index
      %get3A_357 = tpu.vector_load %arg7[%get3A_355, %get3A_356] {strides = array<i32>} : memref<64x768xf32, #tpu.memory_space<vmem>>, vector<1x16xf32>,
      %get3A_358 = vector.shape_cast %get3A_357 : vector<1x16xf32> to vector<16xf32>
      %mul3A_359 = arith.mulf %get3A_358, %get3A_95 : vector<16xf32>
      %get3A_360 = arith.index_cast %scan3A_92 : i32 to index
      %get3A_361 = arith.constant 256 : index
      %get3A_362 = tpu.vector_load %arg8[%get3A_360, %get3A_361] {strides = array<i32>} : memref<64x768xf32, #tpu.memory_space<vmem>>, vector<1x16xf32>,
      %get3A_363 = vector.shape_cast %get3A_362 : vector<1x16xf32> to vector<16xf32>
      %mul3A_364 = arith.mulf %get3A_363, %get3A_99 : vector<16xf32>
      %add3A_365 = arith.addf %mul3A_359, %mul3A_364 : vector<16xf32>
      %swap3A_366 = arith.index_cast %scan3A_92 : i32 to index
      %swap3A_367 = arith.constant 256 : index
      %swap3A_368 = tpu.vector_load %arg7[%swap3A_366, %swap3A_367] {strides = array<i32>} : memref<64x768xf32, #tpu.memory_space<vmem>>, vector<1x16xf32>,
      %swap3A_369 = vector.shape_cast %swap3A_368 : vector<1x16xf32> to vector<16xf32>
      %swap3A_370 = vector.shape_cast %add3A_365 : vector<16xf32> to vector<1x16xf32>
      tpu.vector_store %arg7[%swap3A_366, %swap3A_367], %swap3A_370 {strides = array<i32>} : memref<64x768xf32, #tpu.memory_space<vmem>>, vector<1x16xf32>,
      %get3A_371 = arith.index_cast %scan3A_92 : i32 to index
      %get3A_372 = arith.constant 272 : index
      %get3A_373 = tpu.vector_load %arg7[%get3A_371, %get3A_372] {strides = array<i32>} : memref<64x768xf32, #tpu.memory_space<vmem>>, vector<1x16xf32>,
      %get3A_374 = vector.shape_cast %get3A_373 : vector<1x16xf32> to vector<16xf32>
      %mul3A_375 = arith.mulf %get3A_374, %get3A_95 : vector<16xf32>
      %get3A_376 = arith.index_cast %scan3A_92 : i32 to index
      %get3A_377 = arith.constant 272 : index
      %get3A_378 = tpu.vector_load %arg8[%get3A_376, %get3A_377] {strides = array<i32>} : memref<64x768xf32, #tpu.memory_space<vmem>>, vector<1x16xf32>,
      %get3A_379 = vector.shape_cast %get3A_378 : vector<1x16xf32> to vector<16xf32>
      %mul3A_380 = arith.mulf %get3A_379, %get3A_99 : vector<16xf32>
      %add3A_381 = arith.addf %mul3A_375, %mul3A_380 : vector<16xf32>
      %swap3A_382 = arith.index_cast %scan3A_92 : i32 to index
      %swap3A_383 = arith.constant 272 : index
      %swap3A_384 = tpu.vector_load %arg7[%swap3A_382, %swap3A_383] {strides = array<i32>} : memref<64x768xf32, #tpu.memory_space<vmem>>, vector<1x16xf32>,
      %swap3A_385 = vector.shape_cast %swap3A_384 : vector<1x16xf32> to vector<16xf32>
      %swap3A_386 = vector.shape_cast %add3A_381 : vector<16xf32> to vector<1x16xf32>
      tpu.vector_store %arg7[%swap3A_382, %swap3A_383], %swap3A_386 {strides = array<i32>} : memref<64x768xf32, #tpu.memory_space<vmem>>, vector<1x16xf32>,
      %get3A_387 = arith.index_cast %scan3A_92 : i32 to index
      %get3A_388 = arith.constant 288 : index
      %get3A_389 = tpu.vector_load %arg7[%get3A_387, %get3A_388] {strides = array<i32>} : memref<64x768xf32, #tpu.memory_space<vmem>>, vector<1x16xf32>,
      %get3A_390 = vector.shape_cast %get3A_389 : vector<1x16xf32> to vector<16xf32>
      %mul3A_391 = arith.mulf %get3A_390, %get3A_95 : vector<16xf32>
      %get3A_392 = arith.index_cast %scan3A_92 : i32 to index
      %get3A_393 = arith.constant 288 : index
      %get3A_394 = tpu.vector_load %arg8[%get3A_392, %get3A_393] {strides = array<i32>} : memref<64x768xf32, #tpu.memory_space<vmem>>, vector<1x16xf32>,
      %get3A_395 = vector.shape_cast %get3A_394 : vector<1x16xf32> to vector<16xf32>
      %mul3A_396 = arith.mulf %get3A_395, %get3A_99 : vector<16xf32>
      %add3A_397 = arith.addf %mul3A_391, %mul3A_396 : vector<16xf32>
      %swap3A_398 = arith.index_cast %scan3A_92 : i32 to index
      %swap3A_399 = arith.constant 288 : index
      %swap3A_400 = tpu.vector_load %arg7[%swap3A_398, %swap3A_399] {strides = array<i32>} : memref<64x768xf32, #tpu.memory_space<vmem>>, vector<1x16xf32>,
      %swap3A_401 = vector.shape_cast %swap3A_400 : vector<1x16xf32> to vector<16xf32>
      %swap3A_402 = vector.shape_cast %add3A_397 : vector<16xf32> to vector<1x16xf32>
      tpu.vector_store %arg7[%swap3A_398, %swap3A_399], %swap3A_402 {strides = array<i32>} : memref<64x768xf32, #tpu.memory_space<vmem>>, vector<1x16xf32>,
      %get3A_403 = arith.index_cast %scan3A_92 : i32 to index
      %get3A_404 = arith.constant 304 : index
      %get3A_405 = tpu.vector_load %arg7[%get3A_403, %get3A_404] {strides = array<i32>} : memref<64x768xf32, #tpu.memory_space<vmem>>, vector<1x16xf32>,
      %get3A_406 = vector.shape_cast %get3A_405 : vector<1x16xf32> to vector<16xf32>
      %mul3A_407 = arith.mulf %get3A_406, %get3A_95 : vector<16xf32>
      %get3A_408 = arith.index_cast %scan3A_92 : i32 to index
      %get3A_409 = arith.constant 304 : index
      %get3A_410 = tpu.vector_load %arg8[%get3A_408, %get3A_409] {strides = array<i32>} : memref<64x768xf32, #tpu.memory_space<vmem>>, vector<1x16xf32>,
      %get3A_411 = vector.shape_cast %get3A_410 : vector<1x16xf32> to vector<16xf32>
      %mul3A_412 = arith.mulf %get3A_411, %get3A_99 : vector<16xf32>
      %add3A_413 = arith.addf %mul3A_407, %mul3A_412 : vector<16xf32>
      %swap3A_414 = arith.index_cast %scan3A_92 : i32 to index
      %swap3A_415 = arith.constant 304 : index
      %swap3A_416 = tpu.vector_load %arg7[%swap3A_414, %swap3A_415] {strides = array<i32>} : memref<64x768xf32, #tpu.memory_space<vmem>>, vector<1x16xf32>,
      %swap3A_417 = vector.shape_cast %swap3A_416 : vector<1x16xf32> to vector<16xf32>
      %swap3A_418 = vector.shape_cast %add3A_413 : vector<16xf32> to vector<1x16xf32>
      tpu.vector_store %arg7[%swap3A_414, %swap3A_415], %swap3A_418 {strides = array<i32>} : memref<64x768xf32, #tpu.memory_space<vmem>>, vector<1x16xf32>,
      %get3A_419 = arith.index_cast %scan3A_92 : i32 to index
      %get3A_420 = arith.constant 320 : index
      %get3A_421 = tpu.vector_load %arg7[%get3A_419, %get3A_420] {strides = array<i32>} : memref<64x768xf32, #tpu.memory_space<vmem>>, vector<1x16xf32>,
      %get3A_422 = vector.shape_cast %get3A_421 : vector<1x16xf32> to vector<16xf32>
      %mul3A_423 = arith.mulf %get3A_422, %get3A_95 : vector<16xf32>
      %get3A_424 = arith.index_cast %scan3A_92 : i32 to index
      %get3A_425 = arith.constant 320 : index
      %get3A_426 = tpu.vector_load %arg8[%get3A_424, %get3A_425] {strides = array<i32>} : memref<64x768xf32, #tpu.memory_space<vmem>>, vector<1x16xf32>,
      %get3A_427 = vector.shape_cast %get3A_426 : vector<1x16xf32> to vector<16xf32>
      %mul3A_428 = arith.mulf %get3A_427, %get3A_99 : vector<16xf32>
      %add3A_429 = arith.addf %mul3A_423, %mul3A_428 : vector<16xf32>
      %swap3A_430 = arith.index_cast %scan3A_92 : i32 to index
      %swap3A_431 = arith.constant 320 : index
      %swap3A_432 = tpu.vector_load %arg7[%swap3A_430, %swap3A_431] {strides = array<i32>} : memref<64x768xf32, #tpu.memory_space<vmem>>, vector<1x16xf32>,
      %swap3A_433 = vector.shape_cast %swap3A_432 : vector<1x16xf32> to vector<16xf32>
      %swap3A_434 = vector.shape_cast %add3A_429 : vector<16xf32> to vector<1x16xf32>
      tpu.vector_store %arg7[%swap3A_430, %swap3A_431], %swap3A_434 {strides = array<i32>} : memref<64x768xf32, #tpu.memory_space<vmem>>, vector<1x16xf32>,
      %get3A_435 = arith.index_cast %scan3A_92 : i32 to index
      %get3A_436 = arith.constant 336 : index
      %get3A_437 = tpu.vector_load %arg7[%get3A_435, %get3A_436] {strides = array<i32>} : memref<64x768xf32, #tpu.memory_space<vmem>>, vector<1x16xf32>,
      %get3A_438 = vector.shape_cast %get3A_437 : vector<1x16xf32> to vector<16xf32>
      %mul3A_439 = arith.mulf %get3A_438, %get3A_95 : vector<16xf32>
      %get3A_440 = arith.index_cast %scan3A_92 : i32 to index
      %get3A_441 = arith.constant 336 : index
      %get3A_442 = tpu.vector_load %arg8[%get3A_440, %get3A_441] {strides = array<i32>} : memref<64x768xf32, #tpu.memory_space<vmem>>, vector<1x16xf32>,
      %get3A_443 = vector.shape_cast %get3A_442 : vector<1x16xf32> to vector<16xf32>
      %mul3A_444 = arith.mulf %get3A_443, %get3A_99 : vector<16xf32>
      %add3A_445 = arith.addf %mul3A_439, %mul3A_444 : vector<16xf32>
      %swap3A_446 = arith.index_cast %scan3A_92 : i32 to index
      %swap3A_447 = arith.constant 336 : index
      %swap3A_448 = tpu.vector_load %arg7[%swap3A_446, %swap3A_447] {strides = array<i32>} : memref<64x768xf32, #tpu.memory_space<vmem>>, vector<1x16xf32>,
      %swap3A_449 = vector.shape_cast %swap3A_448 : vector<1x16xf32> to vector<16xf32>
      %swap3A_450 = vector.shape_cast %add3A_445 : vector<16xf32> to vector<1x16xf32>
      tpu.vector_store %arg7[%swap3A_446, %swap3A_447], %swap3A_450 {strides = array<i32>} : memref<64x768xf32, #tpu.memory_space<vmem>>, vector<1x16xf32>,
      %get3A_451 = arith.index_cast %scan3A_92 : i32 to index
      %get3A_452 = arith.constant 352 : index
      %get3A_453 = tpu.vector_load %arg7[%get3A_451, %get3A_452] {strides = array<i32>} : memref<64x768xf32, #tpu.memory_space<vmem>>, vector<1x16xf32>,
      %get3A_454 = vector.shape_cast %get3A_453 : vector<1x16xf32> to vector<16xf32>
      %mul3A_455 = arith.mulf %get3A_454, %get3A_95 : vector<16xf32>
      %get3A_456 = arith.index_cast %scan3A_92 : i32 to index
      %get3A_457 = arith.constant 352 : index
      %get3A_458 = tpu.vector_load %arg8[%get3A_456, %get3A_457] {strides = array<i32>} : memref<64x768xf32, #tpu.memory_space<vmem>>, vector<1x16xf32>,
      %get3A_459 = vector.shape_cast %get3A_458 : vector<1x16xf32> to vector<16xf32>
      %mul3A_460 = arith.mulf %get3A_459, %get3A_99 : vector<16xf32>
      %add3A_461 = arith.addf %mul3A_455, %mul3A_460 : vector<16xf32>
      %swap3A_462 = arith.index_cast %scan3A_92 : i32 to index
      %swap3A_463 = arith.constant 352 : index
      %swap3A_464 = tpu.vector_load %arg7[%swap3A_462, %swap3A_463] {strides = array<i32>} : memref<64x768xf32, #tpu.memory_space<vmem>>, vector<1x16xf32>,
      %swap3A_465 = vector.shape_cast %swap3A_464 : vector<1x16xf32> to vector<16xf32>
      %swap3A_466 = vector.shape_cast %add3A_461 : vector<16xf32> to vector<1x16xf32>
      tpu.vector_store %arg7[%swap3A_462, %swap3A_463], %swap3A_466 {strides = array<i32>} : memref<64x768xf32, #tpu.memory_space<vmem>>, vector<1x16xf32>,
      %get3A_467 = arith.index_cast %scan3A_92 : i32 to index
      %get3A_468 = arith.constant 368 : index
      %get3A_469 = tpu.vector_load %arg7[%get3A_467, %get3A_468] {strides = array<i32>} : memref<64x768xf32, #tpu.memory_space<vmem>>, vector<1x16xf32>,
      %get3A_470 = vector.shape_cast %get3A_469 : vector<1x16xf32> to vector<16xf32>
      %mul3A_471 = arith.mulf %get3A_470, %get3A_95 : vector<16xf32>
      %get3A_472 = arith.index_cast %scan3A_92 : i32 to index
      %get3A_473 = arith.constant 368 : index
      %get3A_474 = tpu.vector_load %arg8[%get3A_472, %get3A_473] {strides = array<i32>} : memref<64x768xf32, #tpu.memory_space<vmem>>, vector<1x16xf32>,
      %get3A_475 = vector.shape_cast %get3A_474 : vector<1x16xf32> to vector<16xf32>
      %mul3A_476 = arith.mulf %get3A_475, %get3A_99 : vector<16xf32>
      %add3A_477 = arith.addf %mul3A_471, %mul3A_476 : vector<16xf32>
      %swap3A_478 = arith.index_cast %scan3A_92 : i32 to index
      %swap3A_479 = arith.constant 368 : index
      %swap3A_480 = tpu.vector_load %arg7[%swap3A_478, %swap3A_479] {strides = array<i32>} : memref<64x768xf32, #tpu.memory_space<vmem>>, vector<1x16xf32>,
      %swap3A_481 = vector.shape_cast %swap3A_480 : vector<1x16xf32> to vector<16xf32>
      %swap3A_482 = vector.shape_cast %add3A_477 : vector<16xf32> to vector<1x16xf32>
      tpu.vector_store %arg7[%swap3A_478, %swap3A_479], %swap3A_482 {strides = array<i32>} : memref<64x768xf32, #tpu.memory_space<vmem>>, vector<1x16xf32>,
      %get3A_483 = arith.index_cast %scan3A_92 : i32 to index
      %get3A_484 = arith.constant 384 : index
      %get3A_485 = tpu.vector_load %arg7[%get3A_483, %get3A_484] {strides = array<i32>} : memref<64x768xf32, #tpu.memory_space<vmem>>, vector<1x16xf32>,
      %get3A_486 = vector.shape_cast %get3A_485 : vector<1x16xf32> to vector<16xf32>
      %mul3A_487 = arith.mulf %get3A_486, %get3A_95 : vector<16xf32>
      %get3A_488 = arith.index_cast %scan3A_92 : i32 to index
      %get3A_489 = arith.constant 384 : index
      %get3A_490 = tpu.vector_load %arg8[%get3A_488, %get3A_489] {strides = array<i32>} : memref<64x768xf32, #tpu.memory_space<vmem>>, vector<1x16xf32>,
      %get3A_491 = vector.shape_cast %get3A_490 : vector<1x16xf32> to vector<16xf32>
      %mul3A_492 = arith.mulf %get3A_491, %get3A_99 : vector<16xf32>
      %add3A_493 = arith.addf %mul3A_487, %mul3A_492 : vector<16xf32>
      %swap3A_494 = arith.index_cast %scan3A_92 : i32 to index
      %swap3A_495 = arith.constant 384 : index
      %swap3A_496 = tpu.vector_load %arg7[%swap3A_494, %swap3A_495] {strides = array<i32>} : memref<64x768xf32, #tpu.memory_space<vmem>>, vector<1x16xf32>,
      %swap3A_497 = vector.shape_cast %swap3A_496 : vector<1x16xf32> to vector<16xf32>
      %swap3A_498 = vector.shape_cast %add3A_493 : vector<16xf32> to vector<1x16xf32>
      tpu.vector_store %arg7[%swap3A_494, %swap3A_495], %swap3A_498 {strides = array<i32>} : memref<64x768xf32, #tpu.memory_space<vmem>>, vector<1x16xf32>,
      %get3A_499 = arith.index_cast %scan3A_92 : i32 to index
      %get3A_500 = arith.constant 400 : index
      %get3A_501 = tpu.vector_load %arg7[%get3A_499, %get3A_500] {strides = array<i32>} : memref<64x768xf32, #tpu.memory_space<vmem>>, vector<1x16xf32>,
      %get3A_502 = vector.shape_cast %get3A_501 : vector<1x16xf32> to vector<16xf32>
      %mul3A_503 = arith.mulf %get3A_502, %get3A_95 : vector<16xf32>
      %get3A_504 = arith.index_cast %scan3A_92 : i32 to index
      %get3A_505 = arith.constant 400 : index
      %get3A_506 = tpu.vector_load %arg8[%get3A_504, %get3A_505] {strides = array<i32>} : memref<64x768xf32, #tpu.memory_space<vmem>>, vector<1x16xf32>,
      %get3A_507 = vector.shape_cast %get3A_506 : vector<1x16xf32> to vector<16xf32>
      %mul3A_508 = arith.mulf %get3A_507, %get3A_99 : vector<16xf32>
      %add3A_509 = arith.addf %mul3A_503, %mul3A_508 : vector<16xf32>
      %swap3A_510 = arith.index_cast %scan3A_92 : i32 to index
      %swap3A_511 = arith.constant 400 : index
      %swap3A_512 = tpu.vector_load %arg7[%swap3A_510, %swap3A_511] {strides = array<i32>} : memref<64x768xf32, #tpu.memory_space<vmem>>, vector<1x16xf32>,
      %swap3A_513 = vector.shape_cast %swap3A_512 : vector<1x16xf32> to vector<16xf32>
      %swap3A_514 = vector.shape_cast %add3A_509 : vector<16xf32> to vector<1x16xf32>
      tpu.vector_store %arg7[%swap3A_510, %swap3A_511], %swap3A_514 {strides = array<i32>} : memref<64x768xf32, #tpu.memory_space<vmem>>, vector<1x16xf32>,
      %get3A_515 = arith.index_cast %scan3A_92 : i32 to index
      %get3A_516 = arith.constant 416 : index
      %get3A_517 = tpu.vector_load %arg7[%get3A_515, %get3A_516] {strides = array<i32>} : memref<64x768xf32, #tpu.memory_space<vmem>>, vector<1x16xf32>,
      %get3A_518 = vector.shape_cast %get3A_517 : vector<1x16xf32> to vector<16xf32>
      %mul3A_519 = arith.mulf %get3A_518, %get3A_95 : vector<16xf32>
      %get3A_520 = arith.index_cast %scan3A_92 : i32 to index
      %get3A_521 = arith.constant 416 : index
      %get3A_522 = tpu.vector_load %arg8[%get3A_520, %get3A_521] {strides = array<i32>} : memref<64x768xf32, #tpu.memory_space<vmem>>, vector<1x16xf32>,
      %get3A_523 = vector.shape_cast %get3A_522 : vector<1x16xf32> to vector<16xf32>
      %mul3A_524 = arith.mulf %get3A_523, %get3A_99 : vector<16xf32>
      %add3A_525 = arith.addf %mul3A_519, %mul3A_524 : vector<16xf32>
      %swap3A_526 = arith.index_cast %scan3A_92 : i32 to index
      %swap3A_527 = arith.constant 416 : index
      %swap3A_528 = tpu.vector_load %arg7[%swap3A_526, %swap3A_527] {strides = array<i32>} : memref<64x768xf32, #tpu.memory_space<vmem>>, vector<1x16xf32>,
      %swap3A_529 = vector.shape_cast %swap3A_528 : vector<1x16xf32> to vector<16xf32>
      %swap3A_530 = vector.shape_cast %add3A_525 : vector<16xf32> to vector<1x16xf32>
      tpu.vector_store %arg7[%swap3A_526, %swap3A_527], %swap3A_530 {strides = array<i32>} : memref<64x768xf32, #tpu.memory_space<vmem>>, vector<1x16xf32>,
      %get3A_531 = arith.index_cast %scan3A_92 : i32 to index
      %get3A_532 = arith.constant 432 : index
      %get3A_533 = tpu.vector_load %arg7[%get3A_531, %get3A_532] {strides = array<i32>} : memref<64x768xf32, #tpu.memory_space<vmem>>, vector<1x16xf32>,
      %get3A_534 = vector.shape_cast %get3A_533 : vector<1x16xf32> to vector<16xf32>
      %mul3A_535 = arith.mulf %get3A_534, %get3A_95 : vector<16xf32>
      %get3A_536 = arith.index_cast %scan3A_92 : i32 to index
      %get3A_537 = arith.constant 432 : index
      %get3A_538 = tpu.vector_load %arg8[%get3A_536, %get3A_537] {strides = array<i32>} : memref<64x768xf32, #tpu.memory_space<vmem>>, vector<1x16xf32>,
      %get3A_539 = vector.shape_cast %get3A_538 : vector<1x16xf32> to vector<16xf32>
      %mul3A_540 = arith.mulf %get3A_539, %get3A_99 : vector<16xf32>
      %add3A_541 = arith.addf %mul3A_535, %mul3A_540 : vector<16xf32>
      %swap3A_542 = arith.index_cast %scan3A_92 : i32 to index
      %swap3A_543 = arith.constant 432 : index
      %swap3A_544 = tpu.vector_load %arg7[%swap3A_542, %swap3A_543] {strides = array<i32>} : memref<64x768xf32, #tpu.memory_space<vmem>>, vector<1x16xf32>,
      %swap3A_545 = vector.shape_cast %swap3A_544 : vector<1x16xf32> to vector<16xf32>
      %swap3A_546 = vector.shape_cast %add3A_541 : vector<16xf32> to vector<1x16xf32>
      tpu.vector_store %arg7[%swap3A_542, %swap3A_543], %swap3A_546 {strides = array<i32>} : memref<64x768xf32, #tpu.memory_space<vmem>>, vector<1x16xf32>,
      %get3A_547 = arith.index_cast %scan3A_92 : i32 to index
      %get3A_548 = arith.constant 448 : index
      %get3A_549 = tpu.vector_load %arg7[%get3A_547, %get3A_548] {strides = array<i32>} : memref<64x768xf32, #tpu.memory_space<vmem>>, vector<1x16xf32>,
      %get3A_550 = vector.shape_cast %get3A_549 : vector<1x16xf32> to vector<16xf32>
      %mul3A_551 = arith.mulf %get3A_550, %get3A_95 : vector<16xf32>
      %get3A_552 = arith.index_cast %scan3A_92 : i32 to index
      %get3A_553 = arith.constant 448 : index
      %get3A_554 = tpu.vector_load %arg8[%get3A_552, %get3A_553] {strides = array<i32>} : memref<64x768xf32, #tpu.memory_space<vmem>>, vector<1x16xf32>,
      %get3A_555 = vector.shape_cast %get3A_554 : vector<1x16xf32> to vector<16xf32>
      %mul3A_556 = arith.mulf %get3A_555, %get3A_99 : vector<16xf32>
      %add3A_557 = arith.addf %mul3A_551, %mul3A_556 : vector<16xf32>
      %swap3A_558 = arith.index_cast %scan3A_92 : i32 to index
      %swap3A_559 = arith.constant 448 : index
      %swap3A_560 = tpu.vector_load %arg7[%swap3A_558, %swap3A_559] {strides = array<i32>} : memref<64x768xf32, #tpu.memory_space<vmem>>, vector<1x16xf32>,
      %swap3A_561 = vector.shape_cast %swap3A_560 : vector<1x16xf32> to vector<16xf32>
      %swap3A_562 = vector.shape_cast %add3A_557 : vector<16xf32> to vector<1x16xf32>
      tpu.vector_store %arg7[%swap3A_558, %swap3A_559], %swap3A_562 {strides = array<i32>} : memref<64x768xf32, #tpu.memory_space<vmem>>, vector<1x16xf32>,
      %get3A_563 = arith.index_cast %scan3A_92 : i32 to index
      %get3A_564 = arith.constant 464 : index
      %get3A_565 = tpu.vector_load %arg7[%get3A_563, %get3A_564] {strides = array<i32>} : memref<64x768xf32, #tpu.memory_space<vmem>>, vector<1x16xf32>,
      %get3A_566 = vector.shape_cast %get3A_565 : vector<1x16xf32> to vector<16xf32>
      %mul3A_567 = arith.mulf %get3A_566, %get3A_95 : vector<16xf32>
      %get3A_568 = arith.index_cast %scan3A_92 : i32 to index
      %get3A_569 = arith.constant 464 : index
      %get3A_570 = tpu.vector_load %arg8[%get3A_568, %get3A_569] {strides = array<i32>} : memref<64x768xf32, #tpu.memory_space<vmem>>, vector<1x16xf32>,
      %get3A_571 = vector.shape_cast %get3A_570 : vector<1x16xf32> to vector<16xf32>
      %mul3A_572 = arith.mulf %get3A_571, %get3A_99 : vector<16xf32>
      %add3A_573 = arith.addf %mul3A_567, %mul3A_572 : vector<16xf32>
      %swap3A_574 = arith.index_cast %scan3A_92 : i32 to index
      %swap3A_575 = arith.constant 464 : index
      %swap3A_576 = tpu.vector_load %arg7[%swap3A_574, %swap3A_575] {strides = array<i32>} : memref<64x768xf32, #tpu.memory_space<vmem>>, vector<1x16xf32>,
      %swap3A_577 = vector.shape_cast %swap3A_576 : vector<1x16xf32> to vector<16xf32>
      %swap3A_578 = vector.shape_cast %add3A_573 : vector<16xf32> to vector<1x16xf32>
      tpu.vector_store %arg7[%swap3A_574, %swap3A_575], %swap3A_578 {strides = array<i32>} : memref<64x768xf32, #tpu.memory_space<vmem>>, vector<1x16xf32>,
      %get3A_579 = arith.index_cast %scan3A_92 : i32 to index
      %get3A_580 = arith.constant 480 : index
      %get3A_581 = tpu.vector_load %arg7[%get3A_579, %get3A_580] {strides = array<i32>} : memref<64x768xf32, #tpu.memory_space<vmem>>, vector<1x16xf32>,
      %get3A_582 = vector.shape_cast %get3A_581 : vector<1x16xf32> to vector<16xf32>
      %mul3A_583 = arith.mulf %get3A_582, %get3A_95 : vector<16xf32>
      %get3A_584 = arith.index_cast %scan3A_92 : i32 to index
      %get3A_585 = arith.constant 480 : index
      %get3A_586 = tpu.vector_load %arg8[%get3A_584, %get3A_585] {strides = array<i32>} : memref<64x768xf32, #tpu.memory_space<vmem>>, vector<1x16xf32>,
      %get3A_587 = vector.shape_cast %get3A_586 : vector<1x16xf32> to vector<16xf32>
      %mul3A_588 = arith.mulf %get3A_587, %get3A_99 : vector<16xf32>
      %add3A_589 = arith.addf %mul3A_583, %mul3A_588 : vector<16xf32>
      %swap3A_590 = arith.index_cast %scan3A_92 : i32 to index
      %swap3A_591 = arith.constant 480 : index
      %swap3A_592 = tpu.vector_load %arg7[%swap3A_590, %swap3A_591] {strides = array<i32>} : memref<64x768xf32, #tpu.memory_space<vmem>>, vector<1x16xf32>,
      %swap3A_593 = vector.shape_cast %swap3A_592 : vector<1x16xf32> to vector<16xf32>
      %swap3A_594 = vector.shape_cast %add3A_589 : vector<16xf32> to vector<1x16xf32>
      tpu.vector_store %arg7[%swap3A_590, %swap3A_591], %swap3A_594 {strides = array<i32>} : memref<64x768xf32, #tpu.memory_space<vmem>>, vector<1x16xf32>,
      %get3A_595 = arith.index_cast %scan3A_92 : i32 to index
      %get3A_596 = arith.constant 496 : index
      %get3A_597 = tpu.vector_load %arg7[%get3A_595, %get3A_596] {strides = array<i32>} : memref<64x768xf32, #tpu.memory_space<vmem>>, vector<1x16xf32>,
      %get3A_598 = vector.shape_cast %get3A_597 : vector<1x16xf32> to vector<16xf32>
      %mul3A_599 = arith.mulf %get3A_598, %get3A_95 : vector<16xf32>
      %get3A_600 = arith.index_cast %scan3A_92 : i32 to index
      %get3A_601 = arith.constant 496 : index
      %get3A_602 = tpu.vector_load %arg8[%get3A_600, %get3A_601] {strides = array<i32>} : memref<64x768xf32, #tpu.memory_space<vmem>>, vector<1x16xf32>,
      %get3A_603 = vector.shape_cast %get3A_602 : vector<1x16xf32> to vector<16xf32>
      %mul3A_604 = arith.mulf %get3A_603, %get3A_99 : vector<16xf32>
      %add3A_605 = arith.addf %mul3A_599, %mul3A_604 : vector<16xf32>
      %swap3A_606 = arith.index_cast %scan3A_92 : i32 to index
      %swap3A_607 = arith.constant 496 : index
      %swap3A_608 = tpu.vector_load %arg7[%swap3A_606, %swap3A_607] {strides = array<i32>} : memref<64x768xf32, #tpu.memory_space<vmem>>, vector<1x16xf32>,
      %swap3A_609 = vector.shape_cast %swap3A_608 : vector<1x16xf32> to vector<16xf32>
      %swap3A_610 = vector.shape_cast %add3A_605 : vector<16xf32> to vector<1x16xf32>
      tpu.vector_store %arg7[%swap3A_606, %swap3A_607], %swap3A_610 {strides = array<i32>} : memref<64x768xf32, #tpu.memory_space<vmem>>, vector<1x16xf32>,
      %get3A_611 = arith.index_cast %scan3A_92 : i32 to index
      %get3A_612 = arith.constant 512 : index
      %get3A_613 = tpu.vector_load %arg7[%get3A_611, %get3A_612] {strides = array<i32>} : memref<64x768xf32, #tpu.memory_space<vmem>>, vector<1x16xf32>,
      %get3A_614 = vector.shape_cast %get3A_613 : vector<1x16xf32> to vector<16xf32>
      %mul3A_615 = arith.mulf %get3A_614, %get3A_95 : vector<16xf32>
      %get3A_616 = arith.index_cast %scan3A_92 : i32 to index
      %get3A_617 = arith.constant 512 : index
      %get3A_618 = tpu.vector_load %arg8[%get3A_616, %get3A_617] {strides = array<i32>} : memref<64x768xf32, #tpu.memory_space<vmem>>, vector<1x16xf32>,
      %get3A_619 = vector.shape_cast %get3A_618 : vector<1x16xf32> to vector<16xf32>
      %mul3A_620 = arith.mulf %get3A_619, %get3A_99 : vector<16xf32>
      %add3A_621 = arith.addf %mul3A_615, %mul3A_620 : vector<16xf32>
      %swap3A_622 = arith.index_cast %scan3A_92 : i32 to index
      %swap3A_623 = arith.constant 512 : index
      %swap3A_624 = tpu.vector_load %arg7[%swap3A_622, %swap3A_623] {strides = array<i32>} : memref<64x768xf32, #tpu.memory_space<vmem>>, vector<1x16xf32>,
      %swap3A_625 = vector.shape_cast %swap3A_624 : vector<1x16xf32> to vector<16xf32>
      %swap3A_626 = vector.shape_cast %add3A_621 : vector<16xf32> to vector<1x16xf32>
      tpu.vector_store %arg7[%swap3A_622, %swap3A_623], %swap3A_626 {strides = array<i32>} : memref<64x768xf32, #tpu.memory_space<vmem>>, vector<1x16xf32>,
      %get3A_627 = arith.index_cast %scan3A_92 : i32 to index
      %get3A_628 = arith.constant 528 : index
      %get3A_629 = tpu.vector_load %arg7[%get3A_627, %get3A_628] {strides = array<i32>} : memref<64x768xf32, #tpu.memory_space<vmem>>, vector<1x16xf32>,
      %get3A_630 = vector.shape_cast %get3A_629 : vector<1x16xf32> to vector<16xf32>
      %mul3A_631 = arith.mulf %get3A_630, %get3A_95 : vector<16xf32>
      %get3A_632 = arith.index_cast %scan3A_92 : i32 to index
      %get3A_633 = arith.constant 528 : index
      %get3A_634 = tpu.vector_load %arg8[%get3A_632, %get3A_633] {strides = array<i32>} : memref<64x768xf32, #tpu.memory_space<vmem>>, vector<1x16xf32>,
      %get3A_635 = vector.shape_cast %get3A_634 : vector<1x16xf32> to vector<16xf32>
      %mul3A_636 = arith.mulf %get3A_635, %get3A_99 : vector<16xf32>
      %add3A_637 = arith.addf %mul3A_631, %mul3A_636 : vector<16xf32>
      %swap3A_638 = arith.index_cast %scan3A_92 : i32 to index
      %swap3A_639 = arith.constant 528 : index
      %swap3A_640 = tpu.vector_load %arg7[%swap3A_638, %swap3A_639] {strides = array<i32>} : memref<64x768xf32, #tpu.memory_space<vmem>>, vector<1x16xf32>,
      %swap3A_641 = vector.shape_cast %swap3A_640 : vector<1x16xf32> to vector<16xf32>
      %swap3A_642 = vector.shape_cast %add3A_637 : vector<16xf32> to vector<1x16xf32>
      tpu.vector_store %arg7[%swap3A_638, %swap3A_639], %swap3A_642 {strides = array<i32>} : memref<64x768xf32, #tpu.memory_space<vmem>>, vector<1x16xf32>,
      %get3A_643 = arith.index_cast %scan3A_92 : i32 to index
      %get3A_644 = arith.constant 544 : index
      %get3A_645 = tpu.vector_load %arg7[%get3A_643, %get3A_644] {strides = array<i32>} : memref<64x768xf32, #tpu.memory_space<vmem>>, vector<1x16xf32>,
      %get3A_646 = vector.shape_cast %get3A_645 : vector<1x16xf32> to vector<16xf32>
      %mul3A_647 = arith.mulf %get3A_646, %get3A_95 : vector<16xf32>
      %get3A_648 = arith.index_cast %scan3A_92 : i32 to index
      %get3A_649 = arith.constant 544 : index
      %get3A_650 = tpu.vector_load %arg8[%get3A_648, %get3A_649] {strides = array<i32>} : memref<64x768xf32, #tpu.memory_space<vmem>>, vector<1x16xf32>,
      %get3A_651 = vector.shape_cast %get3A_650 : vector<1x16xf32> to vector<16xf32>
      %mul3A_652 = arith.mulf %get3A_651, %get3A_99 : vector<16xf32>
      %add3A_653 = arith.addf %mul3A_647, %mul3A_652 : vector<16xf32>
      %swap3A_654 = arith.index_cast %scan3A_92 : i32 to index
      %swap3A_655 = arith.constant 544 : index
      %swap3A_656 = tpu.vector_load %arg7[%swap3A_654, %swap3A_655] {strides = array<i32>} : memref<64x768xf32, #tpu.memory_space<vmem>>, vector<1x16xf32>,
      %swap3A_657 = vector.shape_cast %swap3A_656 : vector<1x16xf32> to vector<16xf32>
      %swap3A_658 = vector.shape_cast %add3A_653 : vector<16xf32> to vector<1x16xf32>
      tpu.vector_store %arg7[%swap3A_654, %swap3A_655], %swap3A_658 {strides = array<i32>} : memref<64x768xf32, #tpu.memory_space<vmem>>, vector<1x16xf32>,
      %get3A_659 = arith.index_cast %scan3A_92 : i32 to index
      %get3A_660 = arith.constant 560 : index
      %get3A_661 = tpu.vector_load %arg7[%get3A_659, %get3A_660] {strides = array<i32>} : memref<64x768xf32, #tpu.memory_space<vmem>>, vector<1x16xf32>,
      %get3A_662 = vector.shape_cast %get3A_661 : vector<1x16xf32> to vector<16xf32>
      %mul3A_663 = arith.mulf %get3A_662, %get3A_95 : vector<16xf32>
      %get3A_664 = arith.index_cast %scan3A_92 : i32 to index
      %get3A_665 = arith.constant 560 : index
      %get3A_666 = tpu.vector_load %arg8[%get3A_664, %get3A_665] {strides = array<i32>} : memref<64x768xf32, #tpu.memory_space<vmem>>, vector<1x16xf32>,
      %get3A_667 = vector.shape_cast %get3A_666 : vector<1x16xf32> to vector<16xf32>
      %mul3A_668 = arith.mulf %get3A_667, %get3A_99 : vector<16xf32>
      %add3A_669 = arith.addf %mul3A_663, %mul3A_668 : vector<16xf32>
      %swap3A_670 = arith.index_cast %scan3A_92 : i32 to index
      %swap3A_671 = arith.constant 560 : index
      %swap3A_672 = tpu.vector_load %arg7[%swap3A_670, %swap3A_671] {strides = array<i32>} : memref<64x768xf32, #tpu.memory_space<vmem>>, vector<1x16xf32>,
      %swap3A_673 = vector.shape_cast %swap3A_672 : vector<1x16xf32> to vector<16xf32>
      %swap3A_674 = vector.shape_cast %add3A_669 : vector<16xf32> to vector<1x16xf32>
      tpu.vector_store %arg7[%swap3A_670, %swap3A_671], %swap3A_674 {strides = array<i32>} : memref<64x768xf32, #tpu.memory_space<vmem>>, vector<1x16xf32>,
      %get3A_675 = arith.index_cast %scan3A_92 : i32 to index
      %get3A_676 = arith.constant 576 : index
      %get3A_677 = tpu.vector_load %arg7[%get3A_675, %get3A_676] {strides = array<i32>} : memref<64x768xf32, #tpu.memory_space<vmem>>, vector<1x16xf32>,
      %get3A_678 = vector.shape_cast %get3A_677 : vector<1x16xf32> to vector<16xf32>
      %mul3A_679 = arith.mulf %get3A_678, %get3A_95 : vector<16xf32>
      %get3A_680 = arith.index_cast %scan3A_92 : i32 to index
      %get3A_681 = arith.constant 576 : index
      %get3A_682 = tpu.vector_load %arg8[%get3A_680, %get3A_681] {strides = array<i32>} : memref<64x768xf32, #tpu.memory_space<vmem>>, vector<1x16xf32>,
      %get3A_683 = vector.shape_cast %get3A_682 : vector<1x16xf32> to vector<16xf32>
      %mul3A_684 = arith.mulf %get3A_683, %get3A_99 : vector<16xf32>
      %add3A_685 = arith.addf %mul3A_679, %mul3A_684 : vector<16xf32>
      %swap3A_686 = arith.index_cast %scan3A_92 : i32 to index
      %swap3A_687 = arith.constant 576 : index
      %swap3A_688 = tpu.vector_load %arg7[%swap3A_686, %swap3A_687] {strides = array<i32>} : memref<64x768xf32, #tpu.memory_space<vmem>>, vector<1x16xf32>,
      %swap3A_689 = vector.shape_cast %swap3A_688 : vector<1x16xf32> to vector<16xf32>
      %swap3A_690 = vector.shape_cast %add3A_685 : vector<16xf32> to vector<1x16xf32>
      tpu.vector_store %arg7[%swap3A_686, %swap3A_687], %swap3A_690 {strides = array<i32>} : memref<64x768xf32, #tpu.memory_space<vmem>>, vector<1x16xf32>,
      %get3A_691 = arith.index_cast %scan3A_92 : i32 to index
      %get3A_692 = arith.constant 592 : index
      %get3A_693 = tpu.vector_load %arg7[%get3A_691, %get3A_692] {strides = array<i32>} : memref<64x768xf32, #tpu.memory_space<vmem>>, vector<1x16xf32>,
      %get3A_694 = vector.shape_cast %get3A_693 : vector<1x16xf32> to vector<16xf32>
      %mul3A_695 = arith.mulf %get3A_694, %get3A_95 : vector<16xf32>
      %get3A_696 = arith.index_cast %scan3A_92 : i32 to index
      %get3A_697 = arith.constant 592 : index
      %get3A_698 = tpu.vector_load %arg8[%get3A_696, %get3A_697] {strides = array<i32>} : memref<64x768xf32, #tpu.memory_space<vmem>>, vector<1x16xf32>,
      %get3A_699 = vector.shape_cast %get3A_698 : vector<1x16xf32> to vector<16xf32>
      %mul3A_700 = arith.mulf %get3A_699, %get3A_99 : vector<16xf32>
      %add3A_701 = arith.addf %mul3A_695, %mul3A_700 : vector<16xf32>
      %swap3A_702 = arith.index_cast %scan3A_92 : i32 to index
      %swap3A_703 = arith.constant 592 : index
      %swap3A_704 = tpu.vector_load %arg7[%swap3A_702, %swap3A_703] {strides = array<i32>} : memref<64x768xf32, #tpu.memory_space<vmem>>, vector<1x16xf32>,
      %swap3A_705 = vector.shape_cast %swap3A_704 : vector<1x16xf32> to vector<16xf32>
      %swap3A_706 = vector.shape_cast %add3A_701 : vector<16xf32> to vector<1x16xf32>
      tpu.vector_store %arg7[%swap3A_702, %swap3A_703], %swap3A_706 {strides = array<i32>} : memref<64x768xf32, #tpu.memory_space<vmem>>, vector<1x16xf32>,
      %get3A_707 = arith.index_cast %scan3A_92 : i32 to index
      %get3A_708 = arith.constant 608 : index
      %get3A_709 = tpu.vector_load %arg7[%get3A_707, %get3A_708] {strides = array<i32>} : memref<64x768xf32, #tpu.memory_space<vmem>>, vector<1x16xf32>,
      %get3A_710 = vector.shape_cast %get3A_709 : vector<1x16xf32> to vector<16xf32>
      %mul3A_711 = arith.mulf %get3A_710, %get3A_95 : vector<16xf32>
      %get3A_712 = arith.index_cast %scan3A_92 : i32 to index
      %get3A_713 = arith.constant 608 : index
      %get3A_714 = tpu.vector_load %arg8[%get3A_712, %get3A_713] {strides = array<i32>} : memref<64x768xf32, #tpu.memory_space<vmem>>, vector<1x16xf32>,
      %get3A_715 = vector.shape_cast %get3A_714 : vector<1x16xf32> to vector<16xf32>
      %mul3A_716 = arith.mulf %get3A_715, %get3A_99 : vector<16xf32>
      %add3A_717 = arith.addf %mul3A_711, %mul3A_716 : vector<16xf32>
      %swap3A_718 = arith.index_cast %scan3A_92 : i32 to index
      %swap3A_719 = arith.constant 608 : index
      %swap3A_720 = tpu.vector_load %arg7[%swap3A_718, %swap3A_719] {strides = array<i32>} : memref<64x768xf32, #tpu.memory_space<vmem>>, vector<1x16xf32>,
      %swap3A_721 = vector.shape_cast %swap3A_720 : vector<1x16xf32> to vector<16xf32>
      %swap3A_722 = vector.shape_cast %add3A_717 : vector<16xf32> to vector<1x16xf32>
      tpu.vector_store %arg7[%swap3A_718, %swap3A_719], %swap3A_722 {strides = array<i32>} : memref<64x768xf32, #tpu.memory_space<vmem>>, vector<1x16xf32>,
      %get3A_723 = arith.index_cast %scan3A_92 : i32 to index
      %get3A_724 = arith.constant 624 : index
      %get3A_725 = tpu.vector_load %arg7[%get3A_723, %get3A_724] {strides = array<i32>} : memref<64x768xf32, #tpu.memory_space<vmem>>, vector<1x16xf32>,
      %get3A_726 = vector.shape_cast %get3A_725 : vector<1x16xf32> to vector<16xf32>
      %mul3A_727 = arith.mulf %get3A_726, %get3A_95 : vector<16xf32>
      %get3A_728 = arith.index_cast %scan3A_92 : i32 to index
      %get3A_729 = arith.constant 624 : index
      %get3A_730 = tpu.vector_load %arg8[%get3A_728, %get3A_729] {strides = array<i32>} : memref<64x768xf32, #tpu.memory_space<vmem>>, vector<1x16xf32>,
      %get3A_731 = vector.shape_cast %get3A_730 : vector<1x16xf32> to vector<16xf32>
      %mul3A_732 = arith.mulf %get3A_731, %get3A_99 : vector<16xf32>
      %add3A_733 = arith.addf %mul3A_727, %mul3A_732 : vector<16xf32>
      %swap3A_734 = arith.index_cast %scan3A_92 : i32 to index
      %swap3A_735 = arith.constant 624 : index
      %swap3A_736 = tpu.vector_load %arg7[%swap3A_734, %swap3A_735] {strides = array<i32>} : memref<64x768xf32, #tpu.memory_space<vmem>>, vector<1x16xf32>,
      %swap3A_737 = vector.shape_cast %swap3A_736 : vector<1x16xf32> to vector<16xf32>
      %swap3A_738 = vector.shape_cast %add3A_733 : vector<16xf32> to vector<1x16xf32>
      tpu.vector_store %arg7[%swap3A_734, %swap3A_735], %swap3A_738 {strides = array<i32>} : memref<64x768xf32, #tpu.memory_space<vmem>>, vector<1x16xf32>,
      %get3A_739 = arith.index_cast %scan3A_92 : i32 to index
      %get3A_740 = arith.constant 640 : index
      %get3A_741 = tpu.vector_load %arg7[%get3A_739, %get3A_740] {strides = array<i32>} : memref<64x768xf32, #tpu.memory_space<vmem>>, vector<1x16xf32>,
      %get3A_742 = vector.shape_cast %get3A_741 : vector<1x16xf32> to vector<16xf32>
      %mul3A_743 = arith.mulf %get3A_742, %get3A_95 : vector<16xf32>
      %get3A_744 = arith.index_cast %scan3A_92 : i32 to index
      %get3A_745 = arith.constant 640 : index
      %get3A_746 = tpu.vector_load %arg8[%get3A_744, %get3A_745] {strides = array<i32>} : memref<64x768xf32, #tpu.memory_space<vmem>>, vector<1x16xf32>,
      %get3A_747 = vector.shape_cast %get3A_746 : vector<1x16xf32> to vector<16xf32>
      %mul3A_748 = arith.mulf %get3A_747, %get3A_99 : vector<16xf32>
      %add3A_749 = arith.addf %mul3A_743, %mul3A_748 : vector<16xf32>
      %swap3A_750 = arith.index_cast %scan3A_92 : i32 to index
      %swap3A_751 = arith.constant 640 : index
      %swap3A_752 = tpu.vector_load %arg7[%swap3A_750, %swap3A_751] {strides = array<i32>} : memref<64x768xf32, #tpu.memory_space<vmem>>, vector<1x16xf32>,
      %swap3A_753 = vector.shape_cast %swap3A_752 : vector<1x16xf32> to vector<16xf32>
      %swap3A_754 = vector.shape_cast %add3A_749 : vector<16xf32> to vector<1x16xf32>
      tpu.vector_store %arg7[%swap3A_750, %swap3A_751], %swap3A_754 {strides = array<i32>} : memref<64x768xf32, #tpu.memory_space<vmem>>, vector<1x16xf32>,
      %get3A_755 = arith.index_cast %scan3A_92 : i32 to index
      %get3A_756 = arith.constant 656 : index
      %get3A_757 = tpu.vector_load %arg7[%get3A_755, %get3A_756] {strides = array<i32>} : memref<64x768xf32, #tpu.memory_space<vmem>>, vector<1x16xf32>,
      %get3A_758 = vector.shape_cast %get3A_757 : vector<1x16xf32> to vector<16xf32>
      %mul3A_759 = arith.mulf %get3A_758, %get3A_95 : vector<16xf32>
      %get3A_760 = arith.index_cast %scan3A_92 : i32 to index
      %get3A_761 = arith.constant 656 : index
      %get3A_762 = tpu.vector_load %arg8[%get3A_760, %get3A_761] {strides = array<i32>} : memref<64x768xf32, #tpu.memory_space<vmem>>, vector<1x16xf32>,
      %get3A_763 = vector.shape_cast %get3A_762 : vector<1x16xf32> to vector<16xf32>
      %mul3A_764 = arith.mulf %get3A_763, %get3A_99 : vector<16xf32>
      %add3A_765 = arith.addf %mul3A_759, %mul3A_764 : vector<16xf32>
      %swap3A_766 = arith.index_cast %scan3A_92 : i32 to index
      %swap3A_767 = arith.constant 656 : index
      %swap3A_768 = tpu.vector_load %arg7[%swap3A_766, %swap3A_767] {strides = array<i32>} : memref<64x768xf32, #tpu.memory_space<vmem>>, vector<1x16xf32>,
      %swap3A_769 = vector.shape_cast %swap3A_768 : vector<1x16xf32> to vector<16xf32>
      %swap3A_770 = vector.shape_cast %add3A_765 : vector<16xf32> to vector<1x16xf32>
      tpu.vector_store %arg7[%swap3A_766, %swap3A_767], %swap3A_770 {strides = array<i32>} : memref<64x768xf32, #tpu.memory_space<vmem>>, vector<1x16xf32>,
      %get3A_771 = arith.index_cast %scan3A_92 : i32 to index
      %get3A_772 = arith.constant 672 : index
      %get3A_773 = tpu.vector_load %arg7[%get3A_771, %get3A_772] {strides = array<i32>} : memref<64x768xf32, #tpu.memory_space<vmem>>, vector<1x16xf32>,
      %get3A_774 = vector.shape_cast %get3A_773 : vector<1x16xf32> to vector<16xf32>
      %mul3A_775 = arith.mulf %get3A_774, %get3A_95 : vector<16xf32>
      %get3A_776 = arith.index_cast %scan3A_92 : i32 to index
      %get3A_777 = arith.constant 672 : index
      %get3A_778 = tpu.vector_load %arg8[%get3A_776, %get3A_777] {strides = array<i32>} : memref<64x768xf32, #tpu.memory_space<vmem>>, vector<1x16xf32>,
      %get3A_779 = vector.shape_cast %get3A_778 : vector<1x16xf32> to vector<16xf32>
      %mul3A_780 = arith.mulf %get3A_779, %get3A_99 : vector<16xf32>
      %add3A_781 = arith.addf %mul3A_775, %mul3A_780 : vector<16xf32>
      %swap3A_782 = arith.index_cast %scan3A_92 : i32 to index
      %swap3A_783 = arith.constant 672 : index
      %swap3A_784 = tpu.vector_load %arg7[%swap3A_782, %swap3A_783] {strides = array<i32>} : memref<64x768xf32, #tpu.memory_space<vmem>>, vector<1x16xf32>,
      %swap3A_785 = vector.shape_cast %swap3A_784 : vector<1x16xf32> to vector<16xf32>
      %swap3A_786 = vector.shape_cast %add3A_781 : vector<16xf32> to vector<1x16xf32>
      tpu.vector_store %arg7[%swap3A_782, %swap3A_783], %swap3A_786 {strides = array<i32>} : memref<64x768xf32, #tpu.memory_space<vmem>>, vector<1x16xf32>,
      %get3A_787 = arith.index_cast %scan3A_92 : i32 to index
      %get3A_788 = arith.constant 688 : index
      %get3A_789 = tpu.vector_load %arg7[%get3A_787, %get3A_788] {strides = array<i32>} : memref<64x768xf32, #tpu.memory_space<vmem>>, vector<1x16xf32>,
      %get3A_790 = vector.shape_cast %get3A_789 : vector<1x16xf32> to vector<16xf32>
      %mul3A_791 = arith.mulf %get3A_790, %get3A_95 : vector<16xf32>
      %get3A_792 = arith.index_cast %scan3A_92 : i32 to index
      %get3A_793 = arith.constant 688 : index
      %get3A_794 = tpu.vector_load %arg8[%get3A_792, %get3A_793] {strides = array<i32>} : memref<64x768xf32, #tpu.memory_space<vmem>>, vector<1x16xf32>,
      %get3A_795 = vector.shape_cast %get3A_794 : vector<1x16xf32> to vector<16xf32>
      %mul3A_796 = arith.mulf %get3A_795, %get3A_99 : vector<16xf32>
      %add3A_797 = arith.addf %mul3A_791, %mul3A_796 : vector<16xf32>
      %swap3A_798 = arith.index_cast %scan3A_92 : i32 to index
      %swap3A_799 = arith.constant 688 : index
      %swap3A_800 = tpu.vector_load %arg7[%swap3A_798, %swap3A_799] {strides = array<i32>} : memref<64x768xf32, #tpu.memory_space<vmem>>, vector<1x16xf32>,
      %swap3A_801 = vector.shape_cast %swap3A_800 : vector<1x16xf32> to vector<16xf32>
      %swap3A_802 = vector.shape_cast %add3A_797 : vector<16xf32> to vector<1x16xf32>
      tpu.vector_store %arg7[%swap3A_798, %swap3A_799], %swap3A_802 {strides = array<i32>} : memref<64x768xf32, #tpu.memory_space<vmem>>, vector<1x16xf32>,
      %get3A_803 = arith.index_cast %scan3A_92 : i32 to index
      %get3A_804 = arith.constant 704 : index
      %get3A_805 = tpu.vector_load %arg7[%get3A_803, %get3A_804] {strides = array<i32>} : memref<64x768xf32, #tpu.memory_space<vmem>>, vector<1x16xf32>,
      %get3A_806 = vector.shape_cast %get3A_805 : vector<1x16xf32> to vector<16xf32>
      %mul3A_807 = arith.mulf %get3A_806, %get3A_95 : vector<16xf32>
      %get3A_808 = arith.index_cast %scan3A_92 : i32 to index
      %get3A_809 = arith.constant 704 : index
      %get3A_810 = tpu.vector_load %arg8[%get3A_808, %get3A_809] {strides = array<i32>} : memref<64x768xf32, #tpu.memory_space<vmem>>, vector<1x16xf32>,
      %get3A_811 = vector.shape_cast %get3A_810 : vector<1x16xf32> to vector<16xf32>
      %mul3A_812 = arith.mulf %get3A_811, %get3A_99 : vector<16xf32>
      %add3A_813 = arith.addf %mul3A_807, %mul3A_812 : vector<16xf32>
      %swap3A_814 = arith.index_cast %scan3A_92 : i32 to index
      %swap3A_815 = arith.constant 704 : index
      %swap3A_816 = tpu.vector_load %arg7[%swap3A_814, %swap3A_815] {strides = array<i32>} : memref<64x768xf32, #tpu.memory_space<vmem>>, vector<1x16xf32>,
      %swap3A_817 = vector.shape_cast %swap3A_816 : vector<1x16xf32> to vector<16xf32>
      %swap3A_818 = vector.shape_cast %add3A_813 : vector<16xf32> to vector<1x16xf32>
      tpu.vector_store %arg7[%swap3A_814, %swap3A_815], %swap3A_818 {strides = array<i32>} : memref<64x768xf32, #tpu.memory_space<vmem>>, vector<1x16xf32>,
      %get3A_819 = arith.index_cast %scan3A_92 : i32 to index
      %get3A_820 = arith.constant 720 : index
      %get3A_821 = tpu.vector_load %arg7[%get3A_819, %get3A_820] {strides = array<i32>} : memref<64x768xf32, #tpu.memory_space<vmem>>, vector<1x16xf32>,
      %get3A_822 = vector.shape_cast %get3A_821 : vector<1x16xf32> to vector<16xf32>
      %mul3A_823 = arith.mulf %get3A_822, %get3A_95 : vector<16xf32>
      %get3A_824 = arith.index_cast %scan3A_92 : i32 to index
      %get3A_825 = arith.constant 720 : index
      %get3A_826 = tpu.vector_load %arg8[%get3A_824, %get3A_825] {strides = array<i32>} : memref<64x768xf32, #tpu.memory_space<vmem>>, vector<1x16xf32>,
      %get3A_827 = vector.shape_cast %get3A_826 : vector<1x16xf32> to vector<16xf32>
      %mul3A_828 = arith.mulf %get3A_827, %get3A_99 : vector<16xf32>
      %add3A_829 = arith.addf %mul3A_823, %mul3A_828 : vector<16xf32>
      %swap3A_830 = arith.index_cast %scan3A_92 : i32 to index
      %swap3A_831 = arith.constant 720 : index
      %swap3A_832 = tpu.vector_load %arg7[%swap3A_830, %swap3A_831] {strides = array<i32>} : memref<64x768xf32, #tpu.memory_space<vmem>>, vector<1x16xf32>,
      %swap3A_833 = vector.shape_cast %swap3A_832 : vector<1x16xf32> to vector<16xf32>
      %swap3A_834 = vector.shape_cast %add3A_829 : vector<16xf32> to vector<1x16xf32>
      tpu.vector_store %arg7[%swap3A_830, %swap3A_831], %swap3A_834 {strides = array<i32>} : memref<64x768xf32, #tpu.memory_space<vmem>>, vector<1x16xf32>,
      %get3A_835 = arith.index_cast %scan3A_92 : i32 to index
      %get3A_836 = arith.constant 736 : index
      %get3A_837 = tpu.vector_load %arg7[%get3A_835, %get3A_836] {strides = array<i32>} : memref<64x768xf32, #tpu.memory_space<vmem>>, vector<1x16xf32>,
      %get3A_838 = vector.shape_cast %get3A_837 : vector<1x16xf32> to vector<16xf32>
      %mul3A_839 = arith.mulf %get3A_838, %get3A_95 : vector<16xf32>
      %get3A_840 = arith.index_cast %scan3A_92 : i32 to index
      %get3A_841 = arith.constant 736 : index
      %get3A_842 = tpu.vector_load %arg8[%get3A_840, %get3A_841] {strides = array<i32>} : memref<64x768xf32, #tpu.memory_space<vmem>>, vector<1x16xf32>,
      %get3A_843 = vector.shape_cast %get3A_842 : vector<1x16xf32> to vector<16xf32>
      %mul3A_844 = arith.mulf %get3A_843, %get3A_99 : vector<16xf32>
      %add3A_845 = arith.addf %mul3A_839, %mul3A_844 : vector<16xf32>
      %swap3A_846 = arith.index_cast %scan3A_92 : i32 to index
      %swap3A_847 = arith.constant 736 : index
      %swap3A_848 = tpu.vector_load %arg7[%swap3A_846, %swap3A_847] {strides = array<i32>} : memref<64x768xf32, #tpu.memory_space<vmem>>, vector<1x16xf32>,
      %swap3A_849 = vector.shape_cast %swap3A_848 : vector<1x16xf32> to vector<16xf32>
      %swap3A_850 = vector.shape_cast %add3A_845 : vector<16xf32> to vector<1x16xf32>
      tpu.vector_store %arg7[%swap3A_846, %swap3A_847], %swap3A_850 {strides = array<i32>} : memref<64x768xf32, #tpu.memory_space<vmem>>, vector<1x16xf32>,
      %get3A_851 = arith.index_cast %scan3A_92 : i32 to index
      %get3A_852 = arith.constant 752 : index
      %get3A_853 = tpu.vector_load %arg7[%get3A_851, %get3A_852] {strides = array<i32>} : memref<64x768xf32, #tpu.memory_space<vmem>>, vector<1x16xf32>,
      %get3A_854 = vector.shape_cast %get3A_853 : vector<1x16xf32> to vector<16xf32>
      %mul3A_855 = arith.mulf %get3A_854, %get3A_95 : vector<16xf32>
      %get3A_856 = arith.index_cast %scan3A_92 : i32 to index
      %get3A_857 = arith.constant 752 : index
      %get3A_858 = tpu.vector_load %arg8[%get3A_856, %get3A_857] {strides = array<i32>} : memref<64x768xf32, #tpu.memory_space<vmem>>, vector<1x16xf32>,
      %get3A_859 = vector.shape_cast %get3A_858 : vector<1x16xf32> to vector<16xf32>
      %mul3A_860 = arith.mulf %get3A_859, %get3A_99 : vector<16xf32>
      %add3A_861 = arith.addf %mul3A_855, %mul3A_860 : vector<16xf32>
      %swap3A_862 = arith.index_cast %scan3A_92 : i32 to index
      %swap3A_863 = arith.constant 752 : index
      %swap3A_864 = tpu.vector_load %arg7[%swap3A_862, %swap3A_863] {strides = array<i32>} : memref<64x768xf32, #tpu.memory_space<vmem>>, vector<1x16xf32>,
      %swap3A_865 = vector.shape_cast %swap3A_864 : vector<1x16xf32> to vector<16xf32>
      %swap3A_866 = vector.shape_cast %add3A_861 : vector<16xf32> to vector<1x16xf32>
      tpu.vector_store %arg7[%swap3A_862, %swap3A_863], %swap3A_866 {strides = array<i32>} : memref<64x768xf32, #tpu.memory_space<vmem>>, vector<1x16xf32>,
    }
    %scan3A_64 = arith.constant 32 : i32
    "tpu.region"() ({
      %run_scoped3A = tpu.sem_alloc : memref<!tpu.dma_semaphore, #tpu.memory_space<semaphore_mem>>
      %dma_start3A_92 = arith.constant 0 : i32
      %dma_start3A_93 = arith.constant 0 : i32
      %dma_start3A_94 = tpu.memref_slice %arg7[%dma_start3A_92, %dma_start3A_93] : memref<64x768xf32, #tpu.memory_space<vmem>> -> memref<32x768xf32, #tpu.memory_space<vmem>>
      %dma_start3A_95 = arith.constant 0 : i32
      %dma_start3A_96 = tpu.memref_slice %arg6[%mul3A_2, %dma_start3A_95] : memref<2048x768xf32, #tpu.memory_space<hbm>> -> memref<32x768xf32, #tpu.memory_space<hbm>>
      %dma_start3A_97 = arith.constant 0 : i32
      %dma_start3A_98 = tpu.memref_slice %arg6[%mul3A_2, %dma_start3A_97] : memref<2048x768xf32, #tpu.memory_space<hbm>> -> memref<32x768xf32, #tpu.memory_space<hbm>>
      %dma_start3A_99 = arith.constant 0 : i32
      %dma_start3A_100 = arith.constant 0 : i32
      %dma_start3A_101 = tpu.memref_slice %arg7[%dma_start3A_99, %dma_start3A_100] : memref<64x768xf32, #tpu.memory_space<vmem>> -> memref<32x768xf32, #tpu.memory_space<vmem>>
      tpu.enqueue_dma source(%dma_start3A_101 : memref<32x768xf32, #tpu.memory_space<vmem>>) target(%dma_start3A_98 : memref<32x768xf32, #tpu.memory_space<hbm>>) target_semaphore(%run_scoped3A : memref<!tpu.dma_semaphore, #tpu.memory_space<semaphore_mem>>)
      %dma_wait3A_102 = arith.constant 0 : i32
      %dma_wait3A_103 = arith.constant 0 : i32
      %dma_wait3A_104 = tpu.memref_slice %arg7[%dma_wait3A_102, %dma_wait3A_103] : memref<64x768xf32, #tpu.memory_space<vmem>> -> memref<32x768xf32, #tpu.memory_space<vmem>>
      %dma_wait3A_105 = arith.constant 0 : i32
      %dma_wait3A_106 = tpu.memref_slice %arg6[%mul3A_2, %dma_wait3A_105] : memref<2048x768xf32, #tpu.memory_space<hbm>> -> memref<32x768xf32, #tpu.memory_space<hbm>>
      %dma_wait3A_107 = arith.constant 0 : i32
      %dma_wait3A_108 = tpu.memref_slice %arg6[%mul3A_2, %dma_wait3A_107] : memref<2048x768xf32, #tpu.memory_space<hbm>> -> memref<32x768xf32, #tpu.memory_space<hbm>>
      %dma_wait3A_109 = arith.constant 0 : i32
      %dma_wait3A_110 = arith.constant 0 : i32
      %dma_wait3A_111 = tpu.memref_slice %arg7[%dma_wait3A_109, %dma_wait3A_110] : memref<64x768xf32, #tpu.memory_space<vmem>> -> memref<32x768xf32, #tpu.memory_space<vmem>>
      tpu.wait_dma2 semaphore(%run_scoped3A : memref<!tpu.dma_semaphore, #tpu.memory_space<semaphore_mem>>) src(%dma_wait3A_111 : memref<32x768xf32, #tpu.memory_space<vmem>>) dst(%dma_wait3A_108 : memref<32x768xf32, #tpu.memory_space<hbm>>)
      tpu.yield
    }) : () -> ()
    %dma_wait3A_65 = arith.constant 1 : i32
    %dma_wait3A_66 = arith.constant 32 : i32
    %dma_wait3A_67 = arith.constant 0 : i32
    %dma_wait3A_68 = tpu.memref_slice %arg7[%dma_wait3A_66, %dma_wait3A_67] : memref<64x768xf32, #tpu.memory_space<vmem>> -> memref<32x768xf32, #tpu.memory_space<vmem>>
    %dma_wait3A_69 = arith.constant 0 : i32
    %dma_wait3A_70 = tpu.memref_slice %arg10[%dma_wait3A_65, %dma_wait3A_69] : memref<2x32xi32, #tpu.memory_space<vmem>> -> memref<1x32xi32, #tpu.memory_space<vmem>>
    %dma_wait3A_71 = tpu.memref_squeeze %dma_wait3A_70 : memref<1x32xi32, #tpu.memory_space<vmem>> -> memref<32xi32, #tpu.memory_space<vmem>>
    %dma_wait3A_72 = arith.constant 0 : i32
    %dma_wait3A_73 = arith.constant 0 : i32
    %dma_wait3A_74 = tpu.memref_slice %arg2[%dma_wait3A_72, %dma_wait3A_73] : memref<6144x768xf32, #tpu.memory_space<hbm>> -> memref<6144x768xf32, #tpu.memory_space<hbm>>
    tpu.wait_indirect_dma semaphore(%arg13 : memref<!tpu.dma_semaphore, #tpu.memory_space<semaphore_mem>>) src(%dma_wait3A_74 : memref<6144x768xf32, #tpu.memory_space<hbm>>) dst(%dma_wait3A_68 : memref<32x768xf32, #tpu.memory_space<vmem>>)
    %dma_wait3A_75 = arith.constant 1 : i32
    %dma_wait3A_76 = arith.constant 32 : i32
    %dma_wait3A_77 = arith.constant 0 : i32
    %dma_wait3A_78 = tpu.memref_slice %arg8[%dma_wait3A_76, %dma_wait3A_77] : memref<64x768xf32, #tpu.memory_space<vmem>> -> memref<32x768xf32, #tpu.memory_space<vmem>>
    %dma_wait3A_79 = arith.constant 0 : i32
    %dma_wait3A_80 = tpu.memref_slice %arg11[%dma_wait3A_75, %dma_wait3A_79] : memref<2x32xi32, #tpu.memory_space<vmem>> -> memref<1x32xi32, #tpu.memory_space<vmem>>
    %dma_wait3A_81 = tpu.memref_squeeze %dma_wait3A_80 : memref<1x32xi32, #tpu.memory_space<vmem>> -> memref<32xi32, #tpu.memory_space<vmem>>
    %dma_wait3A_82 = arith.constant 0 : i32
    %dma_wait3A_83 = arith.constant 0 : i32
    %dma_wait3A_84 = tpu.memref_slice %arg2[%dma_wait3A_82, %dma_wait3A_83] : memref<6144x768xf32, #tpu.memory_space<hbm>> -> memref<6144x768xf32, #tpu.memory_space<hbm>>
    tpu.wait_indirect_dma semaphore(%arg13 : memref<!tpu.dma_semaphore, #tpu.memory_space<semaphore_mem>>) src(%dma_wait3A_84 : memref<6144x768xf32, #tpu.memory_space<hbm>>) dst(%dma_wait3A_78 : memref<32x768xf32, #tpu.memory_space<vmem>>)
    %scan3A_85 = arith.constant 32 : i32
    %scan3A_86 = arith.constant 32 : i32
    %scan3A_87 = arith.addi %scan3A_85, %scan3A_86 : i32
    %scan3A_88 = arith.constant 1 : i32
    scf.for %scan3A_92 = %scan3A_85 to %scan3A_87 step %scan3A_88  : i32 {
      %get3A = arith.index_cast %scan3A_92 : i32 to index
      %get3A_93 = arith.constant 0 : index
      %get3A_94 = tpu.vector_load %arg9[%get3A, %get3A_93] {strides = array<i32>} : memref<64x32xf32, #tpu.memory_space<vmem>>, vector<1x16xf32>,
      %get3A_95 = vector.shape_cast %get3A_94 : vector<1x16xf32> to vector<16xf32>
      %get3A_96 = arith.index_cast %scan3A_92 : i32 to index
      %get3A_97 = arith.constant 16 : index
      %get3A_98 = tpu.vector_load %arg9[%get3A_96, %get3A_97] {strides = array<i32>} : memref<64x32xf32, #tpu.memory_space<vmem>>, vector<1x16xf32>,
      %get3A_99 = vector.shape_cast %get3A_98 : vector<1x16xf32> to vector<16xf32>
      %get3A_100 = arith.index_cast %scan3A_92 : i32 to index
      %get3A_101 = arith.constant 0 : index
      %get3A_102 = tpu.vector_load %arg7[%get3A_100, %get3A_101] {strides = array<i32>} : memref<64x768xf32, #tpu.memory_space<vmem>>, vector<1x16xf32>,
      %get3A_103 = vector.shape_cast %get3A_102 : vector<1x16xf32> to vector<16xf32>
      %mul3A_104 = arith.mulf %get3A_103, %get3A_95 : vector<16xf32>
      %get3A_105 = arith.index_cast %scan3A_92 : i32 to index
      %get3A_106 = arith.constant 0 : index
      %get3A_107 = tpu.vector_load %arg8[%get3A_105, %get3A_106] {strides = array<i32>} : memref<64x768xf32, #tpu.memory_space<vmem>>, vector<1x16xf32>,
      %get3A_108 = vector.shape_cast %get3A_107 : vector<1x16xf32> to vector<16xf32>
      %mul3A_109 = arith.mulf %get3A_108, %get3A_99 : vector<16xf32>
      %add3A_110 = arith.addf %mul3A_104, %mul3A_109 : vector<16xf32>
      %swap3A = arith.index_cast %scan3A_92 : i32 to index
      %swap3A_111 = arith.constant 0 : index
      %swap3A_112 = tpu.vector_load %arg7[%swap3A, %swap3A_111] {strides = array<i32>} : memref<64x768xf32, #tpu.memory_space<vmem>>, vector<1x16xf32>,
      %swap3A_113 = vector.shape_cast %swap3A_112 : vector<1x16xf32> to vector<16xf32>
      %swap3A_114 = vector.shape_cast %add3A_110 : vector<16xf32> to vector<1x16xf32>
      tpu.vector_store %arg7[%swap3A, %swap3A_111], %swap3A_114 {strides = array<i32>} : memref<64x768xf32, #tpu.memory_space<vmem>>, vector<1x16xf32>,
      %get3A_115 = arith.index_cast %scan3A_92 : i32 to index
      %get3A_116 = arith.constant 16 : index
      %get3A_117 = tpu.vector_load %arg7[%get3A_115, %get3A_116] {strides = array<i32>} : memref<64x768xf32, #tpu.memory_space<vmem>>, vector<1x16xf32>,
      %get3A_118 = vector.shape_cast %get3A_117 : vector<1x16xf32> to vector<16xf32>
      %mul3A_119 = arith.mulf %get3A_118, %get3A_95 : vector<16xf32>
      %get3A_120 = arith.index_cast %scan3A_92 : i32 to index
      %get3A_121 = arith.constant 16 : index
      %get3A_122 = tpu.vector_load %arg8[%get3A_120, %get3A_121] {strides = array<i32>} : memref<64x768xf32, #tpu.memory_space<vmem>>, vector<1x16xf32>,
      %get3A_123 = vector.shape_cast %get3A_122 : vector<1x16xf32> to vector<16xf32>
      %mul3A_124 = arith.mulf %get3A_123, %get3A_99 : vector<16xf32>
      %add3A_125 = arith.addf %mul3A_119, %mul3A_124 : vector<16xf32>
      %swap3A_126 = arith.index_cast %scan3A_92 : i32 to index
      %swap3A_127 = arith.constant 16 : index
      %swap3A_128 = tpu.vector_load %arg7[%swap3A_126, %swap3A_127] {strides = array<i32>} : memref<64x768xf32, #tpu.memory_space<vmem>>, vector<1x16xf32>,
      %swap3A_129 = vector.shape_cast %swap3A_128 : vector<1x16xf32> to vector<16xf32>
      %swap3A_130 = vector.shape_cast %add3A_125 : vector<16xf32> to vector<1x16xf32>
      tpu.vector_store %arg7[%swap3A_126, %swap3A_127], %swap3A_130 {strides = array<i32>} : memref<64x768xf32, #tpu.memory_space<vmem>>, vector<1x16xf32>,
      %get3A_131 = arith.index_cast %scan3A_92 : i32 to index
      %get3A_132 = arith.constant 32 : index
      %get3A_133 = tpu.vector_load %arg7[%get3A_131, %get3A_132] {strides = array<i32>} : memref<64x768xf32, #tpu.memory_space<vmem>>, vector<1x16xf32>,
      %get3A_134 = vector.shape_cast %get3A_133 : vector<1x16xf32> to vector<16xf32>
      %mul3A_135 = arith.mulf %get3A_134, %get3A_95 : vector<16xf32>
      %get3A_136 = arith.index_cast %scan3A_92 : i32 to index
      %get3A_137 = arith.constant 32 : index
      %get3A_138 = tpu.vector_load %arg8[%get3A_136, %get3A_137] {strides = array<i32>} : memref<64x768xf32, #tpu.memory_space<vmem>>, vector<1x16xf32>,
      %get3A_139 = vector.shape_cast %get3A_138 : vector<1x16xf32> to vector<16xf32>
      %mul3A_140 = arith.mulf %get3A_139, %get3A_99 : vector<16xf32>
      %add3A_141 = arith.addf %mul3A_135, %mul3A_140 : vector<16xf32>
      %swap3A_142 = arith.index_cast %scan3A_92 : i32 to index
      %swap3A_143 = arith.constant 32 : index
      %swap3A_144 = tpu.vector_load %arg7[%swap3A_142, %swap3A_143] {strides = array<i32>} : memref<64x768xf32, #tpu.memory_space<vmem>>, vector<1x16xf32>,
      %swap3A_145 = vector.shape_cast %swap3A_144 : vector<1x16xf32> to vector<16xf32>
      %swap3A_146 = vector.shape_cast %add3A_141 : vector<16xf32> to vector<1x16xf32>
      tpu.vector_store %arg7[%swap3A_142, %swap3A_143], %swap3A_146 {strides = array<i32>} : memref<64x768xf32, #tpu.memory_space<vmem>>, vector<1x16xf32>,
      %get3A_147 = arith.index_cast %scan3A_92 : i32 to index
      %get3A_148 = arith.constant 48 : index
      %get3A_149 = tpu.vector_load %arg7[%get3A_147, %get3A_148] {strides = array<i32>} : memref<64x768xf32, #tpu.memory_space<vmem>>, vector<1x16xf32>,
      %get3A_150 = vector.shape_cast %get3A_149 : vector<1x16xf32> to vector<16xf32>
      %mul3A_151 = arith.mulf %get3A_150, %get3A_95 : vector<16xf32>
      %get3A_152 = arith.index_cast %scan3A_92 : i32 to index
      %get3A_153 = arith.constant 48 : index
      %get3A_154 = tpu.vector_load %arg8[%get3A_152, %get3A_153] {strides = array<i32>} : memref<64x768xf32, #tpu.memory_space<vmem>>, vector<1x16xf32>,
      %get3A_155 = vector.shape_cast %get3A_154 : vector<1x16xf32> to vector<16xf32>
      %mul3A_156 = arith.mulf %get3A_155, %get3A_99 : vector<16xf32>
      %add3A_157 = arith.addf %mul3A_151, %mul3A_156 : vector<16xf32>
      %swap3A_158 = arith.index_cast %scan3A_92 : i32 to index
      %swap3A_159 = arith.constant 48 : index
      %swap3A_160 = tpu.vector_load %arg7[%swap3A_158, %swap3A_159] {strides = array<i32>} : memref<64x768xf32, #tpu.memory_space<vmem>>, vector<1x16xf32>,
      %swap3A_161 = vector.shape_cast %swap3A_160 : vector<1x16xf32> to vector<16xf32>
      %swap3A_162 = vector.shape_cast %add3A_157 : vector<16xf32> to vector<1x16xf32>
      tpu.vector_store %arg7[%swap3A_158, %swap3A_159], %swap3A_162 {strides = array<i32>} : memref<64x768xf32, #tpu.memory_space<vmem>>, vector<1x16xf32>,
      %get3A_163 = arith.index_cast %scan3A_92 : i32 to index
      %get3A_164 = arith.constant 64 : index
      %get3A_165 = tpu.vector_load %arg7[%get3A_163, %get3A_164] {strides = array<i32>} : memref<64x768xf32, #tpu.memory_space<vmem>>, vector<1x16xf32>,
      %get3A_166 = vector.shape_cast %get3A_165 : vector<1x16xf32> to vector<16xf32>
      %mul3A_167 = arith.mulf %get3A_166, %get3A_95 : vector<16xf32>
      %get3A_168 = arith.index_cast %scan3A_92 : i32 to index
      %get3A_169 = arith.constant 64 : index
      %get3A_170 = tpu.vector_load %arg8[%get3A_168, %get3A_169] {strides = array<i32>} : memref<64x768xf32, #tpu.memory_space<vmem>>, vector<1x16xf32>,
      %get3A_171 = vector.shape_cast %get3A_170 : vector<1x16xf32> to vector<16xf32>
      %mul3A_172 = arith.mulf %get3A_171, %get3A_99 : vector<16xf32>
      %add3A_173 = arith.addf %mul3A_167, %mul3A_172 : vector<16xf32>
      %swap3A_174 = arith.index_cast %scan3A_92 : i32 to index
      %swap3A_175 = arith.constant 64 : index
      %swap3A_176 = tpu.vector_load %arg7[%swap3A_174, %swap3A_175] {strides = array<i32>} : memref<64x768xf32, #tpu.memory_space<vmem>>, vector<1x16xf32>,
      %swap3A_177 = vector.shape_cast %swap3A_176 : vector<1x16xf32> to vector<16xf32>
      %swap3A_178 = vector.shape_cast %add3A_173 : vector<16xf32> to vector<1x16xf32>
      tpu.vector_store %arg7[%swap3A_174, %swap3A_175], %swap3A_178 {strides = array<i32>} : memref<64x768xf32, #tpu.memory_space<vmem>>, vector<1x16xf32>,
      %get3A_179 = arith.index_cast %scan3A_92 : i32 to index
      %get3A_180 = arith.constant 80 : index
      %get3A_181 = tpu.vector_load %arg7[%get3A_179, %get3A_180] {strides = array<i32>} : memref<64x768xf32, #tpu.memory_space<vmem>>, vector<1x16xf32>,
      %get3A_182 = vector.shape_cast %get3A_181 : vector<1x16xf32> to vector<16xf32>
      %mul3A_183 = arith.mulf %get3A_182, %get3A_95 : vector<16xf32>
      %get3A_184 = arith.index_cast %scan3A_92 : i32 to index
      %get3A_185 = arith.constant 80 : index
      %get3A_186 = tpu.vector_load %arg8[%get3A_184, %get3A_185] {strides = array<i32>} : memref<64x768xf32, #tpu.memory_space<vmem>>, vector<1x16xf32>,
      %get3A_187 = vector.shape_cast %get3A_186 : vector<1x16xf32> to vector<16xf32>
      %mul3A_188 = arith.mulf %get3A_187, %get3A_99 : vector<16xf32>
      %add3A_189 = arith.addf %mul3A_183, %mul3A_188 : vector<16xf32>
      %swap3A_190 = arith.index_cast %scan3A_92 : i32 to index
      %swap3A_191 = arith.constant 80 : index
      %swap3A_192 = tpu.vector_load %arg7[%swap3A_190, %swap3A_191] {strides = array<i32>} : memref<64x768xf32, #tpu.memory_space<vmem>>, vector<1x16xf32>,
      %swap3A_193 = vector.shape_cast %swap3A_192 : vector<1x16xf32> to vector<16xf32>
      %swap3A_194 = vector.shape_cast %add3A_189 : vector<16xf32> to vector<1x16xf32>
      tpu.vector_store %arg7[%swap3A_190, %swap3A_191], %swap3A_194 {strides = array<i32>} : memref<64x768xf32, #tpu.memory_space<vmem>>, vector<1x16xf32>,
      %get3A_195 = arith.index_cast %scan3A_92 : i32 to index
      %get3A_196 = arith.constant 96 : index
      %get3A_197 = tpu.vector_load %arg7[%get3A_195, %get3A_196] {strides = array<i32>} : memref<64x768xf32, #tpu.memory_space<vmem>>, vector<1x16xf32>,
      %get3A_198 = vector.shape_cast %get3A_197 : vector<1x16xf32> to vector<16xf32>
      %mul3A_199 = arith.mulf %get3A_198, %get3A_95 : vector<16xf32>
      %get3A_200 = arith.index_cast %scan3A_92 : i32 to index
      %get3A_201 = arith.constant 96 : index
      %get3A_202 = tpu.vector_load %arg8[%get3A_200, %get3A_201] {strides = array<i32>} : memref<64x768xf32, #tpu.memory_space<vmem>>, vector<1x16xf32>,
      %get3A_203 = vector.shape_cast %get3A_202 : vector<1x16xf32> to vector<16xf32>
      %mul3A_204 = arith.mulf %get3A_203, %get3A_99 : vector<16xf32>
      %add3A_205 = arith.addf %mul3A_199, %mul3A_204 : vector<16xf32>
      %swap3A_206 = arith.index_cast %scan3A_92 : i32 to index
      %swap3A_207 = arith.constant 96 : index
      %swap3A_208 = tpu.vector_load %arg7[%swap3A_206, %swap3A_207] {strides = array<i32>} : memref<64x768xf32, #tpu.memory_space<vmem>>, vector<1x16xf32>,
      %swap3A_209 = vector.shape_cast %swap3A_208 : vector<1x16xf32> to vector<16xf32>
      %swap3A_210 = vector.shape_cast %add3A_205 : vector<16xf32> to vector<1x16xf32>
      tpu.vector_store %arg7[%swap3A_206, %swap3A_207], %swap3A_210 {strides = array<i32>} : memref<64x768xf32, #tpu.memory_space<vmem>>, vector<1x16xf32>,
      %get3A_211 = arith.index_cast %scan3A_92 : i32 to index
      %get3A_212 = arith.constant 112 : index
      %get3A_213 = tpu.vector_load %arg7[%get3A_211, %get3A_212] {strides = array<i32>} : memref<64x768xf32, #tpu.memory_space<vmem>>, vector<1x16xf32>,
      %get3A_214 = vector.shape_cast %get3A_213 : vector<1x16xf32> to vector<16xf32>
      %mul3A_215 = arith.mulf %get3A_214, %get3A_95 : vector<16xf32>
      %get3A_216 = arith.index_cast %scan3A_92 : i32 to index
      %get3A_217 = arith.constant 112 : index
      %get3A_218 = tpu.vector_load %arg8[%get3A_216, %get3A_217] {strides = array<i32>} : memref<64x768xf32, #tpu.memory_space<vmem>>, vector<1x16xf32>,
      %get3A_219 = vector.shape_cast %get3A_218 : vector<1x16xf32> to vector<16xf32>
      %mul3A_220 = arith.mulf %get3A_219, %get3A_99 : vector<16xf32>
      %add3A_221 = arith.addf %mul3A_215, %mul3A_220 : vector<16xf32>
      %swap3A_222 = arith.index_cast %scan3A_92 : i32 to index
      %swap3A_223 = arith.constant 112 : index
      %swap3A_224 = tpu.vector_load %arg7[%swap3A_222, %swap3A_223] {strides = array<i32>} : memref<64x768xf32, #tpu.memory_space<vmem>>, vector<1x16xf32>,
      %swap3A_225 = vector.shape_cast %swap3A_224 : vector<1x16xf32> to vector<16xf32>
      %swap3A_226 = vector.shape_cast %add3A_221 : vector<16xf32> to vector<1x16xf32>
      tpu.vector_store %arg7[%swap3A_222, %swap3A_223], %swap3A_226 {strides = array<i32>} : memref<64x768xf32, #tpu.memory_space<vmem>>, vector<1x16xf32>,
      %get3A_227 = arith.index_cast %scan3A_92 : i32 to index
      %get3A_228 = arith.constant 128 : index
      %get3A_229 = tpu.vector_load %arg7[%get3A_227, %get3A_228] {strides = array<i32>} : memref<64x768xf32, #tpu.memory_space<vmem>>, vector<1x16xf32>,
      %get3A_230 = vector.shape_cast %get3A_229 : vector<1x16xf32> to vector<16xf32>
      %mul3A_231 = arith.mulf %get3A_230, %get3A_95 : vector<16xf32>
      %get3A_232 = arith.index_cast %scan3A_92 : i32 to index
      %get3A_233 = arith.constant 128 : index
      %get3A_234 = tpu.vector_load %arg8[%get3A_232, %get3A_233] {strides = array<i32>} : memref<64x768xf32, #tpu.memory_space<vmem>>, vector<1x16xf32>,
      %get3A_235 = vector.shape_cast %get3A_234 : vector<1x16xf32> to vector<16xf32>
      %mul3A_236 = arith.mulf %get3A_235, %get3A_99 : vector<16xf32>
      %add3A_237 = arith.addf %mul3A_231, %mul3A_236 : vector<16xf32>
      %swap3A_238 = arith.index_cast %scan3A_92 : i32 to index
      %swap3A_239 = arith.constant 128 : index
      %swap3A_240 = tpu.vector_load %arg7[%swap3A_238, %swap3A_239] {strides = array<i32>} : memref<64x768xf32, #tpu.memory_space<vmem>>, vector<1x16xf32>,
      %swap3A_241 = vector.shape_cast %swap3A_240 : vector<1x16xf32> to vector<16xf32>
      %swap3A_242 = vector.shape_cast %add3A_237 : vector<16xf32> to vector<1x16xf32>
      tpu.vector_store %arg7[%swap3A_238, %swap3A_239], %swap3A_242 {strides = array<i32>} : memref<64x768xf32, #tpu.memory_space<vmem>>, vector<1x16xf32>,
      %get3A_243 = arith.index_cast %scan3A_92 : i32 to index
      %get3A_244 = arith.constant 144 : index
      %get3A_245 = tpu.vector_load %arg7[%get3A_243, %get3A_244] {strides = array<i32>} : memref<64x768xf32, #tpu.memory_space<vmem>>, vector<1x16xf32>,
      %get3A_246 = vector.shape_cast %get3A_245 : vector<1x16xf32> to vector<16xf32>
      %mul3A_247 = arith.mulf %get3A_246, %get3A_95 : vector<16xf32>
      %get3A_248 = arith.index_cast %scan3A_92 : i32 to index
      %get3A_249 = arith.constant 144 : index
      %get3A_250 = tpu.vector_load %arg8[%get3A_248, %get3A_249] {strides = array<i32>} : memref<64x768xf32, #tpu.memory_space<vmem>>, vector<1x16xf32>,
      %get3A_251 = vector.shape_cast %get3A_250 : vector<1x16xf32> to vector<16xf32>
      %mul3A_252 = arith.mulf %get3A_251, %get3A_99 : vector<16xf32>
      %add3A_253 = arith.addf %mul3A_247, %mul3A_252 : vector<16xf32>
      %swap3A_254 = arith.index_cast %scan3A_92 : i32 to index
      %swap3A_255 = arith.constant 144 : index
      %swap3A_256 = tpu.vector_load %arg7[%swap3A_254, %swap3A_255] {strides = array<i32>} : memref<64x768xf32, #tpu.memory_space<vmem>>, vector<1x16xf32>,
      %swap3A_257 = vector.shape_cast %swap3A_256 : vector<1x16xf32> to vector<16xf32>
      %swap3A_258 = vector.shape_cast %add3A_253 : vector<16xf32> to vector<1x16xf32>
      tpu.vector_store %arg7[%swap3A_254, %swap3A_255], %swap3A_258 {strides = array<i32>} : memref<64x768xf32, #tpu.memory_space<vmem>>, vector<1x16xf32>,
      %get3A_259 = arith.index_cast %scan3A_92 : i32 to index
      %get3A_260 = arith.constant 160 : index
      %get3A_261 = tpu.vector_load %arg7[%get3A_259, %get3A_260] {strides = array<i32>} : memref<64x768xf32, #tpu.memory_space<vmem>>, vector<1x16xf32>,
      %get3A_262 = vector.shape_cast %get3A_261 : vector<1x16xf32> to vector<16xf32>
      %mul3A_263 = arith.mulf %get3A_262, %get3A_95 : vector<16xf32>
      %get3A_264 = arith.index_cast %scan3A_92 : i32 to index
      %get3A_265 = arith.constant 160 : index
      %get3A_266 = tpu.vector_load %arg8[%get3A_264, %get3A_265] {strides = array<i32>} : memref<64x768xf32, #tpu.memory_space<vmem>>, vector<1x16xf32>,
      %get3A_267 = vector.shape_cast %get3A_266 : vector<1x16xf32> to vector<16xf32>
      %mul3A_268 = arith.mulf %get3A_267, %get3A_99 : vector<16xf32>
      %add3A_269 = arith.addf %mul3A_263, %mul3A_268 : vector<16xf32>
      %swap3A_270 = arith.index_cast %scan3A_92 : i32 to index
      %swap3A_271 = arith.constant 160 : index
      %swap3A_272 = tpu.vector_load %arg7[%swap3A_270, %swap3A_271] {strides = array<i32>} : memref<64x768xf32, #tpu.memory_space<vmem>>, vector<1x16xf32>,
      %swap3A_273 = vector.shape_cast %swap3A_272 : vector<1x16xf32> to vector<16xf32>
      %swap3A_274 = vector.shape_cast %add3A_269 : vector<16xf32> to vector<1x16xf32>
      tpu.vector_store %arg7[%swap3A_270, %swap3A_271], %swap3A_274 {strides = array<i32>} : memref<64x768xf32, #tpu.memory_space<vmem>>, vector<1x16xf32>,
      %get3A_275 = arith.index_cast %scan3A_92 : i32 to index
      %get3A_276 = arith.constant 176 : index
      %get3A_277 = tpu.vector_load %arg7[%get3A_275, %get3A_276] {strides = array<i32>} : memref<64x768xf32, #tpu.memory_space<vmem>>, vector<1x16xf32>,
      %get3A_278 = vector.shape_cast %get3A_277 : vector<1x16xf32> to vector<16xf32>
      %mul3A_279 = arith.mulf %get3A_278, %get3A_95 : vector<16xf32>
      %get3A_280 = arith.index_cast %scan3A_92 : i32 to index
      %get3A_281 = arith.constant 176 : index
      %get3A_282 = tpu.vector_load %arg8[%get3A_280, %get3A_281] {strides = array<i32>} : memref<64x768xf32, #tpu.memory_space<vmem>>, vector<1x16xf32>,
      %get3A_283 = vector.shape_cast %get3A_282 : vector<1x16xf32> to vector<16xf32>
      %mul3A_284 = arith.mulf %get3A_283, %get3A_99 : vector<16xf32>
      %add3A_285 = arith.addf %mul3A_279, %mul3A_284 : vector<16xf32>
      %swap3A_286 = arith.index_cast %scan3A_92 : i32 to index
      %swap3A_287 = arith.constant 176 : index
      %swap3A_288 = tpu.vector_load %arg7[%swap3A_286, %swap3A_287] {strides = array<i32>} : memref<64x768xf32, #tpu.memory_space<vmem>>, vector<1x16xf32>,
      %swap3A_289 = vector.shape_cast %swap3A_288 : vector<1x16xf32> to vector<16xf32>
      %swap3A_290 = vector.shape_cast %add3A_285 : vector<16xf32> to vector<1x16xf32>
      tpu.vector_store %arg7[%swap3A_286, %swap3A_287], %swap3A_290 {strides = array<i32>} : memref<64x768xf32, #tpu.memory_space<vmem>>, vector<1x16xf32>,
      %get3A_291 = arith.index_cast %scan3A_92 : i32 to index
      %get3A_292 = arith.constant 192 : index
      %get3A_293 = tpu.vector_load %arg7[%get3A_291, %get3A_292] {strides = array<i32>} : memref<64x768xf32, #tpu.memory_space<vmem>>, vector<1x16xf32>,
      %get3A_294 = vector.shape_cast %get3A_293 : vector<1x16xf32> to vector<16xf32>
      %mul3A_295 = arith.mulf %get3A_294, %get3A_95 : vector<16xf32>
      %get3A_296 = arith.index_cast %scan3A_92 : i32 to index
      %get3A_297 = arith.constant 192 : index
      %get3A_298 = tpu.vector_load %arg8[%get3A_296, %get3A_297] {strides = array<i32>} : memref<64x768xf32, #tpu.memory_space<vmem>>, vector<1x16xf32>,
      %get3A_299 = vector.shape_cast %get3A_298 : vector<1x16xf32> to vector<16xf32>
      %mul3A_300 = arith.mulf %get3A_299, %get3A_99 : vector<16xf32>
      %add3A_301 = arith.addf %mul3A_295, %mul3A_300 : vector<16xf32>
      %swap3A_302 = arith.index_cast %scan3A_92 : i32 to index
      %swap3A_303 = arith.constant 192 : index
      %swap3A_304 = tpu.vector_load %arg7[%swap3A_302, %swap3A_303] {strides = array<i32>} : memref<64x768xf32, #tpu.memory_space<vmem>>, vector<1x16xf32>,
      %swap3A_305 = vector.shape_cast %swap3A_304 : vector<1x16xf32> to vector<16xf32>
      %swap3A_306 = vector.shape_cast %add3A_301 : vector<16xf32> to vector<1x16xf32>
      tpu.vector_store %arg7[%swap3A_302, %swap3A_303], %swap3A_306 {strides = array<i32>} : memref<64x768xf32, #tpu.memory_space<vmem>>, vector<1x16xf32>,
      %get3A_307 = arith.index_cast %scan3A_92 : i32 to index
      %get3A_308 = arith.constant 208 : index
      %get3A_309 = tpu.vector_load %arg7[%get3A_307, %get3A_308] {strides = array<i32>} : memref<64x768xf32, #tpu.memory_space<vmem>>, vector<1x16xf32>,
      %get3A_310 = vector.shape_cast %get3A_309 : vector<1x16xf32> to vector<16xf32>
      %mul3A_311 = arith.mulf %get3A_310, %get3A_95 : vector<16xf32>
      %get3A_312 = arith.index_cast %scan3A_92 : i32 to index
      %get3A_313 = arith.constant 208 : index
      %get3A_314 = tpu.vector_load %arg8[%get3A_312, %get3A_313] {strides = array<i32>} : memref<64x768xf32, #tpu.memory_space<vmem>>, vector<1x16xf32>,
      %get3A_315 = vector.shape_cast %get3A_314 : vector<1x16xf32> to vector<16xf32>
      %mul3A_316 = arith.mulf %get3A_315, %get3A_99 : vector<16xf32>
      %add3A_317 = arith.addf %mul3A_311, %mul3A_316 : vector<16xf32>
      %swap3A_318 = arith.index_cast %scan3A_92 : i32 to index
      %swap3A_319 = arith.constant 208 : index
      %swap3A_320 = tpu.vector_load %arg7[%swap3A_318, %swap3A_319] {strides = array<i32>} : memref<64x768xf32, #tpu.memory_space<vmem>>, vector<1x16xf32>,
      %swap3A_321 = vector.shape_cast %swap3A_320 : vector<1x16xf32> to vector<16xf32>
      %swap3A_322 = vector.shape_cast %add3A_317 : vector<16xf32> to vector<1x16xf32>
      tpu.vector_store %arg7[%swap3A_318, %swap3A_319], %swap3A_322 {strides = array<i32>} : memref<64x768xf32, #tpu.memory_space<vmem>>, vector<1x16xf32>,
      %get3A_323 = arith.index_cast %scan3A_92 : i32 to index
      %get3A_324 = arith.constant 224 : index
      %get3A_325 = tpu.vector_load %arg7[%get3A_323, %get3A_324] {strides = array<i32>} : memref<64x768xf32, #tpu.memory_space<vmem>>, vector<1x16xf32>,
      %get3A_326 = vector.shape_cast %get3A_325 : vector<1x16xf32> to vector<16xf32>
      %mul3A_327 = arith.mulf %get3A_326, %get3A_95 : vector<16xf32>
      %get3A_328 = arith.index_cast %scan3A_92 : i32 to index
      %get3A_329 = arith.constant 224 : index
      %get3A_330 = tpu.vector_load %arg8[%get3A_328, %get3A_329] {strides = array<i32>} : memref<64x768xf32, #tpu.memory_space<vmem>>, vector<1x16xf32>,
      %get3A_331 = vector.shape_cast %get3A_330 : vector<1x16xf32> to vector<16xf32>
      %mul3A_332 = arith.mulf %get3A_331, %get3A_99 : vector<16xf32>
      %add3A_333 = arith.addf %mul3A_327, %mul3A_332 : vector<16xf32>
      %swap3A_334 = arith.index_cast %scan3A_92 : i32 to index
      %swap3A_335 = arith.constant 224 : index
      %swap3A_336 = tpu.vector_load %arg7[%swap3A_334, %swap3A_335] {strides = array<i32>} : memref<64x768xf32, #tpu.memory_space<vmem>>, vector<1x16xf32>,
      %swap3A_337 = vector.shape_cast %swap3A_336 : vector<1x16xf32> to vector<16xf32>
      %swap3A_338 = vector.shape_cast %add3A_333 : vector<16xf32> to vector<1x16xf32>
      tpu.vector_store %arg7[%swap3A_334, %swap3A_335], %swap3A_338 {strides = array<i32>} : memref<64x768xf32, #tpu.memory_space<vmem>>, vector<1x16xf32>,
      %get3A_339 = arith.index_cast %scan3A_92 : i32 to index
      %get3A_340 = arith.constant 240 : index
      %get3A_341 = tpu.vector_load %arg7[%get3A_339, %get3A_340] {strides = array<i32>} : memref<64x768xf32, #tpu.memory_space<vmem>>, vector<1x16xf32>,
      %get3A_342 = vector.shape_cast %get3A_341 : vector<1x16xf32> to vector<16xf32>
      %mul3A_343 = arith.mulf %get3A_342, %get3A_95 : vector<16xf32>
      %get3A_344 = arith.index_cast %scan3A_92 : i32 to index
      %get3A_345 = arith.constant 240 : index
      %get3A_346 = tpu.vector_load %arg8[%get3A_344, %get3A_345] {strides = array<i32>} : memref<64x768xf32, #tpu.memory_space<vmem>>, vector<1x16xf32>,
      %get3A_347 = vector.shape_cast %get3A_346 : vector<1x16xf32> to vector<16xf32>
      %mul3A_348 = arith.mulf %get3A_347, %get3A_99 : vector<16xf32>
      %add3A_349 = arith.addf %mul3A_343, %mul3A_348 : vector<16xf32>
      %swap3A_350 = arith.index_cast %scan3A_92 : i32 to index
      %swap3A_351 = arith.constant 240 : index
      %swap3A_352 = tpu.vector_load %arg7[%swap3A_350, %swap3A_351] {strides = array<i32>} : memref<64x768xf32, #tpu.memory_space<vmem>>, vector<1x16xf32>,
      %swap3A_353 = vector.shape_cast %swap3A_352 : vector<1x16xf32> to vector<16xf32>
      %swap3A_354 = vector.shape_cast %add3A_349 : vector<16xf32> to vector<1x16xf32>
      tpu.vector_store %arg7[%swap3A_350, %swap3A_351], %swap3A_354 {strides = array<i32>} : memref<64x768xf32, #tpu.memory_space<vmem>>, vector<1x16xf32>,
      %get3A_355 = arith.index_cast %scan3A_92 : i32 to index
      %get3A_356 = arith.constant 256 : index
      %get3A_357 = tpu.vector_load %arg7[%get3A_355, %get3A_356] {strides = array<i32>} : memref<64x768xf32, #tpu.memory_space<vmem>>, vector<1x16xf32>,
      %get3A_358 = vector.shape_cast %get3A_357 : vector<1x16xf32> to vector<16xf32>
      %mul3A_359 = arith.mulf %get3A_358, %get3A_95 : vector<16xf32>
      %get3A_360 = arith.index_cast %scan3A_92 : i32 to index
      %get3A_361 = arith.constant 256 : index
      %get3A_362 = tpu.vector_load %arg8[%get3A_360, %get3A_361] {strides = array<i32>} : memref<64x768xf32, #tpu.memory_space<vmem>>, vector<1x16xf32>,
      %get3A_363 = vector.shape_cast %get3A_362 : vector<1x16xf32> to vector<16xf32>
      %mul3A_364 = arith.mulf %get3A_363, %get3A_99 : vector<16xf32>
      %add3A_365 = arith.addf %mul3A_359, %mul3A_364 : vector<16xf32>
      %swap3A_366 = arith.index_cast %scan3A_92 : i32 to index
      %swap3A_367 = arith.constant 256 : index
      %swap3A_368 = tpu.vector_load %arg7[%swap3A_366, %swap3A_367] {strides = array<i32>} : memref<64x768xf32, #tpu.memory_space<vmem>>, vector<1x16xf32>,
      %swap3A_369 = vector.shape_cast %swap3A_368 : vector<1x16xf32> to vector<16xf32>
      %swap3A_370 = vector.shape_cast %add3A_365 : vector<16xf32> to vector<1x16xf32>
      tpu.vector_store %arg7[%swap3A_366, %swap3A_367], %swap3A_370 {strides = array<i32>} : memref<64x768xf32, #tpu.memory_space<vmem>>, vector<1x16xf32>,
      %get3A_371 = arith.index_cast %scan3A_92 : i32 to index
      %get3A_372 = arith.constant 272 : index
      %get3A_373 = tpu.vector_load %arg7[%get3A_371, %get3A_372] {strides = array<i32>} : memref<64x768xf32, #tpu.memory_space<vmem>>, vector<1x16xf32>,
      %get3A_374 = vector.shape_cast %get3A_373 : vector<1x16xf32> to vector<16xf32>
      %mul3A_375 = arith.mulf %get3A_374, %get3A_95 : vector<16xf32>
      %get3A_376 = arith.index_cast %scan3A_92 : i32 to index
      %get3A_377 = arith.constant 272 : index
      %get3A_378 = tpu.vector_load %arg8[%get3A_376, %get3A_377] {strides = array<i32>} : memref<64x768xf32, #tpu.memory_space<vmem>>, vector<1x16xf32>,
      %get3A_379 = vector.shape_cast %get3A_378 : vector<1x16xf32> to vector<16xf32>
      %mul3A_380 = arith.mulf %get3A_379, %get3A_99 : vector<16xf32>
      %add3A_381 = arith.addf %mul3A_375, %mul3A_380 : vector<16xf32>
      %swap3A_382 = arith.index_cast %scan3A_92 : i32 to index
      %swap3A_383 = arith.constant 272 : index
      %swap3A_384 = tpu.vector_load %arg7[%swap3A_382, %swap3A_383] {strides = array<i32>} : memref<64x768xf32, #tpu.memory_space<vmem>>, vector<1x16xf32>,
      %swap3A_385 = vector.shape_cast %swap3A_384 : vector<1x16xf32> to vector<16xf32>
      %swap3A_386 = vector.shape_cast %add3A_381 : vector<16xf32> to vector<1x16xf32>
      tpu.vector_store %arg7[%swap3A_382, %swap3A_383], %swap3A_386 {strides = array<i32>} : memref<64x768xf32, #tpu.memory_space<vmem>>, vector<1x16xf32>,
      %get3A_387 = arith.index_cast %scan3A_92 : i32 to index
      %get3A_388 = arith.constant 288 : index
      %get3A_389 = tpu.vector_load %arg7[%get3A_387, %get3A_388] {strides = array<i32>} : memref<64x768xf32, #tpu.memory_space<vmem>>, vector<1x16xf32>,
      %get3A_390 = vector.shape_cast %get3A_389 : vector<1x16xf32> to vector<16xf32>
      %mul3A_391 = arith.mulf %get3A_390, %get3A_95 : vector<16xf32>
      %get3A_392 = arith.index_cast %scan3A_92 : i32 to index
      %get3A_393 = arith.constant 288 : index
      %get3A_394 = tpu.vector_load %arg8[%get3A_392, %get3A_393] {strides = array<i32>} : memref<64x768xf32, #tpu.memory_space<vmem>>, vector<1x16xf32>,
      %get3A_395 = vector.shape_cast %get3A_394 : vector<1x16xf32> to vector<16xf32>
      %mul3A_396 = arith.mulf %get3A_395, %get3A_99 : vector<16xf32>
      %add3A_397 = arith.addf %mul3A_391, %mul3A_396 : vector<16xf32>
      %swap3A_398 = arith.index_cast %scan3A_92 : i32 to index
      %swap3A_399 = arith.constant 288 : index
      %swap3A_400 = tpu.vector_load %arg7[%swap3A_398, %swap3A_399] {strides = array<i32>} : memref<64x768xf32, #tpu.memory_space<vmem>>, vector<1x16xf32>,
      %swap3A_401 = vector.shape_cast %swap3A_400 : vector<1x16xf32> to vector<16xf32>
      %swap3A_402 = vector.shape_cast %add3A_397 : vector<16xf32> to vector<1x16xf32>
      tpu.vector_store %arg7[%swap3A_398, %swap3A_399], %swap3A_402 {strides = array<i32>} : memref<64x768xf32, #tpu.memory_space<vmem>>, vector<1x16xf32>,
      %get3A_403 = arith.index_cast %scan3A_92 : i32 to index
      %get3A_404 = arith.constant 304 : index
      %get3A_405 = tpu.vector_load %arg7[%get3A_403, %get3A_404] {strides = array<i32>} : memref<64x768xf32, #tpu.memory_space<vmem>>, vector<1x16xf32>,
      %get3A_406 = vector.shape_cast %get3A_405 : vector<1x16xf32> to vector<16xf32>
      %mul3A_407 = arith.mulf %get3A_406, %get3A_95 : vector<16xf32>
      %get3A_408 = arith.index_cast %scan3A_92 : i32 to index
      %get3A_409 = arith.constant 304 : index
      %get3A_410 = tpu.vector_load %arg8[%get3A_408, %get3A_409] {strides = array<i32>} : memref<64x768xf32, #tpu.memory_space<vmem>>, vector<1x16xf32>,
      %get3A_411 = vector.shape_cast %get3A_410 : vector<1x16xf32> to vector<16xf32>
      %mul3A_412 = arith.mulf %get3A_411, %get3A_99 : vector<16xf32>
      %add3A_413 = arith.addf %mul3A_407, %mul3A_412 : vector<16xf32>
      %swap3A_414 = arith.index_cast %scan3A_92 : i32 to index
      %swap3A_415 = arith.constant 304 : index
      %swap3A_416 = tpu.vector_load %arg7[%swap3A_414, %swap3A_415] {strides = array<i32>} : memref<64x768xf32, #tpu.memory_space<vmem>>, vector<1x16xf32>,
      %swap3A_417 = vector.shape_cast %swap3A_416 : vector<1x16xf32> to vector<16xf32>
      %swap3A_418 = vector.shape_cast %add3A_413 : vector<16xf32> to vector<1x16xf32>
      tpu.vector_store %arg7[%swap3A_414, %swap3A_415], %swap3A_418 {strides = array<i32>} : memref<64x768xf32, #tpu.memory_space<vmem>>, vector<1x16xf32>,
      %get3A_419 = arith.index_cast %scan3A_92 : i32 to index
      %get3A_420 = arith.constant 320 : index
      %get3A_421 = tpu.vector_load %arg7[%get3A_419, %get3A_420] {strides = array<i32>} : memref<64x768xf32, #tpu.memory_space<vmem>>, vector<1x16xf32>,
      %get3A_422 = vector.shape_cast %get3A_421 : vector<1x16xf32> to vector<16xf32>
      %mul3A_423 = arith.mulf %get3A_422, %get3A_95 : vector<16xf32>
      %get3A_424 = arith.index_cast %scan3A_92 : i32 to index
      %get3A_425 = arith.constant 320 : index
      %get3A_426 = tpu.vector_load %arg8[%get3A_424, %get3A_425] {strides = array<i32>} : memref<64x768xf32, #tpu.memory_space<vmem>>, vector<1x16xf32>,
      %get3A_427 = vector.shape_cast %get3A_426 : vector<1x16xf32> to vector<16xf32>
      %mul3A_428 = arith.mulf %get3A_427, %get3A_99 : vector<16xf32>
      %add3A_429 = arith.addf %mul3A_423, %mul3A_428 : vector<16xf32>
      %swap3A_430 = arith.index_cast %scan3A_92 : i32 to index
      %swap3A_431 = arith.constant 320 : index
      %swap3A_432 = tpu.vector_load %arg7[%swap3A_430, %swap3A_431] {strides = array<i32>} : memref<64x768xf32, #tpu.memory_space<vmem>>, vector<1x16xf32>,
      %swap3A_433 = vector.shape_cast %swap3A_432 : vector<1x16xf32> to vector<16xf32>
      %swap3A_434 = vector.shape_cast %add3A_429 : vector<16xf32> to vector<1x16xf32>
      tpu.vector_store %arg7[%swap3A_430, %swap3A_431], %swap3A_434 {strides = array<i32>} : memref<64x768xf32, #tpu.memory_space<vmem>>, vector<1x16xf32>,
      %get3A_435 = arith.index_cast %scan3A_92 : i32 to index
      %get3A_436 = arith.constant 336 : index
      %get3A_437 = tpu.vector_load %arg7[%get3A_435, %get3A_436] {strides = array<i32>} : memref<64x768xf32, #tpu.memory_space<vmem>>, vector<1x16xf32>,
      %get3A_438 = vector.shape_cast %get3A_437 : vector<1x16xf32> to vector<16xf32>
      %mul3A_439 = arith.mulf %get3A_438, %get3A_95 : vector<16xf32>
      %get3A_440 = arith.index_cast %scan3A_92 : i32 to index
      %get3A_441 = arith.constant 336 : index
      %get3A_442 = tpu.vector_load %arg8[%get3A_440, %get3A_441] {strides = array<i32>} : memref<64x768xf32, #tpu.memory_space<vmem>>, vector<1x16xf32>,
      %get3A_443 = vector.shape_cast %get3A_442 : vector<1x16xf32> to vector<16xf32>
      %mul3A_444 = arith.mulf %get3A_443, %get3A_99 : vector<16xf32>
      %add3A_445 = arith.addf %mul3A_439, %mul3A_444 : vector<16xf32>
      %swap3A_446 = arith.index_cast %scan3A_92 : i32 to index
      %swap3A_447 = arith.constant 336 : index
      %swap3A_448 = tpu.vector_load %arg7[%swap3A_446, %swap3A_447] {strides = array<i32>} : memref<64x768xf32, #tpu.memory_space<vmem>>, vector<1x16xf32>,
      %swap3A_449 = vector.shape_cast %swap3A_448 : vector<1x16xf32> to vector<16xf32>
      %swap3A_450 = vector.shape_cast %add3A_445 : vector<16xf32> to vector<1x16xf32>
      tpu.vector_store %arg7[%swap3A_446, %swap3A_447], %swap3A_450 {strides = array<i32>} : memref<64x768xf32, #tpu.memory_space<vmem>>, vector<1x16xf32>,
      %get3A_451 = arith.index_cast %scan3A_92 : i32 to index
      %get3A_452 = arith.constant 352 : index
      %get3A_453 = tpu.vector_load %arg7[%get3A_451, %get3A_452] {strides = array<i32>} : memref<64x768xf32, #tpu.memory_space<vmem>>, vector<1x16xf32>,
      %get3A_454 = vector.shape_cast %get3A_453 : vector<1x16xf32> to vector<16xf32>
      %mul3A_455 = arith.mulf %get3A_454, %get3A_95 : vector<16xf32>
      %get3A_456 = arith.index_cast %scan3A_92 : i32 to index
      %get3A_457 = arith.constant 352 : index
      %get3A_458 = tpu.vector_load %arg8[%get3A_456, %get3A_457] {strides = array<i32>} : memref<64x768xf32, #tpu.memory_space<vmem>>, vector<1x16xf32>,
      %get3A_459 = vector.shape_cast %get3A_458 : vector<1x16xf32> to vector<16xf32>
      %mul3A_460 = arith.mulf %get3A_459, %get3A_99 : vector<16xf32>
      %add3A_461 = arith.addf %mul3A_455, %mul3A_460 : vector<16xf32>
      %swap3A_462 = arith.index_cast %scan3A_92 : i32 to index
      %swap3A_463 = arith.constant 352 : index
      %swap3A_464 = tpu.vector_load %arg7[%swap3A_462, %swap3A_463] {strides = array<i32>} : memref<64x768xf32, #tpu.memory_space<vmem>>, vector<1x16xf32>,
      %swap3A_465 = vector.shape_cast %swap3A_464 : vector<1x16xf32> to vector<16xf32>
      %swap3A_466 = vector.shape_cast %add3A_461 : vector<16xf32> to vector<1x16xf32>
      tpu.vector_store %arg7[%swap3A_462, %swap3A_463], %swap3A_466 {strides = array<i32>} : memref<64x768xf32, #tpu.memory_space<vmem>>, vector<1x16xf32>,
      %get3A_467 = arith.index_cast %scan3A_92 : i32 to index
      %get3A_468 = arith.constant 368 : index
      %get3A_469 = tpu.vector_load %arg7[%get3A_467, %get3A_468] {strides = array<i32>} : memref<64x768xf32, #tpu.memory_space<vmem>>, vector<1x16xf32>,
      %get3A_470 = vector.shape_cast %get3A_469 : vector<1x16xf32> to vector<16xf32>
      %mul3A_471 = arith.mulf %get3A_470, %get3A_95 : vector<16xf32>
      %get3A_472 = arith.index_cast %scan3A_92 : i32 to index
      %get3A_473 = arith.constant 368 : index
      %get3A_474 = tpu.vector_load %arg8[%get3A_472, %get3A_473] {strides = array<i32>} : memref<64x768xf32, #tpu.memory_space<vmem>>, vector<1x16xf32>,
      %get3A_475 = vector.shape_cast %get3A_474 : vector<1x16xf32> to vector<16xf32>
      %mul3A_476 = arith.mulf %get3A_475, %get3A_99 : vector<16xf32>
      %add3A_477 = arith.addf %mul3A_471, %mul3A_476 : vector<16xf32>
      %swap3A_478 = arith.index_cast %scan3A_92 : i32 to index
      %swap3A_479 = arith.constant 368 : index
      %swap3A_480 = tpu.vector_load %arg7[%swap3A_478, %swap3A_479] {strides = array<i32>} : memref<64x768xf32, #tpu.memory_space<vmem>>, vector<1x16xf32>,
      %swap3A_481 = vector.shape_cast %swap3A_480 : vector<1x16xf32> to vector<16xf32>
      %swap3A_482 = vector.shape_cast %add3A_477 : vector<16xf32> to vector<1x16xf32>
      tpu.vector_store %arg7[%swap3A_478, %swap3A_479], %swap3A_482 {strides = array<i32>} : memref<64x768xf32, #tpu.memory_space<vmem>>, vector<1x16xf32>,
      %get3A_483 = arith.index_cast %scan3A_92 : i32 to index
      %get3A_484 = arith.constant 384 : index
      %get3A_485 = tpu.vector_load %arg7[%get3A_483, %get3A_484] {strides = array<i32>} : memref<64x768xf32, #tpu.memory_space<vmem>>, vector<1x16xf32>,
      %get3A_486 = vector.shape_cast %get3A_485 : vector<1x16xf32> to vector<16xf32>
      %mul3A_487 = arith.mulf %get3A_486, %get3A_95 : vector<16xf32>
      %get3A_488 = arith.index_cast %scan3A_92 : i32 to index
      %get3A_489 = arith.constant 384 : index
      %get3A_490 = tpu.vector_load %arg8[%get3A_488, %get3A_489] {strides = array<i32>} : memref<64x768xf32, #tpu.memory_space<vmem>>, vector<1x16xf32>,
      %get3A_491 = vector.shape_cast %get3A_490 : vector<1x16xf32> to vector<16xf32>
      %mul3A_492 = arith.mulf %get3A_491, %get3A_99 : vector<16xf32>
      %add3A_493 = arith.addf %mul3A_487, %mul3A_492 : vector<16xf32>
      %swap3A_494 = arith.index_cast %scan3A_92 : i32 to index
      %swap3A_495 = arith.constant 384 : index
      %swap3A_496 = tpu.vector_load %arg7[%swap3A_494, %swap3A_495] {strides = array<i32>} : memref<64x768xf32, #tpu.memory_space<vmem>>, vector<1x16xf32>,
      %swap3A_497 = vector.shape_cast %swap3A_496 : vector<1x16xf32> to vector<16xf32>
      %swap3A_498 = vector.shape_cast %add3A_493 : vector<16xf32> to vector<1x16xf32>
      tpu.vector_store %arg7[%swap3A_494, %swap3A_495], %swap3A_498 {strides = array<i32>} : memref<64x768xf32, #tpu.memory_space<vmem>>, vector<1x16xf32>,
      %get3A_499 = arith.index_cast %scan3A_92 : i32 to index
      %get3A_500 = arith.constant 400 : index
      %get3A_501 = tpu.vector_load %arg7[%get3A_499, %get3A_500] {strides = array<i32>} : memref<64x768xf32, #tpu.memory_space<vmem>>, vector<1x16xf32>,
      %get3A_502 = vector.shape_cast %get3A_501 : vector<1x16xf32> to vector<16xf32>
      %mul3A_503 = arith.mulf %get3A_502, %get3A_95 : vector<16xf32>
      %get3A_504 = arith.index_cast %scan3A_92 : i32 to index
      %get3A_505 = arith.constant 400 : index
      %get3A_506 = tpu.vector_load %arg8[%get3A_504, %get3A_505] {strides = array<i32>} : memref<64x768xf32, #tpu.memory_space<vmem>>, vector<1x16xf32>,
      %get3A_507 = vector.shape_cast %get3A_506 : vector<1x16xf32> to vector<16xf32>
      %mul3A_508 = arith.mulf %get3A_507, %get3A_99 : vector<16xf32>
      %add3A_509 = arith.addf %mul3A_503, %mul3A_508 : vector<16xf32>
      %swap3A_510 = arith.index_cast %scan3A_92 : i32 to index
      %swap3A_511 = arith.constant 400 : index
      %swap3A_512 = tpu.vector_load %arg7[%swap3A_510, %swap3A_511] {strides = array<i32>} : memref<64x768xf32, #tpu.memory_space<vmem>>, vector<1x16xf32>,
      %swap3A_513 = vector.shape_cast %swap3A_512 : vector<1x16xf32> to vector<16xf32>
      %swap3A_514 = vector.shape_cast %add3A_509 : vector<16xf32> to vector<1x16xf32>
      tpu.vector_store %arg7[%swap3A_510, %swap3A_511], %swap3A_514 {strides = array<i32>} : memref<64x768xf32, #tpu.memory_space<vmem>>, vector<1x16xf32>,
      %get3A_515 = arith.index_cast %scan3A_92 : i32 to index
      %get3A_516 = arith.constant 416 : index
      %get3A_517 = tpu.vector_load %arg7[%get3A_515, %get3A_516] {strides = array<i32>} : memref<64x768xf32, #tpu.memory_space<vmem>>, vector<1x16xf32>,
      %get3A_518 = vector.shape_cast %get3A_517 : vector<1x16xf32> to vector<16xf32>
      %mul3A_519 = arith.mulf %get3A_518, %get3A_95 : vector<16xf32>
      %get3A_520 = arith.index_cast %scan3A_92 : i32 to index
      %get3A_521 = arith.constant 416 : index
      %get3A_522 = tpu.vector_load %arg8[%get3A_520, %get3A_521] {strides = array<i32>} : memref<64x768xf32, #tpu.memory_space<vmem>>, vector<1x16xf32>,
      %get3A_523 = vector.shape_cast %get3A_522 : vector<1x16xf32> to vector<16xf32>
      %mul3A_524 = arith.mulf %get3A_523, %get3A_99 : vector<16xf32>
      %add3A_525 = arith.addf %mul3A_519, %mul3A_524 : vector<16xf32>
      %swap3A_526 = arith.index_cast %scan3A_92 : i32 to index
      %swap3A_527 = arith.constant 416 : index
      %swap3A_528 = tpu.vector_load %arg7[%swap3A_526, %swap3A_527] {strides = array<i32>} : memref<64x768xf32, #tpu.memory_space<vmem>>, vector<1x16xf32>,
      %swap3A_529 = vector.shape_cast %swap3A_528 : vector<1x16xf32> to vector<16xf32>
      %swap3A_530 = vector.shape_cast %add3A_525 : vector<16xf32> to vector<1x16xf32>
      tpu.vector_store %arg7[%swap3A_526, %swap3A_527], %swap3A_530 {strides = array<i32>} : memref<64x768xf32, #tpu.memory_space<vmem>>, vector<1x16xf32>,
      %get3A_531 = arith.index_cast %scan3A_92 : i32 to index
      %get3A_532 = arith.constant 432 : index
      %get3A_533 = tpu.vector_load %arg7[%get3A_531, %get3A_532] {strides = array<i32>} : memref<64x768xf32, #tpu.memory_space<vmem>>, vector<1x16xf32>,
      %get3A_534 = vector.shape_cast %get3A_533 : vector<1x16xf32> to vector<16xf32>
      %mul3A_535 = arith.mulf %get3A_534, %get3A_95 : vector<16xf32>
      %get3A_536 = arith.index_cast %scan3A_92 : i32 to index
      %get3A_537 = arith.constant 432 : index
      %get3A_538 = tpu.vector_load %arg8[%get3A_536, %get3A_537] {strides = array<i32>} : memref<64x768xf32, #tpu.memory_space<vmem>>, vector<1x16xf32>,
      %get3A_539 = vector.shape_cast %get3A_538 : vector<1x16xf32> to vector<16xf32>
      %mul3A_540 = arith.mulf %get3A_539, %get3A_99 : vector<16xf32>
      %add3A_541 = arith.addf %mul3A_535, %mul3A_540 : vector<16xf32>
      %swap3A_542 = arith.index_cast %scan3A_92 : i32 to index
      %swap3A_543 = arith.constant 432 : index
      %swap3A_544 = tpu.vector_load %arg7[%swap3A_542, %swap3A_543] {strides = array<i32>} : memref<64x768xf32, #tpu.memory_space<vmem>>, vector<1x16xf32>,
      %swap3A_545 = vector.shape_cast %swap3A_544 : vector<1x16xf32> to vector<16xf32>
      %swap3A_546 = vector.shape_cast %add3A_541 : vector<16xf32> to vector<1x16xf32>
      tpu.vector_store %arg7[%swap3A_542, %swap3A_543], %swap3A_546 {strides = array<i32>} : memref<64x768xf32, #tpu.memory_space<vmem>>, vector<1x16xf32>,
      %get3A_547 = arith.index_cast %scan3A_92 : i32 to index
      %get3A_548 = arith.constant 448 : index
      %get3A_549 = tpu.vector_load %arg7[%get3A_547, %get3A_548] {strides = array<i32>} : memref<64x768xf32, #tpu.memory_space<vmem>>, vector<1x16xf32>,
      %get3A_550 = vector.shape_cast %get3A_549 : vector<1x16xf32> to vector<16xf32>
      %mul3A_551 = arith.mulf %get3A_550, %get3A_95 : vector<16xf32>
      %get3A_552 = arith.index_cast %scan3A_92 : i32 to index
      %get3A_553 = arith.constant 448 : index
      %get3A_554 = tpu.vector_load %arg8[%get3A_552, %get3A_553] {strides = array<i32>} : memref<64x768xf32, #tpu.memory_space<vmem>>, vector<1x16xf32>,
      %get3A_555 = vector.shape_cast %get3A_554 : vector<1x16xf32> to vector<16xf32>
      %mul3A_556 = arith.mulf %get3A_555, %get3A_99 : vector<16xf32>
      %add3A_557 = arith.addf %mul3A_551, %mul3A_556 : vector<16xf32>
      %swap3A_558 = arith.index_cast %scan3A_92 : i32 to index
      %swap3A_559 = arith.constant 448 : index
      %swap3A_560 = tpu.vector_load %arg7[%swap3A_558, %swap3A_559] {strides = array<i32>} : memref<64x768xf32, #tpu.memory_space<vmem>>, vector<1x16xf32>,
      %swap3A_561 = vector.shape_cast %swap3A_560 : vector<1x16xf32> to vector<16xf32>
      %swap3A_562 = vector.shape_cast %add3A_557 : vector<16xf32> to vector<1x16xf32>
      tpu.vector_store %arg7[%swap3A_558, %swap3A_559], %swap3A_562 {strides = array<i32>} : memref<64x768xf32, #tpu.memory_space<vmem>>, vector<1x16xf32>,
      %get3A_563 = arith.index_cast %scan3A_92 : i32 to index
      %get3A_564 = arith.constant 464 : index
      %get3A_565 = tpu.vector_load %arg7[%get3A_563, %get3A_564] {strides = array<i32>} : memref<64x768xf32, #tpu.memory_space<vmem>>, vector<1x16xf32>,
      %get3A_566 = vector.shape_cast %get3A_565 : vector<1x16xf32> to vector<16xf32>
      %mul3A_567 = arith.mulf %get3A_566, %get3A_95 : vector<16xf32>
      %get3A_568 = arith.index_cast %scan3A_92 : i32 to index
      %get3A_569 = arith.constant 464 : index
      %get3A_570 = tpu.vector_load %arg8[%get3A_568, %get3A_569] {strides = array<i32>} : memref<64x768xf32, #tpu.memory_space<vmem>>, vector<1x16xf32>,
      %get3A_571 = vector.shape_cast %get3A_570 : vector<1x16xf32> to vector<16xf32>
      %mul3A_572 = arith.mulf %get3A_571, %get3A_99 : vector<16xf32>
      %add3A_573 = arith.addf %mul3A_567, %mul3A_572 : vector<16xf32>
      %swap3A_574 = arith.index_cast %scan3A_92 : i32 to index
      %swap3A_575 = arith.constant 464 : index
      %swap3A_576 = tpu.vector_load %arg7[%swap3A_574, %swap3A_575] {strides = array<i32>} : memref<64x768xf32, #tpu.memory_space<vmem>>, vector<1x16xf32>,
      %swap3A_577 = vector.shape_cast %swap3A_576 : vector<1x16xf32> to vector<16xf32>
      %swap3A_578 = vector.shape_cast %add3A_573 : vector<16xf32> to vector<1x16xf32>
      tpu.vector_store %arg7[%swap3A_574, %swap3A_575], %swap3A_578 {strides = array<i32>} : memref<64x768xf32, #tpu.memory_space<vmem>>, vector<1x16xf32>,
      %get3A_579 = arith.index_cast %scan3A_92 : i32 to index
      %get3A_580 = arith.constant 480 : index
      %get3A_581 = tpu.vector_load %arg7[%get3A_579, %get3A_580] {strides = array<i32>} : memref<64x768xf32, #tpu.memory_space<vmem>>, vector<1x16xf32>,
      %get3A_582 = vector.shape_cast %get3A_581 : vector<1x16xf32> to vector<16xf32>
      %mul3A_583 = arith.mulf %get3A_582, %get3A_95 : vector<16xf32>
      %get3A_584 = arith.index_cast %scan3A_92 : i32 to index
      %get3A_585 = arith.constant 480 : index
      %get3A_586 = tpu.vector_load %arg8[%get3A_584, %get3A_585] {strides = array<i32>} : memref<64x768xf32, #tpu.memory_space<vmem>>, vector<1x16xf32>,
      %get3A_587 = vector.shape_cast %get3A_586 : vector<1x16xf32> to vector<16xf32>
      %mul3A_588 = arith.mulf %get3A_587, %get3A_99 : vector<16xf32>
      %add3A_589 = arith.addf %mul3A_583, %mul3A_588 : vector<16xf32>
      %swap3A_590 = arith.index_cast %scan3A_92 : i32 to index
      %swap3A_591 = arith.constant 480 : index
      %swap3A_592 = tpu.vector_load %arg7[%swap3A_590, %swap3A_591] {strides = array<i32>} : memref<64x768xf32, #tpu.memory_space<vmem>>, vector<1x16xf32>,
      %swap3A_593 = vector.shape_cast %swap3A_592 : vector<1x16xf32> to vector<16xf32>
      %swap3A_594 = vector.shape_cast %add3A_589 : vector<16xf32> to vector<1x16xf32>
      tpu.vector_store %arg7[%swap3A_590, %swap3A_591], %swap3A_594 {strides = array<i32>} : memref<64x768xf32, #tpu.memory_space<vmem>>, vector<1x16xf32>,
      %get3A_595 = arith.index_cast %scan3A_92 : i32 to index
      %get3A_596 = arith.constant 496 : index
      %get3A_597 = tpu.vector_load %arg7[%get3A_595, %get3A_596] {strides = array<i32>} : memref<64x768xf32, #tpu.memory_space<vmem>>, vector<1x16xf32>,
      %get3A_598 = vector.shape_cast %get3A_597 : vector<1x16xf32> to vector<16xf32>
      %mul3A_599 = arith.mulf %get3A_598, %get3A_95 : vector<16xf32>
      %get3A_600 = arith.index_cast %scan3A_92 : i32 to index
      %get3A_601 = arith.constant 496 : index
      %get3A_602 = tpu.vector_load %arg8[%get3A_600, %get3A_601] {strides = array<i32>} : memref<64x768xf32, #tpu.memory_space<vmem>>, vector<1x16xf32>,
      %get3A_603 = vector.shape_cast %get3A_602 : vector<1x16xf32> to vector<16xf32>
      %mul3A_604 = arith.mulf %get3A_603, %get3A_99 : vector<16xf32>
      %add3A_605 = arith.addf %mul3A_599, %mul3A_604 : vector<16xf32>
      %swap3A_606 = arith.index_cast %scan3A_92 : i32 to index
      %swap3A_607 = arith.constant 496 : index
      %swap3A_608 = tpu.vector_load %arg7[%swap3A_606, %swap3A_607] {strides = array<i32>} : memref<64x768xf32, #tpu.memory_space<vmem>>, vector<1x16xf32>,
      %swap3A_609 = vector.shape_cast %swap3A_608 : vector<1x16xf32> to vector<16xf32>
      %swap3A_610 = vector.shape_cast %add3A_605 : vector<16xf32> to vector<1x16xf32>
      tpu.vector_store %arg7[%swap3A_606, %swap3A_607], %swap3A_610 {strides = array<i32>} : memref<64x768xf32, #tpu.memory_space<vmem>>, vector<1x16xf32>,
      %get3A_611 = arith.index_cast %scan3A_92 : i32 to index
      %get3A_612 = arith.constant 512 : index
      %get3A_613 = tpu.vector_load %arg7[%get3A_611, %get3A_612] {strides = array<i32>} : memref<64x768xf32, #tpu.memory_space<vmem>>, vector<1x16xf32>,
      %get3A_614 = vector.shape_cast %get3A_613 : vector<1x16xf32> to vector<16xf32>
      %mul3A_615 = arith.mulf %get3A_614, %get3A_95 : vector<16xf32>
      %get3A_616 = arith.index_cast %scan3A_92 : i32 to index
      %get3A_617 = arith.constant 512 : index
      %get3A_618 = tpu.vector_load %arg8[%get3A_616, %get3A_617] {strides = array<i32>} : memref<64x768xf32, #tpu.memory_space<vmem>>, vector<1x16xf32>,
      %get3A_619 = vector.shape_cast %get3A_618 : vector<1x16xf32> to vector<16xf32>
      %mul3A_620 = arith.mulf %get3A_619, %get3A_99 : vector<16xf32>
      %add3A_621 = arith.addf %mul3A_615, %mul3A_620 : vector<16xf32>
      %swap3A_622 = arith.index_cast %scan3A_92 : i32 to index
      %swap3A_623 = arith.constant 512 : index
      %swap3A_624 = tpu.vector_load %arg7[%swap3A_622, %swap3A_623] {strides = array<i32>} : memref<64x768xf32, #tpu.memory_space<vmem>>, vector<1x16xf32>,
      %swap3A_625 = vector.shape_cast %swap3A_624 : vector<1x16xf32> to vector<16xf32>
      %swap3A_626 = vector.shape_cast %add3A_621 : vector<16xf32> to vector<1x16xf32>
      tpu.vector_store %arg7[%swap3A_622, %swap3A_623], %swap3A_626 {strides = array<i32>} : memref<64x768xf32, #tpu.memory_space<vmem>>, vector<1x16xf32>,
      %get3A_627 = arith.index_cast %scan3A_92 : i32 to index
      %get3A_628 = arith.constant 528 : index
      %get3A_629 = tpu.vector_load %arg7[%get3A_627, %get3A_628] {strides = array<i32>} : memref<64x768xf32, #tpu.memory_space<vmem>>, vector<1x16xf32>,
      %get3A_630 = vector.shape_cast %get3A_629 : vector<1x16xf32> to vector<16xf32>
      %mul3A_631 = arith.mulf %get3A_630, %get3A_95 : vector<16xf32>
      %get3A_632 = arith.index_cast %scan3A_92 : i32 to index
      %get3A_633 = arith.constant 528 : index
      %get3A_634 = tpu.vector_load %arg8[%get3A_632, %get3A_633] {strides = array<i32>} : memref<64x768xf32, #tpu.memory_space<vmem>>, vector<1x16xf32>,
      %get3A_635 = vector.shape_cast %get3A_634 : vector<1x16xf32> to vector<16xf32>
      %mul3A_636 = arith.mulf %get3A_635, %get3A_99 : vector<16xf32>
      %add3A_637 = arith.addf %mul3A_631, %mul3A_636 : vector<16xf32>
      %swap3A_638 = arith.index_cast %scan3A_92 : i32 to index
      %swap3A_639 = arith.constant 528 : index
      %swap3A_640 = tpu.vector_load %arg7[%swap3A_638, %swap3A_639] {strides = array<i32>} : memref<64x768xf32, #tpu.memory_space<vmem>>, vector<1x16xf32>,
      %swap3A_641 = vector.shape_cast %swap3A_640 : vector<1x16xf32> to vector<16xf32>
      %swap3A_642 = vector.shape_cast %add3A_637 : vector<16xf32> to vector<1x16xf32>
      tpu.vector_store %arg7[%swap3A_638, %swap3A_639], %swap3A_642 {strides = array<i32>} : memref<64x768xf32, #tpu.memory_space<vmem>>, vector<1x16xf32>,
      %get3A_643 = arith.index_cast %scan3A_92 : i32 to index
      %get3A_644 = arith.constant 544 : index
      %get3A_645 = tpu.vector_load %arg7[%get3A_643, %get3A_644] {strides = array<i32>} : memref<64x768xf32, #tpu.memory_space<vmem>>, vector<1x16xf32>,
      %get3A_646 = vector.shape_cast %get3A_645 : vector<1x16xf32> to vector<16xf32>
      %mul3A_647 = arith.mulf %get3A_646, %get3A_95 : vector<16xf32>
      %get3A_648 = arith.index_cast %scan3A_92 : i32 to index
      %get3A_649 = arith.constant 544 : index
      %get3A_650 = tpu.vector_load %arg8[%get3A_648, %get3A_649] {strides = array<i32>} : memref<64x768xf32, #tpu.memory_space<vmem>>, vector<1x16xf32>,
      %get3A_651 = vector.shape_cast %get3A_650 : vector<1x16xf32> to vector<16xf32>
      %mul3A_652 = arith.mulf %get3A_651, %get3A_99 : vector<16xf32>
      %add3A_653 = arith.addf %mul3A_647, %mul3A_652 : vector<16xf32>
      %swap3A_654 = arith.index_cast %scan3A_92 : i32 to index
      %swap3A_655 = arith.constant 544 : index
      %swap3A_656 = tpu.vector_load %arg7[%swap3A_654, %swap3A_655] {strides = array<i32>} : memref<64x768xf32, #tpu.memory_space<vmem>>, vector<1x16xf32>,
      %swap3A_657 = vector.shape_cast %swap3A_656 : vector<1x16xf32> to vector<16xf32>
      %swap3A_658 = vector.shape_cast %add3A_653 : vector<16xf32> to vector<1x16xf32>
      tpu.vector_store %arg7[%swap3A_654, %swap3A_655], %swap3A_658 {strides = array<i32>} : memref<64x768xf32, #tpu.memory_space<vmem>>, vector<1x16xf32>,
      %get3A_659 = arith.index_cast %scan3A_92 : i32 to index
      %get3A_660 = arith.constant 560 : index
      %get3A_661 = tpu.vector_load %arg7[%get3A_659, %get3A_660] {strides = array<i32>} : memref<64x768xf32, #tpu.memory_space<vmem>>, vector<1x16xf32>,
      %get3A_662 = vector.shape_cast %get3A_661 : vector<1x16xf32> to vector<16xf32>
      %mul3A_663 = arith.mulf %get3A_662, %get3A_95 : vector<16xf32>
      %get3A_664 = arith.index_cast %scan3A_92 : i32 to index
      %get3A_665 = arith.constant 560 : index
      %get3A_666 = tpu.vector_load %arg8[%get3A_664, %get3A_665] {strides = array<i32>} : memref<64x768xf32, #tpu.memory_space<vmem>>, vector<1x16xf32>,
      %get3A_667 = vector.shape_cast %get3A_666 : vector<1x16xf32> to vector<16xf32>
      %mul3A_668 = arith.mulf %get3A_667, %get3A_99 : vector<16xf32>
      %add3A_669 = arith.addf %mul3A_663, %mul3A_668 : vector<16xf32>
      %swap3A_670 = arith.index_cast %scan3A_92 : i32 to index
      %swap3A_671 = arith.constant 560 : index
      %swap3A_672 = tpu.vector_load %arg7[%swap3A_670, %swap3A_671] {strides = array<i32>} : memref<64x768xf32, #tpu.memory_space<vmem>>, vector<1x16xf32>,
      %swap3A_673 = vector.shape_cast %swap3A_672 : vector<1x16xf32> to vector<16xf32>
      %swap3A_674 = vector.shape_cast %add3A_669 : vector<16xf32> to vector<1x16xf32>
      tpu.vector_store %arg7[%swap3A_670, %swap3A_671], %swap3A_674 {strides = array<i32>} : memref<64x768xf32, #tpu.memory_space<vmem>>, vector<1x16xf32>,
      %get3A_675 = arith.index_cast %scan3A_92 : i32 to index
      %get3A_676 = arith.constant 576 : index
      %get3A_677 = tpu.vector_load %arg7[%get3A_675, %get3A_676] {strides = array<i32>} : memref<64x768xf32, #tpu.memory_space<vmem>>, vector<1x16xf32>,
      %get3A_678 = vector.shape_cast %get3A_677 : vector<1x16xf32> to vector<16xf32>
      %mul3A_679 = arith.mulf %get3A_678, %get3A_95 : vector<16xf32>
      %get3A_680 = arith.index_cast %scan3A_92 : i32 to index
      %get3A_681 = arith.constant 576 : index
      %get3A_682 = tpu.vector_load %arg8[%get3A_680, %get3A_681] {strides = array<i32>} : memref<64x768xf32, #tpu.memory_space<vmem>>, vector<1x16xf32>,
      %get3A_683 = vector.shape_cast %get3A_682 : vector<1x16xf32> to vector<16xf32>
      %mul3A_684 = arith.mulf %get3A_683, %get3A_99 : vector<16xf32>
      %add3A_685 = arith.addf %mul3A_679, %mul3A_684 : vector<16xf32>
      %swap3A_686 = arith.index_cast %scan3A_92 : i32 to index
      %swap3A_687 = arith.constant 576 : index
      %swap3A_688 = tpu.vector_load %arg7[%swap3A_686, %swap3A_687] {strides = array<i32>} : memref<64x768xf32, #tpu.memory_space<vmem>>, vector<1x16xf32>,
      %swap3A_689 = vector.shape_cast %swap3A_688 : vector<1x16xf32> to vector<16xf32>
      %swap3A_690 = vector.shape_cast %add3A_685 : vector<16xf32> to vector<1x16xf32>
      tpu.vector_store %arg7[%swap3A_686, %swap3A_687], %swap3A_690 {strides = array<i32>} : memref<64x768xf32, #tpu.memory_space<vmem>>, vector<1x16xf32>,
      %get3A_691 = arith.index_cast %scan3A_92 : i32 to index
      %get3A_692 = arith.constant 592 : index
      %get3A_693 = tpu.vector_load %arg7[%get3A_691, %get3A_692] {strides = array<i32>} : memref<64x768xf32, #tpu.memory_space<vmem>>, vector<1x16xf32>,
      %get3A_694 = vector.shape_cast %get3A_693 : vector<1x16xf32> to vector<16xf32>
      %mul3A_695 = arith.mulf %get3A_694, %get3A_95 : vector<16xf32>
      %get3A_696 = arith.index_cast %scan3A_92 : i32 to index
      %get3A_697 = arith.constant 592 : index
      %get3A_698 = tpu.vector_load %arg8[%get3A_696, %get3A_697] {strides = array<i32>} : memref<64x768xf32, #tpu.memory_space<vmem>>, vector<1x16xf32>,
      %get3A_699 = vector.shape_cast %get3A_698 : vector<1x16xf32> to vector<16xf32>
      %mul3A_700 = arith.mulf %get3A_699, %get3A_99 : vector<16xf32>
      %add3A_701 = arith.addf %mul3A_695, %mul3A_700 : vector<16xf32>
      %swap3A_702 = arith.index_cast %scan3A_92 : i32 to index
      %swap3A_703 = arith.constant 592 : index
      %swap3A_704 = tpu.vector_load %arg7[%swap3A_702, %swap3A_703] {strides = array<i32>} : memref<64x768xf32, #tpu.memory_space<vmem>>, vector<1x16xf32>,
      %swap3A_705 = vector.shape_cast %swap3A_704 : vector<1x16xf32> to vector<16xf32>
      %swap3A_706 = vector.shape_cast %add3A_701 : vector<16xf32> to vector<1x16xf32>
      tpu.vector_store %arg7[%swap3A_702, %swap3A_703], %swap3A_706 {strides = array<i32>} : memref<64x768xf32, #tpu.memory_space<vmem>>, vector<1x16xf32>,
      %get3A_707 = arith.index_cast %scan3A_92 : i32 to index
      %get3A_708 = arith.constant 608 : index
      %get3A_709 = tpu.vector_load %arg7[%get3A_707, %get3A_708] {strides = array<i32>} : memref<64x768xf32, #tpu.memory_space<vmem>>, vector<1x16xf32>,
      %get3A_710 = vector.shape_cast %get3A_709 : vector<1x16xf32> to vector<16xf32>
      %mul3A_711 = arith.mulf %get3A_710, %get3A_95 : vector<16xf32>
      %get3A_712 = arith.index_cast %scan3A_92 : i32 to index
      %get3A_713 = arith.constant 608 : index
      %get3A_714 = tpu.vector_load %arg8[%get3A_712, %get3A_713] {strides = array<i32>} : memref<64x768xf32, #tpu.memory_space<vmem>>, vector<1x16xf32>,
      %get3A_715 = vector.shape_cast %get3A_714 : vector<1x16xf32> to vector<16xf32>
      %mul3A_716 = arith.mulf %get3A_715, %get3A_99 : vector<16xf32>
      %add3A_717 = arith.addf %mul3A_711, %mul3A_716 : vector<16xf32>
      %swap3A_718 = arith.index_cast %scan3A_92 : i32 to index
      %swap3A_719 = arith.constant 608 : index
      %swap3A_720 = tpu.vector_load %arg7[%swap3A_718, %swap3A_719] {strides = array<i32>} : memref<64x768xf32, #tpu.memory_space<vmem>>, vector<1x16xf32>,
      %swap3A_721 = vector.shape_cast %swap3A_720 : vector<1x16xf32> to vector<16xf32>
      %swap3A_722 = vector.shape_cast %add3A_717 : vector<16xf32> to vector<1x16xf32>
      tpu.vector_store %arg7[%swap3A_718, %swap3A_719], %swap3A_722 {strides = array<i32>} : memref<64x768xf32, #tpu.memory_space<vmem>>, vector<1x16xf32>,
      %get3A_723 = arith.index_cast %scan3A_92 : i32 to index
      %get3A_724 = arith.constant 624 : index
      %get3A_725 = tpu.vector_load %arg7[%get3A_723, %get3A_724] {strides = array<i32>} : memref<64x768xf32, #tpu.memory_space<vmem>>, vector<1x16xf32>,
      %get3A_726 = vector.shape_cast %get3A_725 : vector<1x16xf32> to vector<16xf32>
      %mul3A_727 = arith.mulf %get3A_726, %get3A_95 : vector<16xf32>
      %get3A_728 = arith.index_cast %scan3A_92 : i32 to index
      %get3A_729 = arith.constant 624 : index
      %get3A_730 = tpu.vector_load %arg8[%get3A_728, %get3A_729] {strides = array<i32>} : memref<64x768xf32, #tpu.memory_space<vmem>>, vector<1x16xf32>,
      %get3A_731 = vector.shape_cast %get3A_730 : vector<1x16xf32> to vector<16xf32>
      %mul3A_732 = arith.mulf %get3A_731, %get3A_99 : vector<16xf32>
      %add3A_733 = arith.addf %mul3A_727, %mul3A_732 : vector<16xf32>
      %swap3A_734 = arith.index_cast %scan3A_92 : i32 to index
      %swap3A_735 = arith.constant 624 : index
      %swap3A_736 = tpu.vector_load %arg7[%swap3A_734, %swap3A_735] {strides = array<i32>} : memref<64x768xf32, #tpu.memory_space<vmem>>, vector<1x16xf32>,
      %swap3A_737 = vector.shape_cast %swap3A_736 : vector<1x16xf32> to vector<16xf32>
      %swap3A_738 = vector.shape_cast %add3A_733 : vector<16xf32> to vector<1x16xf32>
      tpu.vector_store %arg7[%swap3A_734, %swap3A_735], %swap3A_738 {strides = array<i32>} : memref<64x768xf32, #tpu.memory_space<vmem>>, vector<1x16xf32>,
      %get3A_739 = arith.index_cast %scan3A_92 : i32 to index
      %get3A_740 = arith.constant 640 : index
      %get3A_741 = tpu.vector_load %arg7[%get3A_739, %get3A_740] {strides = array<i32>} : memref<64x768xf32, #tpu.memory_space<vmem>>, vector<1x16xf32>,
      %get3A_742 = vector.shape_cast %get3A_741 : vector<1x16xf32> to vector<16xf32>
      %mul3A_743 = arith.mulf %get3A_742, %get3A_95 : vector<16xf32>
      %get3A_744 = arith.index_cast %scan3A_92 : i32 to index
      %get3A_745 = arith.constant 640 : index
      %get3A_746 = tpu.vector_load %arg8[%get3A_744, %get3A_745] {strides = array<i32>} : memref<64x768xf32, #tpu.memory_space<vmem>>, vector<1x16xf32>,
      %get3A_747 = vector.shape_cast %get3A_746 : vector<1x16xf32> to vector<16xf32>
      %mul3A_748 = arith.mulf %get3A_747, %get3A_99 : vector<16xf32>
      %add3A_749 = arith.addf %mul3A_743, %mul3A_748 : vector<16xf32>
      %swap3A_750 = arith.index_cast %scan3A_92 : i32 to index
      %swap3A_751 = arith.constant 640 : index
      %swap3A_752 = tpu.vector_load %arg7[%swap3A_750, %swap3A_751] {strides = array<i32>} : memref<64x768xf32, #tpu.memory_space<vmem>>, vector<1x16xf32>,
      %swap3A_753 = vector.shape_cast %swap3A_752 : vector<1x16xf32> to vector<16xf32>
      %swap3A_754 = vector.shape_cast %add3A_749 : vector<16xf32> to vector<1x16xf32>
      tpu.vector_store %arg7[%swap3A_750, %swap3A_751], %swap3A_754 {strides = array<i32>} : memref<64x768xf32, #tpu.memory_space<vmem>>, vector<1x16xf32>,
      %get3A_755 = arith.index_cast %scan3A_92 : i32 to index
      %get3A_756 = arith.constant 656 : index
      %get3A_757 = tpu.vector_load %arg7[%get3A_755, %get3A_756] {strides = array<i32>} : memref<64x768xf32, #tpu.memory_space<vmem>>, vector<1x16xf32>,
      %get3A_758 = vector.shape_cast %get3A_757 : vector<1x16xf32> to vector<16xf32>
      %mul3A_759 = arith.mulf %get3A_758, %get3A_95 : vector<16xf32>
      %get3A_760 = arith.index_cast %scan3A_92 : i32 to index
      %get3A_761 = arith.constant 656 : index
      %get3A_762 = tpu.vector_load %arg8[%get3A_760, %get3A_761] {strides = array<i32>} : memref<64x768xf32, #tpu.memory_space<vmem>>, vector<1x16xf32>,
      %get3A_763 = vector.shape_cast %get3A_762 : vector<1x16xf32> to vector<16xf32>
      %mul3A_764 = arith.mulf %get3A_763, %get3A_99 : vector<16xf32>
      %add3A_765 = arith.addf %mul3A_759, %mul3A_764 : vector<16xf32>
      %swap3A_766 = arith.index_cast %scan3A_92 : i32 to index
      %swap3A_767 = arith.constant 656 : index
      %swap3A_768 = tpu.vector_load %arg7[%swap3A_766, %swap3A_767] {strides = array<i32>} : memref<64x768xf32, #tpu.memory_space<vmem>>, vector<1x16xf32>,
      %swap3A_769 = vector.shape_cast %swap3A_768 : vector<1x16xf32> to vector<16xf32>
      %swap3A_770 = vector.shape_cast %add3A_765 : vector<16xf32> to vector<1x16xf32>
      tpu.vector_store %arg7[%swap3A_766, %swap3A_767], %swap3A_770 {strides = array<i32>} : memref<64x768xf32, #tpu.memory_space<vmem>>, vector<1x16xf32>,
      %get3A_771 = arith.index_cast %scan3A_92 : i32 to index
      %get3A_772 = arith.constant 672 : index
      %get3A_773 = tpu.vector_load %arg7[%get3A_771, %get3A_772] {strides = array<i32>} : memref<64x768xf32, #tpu.memory_space<vmem>>, vector<1x16xf32>,
      %get3A_774 = vector.shape_cast %get3A_773 : vector<1x16xf32> to vector<16xf32>
      %mul3A_775 = arith.mulf %get3A_774, %get3A_95 : vector<16xf32>
      %get3A_776 = arith.index_cast %scan3A_92 : i32 to index
      %get3A_777 = arith.constant 672 : index
      %get3A_778 = tpu.vector_load %arg8[%get3A_776, %get3A_777] {strides = array<i32>} : memref<64x768xf32, #tpu.memory_space<vmem>>, vector<1x16xf32>,
      %get3A_779 = vector.shape_cast %get3A_778 : vector<1x16xf32> to vector<16xf32>
      %mul3A_780 = arith.mulf %get3A_779, %get3A_99 : vector<16xf32>
      %add3A_781 = arith.addf %mul3A_775, %mul3A_780 : vector<16xf32>
      %swap3A_782 = arith.index_cast %scan3A_92 : i32 to index
      %swap3A_783 = arith.constant 672 : index
      %swap3A_784 = tpu.vector_load %arg7[%swap3A_782, %swap3A_783] {strides = array<i32>} : memref<64x768xf32, #tpu.memory_space<vmem>>, vector<1x16xf32>,
      %swap3A_785 = vector.shape_cast %swap3A_784 : vector<1x16xf32> to vector<16xf32>
      %swap3A_786 = vector.shape_cast %add3A_781 : vector<16xf32> to vector<1x16xf32>
      tpu.vector_store %arg7[%swap3A_782, %swap3A_783], %swap3A_786 {strides = array<i32>} : memref<64x768xf32, #tpu.memory_space<vmem>>, vector<1x16xf32>,
      %get3A_787 = arith.index_cast %scan3A_92 : i32 to index
      %get3A_788 = arith.constant 688 : index
      %get3A_789 = tpu.vector_load %arg7[%get3A_787, %get3A_788] {strides = array<i32>} : memref<64x768xf32, #tpu.memory_space<vmem>>, vector<1x16xf32>,
      %get3A_790 = vector.shape_cast %get3A_789 : vector<1x16xf32> to vector<16xf32>
      %mul3A_791 = arith.mulf %get3A_790, %get3A_95 : vector<16xf32>
      %get3A_792 = arith.index_cast %scan3A_92 : i32 to index
      %get3A_793 = arith.constant 688 : index
      %get3A_794 = tpu.vector_load %arg8[%get3A_792, %get3A_793] {strides = array<i32>} : memref<64x768xf32, #tpu.memory_space<vmem>>, vector<1x16xf32>,
      %get3A_795 = vector.shape_cast %get3A_794 : vector<1x16xf32> to vector<16xf32>
      %mul3A_796 = arith.mulf %get3A_795, %get3A_99 : vector<16xf32>
      %add3A_797 = arith.addf %mul3A_791, %mul3A_796 : vector<16xf32>
      %swap3A_798 = arith.index_cast %scan3A_92 : i32 to index
      %swap3A_799 = arith.constant 688 : index
      %swap3A_800 = tpu.vector_load %arg7[%swap3A_798, %swap3A_799] {strides = array<i32>} : memref<64x768xf32, #tpu.memory_space<vmem>>, vector<1x16xf32>,
      %swap3A_801 = vector.shape_cast %swap3A_800 : vector<1x16xf32> to vector<16xf32>
      %swap3A_802 = vector.shape_cast %add3A_797 : vector<16xf32> to vector<1x16xf32>
      tpu.vector_store %arg7[%swap3A_798, %swap3A_799], %swap3A_802 {strides = array<i32>} : memref<64x768xf32, #tpu.memory_space<vmem>>, vector<1x16xf32>,
      %get3A_803 = arith.index_cast %scan3A_92 : i32 to index
      %get3A_804 = arith.constant 704 : index
      %get3A_805 = tpu.vector_load %arg7[%get3A_803, %get3A_804] {strides = array<i32>} : memref<64x768xf32, #tpu.memory_space<vmem>>, vector<1x16xf32>,
      %get3A_806 = vector.shape_cast %get3A_805 : vector<1x16xf32> to vector<16xf32>
      %mul3A_807 = arith.mulf %get3A_806, %get3A_95 : vector<16xf32>
      %get3A_808 = arith.index_cast %scan3A_92 : i32 to index
      %get3A_809 = arith.constant 704 : index
      %get3A_810 = tpu.vector_load %arg8[%get3A_808, %get3A_809] {strides = array<i32>} : memref<64x768xf32, #tpu.memory_space<vmem>>, vector<1x16xf32>,
      %get3A_811 = vector.shape_cast %get3A_810 : vector<1x16xf32> to vector<16xf32>
      %mul3A_812 = arith.mulf %get3A_811, %get3A_99 : vector<16xf32>
      %add3A_813 = arith.addf %mul3A_807, %mul3A_812 : vector<16xf32>
      %swap3A_814 = arith.index_cast %scan3A_92 : i32 to index
      %swap3A_815 = arith.constant 704 : index
      %swap3A_816 = tpu.vector_load %arg7[%swap3A_814, %swap3A_815] {strides = array<i32>} : memref<64x768xf32, #tpu.memory_space<vmem>>, vector<1x16xf32>,
      %swap3A_817 = vector.shape_cast %swap3A_816 : vector<1x16xf32> to vector<16xf32>
      %swap3A_818 = vector.shape_cast %add3A_813 : vector<16xf32> to vector<1x16xf32>
      tpu.vector_store %arg7[%swap3A_814, %swap3A_815], %swap3A_818 {strides = array<i32>} : memref<64x768xf32, #tpu.memory_space<vmem>>, vector<1x16xf32>,
      %get3A_819 = arith.index_cast %scan3A_92 : i32 to index
      %get3A_820 = arith.constant 720 : index
      %get3A_821 = tpu.vector_load %arg7[%get3A_819, %get3A_820] {strides = array<i32>} : memref<64x768xf32, #tpu.memory_space<vmem>>, vector<1x16xf32>,
      %get3A_822 = vector.shape_cast %get3A_821 : vector<1x16xf32> to vector<16xf32>
      %mul3A_823 = arith.mulf %get3A_822, %get3A_95 : vector<16xf32>
      %get3A_824 = arith.index_cast %scan3A_92 : i32 to index
      %get3A_825 = arith.constant 720 : index
      %get3A_826 = tpu.vector_load %arg8[%get3A_824, %get3A_825] {strides = array<i32>} : memref<64x768xf32, #tpu.memory_space<vmem>>, vector<1x16xf32>,
      %get3A_827 = vector.shape_cast %get3A_826 : vector<1x16xf32> to vector<16xf32>
      %mul3A_828 = arith.mulf %get3A_827, %get3A_99 : vector<16xf32>
      %add3A_829 = arith.addf %mul3A_823, %mul3A_828 : vector<16xf32>
      %swap3A_830 = arith.index_cast %scan3A_92 : i32 to index
      %swap3A_831 = arith.constant 720 : index
      %swap3A_832 = tpu.vector_load %arg7[%swap3A_830, %swap3A_831] {strides = array<i32>} : memref<64x768xf32, #tpu.memory_space<vmem>>, vector<1x16xf32>,
      %swap3A_833 = vector.shape_cast %swap3A_832 : vector<1x16xf32> to vector<16xf32>
      %swap3A_834 = vector.shape_cast %add3A_829 : vector<16xf32> to vector<1x16xf32>
      tpu.vector_store %arg7[%swap3A_830, %swap3A_831], %swap3A_834 {strides = array<i32>} : memref<64x768xf32, #tpu.memory_space<vmem>>, vector<1x16xf32>,
      %get3A_835 = arith.index_cast %scan3A_92 : i32 to index
      %get3A_836 = arith.constant 736 : index
      %get3A_837 = tpu.vector_load %arg7[%get3A_835, %get3A_836] {strides = array<i32>} : memref<64x768xf32, #tpu.memory_space<vmem>>, vector<1x16xf32>,
      %get3A_838 = vector.shape_cast %get3A_837 : vector<1x16xf32> to vector<16xf32>
      %mul3A_839 = arith.mulf %get3A_838, %get3A_95 : vector<16xf32>
      %get3A_840 = arith.index_cast %scan3A_92 : i32 to index
      %get3A_841 = arith.constant 736 : index
      %get3A_842 = tpu.vector_load %arg8[%get3A_840, %get3A_841] {strides = array<i32>} : memref<64x768xf32, #tpu.memory_space<vmem>>, vector<1x16xf32>,
      %get3A_843 = vector.shape_cast %get3A_842 : vector<1x16xf32> to vector<16xf32>
      %mul3A_844 = arith.mulf %get3A_843, %get3A_99 : vector<16xf32>
      %add3A_845 = arith.addf %mul3A_839, %mul3A_844 : vector<16xf32>
      %swap3A_846 = arith.index_cast %scan3A_92 : i32 to index
      %swap3A_847 = arith.constant 736 : index
      %swap3A_848 = tpu.vector_load %arg7[%swap3A_846, %swap3A_847] {strides = array<i32>} : memref<64x768xf32, #tpu.memory_space<vmem>>, vector<1x16xf32>,
      %swap3A_849 = vector.shape_cast %swap3A_848 : vector<1x16xf32> to vector<16xf32>
      %swap3A_850 = vector.shape_cast %add3A_845 : vector<16xf32> to vector<1x16xf32>
      tpu.vector_store %arg7[%swap3A_846, %swap3A_847], %swap3A_850 {strides = array<i32>} : memref<64x768xf32, #tpu.memory_space<vmem>>, vector<1x16xf32>,
      %get3A_851 = arith.index_cast %scan3A_92 : i32 to index
      %get3A_852 = arith.constant 752 : index
      %get3A_853 = tpu.vector_load %arg7[%get3A_851, %get3A_852] {strides = array<i32>} : memref<64x768xf32, #tpu.memory_space<vmem>>, vector<1x16xf32>,
      %get3A_854 = vector.shape_cast %get3A_853 : vector<1x16xf32> to vector<16xf32>
      %mul3A_855 = arith.mulf %get3A_854, %get3A_95 : vector<16xf32>
      %get3A_856 = arith.index_cast %scan3A_92 : i32 to index
      %get3A_857 = arith.constant 752 : index
      %get3A_858 = tpu.vector_load %arg8[%get3A_856, %get3A_857] {strides = array<i32>} : memref<64x768xf32, #tpu.memory_space<vmem>>, vector<1x16xf32>,
      %get3A_859 = vector.shape_cast %get3A_858 : vector<1x16xf32> to vector<16xf32>
      %mul3A_860 = arith.mulf %get3A_859, %get3A_99 : vector<16xf32>
      %add3A_861 = arith.addf %mul3A_855, %mul3A_860 : vector<16xf32>
      %swap3A_862 = arith.index_cast %scan3A_92 : i32 to index
      %swap3A_863 = arith.constant 752 : index
      %swap3A_864 = tpu.vector_load %arg7[%swap3A_862, %swap3A_863] {strides = array<i32>} : memref<64x768xf32, #tpu.memory_space<vmem>>, vector<1x16xf32>,
      %swap3A_865 = vector.shape_cast %swap3A_864 : vector<1x16xf32> to vector<16xf32>
      %swap3A_866 = vector.shape_cast %add3A_861 : vector<16xf32> to vector<1x16xf32>
      tpu.vector_store %arg7[%swap3A_862, %swap3A_863], %swap3A_866 {strides = array<i32>} : memref<64x768xf32, #tpu.memory_space<vmem>>, vector<1x16xf32>,
    }
    %scan3A_89 = arith.constant 32 : i32
    %add3A_90 = arith.constant 32 : i32
    %add3A_91 = arith.addi %mul3A_2, %add3A_90 : i32
    "tpu.region"() ({
      %run_scoped3A = tpu.sem_alloc : memref<!tpu.dma_semaphore, #tpu.memory_space<semaphore_mem>>
      %dma_start3A_92 = arith.constant 32 : i32
      %dma_start3A_93 = arith.constant 0 : i32
      %dma_start3A_94 = tpu.memref_slice %arg7[%dma_start3A_92, %dma_start3A_93] : memref<64x768xf32, #tpu.memory_space<vmem>> -> memref<32x768xf32, #tpu.memory_space<vmem>>
      %dma_start3A_95 = arith.constant 0 : i32
      %dma_start3A_96 = tpu.memref_slice %arg6[%add3A_91, %dma_start3A_95] : memref<2048x768xf32, #tpu.memory_space<hbm>> -> memref<32x768xf32, #tpu.memory_space<hbm>>
      %dma_start3A_97 = arith.constant 0 : i32
      %dma_start3A_98 = tpu.memref_slice %arg6[%add3A_91, %dma_start3A_97] : memref<2048x768xf32, #tpu.memory_space<hbm>> -> memref<32x768xf32, #tpu.memory_space<hbm>>
      %dma_start3A_99 = arith.constant 32 : i32
      %dma_start3A_100 = arith.constant 0 : i32
      %dma_start3A_101 = tpu.memref_slice %arg7[%dma_start3A_99, %dma_start3A_100] : memref<64x768xf32, #tpu.memory_space<vmem>> -> memref<32x768xf32, #tpu.memory_space<vmem>>
      tpu.enqueue_dma source(%dma_start3A_101 : memref<32x768xf32, #tpu.memory_space<vmem>>) target(%dma_start3A_98 : memref<32x768xf32, #tpu.memory_space<hbm>>) target_semaphore(%run_scoped3A : memref<!tpu.dma_semaphore, #tpu.memory_space<semaphore_mem>>)
      %dma_wait3A_102 = arith.constant 32 : i32
      %dma_wait3A_103 = arith.constant 0 : i32
      %dma_wait3A_104 = tpu.memref_slice %arg7[%dma_wait3A_102, %dma_wait3A_103] : memref<64x768xf32, #tpu.memory_space<vmem>> -> memref<32x768xf32, #tpu.memory_space<vmem>>
      %dma_wait3A_105 = arith.constant 0 : i32
      %dma_wait3A_106 = tpu.memref_slice %arg6[%add3A_91, %dma_wait3A_105] : memref<2048x768xf32, #tpu.memory_space<hbm>> -> memref<32x768xf32, #tpu.memory_space<hbm>>
      %dma_wait3A_107 = arith.constant 0 : i32
      %dma_wait3A_108 = tpu.memref_slice %arg6[%add3A_91, %dma_wait3A_107] : memref<2048x768xf32, #tpu.memory_space<hbm>> -> memref<32x768xf32, #tpu.memory_space<hbm>>
      %dma_wait3A_109 = arith.constant 32 : i32
      %dma_wait3A_110 = arith.constant 0 : i32
      %dma_wait3A_111 = tpu.memref_slice %arg7[%dma_wait3A_109, %dma_wait3A_110] : memref<64x768xf32, #tpu.memory_space<vmem>> -> memref<32x768xf32, #tpu.memory_space<vmem>>
      tpu.wait_dma2 semaphore(%run_scoped3A : memref<!tpu.dma_semaphore, #tpu.memory_space<semaphore_mem>>) src(%dma_wait3A_111 : memref<32x768xf32, #tpu.memory_space<vmem>>) dst(%dma_wait3A_108 : memref<32x768xf32, #tpu.memory_space<hbm>>)
      tpu.yield
    }) : () -> ()
    return
  }
}

module attributes {stable_mosaic.version = 14 : i64} {
  func.func @_routing_body(%arg0: memref<2048x768xf32, #tpu.memory_space<vmem>>, %arg1: memref<768x8xf32, #tpu.memory_space<vmem>>, %arg2: memref<2048x8xf32, #tpu.memory_space<vmem>>, %arg3: memref<2048x32xf32, #tpu.memory_space<vmem>>, %arg4: memref<2048x8xi32, #tpu.memory_space<vmem>>, %arg5: memref<1x128xi32, #tpu.memory_space<vmem>>) attributes {dimension_semantics = [], scalar_prefetch = 0 : i64, scratch_operands = 0 : i64, tpu.core_type = #tpu.core_type<tc>} {
    %get3A = arith.constant 0 : index
    %get3A_0 = arith.constant 0 : index
    %get3A_1 = vector.load %arg0[%get3A, %get3A_0] : memref<2048x768xf32, #tpu.memory_space<vmem>>, vector<2048x768xf32>
    %get3A_2 = arith.constant 0 : index
    %get3A_3 = arith.constant 0 : index
    %get3A_4 = vector.load %arg1[%get3A_2, %get3A_3] : memref<768x8xf32, #tpu.memory_space<vmem>>, vector<768x8xf32>
    %dot_general3A = arith.constant dense<0.000000e+00> : vector<2048x8xf32>
    %dot_general3A_5 = tpu.matmul %get3A_1, %get3A_4, %dot_general3A {dimension_numbers = #tpu.dot_dimension_numbers<[1], [0], [0], [1], [0, 0, 1, 1], [], []>, transpose_lhs_hint = false} : vector<2048x768xf32>, vector<768x8xf32>, vector<2048x8xf32> -> vector<2048x8xf32>
    %swap3A = arith.constant 0 : index
    %swap3A_6 = arith.constant 0 : index
    %swap3A_7 = vector.load %arg2[%swap3A, %swap3A_6] : memref<2048x8xf32, #tpu.memory_space<vmem>>, vector<2048x8xf32>
    tpu.vector_store %arg2[%swap3A, %swap3A_6], %dot_general3A_5 {strides = array<i32>} : memref<2048x8xf32, #tpu.memory_space<vmem>>, vector<2048x8xf32>,
    %iota3A = tpu.iota {dimensions = array<i32: 1>} : vector<2048x8xi32>
    %reduce_max3A = arith.constant dense<0xFF800000> : vector<2048xf32>
    %reduce_max3A_8 = vector.multi_reduction <maximumf>, %dot_general3A_5, %reduce_max3A [1] : vector<2048x8xf32> to vector<2048xf32>
    %broadcast_in_dim3A = vector.shape_cast %reduce_max3A_8 : vector<2048xf32> to vector<2048x1xf32>
    %eq3A = vector.broadcast %broadcast_in_dim3A : vector<2048x1xf32> to vector<2048x8xf32>
    %eq3A_9 = arith.cmpf oeq, %dot_general3A_5, %eq3A : vector<2048x8xf32>
    %jit3A = arith.constant 8 : i32
    %broadcast_in_dim3A_10 = vector.broadcast %jit3A : i32 to vector<2048x8xi32>
    %select_n3A = arith.select %eq3A_9, %iota3A, %broadcast_in_dim3A_10 : vector<2048x8xi1>, vector<2048x8xi32>
    %reduce_min3A = arith.constant dense<2147483647> : vector<2048xi32>
    %reduce_min3A_11 = vector.multi_reduction <minsi>, %select_n3A, %reduce_min3A [1] : vector<2048x8xi32> to vector<2048xi32>
    %broadcast_in_dim3A_12 = vector.shape_cast %reduce_min3A_11 : vector<2048xi32> to vector<2048x1xi32>
    %abs3A = math.absf %dot_general3A_5 : vector<2048x8xf32>
    %max3A = vector.broadcast %broadcast_in_dim3A : vector<2048x1xf32> to vector<2048x8xf32>
    %max3A_13 = arith.maximumf %abs3A, %max3A : vector<2048x8xf32>
    %sub3A = vector.broadcast %broadcast_in_dim3A : vector<2048x1xf32> to vector<2048x8xf32>
    %sub3A_14 = arith.subf %sub3A, %dot_general3A_5 : vector<2048x8xf32>
    %div3A = arith.divf %sub3A_14, %max3A_13 : vector<2048x8xf32>
    %gt3A = arith.constant 2.000000e-02 : f32
    %gt3A_15 = vector.broadcast %gt3A : f32 to vector<2048x8xf32>
    %gt3A_16 = arith.cmpf ogt, %div3A, %gt3A_15 : vector<2048x8xf32>
    %jit3A_17 = arith.constant 0xFF800000 : f32
    %broadcast_in_dim3A_18 = vector.broadcast %jit3A_17 : f32 to vector<2048x8xf32>
    %select_n3A_19 = arith.select %gt3A_16, %broadcast_in_dim3A_18, %dot_general3A_5 : vector<2048x8xi1>, vector<2048x8xf32>
    %reduce_max3A_20 = arith.constant dense<0xFF800000> : vector<2048xf32>
    %reduce_max3A_21 = vector.multi_reduction <maximumf>, %select_n3A_19, %reduce_max3A_20 [1] : vector<2048x8xf32> to vector<2048xf32>
    %broadcast_in_dim3A_22 = vector.shape_cast %reduce_max3A_21 : vector<2048xf32> to vector<2048x1xf32>
    %sub3A_23 = vector.broadcast %broadcast_in_dim3A_22 : vector<2048x1xf32> to vector<2048x8xf32>
    %sub3A_24 = arith.subf %select_n3A_19, %sub3A_23 : vector<2048x8xf32>
    %exp3A = math.exp %sub3A_24 : vector<2048x8xf32>
    %reduce_sum3A = arith.constant dense<0.000000e+00> : vector<2048xf32>
    %reduce_sum3A_25 = vector.multi_reduction <add>, %exp3A, %reduce_sum3A [1] : vector<2048x8xf32> to vector<2048xf32>
    %broadcast_in_dim3A_26 = vector.shape_cast %reduce_sum3A_25 : vector<2048xf32> to vector<2048x1xf32>
    %div3A_27 = vector.broadcast %broadcast_in_dim3A_26 : vector<2048x1xf32> to vector<2048x8xf32>
    %div3A_28 = arith.divf %exp3A, %div3A_27 : vector<2048x8xf32>
    %eq3A_29 = vector.broadcast %broadcast_in_dim3A_12 : vector<2048x1xi32> to vector<2048x8xi32>
    %eq3A_30 = arith.cmpi eq, %iota3A, %eq3A_29 : vector<2048x8xi32>
    %jit3A_31 = arith.constant 0.000000e+00 : f32
    %broadcast_in_dim3A_32 = vector.broadcast %jit3A_31 : f32 to vector<2048x8xf32>
    %select_n3A_33 = arith.select %eq3A_30, %div3A_28, %broadcast_in_dim3A_32 : vector<2048x8xi1>, vector<2048x8xf32>
    %reduce_sum3A_34 = arith.constant dense<0.000000e+00> : vector<2048xf32>
    %reduce_sum3A_35 = vector.multi_reduction <add>, %select_n3A_33, %reduce_sum3A_34 [1] : vector<2048x8xf32> to vector<2048xf32>
    %broadcast_in_dim3A_36 = vector.shape_cast %reduce_sum3A_35 : vector<2048xf32> to vector<2048x1xf32>
    %jit3A_37 = arith.constant 0xFF800000 : f32
    %broadcast_in_dim3A_38 = vector.broadcast %jit3A_37 : f32 to vector<2048x8xf32>
    %select_n3A_39 = arith.select %eq3A_30, %broadcast_in_dim3A_38, %dot_general3A_5 : vector<2048x8xi1>, vector<2048x8xf32>
    %reduce_max3A_40 = arith.constant dense<0xFF800000> : vector<2048xf32>
    %reduce_max3A_41 = vector.multi_reduction <maximumf>, %select_n3A_39, %reduce_max3A_40 [1] : vector<2048x8xf32> to vector<2048xf32>
    %broadcast_in_dim3A_42 = vector.shape_cast %reduce_max3A_41 : vector<2048xf32> to vector<2048x1xf32>
    %eq3A_43 = vector.broadcast %broadcast_in_dim3A_42 : vector<2048x1xf32> to vector<2048x8xf32>
    %eq3A_44 = arith.cmpf oeq, %select_n3A_39, %eq3A_43 : vector<2048x8xf32>
    %jit3A_45 = arith.constant 8 : i32
    %broadcast_in_dim3A_46 = vector.broadcast %jit3A_45 : i32 to vector<2048x8xi32>
    %select_n3A_47 = arith.select %eq3A_44, %iota3A, %broadcast_in_dim3A_46 : vector<2048x8xi1>, vector<2048x8xi32>
    %reduce_min3A_48 = arith.constant dense<2147483647> : vector<2048xi32>
    %reduce_min3A_49 = vector.multi_reduction <minsi>, %select_n3A_47, %reduce_min3A_48 [1] : vector<2048x8xi32> to vector<2048xi32>
    %broadcast_in_dim3A_50 = vector.shape_cast %reduce_min3A_49 : vector<2048xi32> to vector<2048x1xi32>
    %abs3A_51 = math.absf %dot_general3A_5 : vector<2048x8xf32>
    %max3A_52 = vector.broadcast %broadcast_in_dim3A_42 : vector<2048x1xf32> to vector<2048x8xf32>
    %max3A_53 = arith.maximumf %abs3A_51, %max3A_52 : vector<2048x8xf32>
    %sub3A_54 = vector.broadcast %broadcast_in_dim3A_42 : vector<2048x1xf32> to vector<2048x8xf32>
    %sub3A_55 = arith.subf %sub3A_54, %dot_general3A_5 : vector<2048x8xf32>
    %div3A_56 = arith.divf %sub3A_55, %max3A_53 : vector<2048x8xf32>
    %gt3A_57 = arith.constant 2.000000e-02 : f32
    %gt3A_58 = vector.broadcast %gt3A_57 : f32 to vector<2048x8xf32>
    %gt3A_59 = arith.cmpf ogt, %div3A_56, %gt3A_58 : vector<2048x8xf32>
    %jit3A_60 = arith.constant 0xFF800000 : f32
    %broadcast_in_dim3A_61 = vector.broadcast %jit3A_60 : f32 to vector<2048x8xf32>
    %select_n3A_62 = arith.select %gt3A_59, %broadcast_in_dim3A_61, %select_n3A_39 : vector<2048x8xi1>, vector<2048x8xf32>
    %reduce_max3A_63 = arith.constant dense<0xFF800000> : vector<2048xf32>
    %reduce_max3A_64 = vector.multi_reduction <maximumf>, %select_n3A_62, %reduce_max3A_63 [1] : vector<2048x8xf32> to vector<2048xf32>
    %broadcast_in_dim3A_65 = vector.shape_cast %reduce_max3A_64 : vector<2048xf32> to vector<2048x1xf32>
    %sub3A_66 = vector.broadcast %broadcast_in_dim3A_65 : vector<2048x1xf32> to vector<2048x8xf32>
    %sub3A_67 = arith.subf %select_n3A_62, %sub3A_66 : vector<2048x8xf32>
    %exp3A_68 = math.exp %sub3A_67 : vector<2048x8xf32>
    %reduce_sum3A_69 = arith.constant dense<0.000000e+00> : vector<2048xf32>
    %reduce_sum3A_70 = vector.multi_reduction <add>, %exp3A_68, %reduce_sum3A_69 [1] : vector<2048x8xf32> to vector<2048xf32>
    %broadcast_in_dim3A_71 = vector.shape_cast %reduce_sum3A_70 : vector<2048xf32> to vector<2048x1xf32>
    %div3A_72 = vector.broadcast %broadcast_in_dim3A_71 : vector<2048x1xf32> to vector<2048x8xf32>
    %div3A_73 = arith.divf %exp3A_68, %div3A_72 : vector<2048x8xf32>
    %eq3A_74 = vector.broadcast %broadcast_in_dim3A_50 : vector<2048x1xi32> to vector<2048x8xi32>
    %eq3A_75 = arith.cmpi eq, %iota3A, %eq3A_74 : vector<2048x8xi32>
    %jit3A_76 = arith.constant 0.000000e+00 : f32
    %broadcast_in_dim3A_77 = vector.broadcast %jit3A_76 : f32 to vector<2048x8xf32>
    %select_n3A_78 = arith.select %eq3A_75, %div3A_73, %broadcast_in_dim3A_77 : vector<2048x8xi1>, vector<2048x8xf32>
    %reduce_sum3A_79 = arith.constant dense<0.000000e+00> : vector<2048xf32>
    %reduce_sum3A_80 = vector.multi_reduction <add>, %select_n3A_78, %reduce_sum3A_79 [1] : vector<2048x8xf32> to vector<2048xf32>
    %broadcast_in_dim3A_81 = vector.shape_cast %reduce_sum3A_80 : vector<2048xf32> to vector<2048x1xf32>
    %broadcast_in_dim3A_82 = vector.shape_cast %broadcast_in_dim3A_36 : vector<2048x1xf32> to vector<2048x1xf32>
    %broadcast_in_dim3A_83 = vector.broadcast %broadcast_in_dim3A_82 : vector<2048x1xf32> to vector<2048x16xf32>
    %broadcast_in_dim3A_84 = vector.shape_cast %broadcast_in_dim3A_81 : vector<2048x1xf32> to vector<2048x1xf32>
    %broadcast_in_dim3A_85 = vector.broadcast %broadcast_in_dim3A_84 : vector<2048x1xf32> to vector<2048x16xf32>
    %concatenate3A = tpu.concatenate %broadcast_in_dim3A_83, %broadcast_in_dim3A_85 in 1 : vector<2048x16xf32>, vector<2048x16xf32> -> vector<2048x32xf32>
    %swap3A_86 = arith.constant 0 : index
    %swap3A_87 = arith.constant 0 : index
    %swap3A_88 = vector.load %arg3[%swap3A_86, %swap3A_87] : memref<2048x32xf32, #tpu.memory_space<vmem>>, vector<2048x32xf32>
    tpu.vector_store %arg3[%swap3A_86, %swap3A_87], %concatenate3A {strides = array<i32>} : memref<2048x32xf32, #tpu.memory_space<vmem>>, vector<2048x32xf32>,
    %convert_element_type3A = arith.extui %eq3A_30 : vector<2048x8xi1> to vector<2048x8xi32>
    %convert_element_type3A_89 = arith.sitofp %convert_element_type3A : vector<2048x8xi32> to vector<2048x8xf32>
    %convert_element_type3A_90 = arith.extui %eq3A_75 : vector<2048x8xi1> to vector<2048x8xi32>
    %convert_element_type3A_91 = arith.sitofp %convert_element_type3A_90 : vector<2048x8xi32> to vector<2048x8xf32>
    %iota3A_92 = tpu.iota {dimensions = array<i32: 1>} : vector<256x256xi32>
    %iota3A_93 = tpu.iota {dimensions = array<i32: 0>} : vector<256x256xi32>
    %lt3A = arith.cmpi slt, %iota3A_92, %iota3A_93 : vector<256x256xi32>
    %convert_element_type3A_94 = arith.extui %lt3A : vector<256x256xi1> to vector<256x256xi32>
    %convert_element_type3A_95 = arith.sitofp %convert_element_type3A_94 : vector<256x256xi32> to vector<256x256xf32>
    %broadcast_in_dim3A_96 = arith.constant 0.000000e+00 : f32
    %broadcast_in_dim3A_97 = vector.broadcast %broadcast_in_dim3A_96 : f32 to vector<1x8xf32>
    %slice3A = vector.extract_strided_slice %convert_element_type3A_89 {offsets = [0, 0], sizes = [256, 8], strides = [1, 1]} : vector<2048x8xf32> to vector<256x8xf32>
    %dot_general3A_98 = arith.constant dense<0.000000e+00> : vector<256x8xf32>
    %dot_general3A_99 = tpu.matmul %convert_element_type3A_95, %slice3A, %dot_general3A_98 {dimension_numbers = #tpu.dot_dimension_numbers<[1], [0], [0], [1], [0, 0, 1, 1], [], []>, transpose_lhs_hint = false} : vector<256x256xf32>, vector<256x8xf32>, vector<256x8xf32> -> vector<256x8xf32>
    %add3A = vector.broadcast %broadcast_in_dim3A_97 : vector<1x8xf32> to vector<256x8xf32>
    %add3A_100 = arith.addf %dot_general3A_99, %add3A : vector<256x8xf32>
    %reduce_sum3A_101 = arith.constant dense<0.000000e+00> : vector<8xf32>
    %reduce_sum3A_102 = vector.multi_reduction <add>, %slice3A, %reduce_sum3A_101 [0] : vector<256x8xf32> to vector<8xf32>
    %broadcast_in_dim3A_103 = vector.shape_cast %reduce_sum3A_102 : vector<8xf32> to vector<1x8xf32>
    %add3A_104 = arith.addf %broadcast_in_dim3A_97, %broadcast_in_dim3A_103 : vector<1x8xf32>
    %slice3A_105 = vector.extract_strided_slice %convert_element_type3A_89 {offsets = [256, 0], sizes = [256, 8], strides = [1, 1]} : vector<2048x8xf32> to vector<256x8xf32>
    %dot_general3A_106 = arith.constant dense<0.000000e+00> : vector<256x8xf32>
    %dot_general3A_107 = tpu.matmul %convert_element_type3A_95, %slice3A_105, %dot_general3A_106 {dimension_numbers = #tpu.dot_dimension_numbers<[1], [0], [0], [1], [0, 0, 1, 1], [], []>, transpose_lhs_hint = false} : vector<256x256xf32>, vector<256x8xf32>, vector<256x8xf32> -> vector<256x8xf32>
    %add3A_108 = vector.broadcast %add3A_104 : vector<1x8xf32> to vector<256x8xf32>
    %add3A_109 = arith.addf %dot_general3A_107, %add3A_108 : vector<256x8xf32>
    %reduce_sum3A_110 = arith.constant dense<0.000000e+00> : vector<8xf32>
    %reduce_sum3A_111 = vector.multi_reduction <add>, %slice3A_105, %reduce_sum3A_110 [0] : vector<256x8xf32> to vector<8xf32>
    %broadcast_in_dim3A_112 = vector.shape_cast %reduce_sum3A_111 : vector<8xf32> to vector<1x8xf32>
    %add3A_113 = arith.addf %add3A_104, %broadcast_in_dim3A_112 : vector<1x8xf32>
    %slice3A_114 = vector.extract_strided_slice %convert_element_type3A_89 {offsets = [512, 0], sizes = [256, 8], strides = [1, 1]} : vector<2048x8xf32> to vector<256x8xf32>
    %dot_general3A_115 = arith.constant dense<0.000000e+00> : vector<256x8xf32>
    %dot_general3A_116 = tpu.matmul %convert_element_type3A_95, %slice3A_114, %dot_general3A_115 {dimension_numbers = #tpu.dot_dimension_numbers<[1], [0], [0], [1], [0, 0, 1, 1], [], []>, transpose_lhs_hint = false} : vector<256x256xf32>, vector<256x8xf32>, vector<256x8xf32> -> vector<256x8xf32>
    %add3A_117 = vector.broadcast %add3A_113 : vector<1x8xf32> to vector<256x8xf32>
    %add3A_118 = arith.addf %dot_general3A_116, %add3A_117 : vector<256x8xf32>
    %reduce_sum3A_119 = arith.constant dense<0.000000e+00> : vector<8xf32>
    %reduce_sum3A_120 = vector.multi_reduction <add>, %slice3A_114, %reduce_sum3A_119 [0] : vector<256x8xf32> to vector<8xf32>
    %broadcast_in_dim3A_121 = vector.shape_cast %reduce_sum3A_120 : vector<8xf32> to vector<1x8xf32>
    %add3A_122 = arith.addf %add3A_113, %broadcast_in_dim3A_121 : vector<1x8xf32>
    %slice3A_123 = vector.extract_strided_slice %convert_element_type3A_89 {offsets = [768, 0], sizes = [256, 8], strides = [1, 1]} : vector<2048x8xf32> to vector<256x8xf32>
    %dot_general3A_124 = arith.constant dense<0.000000e+00> : vector<256x8xf32>
    %dot_general3A_125 = tpu.matmul %convert_element_type3A_95, %slice3A_123, %dot_general3A_124 {dimension_numbers = #tpu.dot_dimension_numbers<[1], [0], [0], [1], [0, 0, 1, 1], [], []>, transpose_lhs_hint = false} : vector<256x256xf32>, vector<256x8xf32>, vector<256x8xf32> -> vector<256x8xf32>
    %add3A_126 = vector.broadcast %add3A_122 : vector<1x8xf32> to vector<256x8xf32>
    %add3A_127 = arith.addf %dot_general3A_125, %add3A_126 : vector<256x8xf32>
    %reduce_sum3A_128 = arith.constant dense<0.000000e+00> : vector<8xf32>
    %reduce_sum3A_129 = vector.multi_reduction <add>, %slice3A_123, %reduce_sum3A_128 [0] : vector<256x8xf32> to vector<8xf32>
    %broadcast_in_dim3A_130 = vector.shape_cast %reduce_sum3A_129 : vector<8xf32> to vector<1x8xf32>
    %add3A_131 = arith.addf %add3A_122, %broadcast_in_dim3A_130 : vector<1x8xf32>
    %slice3A_132 = vector.extract_strided_slice %convert_element_type3A_89 {offsets = [1024, 0], sizes = [256, 8], strides = [1, 1]} : vector<2048x8xf32> to vector<256x8xf32>
    %dot_general3A_133 = arith.constant dense<0.000000e+00> : vector<256x8xf32>
    %dot_general3A_134 = tpu.matmul %convert_element_type3A_95, %slice3A_132, %dot_general3A_133 {dimension_numbers = #tpu.dot_dimension_numbers<[1], [0], [0], [1], [0, 0, 1, 1], [], []>, transpose_lhs_hint = false} : vector<256x256xf32>, vector<256x8xf32>, vector<256x8xf32> -> vector<256x8xf32>
    %add3A_135 = vector.broadcast %add3A_131 : vector<1x8xf32> to vector<256x8xf32>
    %add3A_136 = arith.addf %dot_general3A_134, %add3A_135 : vector<256x8xf32>
    %reduce_sum3A_137 = arith.constant dense<0.000000e+00> : vector<8xf32>
    %reduce_sum3A_138 = vector.multi_reduction <add>, %slice3A_132, %reduce_sum3A_137 [0] : vector<256x8xf32> to vector<8xf32>
    %broadcast_in_dim3A_139 = vector.shape_cast %reduce_sum3A_138 : vector<8xf32> to vector<1x8xf32>
    %add3A_140 = arith.addf %add3A_131, %broadcast_in_dim3A_139 : vector<1x8xf32>
    %slice3A_141 = vector.extract_strided_slice %convert_element_type3A_89 {offsets = [1280, 0], sizes = [256, 8], strides = [1, 1]} : vector<2048x8xf32> to vector<256x8xf32>
    %dot_general3A_142 = arith.constant dense<0.000000e+00> : vector<256x8xf32>
    %dot_general3A_143 = tpu.matmul %convert_element_type3A_95, %slice3A_141, %dot_general3A_142 {dimension_numbers = #tpu.dot_dimension_numbers<[1], [0], [0], [1], [0, 0, 1, 1], [], []>, transpose_lhs_hint = false} : vector<256x256xf32>, vector<256x8xf32>, vector<256x8xf32> -> vector<256x8xf32>
    %add3A_144 = vector.broadcast %add3A_140 : vector<1x8xf32> to vector<256x8xf32>
    %add3A_145 = arith.addf %dot_general3A_143, %add3A_144 : vector<256x8xf32>
    %reduce_sum3A_146 = arith.constant dense<0.000000e+00> : vector<8xf32>
    %reduce_sum3A_147 = vector.multi_reduction <add>, %slice3A_141, %reduce_sum3A_146 [0] : vector<256x8xf32> to vector<8xf32>
    %broadcast_in_dim3A_148 = vector.shape_cast %reduce_sum3A_147 : vector<8xf32> to vector<1x8xf32>
    %add3A_149 = arith.addf %add3A_140, %broadcast_in_dim3A_148 : vector<1x8xf32>
    %slice3A_150 = vector.extract_strided_slice %convert_element_type3A_89 {offsets = [1536, 0], sizes = [256, 8], strides = [1, 1]} : vector<2048x8xf32> to vector<256x8xf32>
    %dot_general3A_151 = arith.constant dense<0.000000e+00> : vector<256x8xf32>
    %dot_general3A_152 = tpu.matmul %convert_element_type3A_95, %slice3A_150, %dot_general3A_151 {dimension_numbers = #tpu.dot_dimension_numbers<[1], [0], [0], [1], [0, 0, 1, 1], [], []>, transpose_lhs_hint = false} : vector<256x256xf32>, vector<256x8xf32>, vector<256x8xf32> -> vector<256x8xf32>
    %add3A_153 = vector.broadcast %add3A_149 : vector<1x8xf32> to vector<256x8xf32>
    %add3A_154 = arith.addf %dot_general3A_152, %add3A_153 : vector<256x8xf32>
    %reduce_sum3A_155 = arith.constant dense<0.000000e+00> : vector<8xf32>
    %reduce_sum3A_156 = vector.multi_reduction <add>, %slice3A_150, %reduce_sum3A_155 [0] : vector<256x8xf32> to vector<8xf32>
    %broadcast_in_dim3A_157 = vector.shape_cast %reduce_sum3A_156 : vector<8xf32> to vector<1x8xf32>
    %add3A_158 = arith.addf %add3A_149, %broadcast_in_dim3A_157 : vector<1x8xf32>
    %slice3A_159 = vector.extract_strided_slice %convert_element_type3A_89 {offsets = [1792, 0], sizes = [256, 8], strides = [1, 1]} : vector<2048x8xf32> to vector<256x8xf32>
    %dot_general3A_160 = arith.constant dense<0.000000e+00> : vector<256x8xf32>
    %dot_general3A_161 = tpu.matmul %convert_element_type3A_95, %slice3A_159, %dot_general3A_160 {dimension_numbers = #tpu.dot_dimension_numbers<[1], [0], [0], [1], [0, 0, 1, 1], [], []>, transpose_lhs_hint = false} : vector<256x256xf32>, vector<256x8xf32>, vector<256x8xf32> -> vector<256x8xf32>
    %add3A_162 = vector.broadcast %add3A_158 : vector<1x8xf32> to vector<256x8xf32>
    %add3A_163 = arith.addf %dot_general3A_161, %add3A_162 : vector<256x8xf32>
    %reduce_sum3A_164 = arith.constant dense<0.000000e+00> : vector<8xf32>
    %reduce_sum3A_165 = vector.multi_reduction <add>, %slice3A_159, %reduce_sum3A_164 [0] : vector<256x8xf32> to vector<8xf32>
    %broadcast_in_dim3A_166 = vector.shape_cast %reduce_sum3A_165 : vector<8xf32> to vector<1x8xf32>
    %add3A_167 = arith.addf %add3A_158, %broadcast_in_dim3A_166 : vector<1x8xf32>
    %concatenate3A_168 = tpu.concatenate %add3A_100, %add3A_109, %add3A_118, %add3A_127, %add3A_136, %add3A_145, %add3A_154, %add3A_163 in 0 : vector<256x8xf32>, vector<256x8xf32>, vector<256x8xf32>, vector<256x8xf32>, vector<256x8xf32>, vector<256x8xf32>, vector<256x8xf32>, vector<256x8xf32> -> vector<2048x8xf32>
    %slice3A_169 = vector.extract_strided_slice %convert_element_type3A_91 {offsets = [0, 0], sizes = [256, 8], strides = [1, 1]} : vector<2048x8xf32> to vector<256x8xf32>
    %dot_general3A_170 = arith.constant dense<0.000000e+00> : vector<256x8xf32>
    %dot_general3A_171 = tpu.matmul %convert_element_type3A_95, %slice3A_169, %dot_general3A_170 {dimension_numbers = #tpu.dot_dimension_numbers<[1], [0], [0], [1], [0, 0, 1, 1], [], []>, transpose_lhs_hint = false} : vector<256x256xf32>, vector<256x8xf32>, vector<256x8xf32> -> vector<256x8xf32>
    %add3A_172 = vector.broadcast %add3A_167 : vector<1x8xf32> to vector<256x8xf32>
    %add3A_173 = arith.addf %dot_general3A_171, %add3A_172 : vector<256x8xf32>
    %reduce_sum3A_174 = arith.constant dense<0.000000e+00> : vector<8xf32>
    %reduce_sum3A_175 = vector.multi_reduction <add>, %slice3A_169, %reduce_sum3A_174 [0] : vector<256x8xf32> to vector<8xf32>
    %broadcast_in_dim3A_176 = vector.shape_cast %reduce_sum3A_175 : vector<8xf32> to vector<1x8xf32>
    %add3A_177 = arith.addf %add3A_167, %broadcast_in_dim3A_176 : vector<1x8xf32>
    %slice3A_178 = vector.extract_strided_slice %convert_element_type3A_91 {offsets = [256, 0], sizes = [256, 8], strides = [1, 1]} : vector<2048x8xf32> to vector<256x8xf32>
    %dot_general3A_179 = arith.constant dense<0.000000e+00> : vector<256x8xf32>
    %dot_general3A_180 = tpu.matmul %convert_element_type3A_95, %slice3A_178, %dot_general3A_179 {dimension_numbers = #tpu.dot_dimension_numbers<[1], [0], [0], [1], [0, 0, 1, 1], [], []>, transpose_lhs_hint = false} : vector<256x256xf32>, vector<256x8xf32>, vector<256x8xf32> -> vector<256x8xf32>
    %add3A_181 = vector.broadcast %add3A_177 : vector<1x8xf32> to vector<256x8xf32>
    %add3A_182 = arith.addf %dot_general3A_180, %add3A_181 : vector<256x8xf32>
    %reduce_sum3A_183 = arith.constant dense<0.000000e+00> : vector<8xf32>
    %reduce_sum3A_184 = vector.multi_reduction <add>, %slice3A_178, %reduce_sum3A_183 [0] : vector<256x8xf32> to vector<8xf32>
    %broadcast_in_dim3A_185 = vector.shape_cast %reduce_sum3A_184 : vector<8xf32> to vector<1x8xf32>
    %add3A_186 = arith.addf %add3A_177, %broadcast_in_dim3A_185 : vector<1x8xf32>
    %slice3A_187 = vector.extract_strided_slice %convert_element_type3A_91 {offsets = [512, 0], sizes = [256, 8], strides = [1, 1]} : vector<2048x8xf32> to vector<256x8xf32>
    %dot_general3A_188 = arith.constant dense<0.000000e+00> : vector<256x8xf32>
    %dot_general3A_189 = tpu.matmul %convert_element_type3A_95, %slice3A_187, %dot_general3A_188 {dimension_numbers = #tpu.dot_dimension_numbers<[1], [0], [0], [1], [0, 0, 1, 1], [], []>, transpose_lhs_hint = false} : vector<256x256xf32>, vector<256x8xf32>, vector<256x8xf32> -> vector<256x8xf32>
    %add3A_190 = vector.broadcast %add3A_186 : vector<1x8xf32> to vector<256x8xf32>
    %add3A_191 = arith.addf %dot_general3A_189, %add3A_190 : vector<256x8xf32>
    %reduce_sum3A_192 = arith.constant dense<0.000000e+00> : vector<8xf32>
    %reduce_sum3A_193 = vector.multi_reduction <add>, %slice3A_187, %reduce_sum3A_192 [0] : vector<256x8xf32> to vector<8xf32>
    %broadcast_in_dim3A_194 = vector.shape_cast %reduce_sum3A_193 : vector<8xf32> to vector<1x8xf32>
    %add3A_195 = arith.addf %add3A_186, %broadcast_in_dim3A_194 : vector<1x8xf32>
    %slice3A_196 = vector.extract_strided_slice %convert_element_type3A_91 {offsets = [768, 0], sizes = [256, 8], strides = [1, 1]} : vector<2048x8xf32> to vector<256x8xf32>
    %dot_general3A_197 = arith.constant dense<0.000000e+00> : vector<256x8xf32>
    %dot_general3A_198 = tpu.matmul %convert_element_type3A_95, %slice3A_196, %dot_general3A_197 {dimension_numbers = #tpu.dot_dimension_numbers<[1], [0], [0], [1], [0, 0, 1, 1], [], []>, transpose_lhs_hint = false} : vector<256x256xf32>, vector<256x8xf32>, vector<256x8xf32> -> vector<256x8xf32>
    %add3A_199 = vector.broadcast %add3A_195 : vector<1x8xf32> to vector<256x8xf32>
    %add3A_200 = arith.addf %dot_general3A_198, %add3A_199 : vector<256x8xf32>
    %reduce_sum3A_201 = arith.constant dense<0.000000e+00> : vector<8xf32>
    %reduce_sum3A_202 = vector.multi_reduction <add>, %slice3A_196, %reduce_sum3A_201 [0] : vector<256x8xf32> to vector<8xf32>
    %broadcast_in_dim3A_203 = vector.shape_cast %reduce_sum3A_202 : vector<8xf32> to vector<1x8xf32>
    %add3A_204 = arith.addf %add3A_195, %broadcast_in_dim3A_203 : vector<1x8xf32>
    %slice3A_205 = vector.extract_strided_slice %convert_element_type3A_91 {offsets = [1024, 0], sizes = [256, 8], strides = [1, 1]} : vector<2048x8xf32> to vector<256x8xf32>
    %dot_general3A_206 = arith.constant dense<0.000000e+00> : vector<256x8xf32>
    %dot_general3A_207 = tpu.matmul %convert_element_type3A_95, %slice3A_205, %dot_general3A_206 {dimension_numbers = #tpu.dot_dimension_numbers<[1], [0], [0], [1], [0, 0, 1, 1], [], []>, transpose_lhs_hint = false} : vector<256x256xf32>, vector<256x8xf32>, vector<256x8xf32> -> vector<256x8xf32>
    %add3A_208 = vector.broadcast %add3A_204 : vector<1x8xf32> to vector<256x8xf32>
    %add3A_209 = arith.addf %dot_general3A_207, %add3A_208 : vector<256x8xf32>
    %reduce_sum3A_210 = arith.constant dense<0.000000e+00> : vector<8xf32>
    %reduce_sum3A_211 = vector.multi_reduction <add>, %slice3A_205, %reduce_sum3A_210 [0] : vector<256x8xf32> to vector<8xf32>
    %broadcast_in_dim3A_212 = vector.shape_cast %reduce_sum3A_211 : vector<8xf32> to vector<1x8xf32>
    %add3A_213 = arith.addf %add3A_204, %broadcast_in_dim3A_212 : vector<1x8xf32>
    %slice3A_214 = vector.extract_strided_slice %convert_element_type3A_91 {offsets = [1280, 0], sizes = [256, 8], strides = [1, 1]} : vector<2048x8xf32> to vector<256x8xf32>
    %dot_general3A_215 = arith.constant dense<0.000000e+00> : vector<256x8xf32>
    %dot_general3A_216 = tpu.matmul %convert_element_type3A_95, %slice3A_214, %dot_general3A_215 {dimension_numbers = #tpu.dot_dimension_numbers<[1], [0], [0], [1], [0, 0, 1, 1], [], []>, transpose_lhs_hint = false} : vector<256x256xf32>, vector<256x8xf32>, vector<256x8xf32> -> vector<256x8xf32>
    %add3A_217 = vector.broadcast %add3A_213 : vector<1x8xf32> to vector<256x8xf32>
    %add3A_218 = arith.addf %dot_general3A_216, %add3A_217 : vector<256x8xf32>
    %reduce_sum3A_219 = arith.constant dense<0.000000e+00> : vector<8xf32>
    %reduce_sum3A_220 = vector.multi_reduction <add>, %slice3A_214, %reduce_sum3A_219 [0] : vector<256x8xf32> to vector<8xf32>
    %broadcast_in_dim3A_221 = vector.shape_cast %reduce_sum3A_220 : vector<8xf32> to vector<1x8xf32>
    %add3A_222 = arith.addf %add3A_213, %broadcast_in_dim3A_221 : vector<1x8xf32>
    %slice3A_223 = vector.extract_strided_slice %convert_element_type3A_91 {offsets = [1536, 0], sizes = [256, 8], strides = [1, 1]} : vector<2048x8xf32> to vector<256x8xf32>
    %dot_general3A_224 = arith.constant dense<0.000000e+00> : vector<256x8xf32>
    %dot_general3A_225 = tpu.matmul %convert_element_type3A_95, %slice3A_223, %dot_general3A_224 {dimension_numbers = #tpu.dot_dimension_numbers<[1], [0], [0], [1], [0, 0, 1, 1], [], []>, transpose_lhs_hint = false} : vector<256x256xf32>, vector<256x8xf32>, vector<256x8xf32> -> vector<256x8xf32>
    %add3A_226 = vector.broadcast %add3A_222 : vector<1x8xf32> to vector<256x8xf32>
    %add3A_227 = arith.addf %dot_general3A_225, %add3A_226 : vector<256x8xf32>
    %reduce_sum3A_228 = arith.constant dense<0.000000e+00> : vector<8xf32>
    %reduce_sum3A_229 = vector.multi_reduction <add>, %slice3A_223, %reduce_sum3A_228 [0] : vector<256x8xf32> to vector<8xf32>
    %broadcast_in_dim3A_230 = vector.shape_cast %reduce_sum3A_229 : vector<8xf32> to vector<1x8xf32>
    %add3A_231 = arith.addf %add3A_222, %broadcast_in_dim3A_230 : vector<1x8xf32>
    %slice3A_232 = vector.extract_strided_slice %convert_element_type3A_91 {offsets = [1792, 0], sizes = [256, 8], strides = [1, 1]} : vector<2048x8xf32> to vector<256x8xf32>
    %dot_general3A_233 = arith.constant dense<0.000000e+00> : vector<256x8xf32>
    %dot_general3A_234 = tpu.matmul %convert_element_type3A_95, %slice3A_232, %dot_general3A_233 {dimension_numbers = #tpu.dot_dimension_numbers<[1], [0], [0], [1], [0, 0, 1, 1], [], []>, transpose_lhs_hint = false} : vector<256x256xf32>, vector<256x8xf32>, vector<256x8xf32> -> vector<256x8xf32>
    %add3A_235 = vector.broadcast %add3A_231 : vector<1x8xf32> to vector<256x8xf32>
    %add3A_236 = arith.addf %dot_general3A_234, %add3A_235 : vector<256x8xf32>
    %reduce_sum3A_237 = arith.constant dense<0.000000e+00> : vector<8xf32>
    %reduce_sum3A_238 = vector.multi_reduction <add>, %slice3A_232, %reduce_sum3A_237 [0] : vector<256x8xf32> to vector<8xf32>
    %broadcast_in_dim3A_239 = vector.shape_cast %reduce_sum3A_238 : vector<8xf32> to vector<1x8xf32>
    %add3A_240 = arith.addf %add3A_231, %broadcast_in_dim3A_239 : vector<1x8xf32>
    %concatenate3A_241 = tpu.concatenate %add3A_173, %add3A_182, %add3A_191, %add3A_200, %add3A_209, %add3A_218, %add3A_227, %add3A_236 in 0 : vector<256x8xf32>, vector<256x8xf32>, vector<256x8xf32>, vector<256x8xf32>, vector<256x8xf32>, vector<256x8xf32>, vector<256x8xf32>, vector<256x8xf32> -> vector<2048x8xf32>
    %jit3A_242 = arith.constant 0.000000e+00 : f32
    %broadcast_in_dim3A_243 = vector.broadcast %jit3A_242 : f32 to vector<2048x8xf32>
    %select_n3A_244 = arith.select %eq3A_30, %concatenate3A_168, %broadcast_in_dim3A_243 : vector<2048x8xi1>, vector<2048x8xf32>
    %reduce_sum3A_245 = arith.constant dense<0.000000e+00> : vector<2048xf32>
    %reduce_sum3A_246 = vector.multi_reduction <add>, %select_n3A_244, %reduce_sum3A_245 [1] : vector<2048x8xf32> to vector<2048xf32>
    %broadcast_in_dim3A_247 = vector.shape_cast %reduce_sum3A_246 : vector<2048xf32> to vector<2048x1xf32>
    %jit3A_248 = arith.constant 0.000000e+00 : f32
    %broadcast_in_dim3A_249 = vector.broadcast %jit3A_248 : f32 to vector<2048x8xf32>
    %select_n3A_250 = arith.select %eq3A_75, %concatenate3A_241, %broadcast_in_dim3A_249 : vector<2048x8xi1>, vector<2048x8xf32>
    %reduce_sum3A_251 = arith.constant dense<0.000000e+00> : vector<2048xf32>
    %reduce_sum3A_252 = vector.multi_reduction <add>, %select_n3A_250, %reduce_sum3A_251 [1] : vector<2048x8xf32> to vector<2048xf32>
    %broadcast_in_dim3A_253 = vector.shape_cast %reduce_sum3A_252 : vector<2048xf32> to vector<2048x1xf32>
    %convert_element_type3A_254 = arith.fptosi %add3A_240 : vector<1x8xf32> to vector<1x8xi32>
    %add3A_255 = arith.constant 255 : i32
    %add3A_256 = vector.broadcast %add3A_255 : i32 to vector<1x8xi32>
    %add3A_257 = arith.addi %convert_element_type3A_254, %add3A_256 : vector<1x8xi32>
    %jit3A_258 = arith.constant 256 : i32
    %div3A_259 = vector.broadcast %jit3A_258 : i32 to vector<1x8xi32>
    %div3A_260 = arith.divsi %add3A_257, %div3A_259 : vector<1x8xi32>
    %sign3A = arith.constant 0 : i32
    %sign3A_261 = vector.broadcast %sign3A : i32 to vector<1x8xi32>
    %sign3A_262 = arith.cmpi sgt, %add3A_257, %sign3A_261 : vector<1x8xi32>
    %sign3A_263 = arith.extui %sign3A_262 : vector<1x8xi1> to vector<1x8xi32>
    %sign3A_264 = arith.constant 0 : i32
    %sign3A_265 = vector.broadcast %sign3A_264 : i32 to vector<1x8xi32>
    %sign3A_266 = arith.cmpi slt, %add3A_257, %sign3A_265 : vector<1x8xi32>
    %sign3A_267 = arith.extui %sign3A_266 : vector<1x8xi1> to vector<1x8xi32>
    %sign3A_268 = arith.subi %sign3A_263, %sign3A_267 : vector<1x8xi32>
    %sign3A_269 = arith.constant 0 : i32
    %sign3A_270 = arith.cmpi sgt, %jit3A_258, %sign3A_269 : i32
    %sign3A_271 = arith.extui %sign3A_270 : i1 to i32
    %sign3A_272 = arith.constant 0 : i32
    %sign3A_273 = arith.cmpi slt, %jit3A_258, %sign3A_272 : i32
    %sign3A_274 = arith.extui %sign3A_273 : i1 to i32
    %sign3A_275 = arith.subi %sign3A_271, %sign3A_274 : i32
    %ne3A = vector.broadcast %sign3A_275 : i32 to vector<1x8xi32>
    %ne3A_276 = arith.cmpi ne, %sign3A_268, %ne3A : vector<1x8xi32>
    %rem3A = vector.broadcast %jit3A_258 : i32 to vector<1x8xi32>
    %rem3A_277 = arith.remsi %add3A_257, %rem3A : vector<1x8xi32>
    %ne3A_278 = arith.constant 0 : i32
    %ne3A_279 = vector.broadcast %ne3A_278 : i32 to vector<1x8xi32>
    %ne3A_280 = arith.cmpi ne, %rem3A_277, %ne3A_279 : vector<1x8xi32>
    %and3A = arith.andi %ne3A_276, %ne3A_280 : vector<1x8xi1>
    %sub3A_281 = arith.constant 1 : i32
    %sub3A_282 = vector.broadcast %sub3A_281 : i32 to vector<1x8xi32>
    %sub3A_283 = arith.subi %div3A_260, %sub3A_282 : vector<1x8xi32>
    %select_n3A_284 = arith.select %and3A, %sub3A_283, %div3A_260 : vector<1x8xi1>, vector<1x8xi32>
    %iota3A_285 = tpu.iota {dimensions = array<i32: 1>} : vector<1x8xi32>
    %eq3A_286 = arith.constant 0 : i32
    %eq3A_287 = vector.broadcast %eq3A_286 : i32 to vector<1x8xi32>
    %eq3A_288 = arith.cmpi eq, %iota3A_285, %eq3A_287 : vector<1x8xi32>
    %jit3A_289 = arith.constant 0 : i32
    %broadcast_in_dim3A_290 = vector.broadcast %jit3A_289 : i32 to vector<1x8xi32>
    %select_n3A_291 = arith.select %eq3A_288, %select_n3A_284, %broadcast_in_dim3A_290 : vector<1x8xi1>, vector<1x8xi32>
    %reduce_sum3A_292 = vector.shape_cast %select_n3A_291 : vector<1x8xi32> to vector<1x1x8xi32>
    %reduce_sum3A_293 = arith.constant dense<0> : vector<1xi32>
    %reduce_sum3A_294 = vector.multi_reduction <add>, %reduce_sum3A_292, %reduce_sum3A_293 [1, 2] : vector<1x1x8xi32> to vector<1xi32>
    %reduce_sum3A_295 = vector.shape_cast %reduce_sum3A_294 : vector<1xi32> to vector<1x1x1xi32>
    %reduce_sum3A_296 = vector.extract %reduce_sum3A_295[0, 0, 0] : i32 from vector<1x1x1xi32>
    %eq3A_297 = arith.constant 1 : i32
    %eq3A_298 = vector.broadcast %eq3A_297 : i32 to vector<1x8xi32>
    %eq3A_299 = arith.cmpi eq, %iota3A_285, %eq3A_298 : vector<1x8xi32>
    %jit3A_300 = arith.constant 0 : i32
    %broadcast_in_dim3A_301 = vector.broadcast %jit3A_300 : i32 to vector<1x8xi32>
    %select_n3A_302 = arith.select %eq3A_299, %select_n3A_284, %broadcast_in_dim3A_301 : vector<1x8xi1>, vector<1x8xi32>
    %reduce_sum3A_303 = vector.shape_cast %select_n3A_302 : vector<1x8xi32> to vector<1x1x8xi32>
    %reduce_sum3A_304 = arith.constant dense<0> : vector<1xi32>
    %reduce_sum3A_305 = vector.multi_reduction <add>, %reduce_sum3A_303, %reduce_sum3A_304 [1, 2] : vector<1x1x8xi32> to vector<1xi32>
    %reduce_sum3A_306 = vector.shape_cast %reduce_sum3A_305 : vector<1xi32> to vector<1x1x1xi32>
    %reduce_sum3A_307 = vector.extract %reduce_sum3A_306[0, 0, 0] : i32 from vector<1x1x1xi32>
    %eq3A_308 = arith.constant 2 : i32
    %eq3A_309 = vector.broadcast %eq3A_308 : i32 to vector<1x8xi32>
    %eq3A_310 = arith.cmpi eq, %iota3A_285, %eq3A_309 : vector<1x8xi32>
    %jit3A_311 = arith.constant 0 : i32
    %broadcast_in_dim3A_312 = vector.broadcast %jit3A_311 : i32 to vector<1x8xi32>
    %select_n3A_313 = arith.select %eq3A_310, %select_n3A_284, %broadcast_in_dim3A_312 : vector<1x8xi1>, vector<1x8xi32>
    %reduce_sum3A_314 = vector.shape_cast %select_n3A_313 : vector<1x8xi32> to vector<1x1x8xi32>
    %reduce_sum3A_315 = arith.constant dense<0> : vector<1xi32>
    %reduce_sum3A_316 = vector.multi_reduction <add>, %reduce_sum3A_314, %reduce_sum3A_315 [1, 2] : vector<1x1x8xi32> to vector<1xi32>
    %reduce_sum3A_317 = vector.shape_cast %reduce_sum3A_316 : vector<1xi32> to vector<1x1x1xi32>
    %reduce_sum3A_318 = vector.extract %reduce_sum3A_317[0, 0, 0] : i32 from vector<1x1x1xi32>
    %eq3A_319 = arith.constant 3 : i32
    %eq3A_320 = vector.broadcast %eq3A_319 : i32 to vector<1x8xi32>
    %eq3A_321 = arith.cmpi eq, %iota3A_285, %eq3A_320 : vector<1x8xi32>
    %jit3A_322 = arith.constant 0 : i32
    %broadcast_in_dim3A_323 = vector.broadcast %jit3A_322 : i32 to vector<1x8xi32>
    %select_n3A_324 = arith.select %eq3A_321, %select_n3A_284, %broadcast_in_dim3A_323 : vector<1x8xi1>, vector<1x8xi32>
    %reduce_sum3A_325 = vector.shape_cast %select_n3A_324 : vector<1x8xi32> to vector<1x1x8xi32>
    %reduce_sum3A_326 = arith.constant dense<0> : vector<1xi32>
    %reduce_sum3A_327 = vector.multi_reduction <add>, %reduce_sum3A_325, %reduce_sum3A_326 [1, 2] : vector<1x1x8xi32> to vector<1xi32>
    %reduce_sum3A_328 = vector.shape_cast %reduce_sum3A_327 : vector<1xi32> to vector<1x1x1xi32>
    %reduce_sum3A_329 = vector.extract %reduce_sum3A_328[0, 0, 0] : i32 from vector<1x1x1xi32>
    %eq3A_330 = arith.constant 4 : i32
    %eq3A_331 = vector.broadcast %eq3A_330 : i32 to vector<1x8xi32>
    %eq3A_332 = arith.cmpi eq, %iota3A_285, %eq3A_331 : vector<1x8xi32>
    %jit3A_333 = arith.constant 0 : i32
    %broadcast_in_dim3A_334 = vector.broadcast %jit3A_333 : i32 to vector<1x8xi32>
    %select_n3A_335 = arith.select %eq3A_332, %select_n3A_284, %broadcast_in_dim3A_334 : vector<1x8xi1>, vector<1x8xi32>
    %reduce_sum3A_336 = vector.shape_cast %select_n3A_335 : vector<1x8xi32> to vector<1x1x8xi32>
    %reduce_sum3A_337 = arith.constant dense<0> : vector<1xi32>
    %reduce_sum3A_338 = vector.multi_reduction <add>, %reduce_sum3A_336, %reduce_sum3A_337 [1, 2] : vector<1x1x8xi32> to vector<1xi32>
    %reduce_sum3A_339 = vector.shape_cast %reduce_sum3A_338 : vector<1xi32> to vector<1x1x1xi32>
    %reduce_sum3A_340 = vector.extract %reduce_sum3A_339[0, 0, 0] : i32 from vector<1x1x1xi32>
    %eq3A_341 = arith.constant 5 : i32
    %eq3A_342 = vector.broadcast %eq3A_341 : i32 to vector<1x8xi32>
    %eq3A_343 = arith.cmpi eq, %iota3A_285, %eq3A_342 : vector<1x8xi32>
    %jit3A_344 = arith.constant 0 : i32
    %broadcast_in_dim3A_345 = vector.broadcast %jit3A_344 : i32 to vector<1x8xi32>
    %select_n3A_346 = arith.select %eq3A_343, %select_n3A_284, %broadcast_in_dim3A_345 : vector<1x8xi1>, vector<1x8xi32>
    %reduce_sum3A_347 = vector.shape_cast %select_n3A_346 : vector<1x8xi32> to vector<1x1x8xi32>
    %reduce_sum3A_348 = arith.constant dense<0> : vector<1xi32>
    %reduce_sum3A_349 = vector.multi_reduction <add>, %reduce_sum3A_347, %reduce_sum3A_348 [1, 2] : vector<1x1x8xi32> to vector<1xi32>
    %reduce_sum3A_350 = vector.shape_cast %reduce_sum3A_349 : vector<1xi32> to vector<1x1x1xi32>
    %reduce_sum3A_351 = vector.extract %reduce_sum3A_350[0, 0, 0] : i32 from vector<1x1x1xi32>
    %eq3A_352 = arith.constant 6 : i32
    %eq3A_353 = vector.broadcast %eq3A_352 : i32 to vector<1x8xi32>
    %eq3A_354 = arith.cmpi eq, %iota3A_285, %eq3A_353 : vector<1x8xi32>
    %jit3A_355 = arith.constant 0 : i32
    %broadcast_in_dim3A_356 = vector.broadcast %jit3A_355 : i32 to vector<1x8xi32>
    %select_n3A_357 = arith.select %eq3A_354, %select_n3A_284, %broadcast_in_dim3A_356 : vector<1x8xi1>, vector<1x8xi32>
    %reduce_sum3A_358 = vector.shape_cast %select_n3A_357 : vector<1x8xi32> to vector<1x1x8xi32>
    %reduce_sum3A_359 = arith.constant dense<0> : vector<1xi32>
    %reduce_sum3A_360 = vector.multi_reduction <add>, %reduce_sum3A_358, %reduce_sum3A_359 [1, 2] : vector<1x1x8xi32> to vector<1xi32>
    %reduce_sum3A_361 = vector.shape_cast %reduce_sum3A_360 : vector<1xi32> to vector<1x1x1xi32>
    %reduce_sum3A_362 = vector.extract %reduce_sum3A_361[0, 0, 0] : i32 from vector<1x1x1xi32>
    %eq3A_363 = arith.constant 7 : i32
    %eq3A_364 = vector.broadcast %eq3A_363 : i32 to vector<1x8xi32>
    %eq3A_365 = arith.cmpi eq, %iota3A_285, %eq3A_364 : vector<1x8xi32>
    %jit3A_366 = arith.constant 0 : i32
    %broadcast_in_dim3A_367 = vector.broadcast %jit3A_366 : i32 to vector<1x8xi32>
    %select_n3A_368 = arith.select %eq3A_365, %select_n3A_284, %broadcast_in_dim3A_367 : vector<1x8xi1>, vector<1x8xi32>
    %reduce_sum3A_369 = vector.shape_cast %select_n3A_368 : vector<1x8xi32> to vector<1x1x8xi32>
    %reduce_sum3A_370 = arith.constant dense<0> : vector<1xi32>
    %reduce_sum3A_371 = vector.multi_reduction <add>, %reduce_sum3A_369, %reduce_sum3A_370 [1, 2] : vector<1x1x8xi32> to vector<1xi32>
    %reduce_sum3A_372 = vector.shape_cast %reduce_sum3A_371 : vector<1xi32> to vector<1x1x1xi32>
    %reduce_sum3A_373 = vector.extract %reduce_sum3A_372[0, 0, 0] : i32 from vector<1x1x1xi32>
    %add3A_374 = arith.addi %reduce_sum3A_296, %reduce_sum3A_307 : i32
    %add3A_375 = arith.addi %add3A_374, %reduce_sum3A_318 : i32
    %add3A_376 = arith.addi %add3A_375, %reduce_sum3A_329 : i32
    %add3A_377 = arith.addi %add3A_376, %reduce_sum3A_340 : i32
    %add3A_378 = arith.addi %add3A_377, %reduce_sum3A_351 : i32
    %add3A_379 = arith.addi %add3A_378, %reduce_sum3A_362 : i32
    %add3A_380 = arith.addi %add3A_379, %reduce_sum3A_373 : i32
    %sub3A_381 = arith.subi %reduce_sum3A_296, %reduce_sum3A_296 : i32
    %mul3A = arith.constant 256 : i32
    %mul3A_382 = arith.muli %sub3A_381, %mul3A : i32
    %sub3A_383 = arith.subi %add3A_374, %reduce_sum3A_307 : i32
    %mul3A_384 = arith.constant 256 : i32
    %mul3A_385 = arith.muli %sub3A_383, %mul3A_384 : i32
    %sub3A_386 = arith.subi %add3A_375, %reduce_sum3A_318 : i32
    %mul3A_387 = arith.constant 256 : i32
    %mul3A_388 = arith.muli %sub3A_386, %mul3A_387 : i32
    %sub3A_389 = arith.subi %add3A_376, %reduce_sum3A_329 : i32
    %mul3A_390 = arith.constant 256 : i32
    %mul3A_391 = arith.muli %sub3A_389, %mul3A_390 : i32
    %sub3A_392 = arith.subi %add3A_377, %reduce_sum3A_340 : i32
    %mul3A_393 = arith.constant 256 : i32
    %mul3A_394 = arith.muli %sub3A_392, %mul3A_393 : i32
    %sub3A_395 = arith.subi %add3A_378, %reduce_sum3A_351 : i32
    %mul3A_396 = arith.constant 256 : i32
    %mul3A_397 = arith.muli %sub3A_395, %mul3A_396 : i32
    %sub3A_398 = arith.subi %add3A_379, %reduce_sum3A_362 : i32
    %mul3A_399 = arith.constant 256 : i32
    %mul3A_400 = arith.muli %sub3A_398, %mul3A_399 : i32
    %sub3A_401 = arith.subi %add3A_380, %reduce_sum3A_373 : i32
    %mul3A_402 = arith.constant 256 : i32
    %mul3A_403 = arith.muli %sub3A_401, %mul3A_402 : i32
    %broadcast_in_dim3A_404 = arith.constant 0 : i32
    %broadcast_in_dim3A_405 = vector.broadcast %broadcast_in_dim3A_404 : i32 to vector<1x8xi32>
    %eq3A_406 = arith.constant 0 : i32
    %eq3A_407 = vector.broadcast %eq3A_406 : i32 to vector<1x8xi32>
    %eq3A_408 = arith.cmpi eq, %iota3A_285, %eq3A_407 : vector<1x8xi32>
    %broadcast_in_dim3A_409 = vector.broadcast %mul3A_382 : i32 to vector<1x8xi32>
    %select_n3A_410 = arith.select %eq3A_408, %broadcast_in_dim3A_409, %broadcast_in_dim3A_405 : vector<1x8xi1>, vector<1x8xi32>
    %eq3A_411 = arith.constant 1 : i32
    %eq3A_412 = vector.broadcast %eq3A_411 : i32 to vector<1x8xi32>
    %eq3A_413 = arith.cmpi eq, %iota3A_285, %eq3A_412 : vector<1x8xi32>
    %broadcast_in_dim3A_414 = vector.broadcast %mul3A_385 : i32 to vector<1x8xi32>
    %select_n3A_415 = arith.select %eq3A_413, %broadcast_in_dim3A_414, %select_n3A_410 : vector<1x8xi1>, vector<1x8xi32>
    %eq3A_416 = arith.constant 2 : i32
    %eq3A_417 = vector.broadcast %eq3A_416 : i32 to vector<1x8xi32>
    %eq3A_418 = arith.cmpi eq, %iota3A_285, %eq3A_417 : vector<1x8xi32>
    %broadcast_in_dim3A_419 = vector.broadcast %mul3A_388 : i32 to vector<1x8xi32>
    %select_n3A_420 = arith.select %eq3A_418, %broadcast_in_dim3A_419, %select_n3A_415 : vector<1x8xi1>, vector<1x8xi32>
    %eq3A_421 = arith.constant 3 : i32
    %eq3A_422 = vector.broadcast %eq3A_421 : i32 to vector<1x8xi32>
    %eq3A_423 = arith.cmpi eq, %iota3A_285, %eq3A_422 : vector<1x8xi32>
    %broadcast_in_dim3A_424 = vector.broadcast %mul3A_391 : i32 to vector<1x8xi32>
    %select_n3A_425 = arith.select %eq3A_423, %broadcast_in_dim3A_424, %select_n3A_420 : vector<1x8xi1>, vector<1x8xi32>
    %eq3A_426 = arith.constant 4 : i32
    %eq3A_427 = vector.broadcast %eq3A_426 : i32 to vector<1x8xi32>
    %eq3A_428 = arith.cmpi eq, %iota3A_285, %eq3A_427 : vector<1x8xi32>
    %broadcast_in_dim3A_429 = vector.broadcast %mul3A_394 : i32 to vector<1x8xi32>
    %select_n3A_430 = arith.select %eq3A_428, %broadcast_in_dim3A_429, %select_n3A_425 : vector<1x8xi1>, vector<1x8xi32>
    %eq3A_431 = arith.constant 5 : i32
    %eq3A_432 = vector.broadcast %eq3A_431 : i32 to vector<1x8xi32>
    %eq3A_433 = arith.cmpi eq, %iota3A_285, %eq3A_432 : vector<1x8xi32>
    %broadcast_in_dim3A_434 = vector.broadcast %mul3A_397 : i32 to vector<1x8xi32>
    %select_n3A_435 = arith.select %eq3A_433, %broadcast_in_dim3A_434, %select_n3A_430 : vector<1x8xi1>, vector<1x8xi32>
    %eq3A_436 = arith.constant 6 : i32
    %eq3A_437 = vector.broadcast %eq3A_436 : i32 to vector<1x8xi32>
    %eq3A_438 = arith.cmpi eq, %iota3A_285, %eq3A_437 : vector<1x8xi32>
    %broadcast_in_dim3A_439 = vector.broadcast %mul3A_400 : i32 to vector<1x8xi32>
    %select_n3A_440 = arith.select %eq3A_438, %broadcast_in_dim3A_439, %select_n3A_435 : vector<1x8xi1>, vector<1x8xi32>
    %eq3A_441 = arith.constant 7 : i32
    %eq3A_442 = vector.broadcast %eq3A_441 : i32 to vector<1x8xi32>
    %eq3A_443 = arith.cmpi eq, %iota3A_285, %eq3A_442 : vector<1x8xi32>
    %broadcast_in_dim3A_444 = vector.broadcast %mul3A_403 : i32 to vector<1x8xi32>
    %select_n3A_445 = arith.select %eq3A_443, %broadcast_in_dim3A_444, %select_n3A_440 : vector<1x8xi1>, vector<1x8xi32>
    %convert_element_type3A_446 = arith.sitofp %select_n3A_445 : vector<1x8xi32> to vector<1x8xf32>
    %jit3A_447 = arith.constant 0.000000e+00 : f32
    %broadcast_in_dim3A_448 = vector.shape_cast %convert_element_type3A_446 : vector<1x8xf32> to vector<1x8xf32>
    %broadcast_in_dim3A_449 = vector.broadcast %broadcast_in_dim3A_448 : vector<1x8xf32> to vector<2048x8xf32>
    %broadcast_in_dim3A_450 = vector.broadcast %jit3A_447 : f32 to vector<2048x8xf32>
    %select_n3A_451 = arith.select %eq3A_30, %broadcast_in_dim3A_449, %broadcast_in_dim3A_450 : vector<2048x8xi1>, vector<2048x8xf32>
    %reduce_sum3A_452 = arith.constant dense<0.000000e+00> : vector<2048xf32>
    %reduce_sum3A_453 = vector.multi_reduction <add>, %select_n3A_451, %reduce_sum3A_452 [1] : vector<2048x8xf32> to vector<2048xf32>
    %broadcast_in_dim3A_454 = vector.shape_cast %reduce_sum3A_453 : vector<2048xf32> to vector<2048x1xf32>
    %jit3A_455 = arith.constant 0.000000e+00 : f32
    %broadcast_in_dim3A_456 = vector.shape_cast %convert_element_type3A_446 : vector<1x8xf32> to vector<1x8xf32>
    %broadcast_in_dim3A_457 = vector.broadcast %broadcast_in_dim3A_456 : vector<1x8xf32> to vector<2048x8xf32>
    %broadcast_in_dim3A_458 = vector.broadcast %jit3A_455 : f32 to vector<2048x8xf32>
    %select_n3A_459 = arith.select %eq3A_75, %broadcast_in_dim3A_457, %broadcast_in_dim3A_458 : vector<2048x8xi1>, vector<2048x8xf32>
    %reduce_sum3A_460 = arith.constant dense<0.000000e+00> : vector<2048xf32>
    %reduce_sum3A_461 = vector.multi_reduction <add>, %select_n3A_459, %reduce_sum3A_460 [1] : vector<2048x8xf32> to vector<2048xf32>
    %broadcast_in_dim3A_462 = vector.shape_cast %reduce_sum3A_461 : vector<2048xf32> to vector<2048x1xf32>
    %add3A_463 = arith.addf %broadcast_in_dim3A_454, %broadcast_in_dim3A_247 : vector<2048x1xf32>
    %convert_element_type3A_464 = arith.fptosi %add3A_463 : vector<2048x1xf32> to vector<2048x1xi32>
    %add3A_465 = arith.addf %broadcast_in_dim3A_462, %broadcast_in_dim3A_253 : vector<2048x1xf32>
    %convert_element_type3A_466 = arith.fptosi %add3A_465 : vector<2048x1xf32> to vector<2048x1xi32>
    %eq3A_467 = arith.constant 0 : i32
    %eq3A_468 = vector.broadcast %eq3A_467 : i32 to vector<2048x8xi32>
    %eq3A_469 = arith.cmpi eq, %iota3A, %eq3A_468 : vector<2048x8xi32>
    %jit3A_470 = arith.constant 0 : i32
    %broadcast_in_dim3A_471 = vector.shape_cast %convert_element_type3A_464 : vector<2048x1xi32> to vector<2048x1xi32>
    %broadcast_in_dim3A_472 = vector.broadcast %broadcast_in_dim3A_471 : vector<2048x1xi32> to vector<2048x8xi32>
    %broadcast_in_dim3A_473 = vector.broadcast %jit3A_470 : i32 to vector<2048x8xi32>
    %select_n3A_474 = arith.select %eq3A_469, %broadcast_in_dim3A_472, %broadcast_in_dim3A_473 : vector<2048x8xi1>, vector<2048x8xi32>
    %eq3A_475 = arith.constant 1 : i32
    %eq3A_476 = vector.broadcast %eq3A_475 : i32 to vector<2048x8xi32>
    %eq3A_477 = arith.cmpi eq, %iota3A, %eq3A_476 : vector<2048x8xi32>
    %jit3A_478 = arith.constant 0 : i32
    %broadcast_in_dim3A_479 = vector.shape_cast %convert_element_type3A_466 : vector<2048x1xi32> to vector<2048x1xi32>
    %broadcast_in_dim3A_480 = vector.broadcast %broadcast_in_dim3A_479 : vector<2048x1xi32> to vector<2048x8xi32>
    %broadcast_in_dim3A_481 = vector.broadcast %jit3A_478 : i32 to vector<2048x8xi32>
    %select_n3A_482 = arith.select %eq3A_477, %broadcast_in_dim3A_480, %broadcast_in_dim3A_481 : vector<2048x8xi1>, vector<2048x8xi32>
    %add3A_483 = arith.addi %select_n3A_474, %select_n3A_482 : vector<2048x8xi32>
    %swap3A_484 = arith.constant 0 : index
    %swap3A_485 = arith.constant 0 : index
    %swap3A_486 = vector.load %arg4[%swap3A_484, %swap3A_485] : memref<2048x8xi32, #tpu.memory_space<vmem>>, vector<2048x8xi32>
    tpu.vector_store %arg4[%swap3A_484, %swap3A_485], %add3A_483 {strides = array<i32>} : memref<2048x8xi32, #tpu.memory_space<vmem>>, vector<2048x8xi32>,
    %iota3A_487 = tpu.iota {dimensions = array<i32: 1>} : vector<1x128xi32>
    %gt3A_488 = arith.constant 0 : i32
    %gt3A_489 = arith.cmpi sgt, %reduce_sum3A_296, %gt3A_488 : i32
    %convert_element_type3A_490 = arith.extui %gt3A_489 : i1 to i32
    %gt3A_491 = arith.constant 0 : i32
    %gt3A_492 = arith.cmpi sgt, %reduce_sum3A_307, %gt3A_491 : i32
    %convert_element_type3A_493 = arith.extui %gt3A_492 : i1 to i32
    %gt3A_494 = arith.constant 0 : i32
    %gt3A_495 = arith.cmpi sgt, %reduce_sum3A_318, %gt3A_494 : i32
    %convert_element_type3A_496 = arith.extui %gt3A_495 : i1 to i32
    %gt3A_497 = arith.constant 0 : i32
    %gt3A_498 = arith.cmpi sgt, %reduce_sum3A_329, %gt3A_497 : i32
    %convert_element_type3A_499 = arith.extui %gt3A_498 : i1 to i32
    %gt3A_500 = arith.constant 0 : i32
    %gt3A_501 = arith.cmpi sgt, %reduce_sum3A_340, %gt3A_500 : i32
    %convert_element_type3A_502 = arith.extui %gt3A_501 : i1 to i32
    %gt3A_503 = arith.constant 0 : i32
    %gt3A_504 = arith.cmpi sgt, %reduce_sum3A_351, %gt3A_503 : i32
    %convert_element_type3A_505 = arith.extui %gt3A_504 : i1 to i32
    %gt3A_506 = arith.constant 0 : i32
    %gt3A_507 = arith.cmpi sgt, %reduce_sum3A_362, %gt3A_506 : i32
    %convert_element_type3A_508 = arith.extui %gt3A_507 : i1 to i32
    %gt3A_509 = arith.constant 0 : i32
    %gt3A_510 = arith.cmpi sgt, %reduce_sum3A_373, %gt3A_509 : i32
    %convert_element_type3A_511 = arith.extui %gt3A_510 : i1 to i32
    %add3A_512 = arith.constant 0 : i32
    %add3A_513 = arith.addi %add3A_512, %convert_element_type3A_490 : i32
    %add3A_514 = arith.addi %add3A_513, %convert_element_type3A_493 : i32
    %add3A_515 = arith.addi %add3A_514, %convert_element_type3A_496 : i32
    %add3A_516 = arith.addi %add3A_515, %convert_element_type3A_499 : i32
    %add3A_517 = arith.addi %add3A_516, %convert_element_type3A_502 : i32
    %add3A_518 = arith.addi %add3A_517, %convert_element_type3A_505 : i32
    %add3A_519 = arith.addi %add3A_518, %convert_element_type3A_508 : i32
    %add3A_520 = arith.addi %add3A_519, %convert_element_type3A_511 : i32
    %broadcast_in_dim3A_521 = arith.constant 0 : i32
    %broadcast_in_dim3A_522 = vector.broadcast %broadcast_in_dim3A_521 : i32 to vector<1x128xi32>
    %ge3A = vector.broadcast %reduce_sum3A_296 : i32 to vector<1x128xi32>
    %ge3A_523 = arith.cmpi sge, %iota3A_487, %ge3A : vector<1x128xi32>
    %convert_element_type3A_524 = arith.extui %ge3A_523 : vector<1x128xi1> to vector<1x128xi32>
    %add3A_525 = arith.addi %broadcast_in_dim3A_522, %convert_element_type3A_524 : vector<1x128xi32>
    %ge3A_526 = vector.broadcast %add3A_374 : i32 to vector<1x128xi32>
    %ge3A_527 = arith.cmpi sge, %iota3A_487, %ge3A_526 : vector<1x128xi32>
    %convert_element_type3A_528 = arith.extui %ge3A_527 : vector<1x128xi1> to vector<1x128xi32>
    %add3A_529 = arith.addi %add3A_525, %convert_element_type3A_528 : vector<1x128xi32>
    %ge3A_530 = vector.broadcast %add3A_375 : i32 to vector<1x128xi32>
    %ge3A_531 = arith.cmpi sge, %iota3A_487, %ge3A_530 : vector<1x128xi32>
    %convert_element_type3A_532 = arith.extui %ge3A_531 : vector<1x128xi1> to vector<1x128xi32>
    %add3A_533 = arith.addi %add3A_529, %convert_element_type3A_532 : vector<1x128xi32>
    %ge3A_534 = vector.broadcast %add3A_376 : i32 to vector<1x128xi32>
    %ge3A_535 = arith.cmpi sge, %iota3A_487, %ge3A_534 : vector<1x128xi32>
    %convert_element_type3A_536 = arith.extui %ge3A_535 : vector<1x128xi1> to vector<1x128xi32>
    %add3A_537 = arith.addi %add3A_533, %convert_element_type3A_536 : vector<1x128xi32>
    %ge3A_538 = vector.broadcast %add3A_377 : i32 to vector<1x128xi32>
    %ge3A_539 = arith.cmpi sge, %iota3A_487, %ge3A_538 : vector<1x128xi32>
    %convert_element_type3A_540 = arith.extui %ge3A_539 : vector<1x128xi1> to vector<1x128xi32>
    %add3A_541 = arith.addi %add3A_537, %convert_element_type3A_540 : vector<1x128xi32>
    %ge3A_542 = vector.broadcast %add3A_378 : i32 to vector<1x128xi32>
    %ge3A_543 = arith.cmpi sge, %iota3A_487, %ge3A_542 : vector<1x128xi32>
    %convert_element_type3A_544 = arith.extui %ge3A_543 : vector<1x128xi1> to vector<1x128xi32>
    %add3A_545 = arith.addi %add3A_541, %convert_element_type3A_544 : vector<1x128xi32>
    %ge3A_546 = vector.broadcast %add3A_379 : i32 to vector<1x128xi32>
    %ge3A_547 = arith.cmpi sge, %iota3A_487, %ge3A_546 : vector<1x128xi32>
    %convert_element_type3A_548 = arith.extui %ge3A_547 : vector<1x128xi1> to vector<1x128xi32>
    %add3A_549 = arith.addi %add3A_545, %convert_element_type3A_548 : vector<1x128xi32>
    %ge3A_550 = vector.broadcast %add3A_380 : i32 to vector<1x128xi32>
    %ge3A_551 = arith.cmpi sge, %iota3A_487, %ge3A_550 : vector<1x128xi32>
    %convert_element_type3A_552 = arith.extui %ge3A_551 : vector<1x128xi1> to vector<1x128xi32>
    %add3A_553 = arith.addi %add3A_549, %convert_element_type3A_552 : vector<1x128xi32>
    %lt3A_554 = vector.broadcast %add3A_380 : i32 to vector<1x128xi32>
    %lt3A_555 = arith.cmpi slt, %iota3A_487, %lt3A_554 : vector<1x128xi32>
    %jit3A_556 = arith.constant 0 : i32
    %broadcast_in_dim3A_557 = vector.broadcast %jit3A_556 : i32 to vector<1x128xi32>
    %select_n3A_558 = arith.select %lt3A_555, %add3A_553, %broadcast_in_dim3A_557 : vector<1x128xi1>, vector<1x128xi32>
    %reduce_max3A_559 = vector.shape_cast %select_n3A_558 : vector<1x128xi32> to vector<1x1x128xi32>
    %reduce_max3A_560 = arith.constant dense<-2147483648> : vector<1xi32>
    %reduce_max3A_561 = vector.multi_reduction <maxsi>, %reduce_max3A_559, %reduce_max3A_560 [1, 2] : vector<1x1x128xi32> to vector<1xi32>
    %reduce_max3A_562 = vector.shape_cast %reduce_max3A_561 : vector<1xi32> to vector<1x1x1xi32>
    %reduce_max3A_563 = vector.extract %reduce_max3A_562[0, 0, 0] : i32 from vector<1x1x1xi32>
    %min3A = vector.broadcast %reduce_max3A_563 : i32 to vector<1x128xi32>
    %min3A_564 = arith.minsi %add3A_553, %min3A : vector<1x128xi32>
    %sub3A_565 = arith.constant 32 : i32
    %sub3A_566 = vector.broadcast %sub3A_565 : i32 to vector<1x128xi32>
    %sub3A_567 = arith.subi %iota3A_487, %sub3A_566 : vector<1x128xi32>
    %sub3A_568 = arith.constant 1 : i32
    %sub3A_569 = arith.subi %add3A_380, %sub3A_568 : i32
    %min3A_570 = vector.broadcast %sub3A_569 : i32 to vector<1x128xi32>
    %min3A_571 = arith.minsi %sub3A_567, %min3A_570 : vector<1x128xi32>
    %sub3A_572 = arith.constant 80 : i32
    %sub3A_573 = vector.broadcast %sub3A_572 : i32 to vector<1x128xi32>
    %sub3A_574 = arith.subi %iota3A_487, %sub3A_573 : vector<1x128xi32>
    %broadcast_in_dim3A_575 = arith.constant 0 : i32
    %broadcast_in_dim3A_576 = vector.broadcast %broadcast_in_dim3A_575 : i32 to vector<1x128xi32>
    %ge3A_577 = vector.broadcast %reduce_sum3A_296 : i32 to vector<1x128xi32>
    %ge3A_578 = arith.cmpi sge, %sub3A_574, %ge3A_577 : vector<1x128xi32>
    %convert_element_type3A_579 = arith.extui %ge3A_578 : vector<1x128xi1> to vector<1x128xi32>
    %add3A_580 = arith.addi %broadcast_in_dim3A_576, %convert_element_type3A_579 : vector<1x128xi32>
    %ge3A_581 = vector.broadcast %add3A_374 : i32 to vector<1x128xi32>
    %ge3A_582 = arith.cmpi sge, %sub3A_574, %ge3A_581 : vector<1x128xi32>
    %convert_element_type3A_583 = arith.extui %ge3A_582 : vector<1x128xi1> to vector<1x128xi32>
    %add3A_584 = arith.addi %add3A_580, %convert_element_type3A_583 : vector<1x128xi32>
    %ge3A_585 = vector.broadcast %add3A_375 : i32 to vector<1x128xi32>
    %ge3A_586 = arith.cmpi sge, %sub3A_574, %ge3A_585 : vector<1x128xi32>
    %convert_element_type3A_587 = arith.extui %ge3A_586 : vector<1x128xi1> to vector<1x128xi32>
    %add3A_588 = arith.addi %add3A_584, %convert_element_type3A_587 : vector<1x128xi32>
    %ge3A_589 = vector.broadcast %add3A_376 : i32 to vector<1x128xi32>
    %ge3A_590 = arith.cmpi sge, %sub3A_574, %ge3A_589 : vector<1x128xi32>
    %convert_element_type3A_591 = arith.extui %ge3A_590 : vector<1x128xi1> to vector<1x128xi32>
    %add3A_592 = arith.addi %add3A_588, %convert_element_type3A_591 : vector<1x128xi32>
    %ge3A_593 = vector.broadcast %add3A_377 : i32 to vector<1x128xi32>
    %ge3A_594 = arith.cmpi sge, %sub3A_574, %ge3A_593 : vector<1x128xi32>
    %convert_element_type3A_595 = arith.extui %ge3A_594 : vector<1x128xi1> to vector<1x128xi32>
    %add3A_596 = arith.addi %add3A_592, %convert_element_type3A_595 : vector<1x128xi32>
    %ge3A_597 = vector.broadcast %add3A_378 : i32 to vector<1x128xi32>
    %ge3A_598 = arith.cmpi sge, %sub3A_574, %ge3A_597 : vector<1x128xi32>
    %convert_element_type3A_599 = arith.extui %ge3A_598 : vector<1x128xi1> to vector<1x128xi32>
    %add3A_600 = arith.addi %add3A_596, %convert_element_type3A_599 : vector<1x128xi32>
    %ge3A_601 = vector.broadcast %add3A_379 : i32 to vector<1x128xi32>
    %ge3A_602 = arith.cmpi sge, %sub3A_574, %ge3A_601 : vector<1x128xi32>
    %convert_element_type3A_603 = arith.extui %ge3A_602 : vector<1x128xi1> to vector<1x128xi32>
    %add3A_604 = arith.addi %add3A_600, %convert_element_type3A_603 : vector<1x128xi32>
    %ge3A_605 = vector.broadcast %add3A_380 : i32 to vector<1x128xi32>
    %ge3A_606 = arith.cmpi sge, %sub3A_574, %ge3A_605 : vector<1x128xi32>
    %convert_element_type3A_607 = arith.extui %ge3A_606 : vector<1x128xi1> to vector<1x128xi32>
    %add3A_608 = arith.addi %add3A_604, %convert_element_type3A_607 : vector<1x128xi32>
    %min3A_609 = vector.broadcast %reduce_max3A_563 : i32 to vector<1x128xi32>
    %min3A_610 = arith.minsi %add3A_608, %min3A_609 : vector<1x128xi32>
    %broadcast_in_dim3A_611 = arith.constant 0 : i32
    %broadcast_in_dim3A_612 = vector.broadcast %broadcast_in_dim3A_611 : i32 to vector<1x128xi32>
    %eq3A_613 = arith.constant 0 : i32
    %eq3A_614 = vector.broadcast %eq3A_613 : i32 to vector<1x128xi32>
    %eq3A_615 = arith.cmpi eq, %min3A_610, %eq3A_614 : vector<1x128xi32>
    %jit3A_616 = arith.constant 0 : i32
    %broadcast_in_dim3A_617 = vector.broadcast %jit3A_616 : i32 to vector<1x128xi32>
    %select_n3A_618 = arith.select %eq3A_615, %broadcast_in_dim3A_617, %broadcast_in_dim3A_612 : vector<1x128xi1>, vector<1x128xi32>
    %eq3A_619 = arith.constant 1 : i32
    %eq3A_620 = vector.broadcast %eq3A_619 : i32 to vector<1x128xi32>
    %eq3A_621 = arith.cmpi eq, %min3A_610, %eq3A_620 : vector<1x128xi32>
    %broadcast_in_dim3A_622 = vector.broadcast %add3A_513 : i32 to vector<1x128xi32>
    %select_n3A_623 = arith.select %eq3A_621, %broadcast_in_dim3A_622, %select_n3A_618 : vector<1x128xi1>, vector<1x128xi32>
    %eq3A_624 = arith.constant 2 : i32
    %eq3A_625 = vector.broadcast %eq3A_624 : i32 to vector<1x128xi32>
    %eq3A_626 = arith.cmpi eq, %min3A_610, %eq3A_625 : vector<1x128xi32>
    %broadcast_in_dim3A_627 = vector.broadcast %add3A_514 : i32 to vector<1x128xi32>
    %select_n3A_628 = arith.select %eq3A_626, %broadcast_in_dim3A_627, %select_n3A_623 : vector<1x128xi1>, vector<1x128xi32>
    %eq3A_629 = arith.constant 3 : i32
    %eq3A_630 = vector.broadcast %eq3A_629 : i32 to vector<1x128xi32>
    %eq3A_631 = arith.cmpi eq, %min3A_610, %eq3A_630 : vector<1x128xi32>
    %broadcast_in_dim3A_632 = vector.broadcast %add3A_515 : i32 to vector<1x128xi32>
    %select_n3A_633 = arith.select %eq3A_631, %broadcast_in_dim3A_632, %select_n3A_628 : vector<1x128xi1>, vector<1x128xi32>
    %eq3A_634 = arith.constant 4 : i32
    %eq3A_635 = vector.broadcast %eq3A_634 : i32 to vector<1x128xi32>
    %eq3A_636 = arith.cmpi eq, %min3A_610, %eq3A_635 : vector<1x128xi32>
    %broadcast_in_dim3A_637 = vector.broadcast %add3A_516 : i32 to vector<1x128xi32>
    %select_n3A_638 = arith.select %eq3A_636, %broadcast_in_dim3A_637, %select_n3A_633 : vector<1x128xi1>, vector<1x128xi32>
    %eq3A_639 = arith.constant 5 : i32
    %eq3A_640 = vector.broadcast %eq3A_639 : i32 to vector<1x128xi32>
    %eq3A_641 = arith.cmpi eq, %min3A_610, %eq3A_640 : vector<1x128xi32>
    %broadcast_in_dim3A_642 = vector.broadcast %add3A_517 : i32 to vector<1x128xi32>
    %select_n3A_643 = arith.select %eq3A_641, %broadcast_in_dim3A_642, %select_n3A_638 : vector<1x128xi1>, vector<1x128xi32>
    %eq3A_644 = arith.constant 6 : i32
    %eq3A_645 = vector.broadcast %eq3A_644 : i32 to vector<1x128xi32>
    %eq3A_646 = arith.cmpi eq, %min3A_610, %eq3A_645 : vector<1x128xi32>
    %broadcast_in_dim3A_647 = vector.broadcast %add3A_518 : i32 to vector<1x128xi32>
    %select_n3A_648 = arith.select %eq3A_646, %broadcast_in_dim3A_647, %select_n3A_643 : vector<1x128xi1>, vector<1x128xi32>
    %eq3A_649 = arith.constant 7 : i32
    %eq3A_650 = vector.broadcast %eq3A_649 : i32 to vector<1x128xi32>
    %eq3A_651 = arith.cmpi eq, %min3A_610, %eq3A_650 : vector<1x128xi32>
    %broadcast_in_dim3A_652 = vector.broadcast %add3A_519 : i32 to vector<1x128xi32>
    %select_n3A_653 = arith.select %eq3A_651, %broadcast_in_dim3A_652, %select_n3A_648 : vector<1x128xi1>, vector<1x128xi32>
    %sub3A_654 = arith.constant 104 : i32
    %sub3A_655 = vector.broadcast %sub3A_654 : i32 to vector<1x128xi32>
    %sub3A_656 = arith.subi %iota3A_487, %sub3A_655 : vector<1x128xi32>
    %broadcast_in_dim3A_657 = arith.constant 0 : i32
    %broadcast_in_dim3A_658 = vector.broadcast %broadcast_in_dim3A_657 : i32 to vector<1x128xi32>
    %ge3A_659 = vector.broadcast %reduce_sum3A_296 : i32 to vector<1x128xi32>
    %ge3A_660 = arith.cmpi sge, %sub3A_656, %ge3A_659 : vector<1x128xi32>
    %convert_element_type3A_661 = arith.extui %ge3A_660 : vector<1x128xi1> to vector<1x128xi32>
    %add3A_662 = arith.addi %broadcast_in_dim3A_658, %convert_element_type3A_661 : vector<1x128xi32>
    %ge3A_663 = vector.broadcast %add3A_374 : i32 to vector<1x128xi32>
    %ge3A_664 = arith.cmpi sge, %sub3A_656, %ge3A_663 : vector<1x128xi32>
    %convert_element_type3A_665 = arith.extui %ge3A_664 : vector<1x128xi1> to vector<1x128xi32>
    %add3A_666 = arith.addi %add3A_662, %convert_element_type3A_665 : vector<1x128xi32>
    %ge3A_667 = vector.broadcast %add3A_375 : i32 to vector<1x128xi32>
    %ge3A_668 = arith.cmpi sge, %sub3A_656, %ge3A_667 : vector<1x128xi32>
    %convert_element_type3A_669 = arith.extui %ge3A_668 : vector<1x128xi1> to vector<1x128xi32>
    %add3A_670 = arith.addi %add3A_666, %convert_element_type3A_669 : vector<1x128xi32>
    %ge3A_671 = vector.broadcast %add3A_376 : i32 to vector<1x128xi32>
    %ge3A_672 = arith.cmpi sge, %sub3A_656, %ge3A_671 : vector<1x128xi32>
    %convert_element_type3A_673 = arith.extui %ge3A_672 : vector<1x128xi1> to vector<1x128xi32>
    %add3A_674 = arith.addi %add3A_670, %convert_element_type3A_673 : vector<1x128xi32>
    %ge3A_675 = vector.broadcast %add3A_377 : i32 to vector<1x128xi32>
    %ge3A_676 = arith.cmpi sge, %sub3A_656, %ge3A_675 : vector<1x128xi32>
    %convert_element_type3A_677 = arith.extui %ge3A_676 : vector<1x128xi1> to vector<1x128xi32>
    %add3A_678 = arith.addi %add3A_674, %convert_element_type3A_677 : vector<1x128xi32>
    %ge3A_679 = vector.broadcast %add3A_378 : i32 to vector<1x128xi32>
    %ge3A_680 = arith.cmpi sge, %sub3A_656, %ge3A_679 : vector<1x128xi32>
    %convert_element_type3A_681 = arith.extui %ge3A_680 : vector<1x128xi1> to vector<1x128xi32>
    %add3A_682 = arith.addi %add3A_678, %convert_element_type3A_681 : vector<1x128xi32>
    %ge3A_683 = vector.broadcast %add3A_379 : i32 to vector<1x128xi32>
    %ge3A_684 = arith.cmpi sge, %sub3A_656, %ge3A_683 : vector<1x128xi32>
    %convert_element_type3A_685 = arith.extui %ge3A_684 : vector<1x128xi1> to vector<1x128xi32>
    %add3A_686 = arith.addi %add3A_682, %convert_element_type3A_685 : vector<1x128xi32>
    %ge3A_687 = vector.broadcast %add3A_380 : i32 to vector<1x128xi32>
    %ge3A_688 = arith.cmpi sge, %sub3A_656, %ge3A_687 : vector<1x128xi32>
    %convert_element_type3A_689 = arith.extui %ge3A_688 : vector<1x128xi1> to vector<1x128xi32>
    %add3A_690 = arith.addi %add3A_686, %convert_element_type3A_689 : vector<1x128xi32>
    %min3A_691 = vector.broadcast %reduce_max3A_563 : i32 to vector<1x128xi32>
    %min3A_692 = arith.minsi %add3A_690, %min3A_691 : vector<1x128xi32>
    %broadcast_in_dim3A_693 = arith.constant 0 : i32
    %broadcast_in_dim3A_694 = vector.broadcast %broadcast_in_dim3A_693 : i32 to vector<1x128xi32>
    %eq3A_695 = arith.constant 0 : i32
    %eq3A_696 = vector.broadcast %eq3A_695 : i32 to vector<1x128xi32>
    %eq3A_697 = arith.cmpi eq, %min3A_692, %eq3A_696 : vector<1x128xi32>
    %sub3A_698 = arith.constant 104 : i32
    %sub3A_699 = vector.broadcast %sub3A_698 : i32 to vector<1x128xi32>
    %sub3A_700 = arith.subi %iota3A_487, %sub3A_699 : vector<1x128xi32>
    %sub3A_701 = arith.subi %reduce_sum3A_296, %reduce_sum3A_296 : i32
    %eq3A_702 = vector.broadcast %sub3A_701 : i32 to vector<1x128xi32>
    %eq3A_703 = arith.cmpi eq, %sub3A_700, %eq3A_702 : vector<1x128xi32>
    %and3A_704 = arith.andi %eq3A_697, %eq3A_703 : vector<1x128xi1>
    %jit3A_705 = arith.constant 1 : i32
    %broadcast_in_dim3A_706 = vector.broadcast %jit3A_705 : i32 to vector<1x128xi32>
    %select_n3A_707 = arith.select %and3A_704, %broadcast_in_dim3A_706, %broadcast_in_dim3A_694 : vector<1x128xi1>, vector<1x128xi32>
    %eq3A_708 = arith.constant 1 : i32
    %eq3A_709 = vector.broadcast %eq3A_708 : i32 to vector<1x128xi32>
    %eq3A_710 = arith.cmpi eq, %min3A_692, %eq3A_709 : vector<1x128xi32>
    %sub3A_711 = arith.constant 104 : i32
    %sub3A_712 = vector.broadcast %sub3A_711 : i32 to vector<1x128xi32>
    %sub3A_713 = arith.subi %iota3A_487, %sub3A_712 : vector<1x128xi32>
    %sub3A_714 = arith.subi %add3A_374, %reduce_sum3A_307 : i32
    %eq3A_715 = vector.broadcast %sub3A_714 : i32 to vector<1x128xi32>
    %eq3A_716 = arith.cmpi eq, %sub3A_713, %eq3A_715 : vector<1x128xi32>
    %and3A_717 = arith.andi %eq3A_710, %eq3A_716 : vector<1x128xi1>
    %jit3A_718 = arith.constant 1 : i32
    %broadcast_in_dim3A_719 = vector.broadcast %jit3A_718 : i32 to vector<1x128xi32>
    %select_n3A_720 = arith.select %and3A_717, %broadcast_in_dim3A_719, %select_n3A_707 : vector<1x128xi1>, vector<1x128xi32>
    %eq3A_721 = arith.constant 2 : i32
    %eq3A_722 = vector.broadcast %eq3A_721 : i32 to vector<1x128xi32>
    %eq3A_723 = arith.cmpi eq, %min3A_692, %eq3A_722 : vector<1x128xi32>
    %sub3A_724 = arith.constant 104 : i32
    %sub3A_725 = vector.broadcast %sub3A_724 : i32 to vector<1x128xi32>
    %sub3A_726 = arith.subi %iota3A_487, %sub3A_725 : vector<1x128xi32>
    %sub3A_727 = arith.subi %add3A_375, %reduce_sum3A_318 : i32
    %eq3A_728 = vector.broadcast %sub3A_727 : i32 to vector<1x128xi32>
    %eq3A_729 = arith.cmpi eq, %sub3A_726, %eq3A_728 : vector<1x128xi32>
    %and3A_730 = arith.andi %eq3A_723, %eq3A_729 : vector<1x128xi1>
    %jit3A_731 = arith.constant 1 : i32
    %broadcast_in_dim3A_732 = vector.broadcast %jit3A_731 : i32 to vector<1x128xi32>
    %select_n3A_733 = arith.select %and3A_730, %broadcast_in_dim3A_732, %select_n3A_720 : vector<1x128xi1>, vector<1x128xi32>
    %eq3A_734 = arith.constant 3 : i32
    %eq3A_735 = vector.broadcast %eq3A_734 : i32 to vector<1x128xi32>
    %eq3A_736 = arith.cmpi eq, %min3A_692, %eq3A_735 : vector<1x128xi32>
    %sub3A_737 = arith.constant 104 : i32
    %sub3A_738 = vector.broadcast %sub3A_737 : i32 to vector<1x128xi32>
    %sub3A_739 = arith.subi %iota3A_487, %sub3A_738 : vector<1x128xi32>
    %sub3A_740 = arith.subi %add3A_376, %reduce_sum3A_329 : i32
    %eq3A_741 = vector.broadcast %sub3A_740 : i32 to vector<1x128xi32>
    %eq3A_742 = arith.cmpi eq, %sub3A_739, %eq3A_741 : vector<1x128xi32>
    %and3A_743 = arith.andi %eq3A_736, %eq3A_742 : vector<1x128xi1>
    %jit3A_744 = arith.constant 1 : i32
    %broadcast_in_dim3A_745 = vector.broadcast %jit3A_744 : i32 to vector<1x128xi32>
    %select_n3A_746 = arith.select %and3A_743, %broadcast_in_dim3A_745, %select_n3A_733 : vector<1x128xi1>, vector<1x128xi32>
    %eq3A_747 = arith.constant 4 : i32
    %eq3A_748 = vector.broadcast %eq3A_747 : i32 to vector<1x128xi32>
    %eq3A_749 = arith.cmpi eq, %min3A_692, %eq3A_748 : vector<1x128xi32>
    %sub3A_750 = arith.constant 104 : i32
    %sub3A_751 = vector.broadcast %sub3A_750 : i32 to vector<1x128xi32>
    %sub3A_752 = arith.subi %iota3A_487, %sub3A_751 : vector<1x128xi32>
    %sub3A_753 = arith.subi %add3A_377, %reduce_sum3A_340 : i32
    %eq3A_754 = vector.broadcast %sub3A_753 : i32 to vector<1x128xi32>
    %eq3A_755 = arith.cmpi eq, %sub3A_752, %eq3A_754 : vector<1x128xi32>
    %and3A_756 = arith.andi %eq3A_749, %eq3A_755 : vector<1x128xi1>
    %jit3A_757 = arith.constant 1 : i32
    %broadcast_in_dim3A_758 = vector.broadcast %jit3A_757 : i32 to vector<1x128xi32>
    %select_n3A_759 = arith.select %and3A_756, %broadcast_in_dim3A_758, %select_n3A_746 : vector<1x128xi1>, vector<1x128xi32>
    %eq3A_760 = arith.constant 5 : i32
    %eq3A_761 = vector.broadcast %eq3A_760 : i32 to vector<1x128xi32>
    %eq3A_762 = arith.cmpi eq, %min3A_692, %eq3A_761 : vector<1x128xi32>
    %sub3A_763 = arith.constant 104 : i32
    %sub3A_764 = vector.broadcast %sub3A_763 : i32 to vector<1x128xi32>
    %sub3A_765 = arith.subi %iota3A_487, %sub3A_764 : vector<1x128xi32>
    %sub3A_766 = arith.subi %add3A_378, %reduce_sum3A_351 : i32
    %eq3A_767 = vector.broadcast %sub3A_766 : i32 to vector<1x128xi32>
    %eq3A_768 = arith.cmpi eq, %sub3A_765, %eq3A_767 : vector<1x128xi32>
    %and3A_769 = arith.andi %eq3A_762, %eq3A_768 : vector<1x128xi1>
    %jit3A_770 = arith.constant 1 : i32
    %broadcast_in_dim3A_771 = vector.broadcast %jit3A_770 : i32 to vector<1x128xi32>
    %select_n3A_772 = arith.select %and3A_769, %broadcast_in_dim3A_771, %select_n3A_759 : vector<1x128xi1>, vector<1x128xi32>
    %eq3A_773 = arith.constant 6 : i32
    %eq3A_774 = vector.broadcast %eq3A_773 : i32 to vector<1x128xi32>
    %eq3A_775 = arith.cmpi eq, %min3A_692, %eq3A_774 : vector<1x128xi32>
    %sub3A_776 = arith.constant 104 : i32
    %sub3A_777 = vector.broadcast %sub3A_776 : i32 to vector<1x128xi32>
    %sub3A_778 = arith.subi %iota3A_487, %sub3A_777 : vector<1x128xi32>
    %sub3A_779 = arith.subi %add3A_379, %reduce_sum3A_362 : i32
    %eq3A_780 = vector.broadcast %sub3A_779 : i32 to vector<1x128xi32>
    %eq3A_781 = arith.cmpi eq, %sub3A_778, %eq3A_780 : vector<1x128xi32>
    %and3A_782 = arith.andi %eq3A_775, %eq3A_781 : vector<1x128xi1>
    %jit3A_783 = arith.constant 1 : i32
    %broadcast_in_dim3A_784 = vector.broadcast %jit3A_783 : i32 to vector<1x128xi32>
    %select_n3A_785 = arith.select %and3A_782, %broadcast_in_dim3A_784, %select_n3A_772 : vector<1x128xi1>, vector<1x128xi32>
    %eq3A_786 = arith.constant 7 : i32
    %eq3A_787 = vector.broadcast %eq3A_786 : i32 to vector<1x128xi32>
    %eq3A_788 = arith.cmpi eq, %min3A_692, %eq3A_787 : vector<1x128xi32>
    %sub3A_789 = arith.constant 104 : i32
    %sub3A_790 = vector.broadcast %sub3A_789 : i32 to vector<1x128xi32>
    %sub3A_791 = arith.subi %iota3A_487, %sub3A_790 : vector<1x128xi32>
    %sub3A_792 = arith.subi %add3A_380, %reduce_sum3A_373 : i32
    %eq3A_793 = vector.broadcast %sub3A_792 : i32 to vector<1x128xi32>
    %eq3A_794 = arith.cmpi eq, %sub3A_791, %eq3A_793 : vector<1x128xi32>
    %and3A_795 = arith.andi %eq3A_788, %eq3A_794 : vector<1x128xi1>
    %jit3A_796 = arith.constant 1 : i32
    %broadcast_in_dim3A_797 = vector.broadcast %jit3A_796 : i32 to vector<1x128xi32>
    %select_n3A_798 = arith.select %and3A_795, %broadcast_in_dim3A_797, %select_n3A_785 : vector<1x128xi1>, vector<1x128xi32>
    %sub3A_799 = arith.constant 104 : i32
    %sub3A_800 = vector.broadcast %sub3A_799 : i32 to vector<1x128xi32>
    %sub3A_801 = arith.subi %iota3A_487, %sub3A_800 : vector<1x128xi32>
    %lt3A_802 = vector.broadcast %add3A_380 : i32 to vector<1x128xi32>
    %lt3A_803 = arith.cmpi slt, %sub3A_801, %lt3A_802 : vector<1x128xi32>
    %jit3A_804 = arith.constant 0 : i32
    %broadcast_in_dim3A_805 = vector.broadcast %jit3A_804 : i32 to vector<1x128xi32>
    %select_n3A_806 = arith.select %lt3A_803, %select_n3A_798, %broadcast_in_dim3A_805 : vector<1x128xi1>, vector<1x128xi32>
    %broadcast_in_dim3A_807 = arith.constant 0 : i32
    %broadcast_in_dim3A_808 = vector.broadcast %broadcast_in_dim3A_807 : i32 to vector<1x128xi32>
    %add3A_809 = arith.constant 64 : i32
    %add3A_810 = arith.constant 0 : i32
    %add3A_811 = arith.addi %add3A_809, %add3A_810 : i32
    %eq3A_812 = vector.broadcast %add3A_811 : i32 to vector<1x128xi32>
    %eq3A_813 = arith.cmpi eq, %iota3A_487, %eq3A_812 : vector<1x128xi32>
    %gt3A_814 = arith.constant 0 : i32
    %gt3A_815 = arith.cmpi sgt, %convert_element_type3A_490, %gt3A_814 : i32
    %and3A_816 = vector.broadcast %gt3A_815 : i1 to vector<1x128xi1>
    %and3A_817 = arith.andi %eq3A_813, %and3A_816 : vector<1x128xi1>
    %jit3A_818 = arith.constant 0 : i32
    %broadcast_in_dim3A_819 = vector.broadcast %jit3A_818 : i32 to vector<1x128xi32>
    %select_n3A_820 = arith.select %and3A_817, %broadcast_in_dim3A_819, %broadcast_in_dim3A_808 : vector<1x128xi1>, vector<1x128xi32>
    %add3A_821 = arith.constant 64 : i32
    %add3A_822 = arith.addi %add3A_821, %add3A_513 : i32
    %eq3A_823 = vector.broadcast %add3A_822 : i32 to vector<1x128xi32>
    %eq3A_824 = arith.cmpi eq, %iota3A_487, %eq3A_823 : vector<1x128xi32>
    %gt3A_825 = arith.constant 0 : i32
    %gt3A_826 = arith.cmpi sgt, %convert_element_type3A_493, %gt3A_825 : i32
    %and3A_827 = vector.broadcast %gt3A_826 : i1 to vector<1x128xi1>
    %and3A_828 = arith.andi %eq3A_824, %and3A_827 : vector<1x128xi1>
    %jit3A_829 = arith.constant 1 : i32
    %broadcast_in_dim3A_830 = vector.broadcast %jit3A_829 : i32 to vector<1x128xi32>
    %select_n3A_831 = arith.select %and3A_828, %broadcast_in_dim3A_830, %select_n3A_820 : vector<1x128xi1>, vector<1x128xi32>
    %add3A_832 = arith.constant 64 : i32
    %add3A_833 = arith.addi %add3A_832, %add3A_514 : i32
    %eq3A_834 = vector.broadcast %add3A_833 : i32 to vector<1x128xi32>
    %eq3A_835 = arith.cmpi eq, %iota3A_487, %eq3A_834 : vector<1x128xi32>
    %gt3A_836 = arith.constant 0 : i32
    %gt3A_837 = arith.cmpi sgt, %convert_element_type3A_496, %gt3A_836 : i32
    %and3A_838 = vector.broadcast %gt3A_837 : i1 to vector<1x128xi1>
    %and3A_839 = arith.andi %eq3A_835, %and3A_838 : vector<1x128xi1>
    %jit3A_840 = arith.constant 2 : i32
    %broadcast_in_dim3A_841 = vector.broadcast %jit3A_840 : i32 to vector<1x128xi32>
    %select_n3A_842 = arith.select %and3A_839, %broadcast_in_dim3A_841, %select_n3A_831 : vector<1x128xi1>, vector<1x128xi32>
    %add3A_843 = arith.constant 64 : i32
    %add3A_844 = arith.addi %add3A_843, %add3A_515 : i32
    %eq3A_845 = vector.broadcast %add3A_844 : i32 to vector<1x128xi32>
    %eq3A_846 = arith.cmpi eq, %iota3A_487, %eq3A_845 : vector<1x128xi32>
    %gt3A_847 = arith.constant 0 : i32
    %gt3A_848 = arith.cmpi sgt, %convert_element_type3A_499, %gt3A_847 : i32
    %and3A_849 = vector.broadcast %gt3A_848 : i1 to vector<1x128xi1>
    %and3A_850 = arith.andi %eq3A_846, %and3A_849 : vector<1x128xi1>
    %jit3A_851 = arith.constant 3 : i32
    %broadcast_in_dim3A_852 = vector.broadcast %jit3A_851 : i32 to vector<1x128xi32>
    %select_n3A_853 = arith.select %and3A_850, %broadcast_in_dim3A_852, %select_n3A_842 : vector<1x128xi1>, vector<1x128xi32>
    %add3A_854 = arith.constant 64 : i32
    %add3A_855 = arith.addi %add3A_854, %add3A_516 : i32
    %eq3A_856 = vector.broadcast %add3A_855 : i32 to vector<1x128xi32>
    %eq3A_857 = arith.cmpi eq, %iota3A_487, %eq3A_856 : vector<1x128xi32>
    %gt3A_858 = arith.constant 0 : i32
    %gt3A_859 = arith.cmpi sgt, %convert_element_type3A_502, %gt3A_858 : i32
    %and3A_860 = vector.broadcast %gt3A_859 : i1 to vector<1x128xi1>
    %and3A_861 = arith.andi %eq3A_857, %and3A_860 : vector<1x128xi1>
    %jit3A_862 = arith.constant 4 : i32
    %broadcast_in_dim3A_863 = vector.broadcast %jit3A_862 : i32 to vector<1x128xi32>
    %select_n3A_864 = arith.select %and3A_861, %broadcast_in_dim3A_863, %select_n3A_853 : vector<1x128xi1>, vector<1x128xi32>
    %add3A_865 = arith.constant 64 : i32
    %add3A_866 = arith.addi %add3A_865, %add3A_517 : i32
    %eq3A_867 = vector.broadcast %add3A_866 : i32 to vector<1x128xi32>
    %eq3A_868 = arith.cmpi eq, %iota3A_487, %eq3A_867 : vector<1x128xi32>
    %gt3A_869 = arith.constant 0 : i32
    %gt3A_870 = arith.cmpi sgt, %convert_element_type3A_505, %gt3A_869 : i32
    %and3A_871 = vector.broadcast %gt3A_870 : i1 to vector<1x128xi1>
    %and3A_872 = arith.andi %eq3A_868, %and3A_871 : vector<1x128xi1>
    %jit3A_873 = arith.constant 5 : i32
    %broadcast_in_dim3A_874 = vector.broadcast %jit3A_873 : i32 to vector<1x128xi32>
    %select_n3A_875 = arith.select %and3A_872, %broadcast_in_dim3A_874, %select_n3A_864 : vector<1x128xi1>, vector<1x128xi32>
    %add3A_876 = arith.constant 64 : i32
    %add3A_877 = arith.addi %add3A_876, %add3A_518 : i32
    %eq3A_878 = vector.broadcast %add3A_877 : i32 to vector<1x128xi32>
    %eq3A_879 = arith.cmpi eq, %iota3A_487, %eq3A_878 : vector<1x128xi32>
    %gt3A_880 = arith.constant 0 : i32
    %gt3A_881 = arith.cmpi sgt, %convert_element_type3A_508, %gt3A_880 : i32
    %and3A_882 = vector.broadcast %gt3A_881 : i1 to vector<1x128xi1>
    %and3A_883 = arith.andi %eq3A_879, %and3A_882 : vector<1x128xi1>
    %jit3A_884 = arith.constant 6 : i32
    %broadcast_in_dim3A_885 = vector.broadcast %jit3A_884 : i32 to vector<1x128xi32>
    %select_n3A_886 = arith.select %and3A_883, %broadcast_in_dim3A_885, %select_n3A_875 : vector<1x128xi1>, vector<1x128xi32>
    %add3A_887 = arith.constant 64 : i32
    %add3A_888 = arith.addi %add3A_887, %add3A_519 : i32
    %eq3A_889 = vector.broadcast %add3A_888 : i32 to vector<1x128xi32>
    %eq3A_890 = arith.cmpi eq, %iota3A_487, %eq3A_889 : vector<1x128xi32>
    %gt3A_891 = arith.constant 0 : i32
    %gt3A_892 = arith.cmpi sgt, %convert_element_type3A_511, %gt3A_891 : i32
    %and3A_893 = vector.broadcast %gt3A_892 : i1 to vector<1x128xi1>
    %and3A_894 = arith.andi %eq3A_890, %and3A_893 : vector<1x128xi1>
    %jit3A_895 = arith.constant 7 : i32
    %broadcast_in_dim3A_896 = vector.broadcast %jit3A_895 : i32 to vector<1x128xi32>
    %select_n3A_897 = arith.select %and3A_894, %broadcast_in_dim3A_896, %select_n3A_886 : vector<1x128xi1>, vector<1x128xi32>
    %lt3A_898 = arith.constant 24 : i32
    %lt3A_899 = vector.broadcast %lt3A_898 : i32 to vector<1x128xi32>
    %lt3A_900 = arith.cmpi slt, %iota3A_487, %lt3A_899 : vector<1x128xi32>
    %jit3A_901 = arith.constant 0 : i32
    %broadcast_in_dim3A_902 = vector.broadcast %jit3A_901 : i32 to vector<1x128xi32>
    %select_n3A_903 = arith.select %lt3A_900, %min3A_564, %broadcast_in_dim3A_902 : vector<1x128xi1>, vector<1x128xi32>
    %ge3A_904 = arith.constant 32 : i32
    %ge3A_905 = vector.broadcast %ge3A_904 : i32 to vector<1x128xi32>
    %ge3A_906 = arith.cmpi sge, %iota3A_487, %ge3A_905 : vector<1x128xi32>
    %lt3A_907 = arith.constant 56 : i32
    %lt3A_908 = vector.broadcast %lt3A_907 : i32 to vector<1x128xi32>
    %lt3A_909 = arith.cmpi slt, %iota3A_487, %lt3A_908 : vector<1x128xi32>
    %and3A_910 = arith.andi %ge3A_906, %lt3A_909 : vector<1x128xi1>
    %select_n3A_911 = arith.select %and3A_910, %min3A_571, %select_n3A_903 : vector<1x128xi1>, vector<1x128xi32>
    %eq3A_912 = arith.constant 56 : i32
    %eq3A_913 = vector.broadcast %eq3A_912 : i32 to vector<1x128xi32>
    %eq3A_914 = arith.cmpi eq, %iota3A_487, %eq3A_913 : vector<1x128xi32>
    %broadcast_in_dim3A_915 = vector.broadcast %add3A_380 : i32 to vector<1x128xi32>
    %select_n3A_916 = arith.select %eq3A_914, %broadcast_in_dim3A_915, %select_n3A_911 : vector<1x128xi1>, vector<1x128xi32>
    %ge3A_917 = arith.constant 64 : i32
    %ge3A_918 = vector.broadcast %ge3A_917 : i32 to vector<1x128xi32>
    %ge3A_919 = arith.cmpi sge, %iota3A_487, %ge3A_918 : vector<1x128xi32>
    %lt3A_920 = arith.constant 72 : i32
    %lt3A_921 = vector.broadcast %lt3A_920 : i32 to vector<1x128xi32>
    %lt3A_922 = arith.cmpi slt, %iota3A_487, %lt3A_921 : vector<1x128xi32>
    %and3A_923 = arith.andi %ge3A_919, %lt3A_922 : vector<1x128xi1>
    %select_n3A_924 = arith.select %and3A_923, %select_n3A_897, %select_n3A_916 : vector<1x128xi1>, vector<1x128xi32>
    %eq3A_925 = arith.constant 72 : i32
    %eq3A_926 = vector.broadcast %eq3A_925 : i32 to vector<1x128xi32>
    %eq3A_927 = arith.cmpi eq, %iota3A_487, %eq3A_926 : vector<1x128xi32>
    %broadcast_in_dim3A_928 = vector.broadcast %add3A_520 : i32 to vector<1x128xi32>
    %select_n3A_929 = arith.select %eq3A_927, %broadcast_in_dim3A_928, %select_n3A_924 : vector<1x128xi1>, vector<1x128xi32>
    %ge3A_930 = arith.constant 80 : i32
    %ge3A_931 = vector.broadcast %ge3A_930 : i32 to vector<1x128xi32>
    %ge3A_932 = arith.cmpi sge, %iota3A_487, %ge3A_931 : vector<1x128xi32>
    %lt3A_933 = arith.constant 104 : i32
    %lt3A_934 = vector.broadcast %lt3A_933 : i32 to vector<1x128xi32>
    %lt3A_935 = arith.cmpi slt, %iota3A_487, %lt3A_934 : vector<1x128xi32>
    %and3A_936 = arith.andi %ge3A_932, %lt3A_935 : vector<1x128xi1>
    %select_n3A_937 = arith.select %and3A_936, %select_n3A_653, %select_n3A_929 : vector<1x128xi1>, vector<1x128xi32>
    %ge3A_938 = arith.constant 104 : i32
    %ge3A_939 = vector.broadcast %ge3A_938 : i32 to vector<1x128xi32>
    %ge3A_940 = arith.cmpi sge, %iota3A_487, %ge3A_939 : vector<1x128xi32>
    %select_n3A_941 = arith.select %ge3A_940, %select_n3A_806, %select_n3A_937 : vector<1x128xi1>, vector<1x128xi32>
    %swap3A_942 = arith.constant 0 : index
    %swap3A_943 = arith.constant 0 : index
    %swap3A_944 = vector.load %arg5[%swap3A_942, %swap3A_943] : memref<1x128xi32, #tpu.memory_space<vmem>>, vector<1x128xi32>
    tpu.vector_store %arg5[%swap3A_942, %swap3A_943], %select_n3A_941 {strides = array<i32>} : memref<1x128xi32, #tpu.memory_space<vmem>>, vector<1x128xi32>,
    return
  }
}

module attributes {stable_mosaic.version = 14 : i64} {
  func.func @_gmm_body(%arg0: i32, %arg1: memref<1x128xi32, #tpu.memory_space<smem>>, %arg2: memref<256x768xf32, #tpu.memory_space<vmem>>, %arg3: memref<8x768x3072xf32, #tpu.memory_space<any>>, %arg4: memref<8x768x3072xf32, #tpu.memory_space<any>>, %arg5: memref<8x3072x768xf32, #tpu.memory_space<any>>, %arg6: memref<256x768xf32, #tpu.memory_space<vmem>>, %arg7: memref<2x768x3072xf32, #tpu.memory_space<vmem>>, %arg8: memref<2x768x3072xf32, #tpu.memory_space<vmem>>, %arg9: memref<2x3072x768xf32, #tpu.memory_space<vmem>>, %arg10: memref<2x!tpu.dma_semaphore, #tpu.memory_space<semaphore_mem>>) attributes {dimension_semantics = [#tpu.dimension_semantics<arbitrary>], iteration_bounds = array<i64: 24>, scalar_prefetch = 1 : i64, scratch_operands = 4 : i64, tpu.core_type = #tpu.core_type<tc>, window_params = [{transform_indices = @transform_0, window_bounds = array<i64: 256, 768>}, {}, {}, {}, {transform_indices = @transform_4, window_bounds = array<i64: 256, 768>}]} {
    %get3A = arith.constant 0 : index
    %get3A_0 = arith.constant 56 : index
    %get3A_1 = memref.load %arg1[%get3A, %get3A_0] : memref<1x128xi32, #tpu.memory_space<smem>>
    %get3A_2 = arith.constant 0 : index
    %get3A_3 = arith.constant 72 : index
    %get3A_4 = memref.load %arg1[%get3A_2, %get3A_3] : memref<1x128xi32, #tpu.memory_space<smem>>
    %add3A = arith.constant 80 : i32
    %add3A_5 = arith.addi %add3A, %arg0 : i32
    %get3A_6 = arith.constant 0 : index
    %get3A_7 = arith.index_cast %add3A_5 : i32 to index
    %get3A_8 = memref.load %arg1[%get3A_6, %get3A_7] : memref<1x128xi32, #tpu.memory_space<smem>>
    %add3A_9 = arith.constant 104 : i32
    %add3A_10 = arith.addi %add3A_9, %arg0 : i32
    %get3A_11 = arith.constant 0 : index
    %get3A_12 = arith.index_cast %add3A_10 : i32 to index
    %get3A_13 = memref.load %arg1[%get3A_11, %get3A_12] : memref<1x128xi32, #tpu.memory_space<smem>>
    %rem3A = arith.constant 2 : i32
    %rem3A_14 = arith.remsi %get3A_8, %rem3A : i32
    %eq3A = arith.constant 0 : i32
    %eq3A_15 = arith.cmpi eq, %arg0, %eq3A : i32
    %convert_element_type3A = arith.extui %eq3A_15 : i1 to i32
    %cond3A = arith.constant 0 : i32
    %cond3A_16 = arith.cmpi ne, %convert_element_type3A, %cond3A : i32
    scf.if %cond3A_16 {
      %get3A_26 = arith.constant 0 : index
      %get3A_27 = arith.constant 64 : index
      %get3A_28 = memref.load %arg1[%get3A_26, %get3A_27] : memref<1x128xi32, #tpu.memory_space<smem>>
      %dma_start3A = arith.constant 0 : i32
      %dma_start3A_29 = arith.constant 0 : i32
      %dma_start3A_30 = tpu.memref_slice %arg10[%dma_start3A_29] : memref<2x!tpu.dma_semaphore, #tpu.memory_space<semaphore_mem>> -> memref<1x!tpu.dma_semaphore, #tpu.memory_space<semaphore_mem>>
      %dma_start3A_31 = tpu.memref_squeeze %dma_start3A_30 : memref<1x!tpu.dma_semaphore, #tpu.memory_space<semaphore_mem>> -> memref<!tpu.dma_semaphore, #tpu.memory_space<semaphore_mem>>
      %dma_start3A_32 = arith.constant 0 : i32
      %dma_start3A_33 = arith.constant 0 : i32
      %dma_start3A_34 = tpu.memref_slice %arg7[%dma_start3A, %dma_start3A_32, %dma_start3A_33] : memref<2x768x3072xf32, #tpu.memory_space<vmem>> -> memref<1x768x3072xf32, #tpu.memory_space<vmem>>
      %dma_start3A_35 = tpu.memref_squeeze %dma_start3A_34 : memref<1x768x3072xf32, #tpu.memory_space<vmem>> -> memref<768x3072xf32, #tpu.memory_space<vmem>>
      %dma_start3A_36 = arith.constant 0 : i32
      %dma_start3A_37 = arith.constant 0 : i32
      %dma_start3A_38 = tpu.memref_slice %arg3[%get3A_28, %dma_start3A_36, %dma_start3A_37] : memref<8x768x3072xf32, #tpu.memory_space<any>> -> memref<1x768x3072xf32, #tpu.memory_space<any>>
      %dma_start3A_39 = tpu.memref_squeeze %dma_start3A_38 : memref<1x768x3072xf32, #tpu.memory_space<any>> -> memref<768x3072xf32, #tpu.memory_space<any>>
      tpu.enqueue_dma source(%dma_start3A_39 : memref<768x3072xf32, #tpu.memory_space<any>>) target(%dma_start3A_35 : memref<768x3072xf32, #tpu.memory_space<vmem>>) target_semaphore(%dma_start3A_31 : memref<!tpu.dma_semaphore, #tpu.memory_space<semaphore_mem>>)
      %dma_start3A_40 = arith.constant 0 : i32
      %dma_start3A_41 = arith.constant 0 : i32
      %dma_start3A_42 = tpu.memref_slice %arg10[%dma_start3A_41] : memref<2x!tpu.dma_semaphore, #tpu.memory_space<semaphore_mem>> -> memref<1x!tpu.dma_semaphore, #tpu.memory_space<semaphore_mem>>
      %dma_start3A_43 = tpu.memref_squeeze %dma_start3A_42 : memref<1x!tpu.dma_semaphore, #tpu.memory_space<semaphore_mem>> -> memref<!tpu.dma_semaphore, #tpu.memory_space<semaphore_mem>>
      %dma_start3A_44 = arith.constant 0 : i32
      %dma_start3A_45 = arith.constant 0 : i32
      %dma_start3A_46 = tpu.memref_slice %arg8[%dma_start3A_40, %dma_start3A_44, %dma_start3A_45] : memref<2x768x3072xf32, #tpu.memory_space<vmem>> -> memref<1x768x3072xf32, #tpu.memory_space<vmem>>
      %dma_start3A_47 = tpu.memref_squeeze %dma_start3A_46 : memref<1x768x3072xf32, #tpu.memory_space<vmem>> -> memref<768x3072xf32, #tpu.memory_space<vmem>>
      %dma_start3A_48 = arith.constant 0 : i32
      %dma_start3A_49 = arith.constant 0 : i32
      %dma_start3A_50 = tpu.memref_slice %arg4[%get3A_28, %dma_start3A_48, %dma_start3A_49] : memref<8x768x3072xf32, #tpu.memory_space<any>> -> memref<1x768x3072xf32, #tpu.memory_space<any>>
      %dma_start3A_51 = tpu.memref_squeeze %dma_start3A_50 : memref<1x768x3072xf32, #tpu.memory_space<any>> -> memref<768x3072xf32, #tpu.memory_space<any>>
      tpu.enqueue_dma source(%dma_start3A_51 : memref<768x3072xf32, #tpu.memory_space<any>>) target(%dma_start3A_47 : memref<768x3072xf32, #tpu.memory_space<vmem>>) target_semaphore(%dma_start3A_43 : memref<!tpu.dma_semaphore, #tpu.memory_space<semaphore_mem>>)
      %dma_start3A_52 = arith.constant 0 : i32
      %dma_start3A_53 = arith.constant 0 : i32
      %dma_start3A_54 = tpu.memref_slice %arg10[%dma_start3A_53] : memref<2x!tpu.dma_semaphore, #tpu.memory_space<semaphore_mem>> -> memref<1x!tpu.dma_semaphore, #tpu.memory_space<semaphore_mem>>
      %dma_start3A_55 = tpu.memref_squeeze %dma_start3A_54 : memref<1x!tpu.dma_semaphore, #tpu.memory_space<semaphore_mem>> -> memref<!tpu.dma_semaphore, #tpu.memory_space<semaphore_mem>>
      %dma_start3A_56 = arith.constant 0 : i32
      %dma_start3A_57 = arith.constant 0 : i32
      %dma_start3A_58 = tpu.memref_slice %arg9[%dma_start3A_52, %dma_start3A_56, %dma_start3A_57] : memref<2x3072x768xf32, #tpu.memory_space<vmem>> -> memref<1x3072x768xf32, #tpu.memory_space<vmem>>
      %dma_start3A_59 = tpu.memref_squeeze %dma_start3A_58 : memref<1x3072x768xf32, #tpu.memory_space<vmem>> -> memref<3072x768xf32, #tpu.memory_space<vmem>>
      %dma_start3A_60 = arith.constant 0 : i32
      %dma_start3A_61 = arith.constant 0 : i32
      %dma_start3A_62 = tpu.memref_slice %arg5[%get3A_28, %dma_start3A_60, %dma_start3A_61] : memref<8x3072x768xf32, #tpu.memory_space<any>> -> memref<1x3072x768xf32, #tpu.memory_space<any>>
      %dma_start3A_63 = tpu.memref_squeeze %dma_start3A_62 : memref<1x3072x768xf32, #tpu.memory_space<any>> -> memref<3072x768xf32, #tpu.memory_space<any>>
      tpu.enqueue_dma source(%dma_start3A_63 : memref<3072x768xf32, #tpu.memory_space<any>>) target(%dma_start3A_59 : memref<3072x768xf32, #tpu.memory_space<vmem>>) target_semaphore(%dma_start3A_55 : memref<!tpu.dma_semaphore, #tpu.memory_space<semaphore_mem>>)
      %gt3A = arith.constant 1 : i32
      %gt3A_64 = arith.cmpi sgt, %get3A_4, %gt3A : i32
      %convert_element_type3A_65 = arith.extui %gt3A_64 : i1 to i32
      %cond3A_66 = arith.constant 0 : i32
      %cond3A_67 = arith.cmpi ne, %convert_element_type3A_65, %cond3A_66 : i32
      scf.if %cond3A_67 {
        %get3A_68 = arith.constant 0 : index
        %get3A_69 = arith.constant 65 : index
        %get3A_70 = memref.load %arg1[%get3A_68, %get3A_69] : memref<1x128xi32, #tpu.memory_space<smem>>
        %dma_start3A_71 = arith.constant 1 : i32
        %dma_start3A_72 = arith.constant 1 : i32
        %dma_start3A_73 = tpu.memref_slice %arg10[%dma_start3A_72] : memref<2x!tpu.dma_semaphore, #tpu.memory_space<semaphore_mem>> -> memref<1x!tpu.dma_semaphore, #tpu.memory_space<semaphore_mem>>
        %dma_start3A_74 = tpu.memref_squeeze %dma_start3A_73 : memref<1x!tpu.dma_semaphore, #tpu.memory_space<semaphore_mem>> -> memref<!tpu.dma_semaphore, #tpu.memory_space<semaphore_mem>>
        %dma_start3A_75 = arith.constant 0 : i32
        %dma_start3A_76 = arith.constant 0 : i32
        %dma_start3A_77 = tpu.memref_slice %arg7[%dma_start3A_71, %dma_start3A_75, %dma_start3A_76] : memref<2x768x3072xf32, #tpu.memory_space<vmem>> -> memref<1x768x3072xf32, #tpu.memory_space<vmem>>
        %dma_start3A_78 = tpu.memref_squeeze %dma_start3A_77 : memref<1x768x3072xf32, #tpu.memory_space<vmem>> -> memref<768x3072xf32, #tpu.memory_space<vmem>>
        %dma_start3A_79 = arith.constant 0 : i32
        %dma_start3A_80 = arith.constant 0 : i32
        %dma_start3A_81 = tpu.memref_slice %arg3[%get3A_70, %dma_start3A_79, %dma_start3A_80] : memref<8x768x3072xf32, #tpu.memory_space<any>> -> memref<1x768x3072xf32, #tpu.memory_space<any>>
        %dma_start3A_82 = tpu.memref_squeeze %dma_start3A_81 : memref<1x768x3072xf32, #tpu.memory_space<any>> -> memref<768x3072xf32, #tpu.memory_space<any>>
        tpu.enqueue_dma source(%dma_start3A_82 : memref<768x3072xf32, #tpu.memory_space<any>>) target(%dma_start3A_78 : memref<768x3072xf32, #tpu.memory_space<vmem>>) target_semaphore(%dma_start3A_74 : memref<!tpu.dma_semaphore, #tpu.memory_space<semaphore_mem>>)
        %dma_start3A_83 = arith.constant 1 : i32
        %dma_start3A_84 = arith.constant 1 : i32
        %dma_start3A_85 = tpu.memref_slice %arg10[%dma_start3A_84] : memref<2x!tpu.dma_semaphore, #tpu.memory_space<semaphore_mem>> -> memref<1x!tpu.dma_semaphore, #tpu.memory_space<semaphore_mem>>
        %dma_start3A_86 = tpu.memref_squeeze %dma_start3A_85 : memref<1x!tpu.dma_semaphore, #tpu.memory_space<semaphore_mem>> -> memref<!tpu.dma_semaphore, #tpu.memory_space<semaphore_mem>>
        %dma_start3A_87 = arith.constant 0 : i32
        %dma_start3A_88 = arith.constant 0 : i32
        %dma_start3A_89 = tpu.memref_slice %arg8[%dma_start3A_83, %dma_start3A_87, %dma_start3A_88] : memref<2x768x3072xf32, #tpu.memory_space<vmem>> -> memref<1x768x3072xf32, #tpu.memory_space<vmem>>
        %dma_start3A_90 = tpu.memref_squeeze %dma_start3A_89 : memref<1x768x3072xf32, #tpu.memory_space<vmem>> -> memref<768x3072xf32, #tpu.memory_space<vmem>>
        %dma_start3A_91 = arith.constant 0 : i32
        %dma_start3A_92 = arith.constant 0 : i32
        %dma_start3A_93 = tpu.memref_slice %arg4[%get3A_70, %dma_start3A_91, %dma_start3A_92] : memref<8x768x3072xf32, #tpu.memory_space<any>> -> memref<1x768x3072xf32, #tpu.memory_space<any>>
        %dma_start3A_94 = tpu.memref_squeeze %dma_start3A_93 : memref<1x768x3072xf32, #tpu.memory_space<any>> -> memref<768x3072xf32, #tpu.memory_space<any>>
        tpu.enqueue_dma source(%dma_start3A_94 : memref<768x3072xf32, #tpu.memory_space<any>>) target(%dma_start3A_90 : memref<768x3072xf32, #tpu.memory_space<vmem>>) target_semaphore(%dma_start3A_86 : memref<!tpu.dma_semaphore, #tpu.memory_space<semaphore_mem>>)
        %dma_start3A_95 = arith.constant 1 : i32
        %dma_start3A_96 = arith.constant 1 : i32
        %dma_start3A_97 = tpu.memref_slice %arg10[%dma_start3A_96] : memref<2x!tpu.dma_semaphore, #tpu.memory_space<semaphore_mem>> -> memref<1x!tpu.dma_semaphore, #tpu.memory_space<semaphore_mem>>
        %dma_start3A_98 = tpu.memref_squeeze %dma_start3A_97 : memref<1x!tpu.dma_semaphore, #tpu.memory_space<semaphore_mem>> -> memref<!tpu.dma_semaphore, #tpu.memory_space<semaphore_mem>>
        %dma_start3A_99 = arith.constant 0 : i32
        %dma_start3A_100 = arith.constant 0 : i32
        %dma_start3A_101 = tpu.memref_slice %arg9[%dma_start3A_95, %dma_start3A_99, %dma_start3A_100] : memref<2x3072x768xf32, #tpu.memory_space<vmem>> -> memref<1x3072x768xf32, #tpu.memory_space<vmem>>
        %dma_start3A_102 = tpu.memref_squeeze %dma_start3A_101 : memref<1x3072x768xf32, #tpu.memory_space<vmem>> -> memref<3072x768xf32, #tpu.memory_space<vmem>>
        %dma_start3A_103 = arith.constant 0 : i32
        %dma_start3A_104 = arith.constant 0 : i32
        %dma_start3A_105 = tpu.memref_slice %arg5[%get3A_70, %dma_start3A_103, %dma_start3A_104] : memref<8x3072x768xf32, #tpu.memory_space<any>> -> memref<1x3072x768xf32, #tpu.memory_space<any>>
        %dma_start3A_106 = tpu.memref_squeeze %dma_start3A_105 : memref<1x3072x768xf32, #tpu.memory_space<any>> -> memref<3072x768xf32, #tpu.memory_space<any>>
        tpu.enqueue_dma source(%dma_start3A_106 : memref<3072x768xf32, #tpu.memory_space<any>>) target(%dma_start3A_102 : memref<3072x768xf32, #tpu.memory_space<vmem>>) target_semaphore(%dma_start3A_98 : memref<!tpu.dma_semaphore, #tpu.memory_space<semaphore_mem>>)
      } else {
      }
    } else {
    }
    %lt3A = arith.cmpi slt, %arg0, %get3A_1 : i32
    %eq3A_17 = arith.constant 1 : i32
    %eq3A_18 = arith.cmpi eq, %get3A_13, %eq3A_17 : i32
    %and3A = arith.andi %lt3A, %eq3A_18 : i1
    %convert_element_type3A_19 = arith.extui %and3A : i1 to i32
    %cond3A_20 = arith.constant 0 : i32
    %cond3A_21 = arith.cmpi ne, %convert_element_type3A_19, %cond3A_20 : i32
    scf.if %cond3A_21 {
      %add3A_26 = arith.constant 64 : i32
      %add3A_27 = arith.addi %add3A_26, %get3A_8 : i32
      %get3A_28 = arith.constant 0 : index
      %get3A_29 = arith.index_cast %add3A_27 : i32 to index
      %get3A_30 = memref.load %arg1[%get3A_28, %get3A_29] : memref<1x128xi32, #tpu.memory_space<smem>>
      %dma_wait3A = tpu.memref_slice %arg10[%rem3A_14] : memref<2x!tpu.dma_semaphore, #tpu.memory_space<semaphore_mem>> -> memref<1x!tpu.dma_semaphore, #tpu.memory_space<semaphore_mem>>
      %dma_wait3A_31 = tpu.memref_squeeze %dma_wait3A : memref<1x!tpu.dma_semaphore, #tpu.memory_space<semaphore_mem>> -> memref<!tpu.dma_semaphore, #tpu.memory_space<semaphore_mem>>
      %dma_wait3A_32 = arith.constant 0 : i32
      %dma_wait3A_33 = arith.constant 0 : i32
      %dma_wait3A_34 = tpu.memref_slice %arg7[%rem3A_14, %dma_wait3A_32, %dma_wait3A_33] : memref<2x768x3072xf32, #tpu.memory_space<vmem>> -> memref<1x768x3072xf32, #tpu.memory_space<vmem>>
      %dma_wait3A_35 = tpu.memref_squeeze %dma_wait3A_34 : memref<1x768x3072xf32, #tpu.memory_space<vmem>> -> memref<768x3072xf32, #tpu.memory_space<vmem>>
      %dma_wait3A_36 = arith.constant 0 : i32
      %dma_wait3A_37 = arith.constant 0 : i32
      %dma_wait3A_38 = tpu.memref_slice %arg3[%get3A_30, %dma_wait3A_36, %dma_wait3A_37] : memref<8x768x3072xf32, #tpu.memory_space<any>> -> memref<1x768x3072xf32, #tpu.memory_space<any>>
      %dma_wait3A_39 = tpu.memref_squeeze %dma_wait3A_38 : memref<1x768x3072xf32, #tpu.memory_space<any>> -> memref<768x3072xf32, #tpu.memory_space<any>>
      tpu.wait_dma2 semaphore(%dma_wait3A_31 : memref<!tpu.dma_semaphore, #tpu.memory_space<semaphore_mem>>) src(%dma_wait3A_39 : memref<768x3072xf32, #tpu.memory_space<any>>) dst(%dma_wait3A_35 : memref<768x3072xf32, #tpu.memory_space<vmem>>)
      %dma_wait3A_40 = tpu.memref_slice %arg10[%rem3A_14] : memref<2x!tpu.dma_semaphore, #tpu.memory_space<semaphore_mem>> -> memref<1x!tpu.dma_semaphore, #tpu.memory_space<semaphore_mem>>
      %dma_wait3A_41 = tpu.memref_squeeze %dma_wait3A_40 : memref<1x!tpu.dma_semaphore, #tpu.memory_space<semaphore_mem>> -> memref<!tpu.dma_semaphore, #tpu.memory_space<semaphore_mem>>
      %dma_wait3A_42 = arith.constant 0 : i32
      %dma_wait3A_43 = arith.constant 0 : i32
      %dma_wait3A_44 = tpu.memref_slice %arg8[%rem3A_14, %dma_wait3A_42, %dma_wait3A_43] : memref<2x768x3072xf32, #tpu.memory_space<vmem>> -> memref<1x768x3072xf32, #tpu.memory_space<vmem>>
      %dma_wait3A_45 = tpu.memref_squeeze %dma_wait3A_44 : memref<1x768x3072xf32, #tpu.memory_space<vmem>> -> memref<768x3072xf32, #tpu.memory_space<vmem>>
      %dma_wait3A_46 = arith.constant 0 : i32
      %dma_wait3A_47 = arith.constant 0 : i32
      %dma_wait3A_48 = tpu.memref_slice %arg4[%get3A_30, %dma_wait3A_46, %dma_wait3A_47] : memref<8x768x3072xf32, #tpu.memory_space<any>> -> memref<1x768x3072xf32, #tpu.memory_space<any>>
      %dma_wait3A_49 = tpu.memref_squeeze %dma_wait3A_48 : memref<1x768x3072xf32, #tpu.memory_space<any>> -> memref<768x3072xf32, #tpu.memory_space<any>>
      tpu.wait_dma2 semaphore(%dma_wait3A_41 : memref<!tpu.dma_semaphore, #tpu.memory_space<semaphore_mem>>) src(%dma_wait3A_49 : memref<768x3072xf32, #tpu.memory_space<any>>) dst(%dma_wait3A_45 : memref<768x3072xf32, #tpu.memory_space<vmem>>)
      %dma_wait3A_50 = tpu.memref_slice %arg10[%rem3A_14] : memref<2x!tpu.dma_semaphore, #tpu.memory_space<semaphore_mem>> -> memref<1x!tpu.dma_semaphore, #tpu.memory_space<semaphore_mem>>
      %dma_wait3A_51 = tpu.memref_squeeze %dma_wait3A_50 : memref<1x!tpu.dma_semaphore, #tpu.memory_space<semaphore_mem>> -> memref<!tpu.dma_semaphore, #tpu.memory_space<semaphore_mem>>
      %dma_wait3A_52 = arith.constant 0 : i32
      %dma_wait3A_53 = arith.constant 0 : i32
      %dma_wait3A_54 = tpu.memref_slice %arg9[%rem3A_14, %dma_wait3A_52, %dma_wait3A_53] : memref<2x3072x768xf32, #tpu.memory_space<vmem>> -> memref<1x3072x768xf32, #tpu.memory_space<vmem>>
      %dma_wait3A_55 = tpu.memref_squeeze %dma_wait3A_54 : memref<1x3072x768xf32, #tpu.memory_space<vmem>> -> memref<3072x768xf32, #tpu.memory_space<vmem>>
      %dma_wait3A_56 = arith.constant 0 : i32
      %dma_wait3A_57 = arith.constant 0 : i32
      %dma_wait3A_58 = tpu.memref_slice %arg5[%get3A_30, %dma_wait3A_56, %dma_wait3A_57] : memref<8x3072x768xf32, #tpu.memory_space<any>> -> memref<1x3072x768xf32, #tpu.memory_space<any>>
      %dma_wait3A_59 = tpu.memref_squeeze %dma_wait3A_58 : memref<1x3072x768xf32, #tpu.memory_space<any>> -> memref<3072x768xf32, #tpu.memory_space<any>>
      tpu.wait_dma2 semaphore(%dma_wait3A_51 : memref<!tpu.dma_semaphore, #tpu.memory_space<semaphore_mem>>) src(%dma_wait3A_59 : memref<3072x768xf32, #tpu.memory_space<any>>) dst(%dma_wait3A_55 : memref<3072x768xf32, #tpu.memory_space<vmem>>)
      %add3A_60 = arith.constant 1 : i32
      %add3A_61 = arith.addi %get3A_8, %add3A_60 : i32
      %lt3A_62 = arith.cmpi slt, %add3A_61, %get3A_4 : i32
      %ge3A = arith.constant 1 : i32
      %ge3A_63 = arith.cmpi sge, %get3A_8, %ge3A : i32
      %and3A_64 = arith.andi %lt3A_62, %ge3A_63 : i1
      %convert_element_type3A_65 = arith.extui %and3A_64 : i1 to i32
      %cond3A_66 = arith.constant 0 : i32
      %cond3A_67 = arith.cmpi ne, %convert_element_type3A_65, %cond3A_66 : i32
      scf.if %cond3A_67 {
        %add3A_68 = arith.constant 64 : i32
        %add3A_69 = arith.addi %add3A_68, %get3A_8 : i32
        %add3A_70 = arith.constant 1 : i32
        %add3A_71 = arith.addi %add3A_69, %add3A_70 : i32
        %get3A_72 = arith.constant 0 : index
        %get3A_73 = arith.index_cast %add3A_71 : i32 to index
        %get3A_74 = memref.load %arg1[%get3A_72, %get3A_73] : memref<1x128xi32, #tpu.memory_space<smem>>
        %sub3A = arith.constant 1 : i32
        %sub3A_75 = arith.subi %sub3A, %rem3A_14 : i32
        %dma_start3A = tpu.memref_slice %arg10[%sub3A_75] : memref<2x!tpu.dma_semaphore, #tpu.memory_space<semaphore_mem>> -> memref<1x!tpu.dma_semaphore, #tpu.memory_space<semaphore_mem>>
        %dma_start3A_76 = tpu.memref_squeeze %dma_start3A : memref<1x!tpu.dma_semaphore, #tpu.memory_space<semaphore_mem>> -> memref<!tpu.dma_semaphore, #tpu.memory_space<semaphore_mem>>
        %dma_start3A_77 = arith.constant 0 : i32
        %dma_start3A_78 = arith.constant 0 : i32
        %dma_start3A_79 = tpu.memref_slice %arg7[%sub3A_75, %dma_start3A_77, %dma_start3A_78] : memref<2x768x3072xf32, #tpu.memory_space<vmem>> -> memref<1x768x3072xf32, #tpu.memory_space<vmem>>
        %dma_start3A_80 = tpu.memref_squeeze %dma_start3A_79 : memref<1x768x3072xf32, #tpu.memory_space<vmem>> -> memref<768x3072xf32, #tpu.memory_space<vmem>>
        %dma_start3A_81 = arith.constant 0 : i32
        %dma_start3A_82 = arith.constant 0 : i32
        %dma_start3A_83 = tpu.memref_slice %arg3[%get3A_74, %dma_start3A_81, %dma_start3A_82] : memref<8x768x3072xf32, #tpu.memory_space<any>> -> memref<1x768x3072xf32, #tpu.memory_space<any>>
        %dma_start3A_84 = tpu.memref_squeeze %dma_start3A_83 : memref<1x768x3072xf32, #tpu.memory_space<any>> -> memref<768x3072xf32, #tpu.memory_space<any>>
        tpu.enqueue_dma source(%dma_start3A_84 : memref<768x3072xf32, #tpu.memory_space<any>>) target(%dma_start3A_80 : memref<768x3072xf32, #tpu.memory_space<vmem>>) target_semaphore(%dma_start3A_76 : memref<!tpu.dma_semaphore, #tpu.memory_space<semaphore_mem>>)
        %dma_start3A_85 = tpu.memref_slice %arg10[%sub3A_75] : memref<2x!tpu.dma_semaphore, #tpu.memory_space<semaphore_mem>> -> memref<1x!tpu.dma_semaphore, #tpu.memory_space<semaphore_mem>>
        %dma_start3A_86 = tpu.memref_squeeze %dma_start3A_85 : memref<1x!tpu.dma_semaphore, #tpu.memory_space<semaphore_mem>> -> memref<!tpu.dma_semaphore, #tpu.memory_space<semaphore_mem>>
        %dma_start3A_87 = arith.constant 0 : i32
        %dma_start3A_88 = arith.constant 0 : i32
        %dma_start3A_89 = tpu.memref_slice %arg8[%sub3A_75, %dma_start3A_87, %dma_start3A_88] : memref<2x768x3072xf32, #tpu.memory_space<vmem>> -> memref<1x768x3072xf32, #tpu.memory_space<vmem>>
        %dma_start3A_90 = tpu.memref_squeeze %dma_start3A_89 : memref<1x768x3072xf32, #tpu.memory_space<vmem>> -> memref<768x3072xf32, #tpu.memory_space<vmem>>
        %dma_start3A_91 = arith.constant 0 : i32
        %dma_start3A_92 = arith.constant 0 : i32
        %dma_start3A_93 = tpu.memref_slice %arg4[%get3A_74, %dma_start3A_91, %dma_start3A_92] : memref<8x768x3072xf32, #tpu.memory_space<any>> -> memref<1x768x3072xf32, #tpu.memory_space<any>>
        %dma_start3A_94 = tpu.memref_squeeze %dma_start3A_93 : memref<1x768x3072xf32, #tpu.memory_space<any>> -> memref<768x3072xf32, #tpu.memory_space<any>>
        tpu.enqueue_dma source(%dma_start3A_94 : memref<768x3072xf32, #tpu.memory_space<any>>) target(%dma_start3A_90 : memref<768x3072xf32, #tpu.memory_space<vmem>>) target_semaphore(%dma_start3A_86 : memref<!tpu.dma_semaphore, #tpu.memory_space<semaphore_mem>>)
        %dma_start3A_95 = tpu.memref_slice %arg10[%sub3A_75] : memref<2x!tpu.dma_semaphore, #tpu.memory_space<semaphore_mem>> -> memref<1x!tpu.dma_semaphore, #tpu.memory_space<semaphore_mem>>
        %dma_start3A_96 = tpu.memref_squeeze %dma_start3A_95 : memref<1x!tpu.dma_semaphore, #tpu.memory_space<semaphore_mem>> -> memref<!tpu.dma_semaphore, #tpu.memory_space<semaphore_mem>>
        %dma_start3A_97 = arith.constant 0 : i32
        %dma_start3A_98 = arith.constant 0 : i32
        %dma_start3A_99 = tpu.memref_slice %arg9[%sub3A_75, %dma_start3A_97, %dma_start3A_98] : memref<2x3072x768xf32, #tpu.memory_space<vmem>> -> memref<1x3072x768xf32, #tpu.memory_space<vmem>>
        %dma_start3A_100 = tpu.memref_squeeze %dma_start3A_99 : memref<1x3072x768xf32, #tpu.memory_space<vmem>> -> memref<3072x768xf32, #tpu.memory_space<vmem>>
        %dma_start3A_101 = arith.constant 0 : i32
        %dma_start3A_102 = arith.constant 0 : i32
        %dma_start3A_103 = tpu.memref_slice %arg5[%get3A_74, %dma_start3A_101, %dma_start3A_102] : memref<8x3072x768xf32, #tpu.memory_space<any>> -> memref<1x3072x768xf32, #tpu.memory_space<any>>
        %dma_start3A_104 = tpu.memref_squeeze %dma_start3A_103 : memref<1x3072x768xf32, #tpu.memory_space<any>> -> memref<3072x768xf32, #tpu.memory_space<any>>
        tpu.enqueue_dma source(%dma_start3A_104 : memref<3072x768xf32, #tpu.memory_space<any>>) target(%dma_start3A_100 : memref<3072x768xf32, #tpu.memory_space<vmem>>) target_semaphore(%dma_start3A_96 : memref<!tpu.dma_semaphore, #tpu.memory_space<semaphore_mem>>)
      } else {
      }
    } else {
    }
    %lt3A_22 = arith.cmpi slt, %arg0, %get3A_1 : i32
    %convert_element_type3A_23 = arith.extui %lt3A_22 : i1 to i32
    %cond3A_24 = arith.constant 0 : i32
    %cond3A_25 = arith.cmpi ne, %convert_element_type3A_23, %cond3A_24 : i32
    scf.if %cond3A_25 {
      %get3A_26 = arith.constant 0 : index
      %get3A_27 = arith.constant 0 : index
      %get3A_28 = vector.load %arg2[%get3A_26, %get3A_27] : memref<256x768xf32, #tpu.memory_space<vmem>>, vector<256x768xf32>
      %get3A_29 = arith.index_cast %rem3A_14 : i32 to index
      %get3A_30 = arith.constant 0 : index
      %get3A_31 = arith.constant 0 : index
      %get3A_32 = vector.load %arg7[%get3A_29, %get3A_30, %get3A_31] : memref<2x768x3072xf32, #tpu.memory_space<vmem>>, vector<1x768x3072xf32>
      %get3A_33 = vector.shape_cast %get3A_32 : vector<1x768x3072xf32> to vector<768x3072xf32>
      %dot_general3A = arith.constant dense<0.000000e+00> : vector<256x3072xf32>
      %dot_general3A_34 = tpu.matmul %get3A_28, %get3A_33, %dot_general3A {dimension_numbers = #tpu.dot_dimension_numbers<[1], [0], [0], [1], [0, 0, 1, 1], [], []>, transpose_lhs_hint = false} : vector<256x768xf32>, vector<768x3072xf32>, vector<256x3072xf32> -> vector<256x3072xf32>
      %get3A_35 = arith.index_cast %rem3A_14 : i32 to index
      %get3A_36 = arith.constant 0 : index
      %get3A_37 = arith.constant 0 : index
      %get3A_38 = vector.load %arg8[%get3A_35, %get3A_36, %get3A_37] : memref<2x768x3072xf32, #tpu.memory_space<vmem>>, vector<1x768x3072xf32>
      %get3A_39 = vector.shape_cast %get3A_38 : vector<1x768x3072xf32> to vector<768x3072xf32>
      %dot_general3A_40 = arith.constant dense<0.000000e+00> : vector<256x3072xf32>
      %dot_general3A_41 = tpu.matmul %get3A_28, %get3A_39, %dot_general3A_40 {dimension_numbers = #tpu.dot_dimension_numbers<[1], [0], [0], [1], [0, 0, 1, 1], [], []>, transpose_lhs_hint = false} : vector<256x768xf32>, vector<768x3072xf32>, vector<256x3072xf32> -> vector<256x3072xf32>
      %neg3A = arith.constant 0.000000e+00 : f32
      %neg3A_42 = vector.broadcast %neg3A : f32 to vector<256x3072xf32>
      %neg3A_43 = arith.subf %neg3A_42, %dot_general3A_34 : vector<256x3072xf32>
      %exp3A = math.exp %neg3A_43 : vector<256x3072xf32>
      %add3A_44 = arith.constant 1.000000e+00 : f32
      %add3A_45 = vector.broadcast %add3A_44 : f32 to vector<256x3072xf32>
      %add3A_46 = arith.addf %add3A_45, %exp3A : vector<256x3072xf32>
      %div3A = arith.constant 1.000000e+00 : f32
      %div3A_47 = vector.broadcast %div3A : f32 to vector<256x3072xf32>
      %div3A_48 = arith.divf %div3A_47, %add3A_46 : vector<256x3072xf32>
      %mul3A = arith.mulf %dot_general3A_34, %div3A_48 : vector<256x3072xf32>
      %mul3A_49 = arith.mulf %mul3A, %dot_general3A_41 : vector<256x3072xf32>
      %get3A_50 = arith.index_cast %rem3A_14 : i32 to index
      %get3A_51 = arith.constant 0 : index
      %get3A_52 = arith.constant 0 : index
      %get3A_53 = vector.load %arg9[%get3A_50, %get3A_51, %get3A_52] : memref<2x3072x768xf32, #tpu.memory_space<vmem>>, vector<1x3072x768xf32>
      %get3A_54 = vector.shape_cast %get3A_53 : vector<1x3072x768xf32> to vector<3072x768xf32>
      %dot_general3A_55 = arith.constant dense<0.000000e+00> : vector<256x768xf32>
      %dot_general3A_56 = tpu.matmul %mul3A_49, %get3A_54, %dot_general3A_55 {dimension_numbers = #tpu.dot_dimension_numbers<[1], [0], [0], [1], [0, 0, 1, 1], [], []>, transpose_lhs_hint = false} : vector<256x3072xf32>, vector<3072x768xf32>, vector<256x768xf32> -> vector<256x768xf32>
      %swap3A = arith.constant 0 : index
      %swap3A_57 = arith.constant 0 : index
      %swap3A_58 = vector.load %arg6[%swap3A, %swap3A_57] : memref<256x768xf32, #tpu.memory_space<vmem>>, vector<256x768xf32>
      tpu.vector_store %arg6[%swap3A, %swap3A_57], %dot_general3A_56 {strides = array<i32>} : memref<256x768xf32, #tpu.memory_space<vmem>>, vector<256x768xf32>,
    } else {
    }
    return
  }
  func.func @transform_0(%arg0: i32, %arg1: memref<1x128xi32, #tpu.memory_space<smem>>) -> (i32, i32) {
    %add3A = arith.constant 32 : i32
    %add3A_0 = arith.addi %add3A, %arg0 : i32
    %get3A = arith.constant 0 : index
    %get3A_1 = arith.index_cast %add3A_0 : i32 to index
    %get3A_2 = memref.load %arg1[%get3A, %get3A_1] : memref<1x128xi32, #tpu.memory_space<smem>>
    %c0_i32 = arith.constant 0 : i32
    %c0_i32_3 = arith.constant 0 : i32
    return %get3A_2, %c0_i32 : i32, i32
  }
  func.func @transform_4(%arg0: i32, %arg1: memref<1x128xi32, #tpu.memory_space<smem>>) -> (i32, i32) {
    %c0_i32 = arith.constant 0 : i32
    %c0_i32_0 = arith.constant 0 : i32
    return %arg0, %c0_i32 : i32, i32
  }
}

</mosaic_0001>

<sc_bundles>
// kernel: kernel.6.cloned.1.call-start
scs
__scs_entry_jumppad:
0x0: {  	(pc) =	sbr.rel $0x88, $3  }
0x1: {  	(tag) =	ssettag $0x0;
	lr =	simm.s32 $0x1  }
0x2: {  	[smem:$0x3F9C] =	sst lr;
	_ =	strace $0xD0000000  }
0x3: {  	_ = 	snop  }
0x4: {  	_ = 	snop  }
0x5: {  	_ = 	snop  }
0x6: {  	_ = 	snop  }
0x7: {  	_ = 	snop  }
__scs_overlays_trampoline_lowered:
0x8: {  	[smem:$0x3FAB] =	sst s0  }
0x9: {  	[smem:$0x3FAC] =	sst s1  }
0xa: {  	[smem:$0x3FAD] =	sst s2  }
0xb: {  	[smem:$0x3FAE] =	sst s3  }
0xc: {  	[smem:$0x3FAF] =	sst s4  }
0xd: {  	[smem:$0x3FB0] =	sst s5  }
0xe: {  	[smem:$0x3FB1] =	sst s6  }
0xf: {  	[smem:$0x3FB2] =	sst s7  }
0x10: {  	[smem:$0x3FB3] =	sst s8  }
0x11: {  	[smem:$0x3FB4] =	sst s9;
	s0 =	simm.s32 @!p0 $0x0  }
0x12: {  	s1 =	sld [smem:$0x3F9A];
	s0 =	simm.s32 @p0 $0x1  }
0x13: {  	[smem:$0x3FB5] =	sst s0;
	s0 =	simm.s32 @!p1 $0x0  }
0x14: {  	s2 =	sld [smem:$0x3F99];
	s0 =	simm.s32 @p1 $0x1  }
0x15: {  	[smem:$0x3FB6] =	sst s0;
	s0 =	simm.s32 @!p2 $0x0  }
0x16: {  	s3 =	sld [smem:$0x3FDB];
	s0 =	simm.s32 @p2 $0x1  }
0x17: {  	s4 =	simm.s32 $0x1BF5;
	[smem:$0x3FB8] =	sst s0  }
0x18: {  	s0 =	sld [smem:$0x3F9B];
	_ =	swait.ge [sflag:s4], $0x0  }
0x19: {  	s7 =	sld [smem:$0x3F9C]  }
0x1a: {  	s8 =	sadd.s32 $0xFFFFE003, lr  }
0x1b: {  	s9 =	sadd.s32 $0xFFFFFEF7, lr;
	s5 =	simm.s32 $0xFFFFFFFF;
	p2 =	slt.u32 s8, $0xFFFFF086  }
0x1c: {  	p1 =	slt.u32 s9, $0xF7A;
	s5 =	simm.s32 @!p2 $0x0  }
0x1d: {  	s5 =	simm.s32 @p1 $0x1;
	p0 =	seq.s32 s7, s2  }
0x1e: {  	s7 =	smul.u32 @!p0 $0xF7A, s2;
	p2 =	seq.s32 @!p0 s5, $0x0  }
0x1f: {  	s9 =	smul.u32 $0xF7A, s1;
	s8 =	simm.s32 @!p0 $0x1BF5;
	p2 =	por !p2, p0  }
0x20: {  	[sflag:s8] =	ssyncset.s32 @!p0 $0xFFFFF086;
	s6 =	sadd.s32 @!p0 s3, s7;
	s7 =	simm.s32 @!p0 $0x108  }
0x21: {  	s3 =	sadd.s32 s3, s9;
	s6 =	sadd.s32 @!p0 $0x88, s6;
	s7 =	simm.s32 @p2 $0x1082  }
0x22: {  	[simem:s7], [sflag:s8] =	dma.local @!p0 [hbm:s6], $0xF7A  }
0x23: {  	s9 =	sor.u32 $0xD0000000, s2;
	s6 =	simm.s32 $0x108;
	_ =	swait.ge @!p0 [sflag:s8], $0x0  }
0x24: {  	s3 =	sadd.s32 $0x88, s3;
	s6 =	simm.s32 @!p1 $0x1082;
	[sflag:s4] =	ssyncset.s32 $0xFFFFF086  }
0x25: {  	[simem:s6], [sflag:s4] =	dma.local [hbm:s3], $0xF7A  }
0x26: {  	[smem:$0x3F9C] =	sst s1;
	(tag) =	ssettag s2;
	_ =	strace s9  }
0x27: {  	s1 =	sld [smem:$0x3FAC]  }
0x28: {  	s2 =	sld [smem:$0x3FAD]  }
0x29: {  	s4 =	sld [smem:$0x3FAF]  }
0x2a: {  	p0 =	seq.s32 s5, $0x0;
	s5 =	sld [smem:$0x3FB0]  }
0x2b: {  	s6 =	sld [smem:$0x3FB1]  }
0x2c: {  	s7 =	sld [smem:$0x3FB2]  }
0x2d: {  	s3 =	simm.s32 $0x108;
	s8 =	sld [smem:$0x3FB3]  }
0x2e: {  	s3 =	simm.s32 @!p0 $0x1082;
	s9 =	sld [smem:$0x3FB4]  }
0x2f: {  	lr =	sadd.s32 s0, s3;
	s0 =	sld [smem:$0x3FAB]  }
0x30: {  	s3 =	sld [smem:$0x3FAE]  }
0x31: {  	[smem:$0x3FB7] =	sst s10  }
0x32: {  	s10 =	sld [smem:$0x3FB5];
	_ =	sdelay $0x3  }
0x33: {  	p0 =	seq.s32 s10, $0x1;
	s10 =	sld [smem:$0x3FB7];
	_ =	sdelay $0x3  }
0x34: {  	[smem:$0x3FB7] =	sst s10  }
0x35: {  	s10 =	sld [smem:$0x3FB6];
	_ =	sdelay $0x3  }
0x36: {  	p1 =	seq.s32 s10, $0x1;
	s10 =	sld [smem:$0x3FB7];
	_ =	sdelay $0x3  }
0x37: {  	[smem:$0x3FB7] =	sst s10  }
0x38: {  	s10 =	sld [smem:$0x3FB8]  }
0x39: {  	_ = 	snop;
	(pc) =	sbr.ind lr, $3  }
0x3a: {  	_ = 	snop  }
0x3b: {  	_ = 	snop  }
0x3c: {  	p2 =	seq.s32 s10, $0x1;
	s10 =	sld [smem:$0x3FB7]  }
0x3d: {  	_ =	shalt  }
0x3e: {  	_ =	shalt  }
0x3f: {  	_ =	shalt  }
0x40: {  	_ =	shalt  }
0x41: {  	_ =	shalt  }
0x42: {  	_ =	shalt  }
0x43: {  	_ =	shalt  }
0x44: {  	_ =	shalt  }
0x45: {  	_ =	shalt  }
0x46: {  	_ =	shalt  }
0x47: {  	_ =	shalt  }
0x48: {  	_ =	shalt  }
0x49: {  	_ =	shalt  }
0x4a: {  	_ =	shalt  }
0x4b: {  	_ =	shalt  }
0x4c: {  	_ =	shalt  }
0x4d: {  	_ =	shalt  }
0x4e: {  	_ =	shalt  }
0x4f: {  	_ =	shalt  }
0x50: {  	_ =	shalt  }
0x51: {  	_ =	shalt  }
0x52: {  	_ =	shalt  }
0x53: {  	_ =	shalt  }
0x54: {  	_ =	shalt  }
0x55: {  	_ =	shalt  }
0x56: {  	_ =	shalt  }
0x57: {  	_ =	shalt  }
0x58: {  	_ =	shalt  }
0x59: {  	_ =	shalt  }
0x5a: {  	_ =	shalt  }
0x5b: {  	_ =	shalt  }
0x5c: {  	_ =	shalt  }
0x5d: {  	_ =	shalt  }
0x5e: {  	_ =	shalt  }
0x5f: {  	_ =	shalt  }
0x60: {  	_ =	shalt  }
0x61: {  	_ =	shalt  }
0x62: {  	_ =	shalt  }
0x63: {  	_ =	shalt  }
0x64: {  	_ =	shalt  }
0x65: {  	_ =	shalt  }
0x66: {  	_ =	shalt  }
0x67: {  	_ =	shalt  }
0x68: {  	_ =	shalt  }
0x69: {  	_ =	shalt  }
0x6a: {  	_ =	shalt  }
0x6b: {  	_ =	shalt  }
0x6c: {  	_ =	shalt  }
0x6d: {  	_ =	shalt  }
0x6e: {  	_ =	shalt  }
0x6f: {  	_ =	shalt  }
0x70: {  	_ =	shalt  }
0x71: {  	_ =	shalt  }
0x72: {  	_ =	shalt  }
0x73: {  	_ =	shalt  }
0x74: {  	_ =	shalt  }
0x75: {  	_ =	shalt  }
0x76: {  	_ =	shalt  }
0x77: {  	_ =	shalt  }
0x78: {  	_ =	shalt  }
0x79: {  	_ =	shalt  }
0x7a: {  	_ =	shalt  }
0x7b: {  	_ =	shalt  }
0x7c: {  	_ =	shalt  }
0x7d: {  	_ =	shalt  }
0x7e: {  	_ =	shalt  }
0x7f: {  	_ =	shalt  }
0x80: {  	_ =	shalt  }
0x81: {  	_ =	shalt  }
0x82: {  	_ =	shalt  }
0x83: {  	_ =	shalt  }
0x84: {  	_ =	shalt  }
0x85: {  	_ =	shalt  }
0x86: {  	_ =	shalt  }
0x87: {  	_ =	shalt  }
.Lfunc_end0:
.L_simem_size_0:
called_computation_lowered:
.L_overlay_start_0:
0x88: {  	s2 =	sld [smem:$0x3FD9]  }
0x89: {  	s3 =	sld [smem:$0x3FFE];
	_ =	sdelay $0x1  }
0x8a: {  	s1 =	srdreg.scid  }
0x8b: {  	s0 =	sand.u32 $0x1, s1  }
0x8c: {  	s17 =	sshll.u32 s0, $0xA;
	s2 =	sadd.s32 s3, s2  }
0x8d: {  	s2 =	sadd.s32 s2, s17  }
0x8e: {  	[smem:$0x3FC3] =	sst s2  }
0x8f: {  	_ = 	snop  }
0x90: {  	s2 =	sld [smem:$0x3FC9];
	(tm) =	ssettm $0x1  }
0x91: {  	s18 =	sld [smem:$0x3FFB];
	_ =	sdelay $0x3  }
0x92: {  	_ =	strace s18  }
0x93: {  	s3 =	sld [smem:$0x3FFC];
	_ =	sdelay $0x3  }
0x94: {  	_ =	strace s3  }
0x95: {  	s3 =	sld [smem:$0x3FFD];
	_ =	sdelay $0x3  }
0x96: {  	_ =	strace s3  }
0x97: {  	_ =	strace $0x8FFFFFFF  }
0x98: {  	s19 =	sld [smem:$0x3FDB];
	_ =	sdelay $0x1  }
0x99: {  	s4 =	simm.s32 $_scs_section_size  }
0x9a: {  	s5 =	simm.s32 $_size__tile_overlayer_lowered;
	s6 =	simm.s32 $_tile_overlayer_lowered  }
0x9b: {  	s22 =	simm.s32 $0x1BFF;
	s21 =	sshll.u32 s6, $0x1;
	s3 =	sadd.s32 s4, s19  }
0x9c: {  	s7 =	simm.s32 $0x0;
	s20 =	sshll.u32 s5, $0x1;
	s5 =	sadd.s32 s21, s3  }
0x9d: {  	[timem:s7], [sflag:s22] =	dma.local [hbm:s5], s20  }
0x9e: {  	_ =	swait.ge [sflag:s22], s20  }
0x9f: {  	s4 =	ssub.s32 $0x0, s20;
	[sflag:s22] =	ssyncset.done $0x0  }
0xa0: {  	[sflag:s22] =	ssyncadd.s32 s4;
	_ =	sdelay $0x1  }
0xa1: {  	s23 =	simm.s32 $0x1B8B  }
0xa2: {  	_ =	swait.ge [sflag:s23], $0x1  }
0xa3: {  	[sflag:s23] =	ssyncset.done $0x0  }
0xa4: {  	s25 =	simm.s32 $0x1B8E;
	s24 =	sld [smem:$0x3FFE];
	[sflag:s23] =	ssyncadd.s32 $0xFFFFFFFF  }
0xa5: {  	s26 =	simm.s32 $execute0_lowered;
	[smem:$0x3FD2] =	sst s25  }
0xa6: {  	s5 =	sshll.u32 s26, $0x1;
	_ =	strace $0x80000046;
	[dreg:$0x1] =	wrdreg $0xFFFFFFFF  }
0xa7: {  	s28 =	simm.s32 $_size_execute0_lowered;
	s3 =	sadd.s32 s3, s5;
	[dreg:$0x0] =	wrdreg $0x0  }
0xa8: {  	s5 =	sshll.u32 s28, $0x1;
	[dreg:$0x2] =	wrdreg s3  }
0xa9: {  	[dreg:$0x3] =	wrdreg s5  }
0xaa: {  	[dreg:$0x4] =	wrdreg $0xC0  }
0xab: {  	_ =	task [dreg:s7], $0x5FFFF  }
0xac: {  	[dreg:$0x1] =	wrdreg $0xFFFFFFFF  }
0xad: {  	[dreg:$0x0] =	wrdreg $0x60  }
0xae: {  	[dreg:$0x2] =	wrdreg s2  }
0xaf: {  	[dreg:$0x3] =	wrdreg s24  }
0xb0: {  	[dreg:$0x4] =	wrdreg $0x9  }
0xb1: {  	_ =	task.clear_ibuf [dreg:s7], $0x5FFFF;
	_ =	strace $0x90000046  }
0xb2: {  	s29 =	simm.s32 $0x9;
	_ =	strace $0x80000048  }
0xb3: {  	_ =	swait.ge [sflag:s29], $0x1  }
0xb4: {  	[sflag:s29] =	ssyncadd.s32 $0xFFFFFFFF  }
0xb5: {  	_ =	strace $0x90000048  }
0xb6: {  	_ =	sfence  }
0xb7: {  	s30 =	sld [smem:$0x0];
	_ =	sdelay $0x2  }
0xb8: {  	s31 =	sshll.u32 s1, $0xD;
	s1 =	sshrl.u32 s1, $0x2  }
0xb9: {  	s3 =	sand.u32 $0x4000, s31;
	s1 =	sadd.s32 s1, s30  }
0xba: {  	s0 =	sor.u32 s3, s0;
	s1 =	sshll.u32 s1, $0x11  }
0xbb: {  	s0 =	sor.u32 s1, s0  }
0xbc: {  	s0 =	sadd.s32 $0x8F2B, s0  }
0xbd: {  	[sflag:s0] =	ssyncadd.remote.s32 $0x1  }
0xbe: {  	_ =	sfence.sel $0xFFFF  }
0xbf: {  	[dreg:$0x0] =	wrdreg $0xFFFFFFFF;
	(pc) =	sbr.abs _section_cstart, $3  }
0xc0: {  	[dreg:$0x1] =	wrdreg $0xFFFFFFFF  }
0xc1: {  	_ =	task.clear_ibuf [dreg:s7], $0x2FFFF;
	_ =	strace $0x9FFFFFFF  }
0xc2: {  	(tm) =	ssettm $0x7FFFFFFF  }
0xc3: {  	_ =	shalt  }
tec
execute0_lowered:
.L_overlay_start_1:
0x0: {  	(tag) =	ssettag $0x1  }
0x1: {  	s0 =	srdreg.scid;
	s1 =	rddreg [dreg:$0x0]  }
0x2: {  	s2 =	stileid.u32;
	s5 =	rddreg [dreg:$0x1]  }
0x3: {  	s25 =	simm.s32 $0xC000;
	s26 =	simm.s32 $0xC100;
	s8 =	simm.s32 $0x4  }
0x4: {  	s9 =	simm.s32 $0x3;
	s28 =	simm.s32 $0x9800;
	s29 =	simm.s32 $0xA000  }
0x5: {  	s30 =	simm.s32 $0xA800;
	s31 =	simm.s32 $0xB000;
	s10 =	simm.s32 $0x2  }
0x6: {  	s14 =	simm.s32 $0x2000;
	s15 =	simm.s32 $0x2800;
	s16 =	simm.s32 $0x3000  }
0x7: {  	s17 =	simm.s32 $0x3800;
	s18 =	simm.s32 $0x4000;
	s19 =	simm.s32 $0x4800  }
0x8: {  	s20 =	simm.s32 $0x5000;
	s0 =	sand.u32 $0x1, s0;
	s2 =	sshll.u32 s2, $0x1  }
0x9: {  	s21 =	simm.s32 $0x5800;
	s3 =	sor.u32 s0, s2;
	s2 =	simm.s32 $0x0  }
0xa: {  	s0 =	ssub.s32 $0x2, s0;
	s4 =	smul.u32 $0xC000, s3;
	[smem:$0x7FF] =	sst s2  }
0xb: {  	s6 =	smul.u32 $0x1800, s3;
	s3 =	sshll.u32 s3, $0x5;
	s23 =	sshrl.u32 s0, $0x1  }
0xc: {  	_ =	strace $0x80000047;
	s7 =	sadd.s32 s3, s5;
	[dreg:$0x7] =	wrdreg s25  }
0xd: {  	s3 =	sadd.s32 $0x11400, s5;
	s0 =	ssub.s32 s0, s23;
	[dreg:$0x8] =	wrdreg s26  }
0xe: {  	s23 =	simm.s32 $0x7800;
	s25 =	simm.s32 $0x8800;
	s6 =	sadd.s32 s1, s6  }
0xf: {  	s26 =	simm.s32 $0x9000;
	s22 =	sadd.s32 $0x11000, s7;
	[dreg:$0x3] =	wrdreg s6  }
0x10: {  	s4 =	sshrl.u32 s4, $0x3;
	s24 =	sadd.s32 $0x10C00, s7;
	[dreg:$0x5] =	wrdreg s22  }
0x11: {  	s7 =	simm.s32 $0x6000;
	s1 =	sadd.s32 s1, s4;
	[dreg:$0x6] =	wrdreg s24  }
0x12: {  	v2 =	vlaneseq.u32;
	s4 =	sadd.s32 $0x11500, s5;
	s5 =	sadd.s32 $0x11600, s5;
	s6 =	smax.u32 s0, $0x1  }
0x13: {  	vm0 =	vmmov $0xffff;
	v1 =	vshrl.u32 v2, $0x3;
	s22 =	simm.s32 $0x7000;
	s24 =	simm.s32 $0x8000;
	s1 =	sadd.s32 $0xC00, s1  }
0x14: {  	v0 =	vand.u32 $0x7, v2;
	v2 =	vor.u32 $0x8, v2;
	v1 =	vmul.u32 $0x8, v1;
	s0 =	simm.s32 $0x1;
	[dreg:$0x4] =	wrdreg s1;
	s1 =	simm.s32 $0xB800  }
.LBB2_1:
0x15: {  	s11 =	rddreg [dreg:$0x3]  }
0x16: {  	s12 =	rddreg [dreg:$0x5]  }
0x17: {  	[tilespmem:s2], [sflag:$0x3] =	stream.linear.gather [hbm4b:s11+s2], $0x6000, $0x38;
	[tilespmem:$0xC200] =	vst v63  }
0x18: {  	s11 =	rddreg [dreg:$0x4]  }
0x19: {  	[tilespmem:s7], [sflag:$0x3] =	stream.linear.gather [hbm4b:s11+s2], $0x6000, $0x38;
	[tilespmem:$0xC200] =	vst v63  }
0x1a: {  	s13 =	rddreg [dreg:$0x7]  }
0x1b: {  	[tilespmem:s13], [sflag:$0x4] =	stream.linear.gather [hbm4b:s12+s2], $0x100, $0x38;
	[tilespmem:$0xC200] =	vst v63  }
0x1c: {  	_ =	swait.ge [sflag:s8], $0x100  }
0x1d: {  	s12 =	rddreg [dreg:$0x6];
	[sflag:s8] =	ssyncset.done $0x0  }
0x1e: {  	s13 =	rddreg [dreg:$0x8];
	[sflag:s8] =	ssyncadd.s32 $0xFFFFFF00  }
0x1f: {  	[tilespmem:s13], [sflag:$0x4] =	stream.linear.gather [hbm4b:s12+s2], $0x100, $0x38;
	[tilespmem:$0xC200] =	vst v63  }
0x20: {  	_ =	swait.ge [sflag:s8], $0x100  }
0x21: {  	[sflag:s8] =	ssyncset.done $0x0  }
0x22: {  	[sflag:s8] =	ssyncadd.s32 $0xFFFFFF00  }
0x23: {  	_ =	swait.ge [sflag:s9], $0x6000  }
0x24: {  	[sflag:s9] =	ssyncset.done $0x0  }
0x25: {  	[sflag:s9] =	ssyncadd.s32 $0xFFFFA000  }
0x26: {  	v3 =	vld [tilespmem:$0xC000];
	_ =	sdelay $0x4  }
0x27: {  	v4 =	vshrl.u32 v3, $0x3  }
0x28: {  	v4 =	vmul.u32 $0x30, v4  }
0x29: {  	v3 =	vand.u32 $0x7, v3  }
0x2a: {  	v3 =	vor.u32 v3, v4  }
0x2b: {  	v4 =	vperm.xlane v3, v0;
	_ =	sdelay $0x1  }
0x2c: {  	v4 =	vadd.s32 v1, v4;
	_ =	sdelay $0x3  }
0x2d: {  	v3 =	vperm.xlane v3, v2  }
0x2e: {  	[hbm4b:s3+s2] =	stream.indirect_vreg.scatter [tilespmem:s2], [sflag:$0x1], $0x80, v4, vm0, $0xb8;
	[tilespmem:$0xC200] =	vst v63  }
0x2f: {  	s11 =	simm.s32 $0x800;
	v3 =	vadd.s32 v1, v3  }
0x30: {  	[hbm4b:s4+s2] =	stream.indirect_vreg.scatter [tilespmem:s11], [sflag:$0x1], $0x80, v4, vm0, $0xb8;
	[tilespmem:$0xC200] =	vst v63  }
0x31: {  	s12 =	simm.s32 $0x1000  }
0x32: {  	[hbm4b:s5+s2] =	stream.indirect_vreg.scatter [tilespmem:s12], [sflag:$0x1], $0x80, v4, vm0, $0xb8;
	[tilespmem:$0xC200] =	vst v63  }
0x33: {  	s13 =	simm.s32 $0x1800  }
0x34: {  	[hbm4b:s3+s2] =	stream.indirect_vreg.scatter [tilespmem:s13], [sflag:$0x1], $0x80, v3, vm0, $0xb8;
	[tilespmem:$0xC200] =	vst v63  }
0x35: {  	_ = 	snop  }
0x36: {  	[hbm4b:s4+s2] =	stream.indirect_vreg.scatter [tilespmem:s14], [sflag:$0x1], $0x80, v3, vm0, $0xb8;
	[tilespmem:$0xC200] =	vst v63  }
0x37: {  	_ = 	snop  }
0x38: {  	[hbm4b:s5+s2] =	stream.indirect_vreg.scatter [tilespmem:s15], [sflag:$0x1], $0x80, v3, vm0, $0xb8;
	[tilespmem:$0xC200] =	vst v63  }
0x39: {  	v3 =	vld [tilespmem:$0xC010];
	_ =	sdelay $0x4  }
0x3a: {  	v57 =	vshrl.u32 v3, $0x3  }
0x3b: {  	v4 =	vmul.u32 $0x30, v57  }
0x3c: {  	v3 =	vand.u32 $0x7, v3  }
0x3d: {  	v3 =	vor.u32 v3, v4  }
0x3e: {  	v4 =	vperm.xlane v3, v0;
	_ =	sdelay $0x1  }
0x3f: {  	v4 =	vadd.s32 v1, v4;
	_ =	sdelay $0x3  }
0x40: {  	v3 =	vperm.xlane v3, v2  }
0x41: {  	[hbm4b:s3+s2] =	stream.indirect_vreg.scatter [tilespmem:s16], [sflag:$0x1], $0x80, v4, vm0, $0xb8;
	[tilespmem:$0xC200] =	vst v63  }
0x42: {  	v3 =	vadd.s32 v1, v3  }
0x43: {  	[hbm4b:s4+s2] =	stream.indirect_vreg.scatter [tilespmem:s17], [sflag:$0x1], $0x80, v4, vm0, $0xb8;
	[tilespmem:$0xC200] =	vst v63  }
0x44: {  	_ = 	snop  }
0x45: {  	[hbm4b:s5+s2] =	stream.indirect_vreg.scatter [tilespmem:s18], [sflag:$0x1], $0x80, v4, vm0, $0xb8;
	[tilespmem:$0xC200] =	vst v63  }
0x46: {  	_ = 	snop  }
0x47: {  	[hbm4b:s3+s2] =	stream.indirect_vreg.scatter [tilespmem:s19], [sflag:$0x1], $0x80, v3, vm0, $0xb8;
	[tilespmem:$0xC200] =	vst v63  }
0x48: {  	_ = 	snop  }
0x49: {  	[hbm4b:s4+s2] =	stream.indirect_vreg.scatter [tilespmem:s20], [sflag:$0x1], $0x80, v3, vm0, $0xb8;
	[tilespmem:$0xC200] =	vst v63  }
0x4a: {  	_ = 	snop  }
0x4b: {  	[hbm4b:s5+s2] =	stream.indirect_vreg.scatter [tilespmem:s21], [sflag:$0x1], $0x80, v3, vm0, $0xb8;
	[tilespmem:$0xC200] =	vst v63  }
0x4c: {  	v3 =	vld [tilespmem:$0xC100];
	_ =	sdelay $0x4  }
0x4d: {  	v58 =	vshrl.u32 v3, $0x3  }
0x4e: {  	v4 =	vmul.u32 $0x30, v58  }
0x4f: {  	v3 =	vand.u32 $0x7, v3  }
0x50: {  	v3 =	vor.u32 v3, v4  }
0x51: {  	v4 =	vperm.xlane v3, v0;
	_ =	sdelay $0x1  }
0x52: {  	v4 =	vadd.s32 v1, v4;
	_ =	sdelay $0x3  }
0x53: {  	v3 =	vperm.xlane v3, v2  }
0x54: {  	[hbm4b:s3+s2] =	stream.indirect_vreg.scatter [tilespmem:s2], [sflag:$0x2], $0x80, v4, vm0, $0xb8;
	[tilespmem:$0xC200] =	vst v63  }
0x55: {  	v3 =	vadd.s32 v1, v3  }
0x56: {  	[hbm4b:s4+s2] =	stream.indirect_vreg.scatter [tilespmem:s11], [sflag:$0x2], $0x80, v4, vm0, $0xb8;
	[tilespmem:$0xC200] =	vst v63  }
0x57: {  	_ = 	snop  }
0x58: {  	[hbm4b:s5+s2] =	stream.indirect_vreg.scatter [tilespmem:s12], [sflag:$0x2], $0x80, v4, vm0, $0xb8;
	[tilespmem:$0xC200] =	vst v63  }
0x59: {  	_ = 	snop  }
0x5a: {  	[hbm4b:s3+s2] =	stream.indirect_vreg.scatter [tilespmem:s13], [sflag:$0x2], $0x80, v3, vm0, $0xb8;
	[tilespmem:$0xC200] =	vst v63  }
0x5b: {  	_ = 	snop  }
0x5c: {  	[hbm4b:s4+s2] =	stream.indirect_vreg.scatter [tilespmem:s14], [sflag:$0x2], $0x80, v3, vm0, $0xb8;
	[tilespmem:$0xC200] =	vst v63  }
0x5d: {  	_ = 	snop  }
0x5e: {  	[hbm4b:s5+s2] =	stream.indirect_vreg.scatter [tilespmem:s15], [sflag:$0x2], $0x80, v3, vm0, $0xb8;
	[tilespmem:$0xC200] =	vst v63  }
0x5f: {  	v3 =	vld [tilespmem:$0xC110];
	_ =	sdelay $0x4  }
0x60: {  	v59 =	vshrl.u32 v3, $0x3  }
0x61: {  	v4 =	vmul.u32 $0x30, v59  }
0x62: {  	v3 =	vand.u32 $0x7, v3  }
0x63: {  	v3 =	vor.u32 v3, v4  }
0x64: {  	v4 =	vperm.xlane v3, v0;
	_ =	sdelay $0x1  }
0x65: {  	v4 =	vadd.s32 v1, v4;
	_ =	sdelay $0x3  }
0x66: {  	v3 =	vperm.xlane v3, v2  }
0x67: {  	[hbm4b:s3+s2] =	stream.indirect_vreg.scatter [tilespmem:s16], [sflag:$0x2], $0x80, v4, vm0, $0xb8;
	[tilespmem:$0xC200] =	vst v63  }
0x68: {  	v3 =	vadd.s32 v1, v3  }
0x69: {  	[hbm4b:s4+s2] =	stream.indirect_vreg.scatter [tilespmem:s17], [sflag:$0x2], $0x80, v4, vm0, $0xb8;
	[tilespmem:$0xC200] =	vst v63  }
0x6a: {  	_ = 	snop  }
0x6b: {  	[hbm4b:s5+s2] =	stream.indirect_vreg.scatter [tilespmem:s18], [sflag:$0x2], $0x80, v4, vm0, $0xb8;
	[tilespmem:$0xC200] =	vst v63  }
0x6c: {  	_ = 	snop  }
0x6d: {  	[hbm4b:s3+s2] =	stream.indirect_vreg.scatter [tilespmem:s19], [sflag:$0x2], $0x80, v3, vm0, $0xb8;
	[tilespmem:$0xC200] =	vst v63  }
0x6e: {  	_ = 	snop  }
0x6f: {  	[hbm4b:s4+s2] =	stream.indirect_vreg.scatter [tilespmem:s20], [sflag:$0x2], $0x80, v3, vm0, $0xb8;
	[tilespmem:$0xC200] =	vst v63  }
0x70: {  	_ = 	snop  }
0x71: {  	[hbm4b:s5+s2] =	stream.indirect_vreg.scatter [tilespmem:s21], [sflag:$0x2], $0x80, v3, vm0, $0xb8;
	[tilespmem:$0xC200] =	vst v63  }
0x72: {  	_ =	swait.ge [sflag:s9], $0x6000  }
0x73: {  	[sflag:s9] =	ssyncset.done $0x0  }
0x74: {  	[sflag:s9] =	ssyncadd.s32 $0xFFFFA000  }
0x75: {  	v3 =	vld [tilespmem:$0xC080];
	_ =	sdelay $0x4  }
0x76: {  	v60 =	vshrl.u32 v3, $0x3  }
0x77: {  	v4 =	vmul.u32 $0x30, v60  }
0x78: {  	v3 =	vand.u32 $0x7, v3  }
0x79: {  	v3 =	vor.u32 v3, v4  }
0x7a: {  	v4 =	vperm.xlane v3, v0;
	_ =	sdelay $0x1  }
0x7b: {  	v4 =	vadd.s32 v1, v4;
	_ =	sdelay $0x3  }
0x7c: {  	v3 =	vperm.xlane v3, v2  }
0x7d: {  	[hbm4b:s3+s2] =	stream.indirect_vreg.scatter [tilespmem:s7], [sflag:$0x1], $0x80, v4, vm0, $0xb8;
	[tilespmem:$0xC200] =	vst v63  }
0x7e: {  	s13 =	simm.s32 $0x6800;
	v3 =	vadd.s32 v1, v3  }
0x7f: {  	[hbm4b:s4+s2] =	stream.indirect_vreg.scatter [tilespmem:s13], [sflag:$0x1], $0x80, v4, vm0, $0xb8;
	[tilespmem:$0xC200] =	vst v63  }
0x80: {  	_ = 	snop  }
0x81: {  	[hbm4b:s5+s2] =	stream.indirect_vreg.scatter [tilespmem:s22], [sflag:$0x1], $0x80, v4, vm0, $0xb8;
	[tilespmem:$0xC200] =	vst v63  }
0x82: {  	_ = 	snop  }
0x83: {  	[hbm4b:s3+s2] =	stream.indirect_vreg.scatter [tilespmem:s23], [sflag:$0x1], $0x80, v3, vm0, $0xb8;
	[tilespmem:$0xC200] =	vst v63  }
0x84: {  	_ = 	snop  }
0x85: {  	[hbm4b:s4+s2] =	stream.indirect_vreg.scatter [tilespmem:s24], [sflag:$0x1], $0x80, v3, vm0, $0xb8;
	[tilespmem:$0xC200] =	vst v63  }
0x86: {  	_ = 	snop  }
0x87: {  	[hbm4b:s5+s2] =	stream.indirect_vreg.scatter [tilespmem:s25], [sflag:$0x1], $0x80, v3, vm0, $0xb8;
	[tilespmem:$0xC200] =	vst v63  }
0x88: {  	v3 =	vld [tilespmem:$0xC090];
	_ =	sdelay $0x4  }
0x89: {  	v61 =	vshrl.u32 v3, $0x3  }
0x8a: {  	v4 =	vmul.u32 $0x30, v61  }
0x8b: {  	v3 =	vand.u32 $0x7, v3  }
0x8c: {  	v3 =	vor.u32 v3, v4  }
0x8d: {  	v4 =	vperm.xlane v3, v0;
	_ =	sdelay $0x1  }
0x8e: {  	v4 =	vadd.s32 v1, v4;
	_ =	sdelay $0x3  }
0x8f: {  	v3 =	vperm.xlane v3, v2  }
0x90: {  	[hbm4b:s3+s2] =	stream.indirect_vreg.scatter [tilespmem:s26], [sflag:$0x1], $0x80, v4, vm0, $0xb8;
	[tilespmem:$0xC200] =	vst v63  }
0x91: {  	v3 =	vadd.s32 v1, v3  }
0x92: {  	[hbm4b:s4+s2] =	stream.indirect_vreg.scatter [tilespmem:s28], [sflag:$0x1], $0x80, v4, vm0, $0xb8;
	[tilespmem:$0xC200] =	vst v63  }
0x93: {  	_ = 	snop  }
0x94: {  	[hbm4b:s5+s2] =	stream.indirect_vreg.scatter [tilespmem:s29], [sflag:$0x1], $0x80, v4, vm0, $0xb8;
	[tilespmem:$0xC200] =	vst v63  }
0x95: {  	_ = 	snop  }
0x96: {  	[hbm4b:s3+s2] =	stream.indirect_vreg.scatter [tilespmem:s30], [sflag:$0x1], $0x80, v3, vm0, $0xb8;
	[tilespmem:$0xC200] =	vst v63  }
0x97: {  	_ = 	snop  }
0x98: {  	[hbm4b:s4+s2] =	stream.indirect_vreg.scatter [tilespmem:s31], [sflag:$0x1], $0x80, v3, vm0, $0xb8;
	[tilespmem:$0xC200] =	vst v63  }
0x99: {  	_ = 	snop  }
0x9a: {  	[hbm4b:s5+s2] =	stream.indirect_vreg.scatter [tilespmem:s1], [sflag:$0x1], $0x80, v3, vm0, $0xb8;
	[tilespmem:$0xC200] =	vst v63  }
0x9b: {  	v3 =	vld [tilespmem:$0xC180];
	_ =	sdelay $0x4  }
0x9c: {  	v62 =	vshrl.u32 v3, $0x3  }
0x9d: {  	v4 =	vmul.u32 $0x30, v62  }
0x9e: {  	v3 =	vand.u32 $0x7, v3  }
0x9f: {  	v3 =	vor.u32 v3, v4  }
0xa0: {  	v4 =	vperm.xlane v3, v0;
	_ =	sdelay $0x1  }
0xa1: {  	v4 =	vadd.s32 v1, v4;
	_ =	sdelay $0x3  }
0xa2: {  	v3 =	vperm.xlane v3, v2  }
0xa3: {  	[hbm4b:s3+s2] =	stream.indirect_vreg.scatter [tilespmem:s7], [sflag:$0x2], $0x80, v4, vm0, $0xb8;
	[tilespmem:$0xC200] =	vst v63  }
0xa4: {  	v3 =	vadd.s32 v1, v3  }
0xa5: {  	[hbm4b:s4+s2] =	stream.indirect_vreg.scatter [tilespmem:s13], [sflag:$0x2], $0x80, v4, vm0, $0xb8;
	[tilespmem:$0xC200] =	vst v63  }
0xa6: {  	_ = 	snop  }
0xa7: {  	[hbm4b:s5+s2] =	stream.indirect_vreg.scatter [tilespmem:s22], [sflag:$0x2], $0x80, v4, vm0, $0xb8;
	[tilespmem:$0xC200] =	vst v63  }
0xa8: {  	_ = 	snop  }
0xa9: {  	[hbm4b:s3+s2] =	stream.indirect_vreg.scatter [tilespmem:s23], [sflag:$0x2], $0x80, v3, vm0, $0xb8;
	[tilespmem:$0xC200] =	vst v63  }
0xaa: {  	_ = 	snop  }
0xab: {  	[hbm4b:s4+s2] =	stream.indirect_vreg.scatter [tilespmem:s24], [sflag:$0x2], $0x80, v3, vm0, $0xb8;
	[tilespmem:$0xC200] =	vst v63  }
0xac: {  	_ = 	snop  }
0xad: {  	[hbm4b:s5+s2] =	stream.indirect_vreg.scatter [tilespmem:s25], [sflag:$0x2], $0x80, v3, vm0, $0xb8;
	[tilespmem:$0xC200] =	vst v63  }
0xae: {  	v3 =	vld [tilespmem:$0xC190];
	_ =	sdelay $0x4  }
0xaf: {  	v63 =	vshrl.u32 v3, $0x3  }
0xb0: {  	v4 =	vmul.u32 $0x30, v63  }
0xb1: {  	v3 =	vand.u32 $0x7, v3  }
0xb2: {  	v3 =	vor.u32 v3, v4  }
0xb3: {  	v4 =	vperm.xlane v3, v0;
	_ =	sdelay $0x1  }
0xb4: {  	v4 =	vadd.s32 v1, v4;
	_ =	sdelay $0x3  }
0xb5: {  	v3 =	vperm.xlane v3, v2  }
0xb6: {  	[hbm4b:s3+s2] =	stream.indirect_vreg.scatter [tilespmem:s26], [sflag:$0x2], $0x80, v4, vm0, $0xb8;
	[tilespmem:$0xC200] =	vst v63  }
0xb7: {  	v3 =	vadd.s32 v1, v3  }
0xb8: {  	[hbm4b:s4+s2] =	stream.indirect_vreg.scatter [tilespmem:s28], [sflag:$0x2], $0x80, v4, vm0, $0xb8;
	[tilespmem:$0xC200] =	vst v63  }
0xb9: {  	_ = 	snop  }
0xba: {  	[hbm4b:s5+s2] =	stream.indirect_vreg.scatter [tilespmem:s29], [sflag:$0x2], $0x80, v4, vm0, $0xb8;
	[tilespmem:$0xC200] =	vst v63  }
0xbb: {  	_ = 	snop  }
0xbc: {  	[hbm4b:s3+s2] =	stream.indirect_vreg.scatter [tilespmem:s30], [sflag:$0x2], $0x80, v3, vm0, $0xb8;
	[tilespmem:$0xC200] =	vst v63  }
0xbd: {  	_ = 	snop  }
0xbe: {  	[hbm4b:s4+s2] =	stream.indirect_vreg.scatter [tilespmem:s31], [sflag:$0x2], $0x80, v3, vm0, $0xb8;
	[tilespmem:$0xC200] =	vst v63  }
0xbf: {  	_ = 	snop  }
0xc0: {  	[hbm4b:s5+s2] =	stream.indirect_vreg.scatter [tilespmem:s1], [sflag:$0x2], $0x80, v3, vm0, $0xb8;
	[tilespmem:$0xC200] =	vst v63  }
0xc1: {  	_ =	swait.ge [sflag:s0], $0x6000  }
0xc2: {  	[sflag:s0] =	ssyncset.done $0x0  }
0xc3: {  	[sflag:s0] =	ssyncadd.s32 $0xFFFFA000  }
0xc4: {  	_ =	swait.ge [sflag:s10], $0x6000  }
0xc5: {  	[sflag:s10] =	ssyncset.done $0x0  }
0xc6: {  	[sflag:s10] =	ssyncadd.s32 $0xFFFFA000  }
0xc7: {  	p0 =	sne.s32 s6, $0x1;
	_ =	swait.ge [sflag:s0], $0x6000  }
.Ltmp0:
0xc8: {  	[sflag:s0] =	ssyncset.done $0x0;
	(pc) =	sbr.rel @p0 .LBB2_1-.Ltmp0, $4  }
0xc9: {  	[sflag:s0] =	ssyncadd.s32 $0xFFFFA000  }
0xca: {  	_ =	swait.ge [sflag:s10], $0x6000  }
0xcb: {  	[sflag:s10] =	ssyncset.done $0x0  }
0xcc: {  	s6 =	sadd.s32 $0xFFFFFFFF, s6;
	[sflag:s10] =	ssyncadd.s32 $0xFFFFA000  }
0xcd: {  	_ =	sfence.sel $0x180000  }
0xce: {  	[bflag:$0x0] =	sbarrier.arrive $0xFFFF  }
0xcf: {  	_ =	strace $0x90000047  }
0xd0: {  	s0 =	stileid.u32;
	[bflag:$0x2] =	sbarrier.arrive $0xFFFF  }
0xd1: {  	p0 =	sne.s32 s0, $0x0;
	s0 =	rddreg [dreg:$0x2]  }
0xd2: {  	s0 =	sadd.s32 @!p0 $0x100000, s0  }
0xd3: {  	[sflag:s0] =	ssyncadd.tile.s32 @!p0 $0x1;
	_ =	shalt  }
.Lfunc_end2:
_tile_overlayer_lowered:
.L_overlay_start_2:
0xd4: {  	(tag) =	ssettag $0x2  }
0xd5: {  	s0 =	rddreg [dreg:$0x0];
	s2 =	stileid.u32  }
0xd6: {  	s1 =	rddreg [dreg:$0x1];
	p0 =	sne.s32 s2, $0x0  }
0xd7: {  	s3 =	rddreg [dreg:$0x2];
	[bflag:$0x3] =	sbarrier.arrive $0xFFFF;
	s2 =	simm.s32 @!p0 $0x1C04  }
0xd8: {  	[timem:s3], [sflag:s2] =	dma.local @!p0 [hbm:s0], s1  }
0xd9: {  	s0 =	simm.s32 @!p0 $0x4  }
0xda: {  	_ =	swait.ge @!p0 [sflag:s0], s1  }
0xdb: {  	s1 =	ssub.s32 @!p0 $0x0, s1;
	[sflag:s0] =	ssyncset.done @!p0 $0x0  }
0xdc: {  	[sflag:s0] =	ssyncadd.s32 @!p0 s1  }
0xdd: {  	[bflag:$0x3] =	sbarrier.arrive $0xFFFF  }
0xde: {  	_ =	shalt  }

// kernel: kernel.9.cloned.1.call-start
scs
__scs_entry_jumppad:
0x0: {  	(pc) =	sbr.rel $0x88, $3  }
0x1: {  	(tag) =	ssettag $0x0;
	lr =	simm.s32 $0x1  }
0x2: {  	[smem:$0x3F9C] =	sst lr;
	_ =	strace $0xD0000000  }
0x3: {  	_ = 	snop  }
0x4: {  	_ = 	snop  }
0x5: {  	_ = 	snop  }
0x6: {  	_ = 	snop  }
0x7: {  	_ = 	snop  }
__scs_overlays_trampoline_lowered:
0x8: {  	[smem:$0x3FAB] =	sst s0  }
0x9: {  	[smem:$0x3FAC] =	sst s1  }
0xa: {  	[smem:$0x3FAD] =	sst s2  }
0xb: {  	[smem:$0x3FAE] =	sst s3  }
0xc: {  	[smem:$0x3FAF] =	sst s4  }
0xd: {  	[smem:$0x3FB0] =	sst s5  }
0xe: {  	[smem:$0x3FB1] =	sst s6  }
0xf: {  	[smem:$0x3FB2] =	sst s7  }
0x10: {  	[smem:$0x3FB3] =	sst s8  }
0x11: {  	[smem:$0x3FB4] =	sst s9;
	s0 =	simm.s32 @!p0 $0x0  }
0x12: {  	s1 =	sld [smem:$0x3F9A];
	s0 =	simm.s32 @p0 $0x1  }
0x13: {  	[smem:$0x3FB5] =	sst s0;
	s0 =	simm.s32 @!p1 $0x0  }
0x14: {  	s2 =	sld [smem:$0x3F99];
	s0 =	simm.s32 @p1 $0x1  }
0x15: {  	[smem:$0x3FB6] =	sst s0;
	s0 =	simm.s32 @!p2 $0x0  }
0x16: {  	s3 =	sld [smem:$0x3FDB];
	s0 =	simm.s32 @p2 $0x1  }
0x17: {  	s4 =	simm.s32 $0x1BF5;
	[smem:$0x3FB8] =	sst s0  }
0x18: {  	s0 =	sld [smem:$0x3F9B];
	_ =	swait.ge [sflag:s4], $0x0  }
0x19: {  	s7 =	sld [smem:$0x3F9C]  }
0x1a: {  	s8 =	sadd.s32 $0xFFFFE003, lr  }
0x1b: {  	s9 =	sadd.s32 $0xFFFFFEF7, lr;
	s5 =	simm.s32 $0xFFFFFFFF;
	p2 =	slt.u32 s8, $0xFFFFF086  }
0x1c: {  	p1 =	slt.u32 s9, $0xF7A;
	s5 =	simm.s32 @!p2 $0x0  }
0x1d: {  	s5 =	simm.s32 @p1 $0x1;
	p0 =	seq.s32 s7, s2  }
0x1e: {  	s7 =	smul.u32 @!p0 $0xF7A, s2;
	p2 =	seq.s32 @!p0 s5, $0x0  }
0x1f: {  	s9 =	smul.u32 $0xF7A, s1;
	s8 =	simm.s32 @!p0 $0x1BF5;
	p2 =	por !p2, p0  }
0x20: {  	[sflag:s8] =	ssyncset.s32 @!p0 $0xFFFFF086;
	s6 =	sadd.s32 @!p0 s3, s7;
	s7 =	simm.s32 @!p0 $0x108  }
0x21: {  	s3 =	sadd.s32 s3, s9;
	s6 =	sadd.s32 @!p0 $0x88, s6;
	s7 =	simm.s32 @p2 $0x1082  }
0x22: {  	[simem:s7], [sflag:s8] =	dma.local @!p0 [hbm:s6], $0xF7A  }
0x23: {  	s9 =	sor.u32 $0xD0000000, s2;
	s6 =	simm.s32 $0x108;
	_ =	swait.ge @!p0 [sflag:s8], $0x0  }
0x24: {  	s3 =	sadd.s32 $0x88, s3;
	s6 =	simm.s32 @!p1 $0x1082;
	[sflag:s4] =	ssyncset.s32 $0xFFFFF086  }
0x25: {  	[simem:s6], [sflag:s4] =	dma.local [hbm:s3], $0xF7A  }
0x26: {  	[smem:$0x3F9C] =	sst s1;
	(tag) =	ssettag s2;
	_ =	strace s9  }
0x27: {  	s1 =	sld [smem:$0x3FAC]  }
0x28: {  	s2 =	sld [smem:$0x3FAD]  }
0x29: {  	s4 =	sld [smem:$0x3FAF]  }
0x2a: {  	p0 =	seq.s32 s5, $0x0;
	s5 =	sld [smem:$0x3FB0]  }
0x2b: {  	s6 =	sld [smem:$0x3FB1]  }
0x2c: {  	s7 =	sld [smem:$0x3FB2]  }
0x2d: {  	s3 =	simm.s32 $0x108;
	s8 =	sld [smem:$0x3FB3]  }
0x2e: {  	s3 =	simm.s32 @!p0 $0x1082;
	s9 =	sld [smem:$0x3FB4]  }
0x2f: {  	lr =	sadd.s32 s0, s3;
	s0 =	sld [smem:$0x3FAB]  }
0x30: {  	s3 =	sld [smem:$0x3FAE]  }
0x31: {  	[smem:$0x3FB7] =	sst s10  }
0x32: {  	s10 =	sld [smem:$0x3FB5];
	_ =	sdelay $0x3  }
0x33: {  	p0 =	seq.s32 s10, $0x1;
	s10 =	sld [smem:$0x3FB7];
	_ =	sdelay $0x3  }
0x34: {  	[smem:$0x3FB7] =	sst s10  }
0x35: {  	s10 =	sld [smem:$0x3FB6];
	_ =	sdelay $0x3  }
0x36: {  	p1 =	seq.s32 s10, $0x1;
	s10 =	sld [smem:$0x3FB7];
	_ =	sdelay $0x3  }
0x37: {  	[smem:$0x3FB7] =	sst s10  }
0x38: {  	s10 =	sld [smem:$0x3FB8]  }
0x39: {  	_ = 	snop;
	(pc) =	sbr.ind lr, $3  }
0x3a: {  	_ = 	snop  }
0x3b: {  	_ = 	snop  }
0x3c: {  	p2 =	seq.s32 s10, $0x1;
	s10 =	sld [smem:$0x3FB7]  }
0x3d: {  	_ =	shalt  }
0x3e: {  	_ =	shalt  }
0x3f: {  	_ =	shalt  }
0x40: {  	_ =	shalt  }
0x41: {  	_ =	shalt  }
0x42: {  	_ =	shalt  }
0x43: {  	_ =	shalt  }
0x44: {  	_ =	shalt  }
0x45: {  	_ =	shalt  }
0x46: {  	_ =	shalt  }
0x47: {  	_ =	shalt  }
0x48: {  	_ =	shalt  }
0x49: {  	_ =	shalt  }
0x4a: {  	_ =	shalt  }
0x4b: {  	_ =	shalt  }
0x4c: {  	_ =	shalt  }
0x4d: {  	_ =	shalt  }
0x4e: {  	_ =	shalt  }
0x4f: {  	_ =	shalt  }
0x50: {  	_ =	shalt  }
0x51: {  	_ =	shalt  }
0x52: {  	_ =	shalt  }
0x53: {  	_ =	shalt  }
0x54: {  	_ =	shalt  }
0x55: {  	_ =	shalt  }
0x56: {  	_ =	shalt  }
0x57: {  	_ =	shalt  }
0x58: {  	_ =	shalt  }
0x59: {  	_ =	shalt  }
0x5a: {  	_ =	shalt  }
0x5b: {  	_ =	shalt  }
0x5c: {  	_ =	shalt  }
0x5d: {  	_ =	shalt  }
0x5e: {  	_ =	shalt  }
0x5f: {  	_ =	shalt  }
0x60: {  	_ =	shalt  }
0x61: {  	_ =	shalt  }
0x62: {  	_ =	shalt  }
0x63: {  	_ =	shalt  }
0x64: {  	_ =	shalt  }
0x65: {  	_ =	shalt  }
0x66: {  	_ =	shalt  }
0x67: {  	_ =	shalt  }
0x68: {  	_ =	shalt  }
0x69: {  	_ =	shalt  }
0x6a: {  	_ =	shalt  }
0x6b: {  	_ =	shalt  }
0x6c: {  	_ =	shalt  }
0x6d: {  	_ =	shalt  }
0x6e: {  	_ =	shalt  }
0x6f: {  	_ =	shalt  }
0x70: {  	_ =	shalt  }
0x71: {  	_ =	shalt  }
0x72: {  	_ =	shalt  }
0x73: {  	_ =	shalt  }
0x74: {  	_ =	shalt  }
0x75: {  	_ =	shalt  }
0x76: {  	_ =	shalt  }
0x77: {  	_ =	shalt  }
0x78: {  	_ =	shalt  }
0x79: {  	_ =	shalt  }
0x7a: {  	_ =	shalt  }
0x7b: {  	_ =	shalt  }
0x7c: {  	_ =	shalt  }
0x7d: {  	_ =	shalt  }
0x7e: {  	_ =	shalt  }
0x7f: {  	_ =	shalt  }
0x80: {  	_ =	shalt  }
0x81: {  	_ =	shalt  }
0x82: {  	_ =	shalt  }
0x83: {  	_ =	shalt  }
0x84: {  	_ =	shalt  }
0x85: {  	_ =	shalt  }
0x86: {  	_ =	shalt  }
0x87: {  	_ =	shalt  }
.Lfunc_end0:
.L_simem_size_0:
called_computation.1_lowered:
.L_overlay_start_0:
0x88: {  	s2 =	sld [smem:$0x3FD9]  }
0x89: {  	s3 =	sld [smem:$0x3FFE];
	_ =	sdelay $0x1  }
0x8a: {  	s1 =	srdreg.scid  }
0x8b: {  	s0 =	sand.u32 $0x1, s1  }
0x8c: {  	s14 =	sshll.u32 s0, $0xA;
	s2 =	sadd.s32 s3, s2  }
0x8d: {  	s2 =	sadd.s32 s2, s14  }
0x8e: {  	[smem:$0x3FC3] =	sst s2  }
0x8f: {  	_ = 	snop  }
0x90: {  	s2 =	sld [smem:$0x3FD0];
	_ =	sdelay $0x2  }
0x91: {  	s15 =	simm.s32 $0xA;
	s4 =	simm.s32 $0x10  }
0x92: {  	[smem:s4], [sflag:s15] =	dma.local [hbm:s2], $0x1  }
0x93: {  	_ =	swait.eq [sflag:s15], $0x1  }
0x94: {  	[sflag:s15] =	ssyncset.done $0x0  }
0x95: {  	[sflag:s15] =	ssyncadd.s32 $0xFFFFFFFF  }
0x96: {  	s16 =	sld [smem:$0x10];
	(tm) =	ssettm $0x1  }
0x97: {  	s17 =	sld [smem:$0x3FFB];
	_ =	sdelay $0x3  }
0x98: {  	_ =	strace s17  }
0x99: {  	s3 =	sld [smem:$0x3FFC];
	_ =	sdelay $0x3  }
0x9a: {  	_ =	strace s3  }
0x9b: {  	s3 =	sld [smem:$0x3FFD];
	_ =	sdelay $0x3  }
0x9c: {  	_ =	strace s3  }
0x9d: {  	_ =	strace $0x8FFFFFFF  }
0x9e: {  	s18 =	sld [smem:$0x3FDB];
	_ =	sdelay $0x1  }
0x9f: {  	s19 =	simm.s32 $_scs_section_size  }
0xa0: {  	s5 =	simm.s32 $_size__tile_overlayer_lowered;
	s6 =	simm.s32 $_tile_overlayer_lowered  }
0xa1: {  	s22 =	simm.s32 $0x1BFF;
	s21 =	sshll.u32 s6, $0x1;
	s3 =	sadd.s32 s19, s18  }
0xa2: {  	s7 =	simm.s32 $0x0;
	s20 =	sshll.u32 s5, $0x1;
	s5 =	sadd.s32 s21, s3  }
0xa3: {  	[timem:s7], [sflag:s22] =	dma.local [hbm:s5], s20  }
0xa4: {  	_ =	swait.ge [sflag:s22], s20  }
0xa5: {  	s4 =	ssub.s32 $0x0, s20;
	[sflag:s22] =	ssyncset.done $0x0  }
0xa6: {  	[sflag:s22] =	ssyncadd.s32 s4;
	_ =	sdelay $0x1  }
0xa7: {  	s23 =	simm.s32 $0x1B8B  }
0xa8: {  	_ =	swait.ge [sflag:s23], $0x1  }
0xa9: {  	[sflag:s23] =	ssyncset.done $0x0  }
0xaa: {  	s25 =	simm.s32 $0x1B8E;
	s24 =	sld [smem:$0x3FFE];
	[sflag:s23] =	ssyncadd.s32 $0xFFFFFFFF  }
0xab: {  	s26 =	simm.s32 $execute0_lowered;
	[smem:$0x3FD2] =	sst s25  }
0xac: {  	s5 =	sshll.u32 s26, $0x1;
	_ =	strace $0x80000049;
	[dreg:$0x1] =	wrdreg $0xFFFFFFFF  }
0xad: {  	s28 =	simm.s32 $_size_execute0_lowered;
	s3 =	sadd.s32 s3, s5;
	[dreg:$0x0] =	wrdreg $0x0  }
0xae: {  	s5 =	sshll.u32 s28, $0x1;
	[dreg:$0x2] =	wrdreg s3  }
0xaf: {  	[dreg:$0x3] =	wrdreg s5  }
0xb0: {  	[dreg:$0x4] =	wrdreg $0xC0  }
0xb1: {  	_ =	task [dreg:s7], $0x5FFFF  }
0xb2: {  	[dreg:$0x1] =	wrdreg $0xFFFFFFFF  }
0xb3: {  	[dreg:$0x0] =	wrdreg $0x60  }
0xb4: {  	[dreg:$0x2] =	wrdreg s24  }
0xb5: {  	[dreg:$0x3] =	wrdreg s16  }
0xb6: {  	[dreg:$0x4] =	wrdreg $0x9  }
0xb7: {  	_ =	task.clear_ibuf [dreg:s7], $0x5FFFF;
	_ =	strace $0x90000049  }
0xb8: {  	s29 =	simm.s32 $0x9;
	_ =	strace $0x8000004B  }
0xb9: {  	_ =	swait.ge [sflag:s29], $0x1  }
0xba: {  	[sflag:s29] =	ssyncadd.s32 $0xFFFFFFFF  }
0xbb: {  	_ =	strace $0x9000004B  }
0xbc: {  	_ =	sfence  }
0xbd: {  	s30 =	sld [smem:$0x0];
	_ =	sdelay $0x2  }
0xbe: {  	s31 =	sshll.u32 s1, $0xD;
	s1 =	sshrl.u32 s1, $0x2  }
0xbf: {  	s3 =	sand.u32 $0x4000, s31;
	s1 =	sadd.s32 s1, s30  }
0xc0: {  	s0 =	sor.u32 s3, s0;
	s1 =	sshll.u32 s1, $0x11  }
0xc1: {  	s0 =	sor.u32 s1, s0  }
0xc2: {  	s0 =	sadd.s32 $0x8F2B, s0  }
0xc3: {  	[sflag:s0] =	ssyncadd.remote.s32 $0x1  }
0xc4: {  	_ =	sfence.sel $0xFFFF  }
0xc5: {  	[dreg:$0x0] =	wrdreg $0xFFFFFFFF;
	(pc) =	sbr.abs _section_cstart, $3  }
0xc6: {  	[dreg:$0x1] =	wrdreg $0xFFFFFFFF  }
0xc7: {  	_ =	task.clear_ibuf [dreg:s7], $0x2FFFF;
	_ =	strace $0x9FFFFFFF  }
0xc8: {  	(tm) =	ssettm $0x7FFFFFFF  }
0xc9: {  	_ =	shalt  }
tec
execute0_lowered:
.L_overlay_start_1:
0x0: {  	(tag) =	ssettag $0x1  }
0x1: {  	s0 =	rddreg [dreg:$0x0]  }
0x2: {  	s1 =	rddreg [dreg:$0x1];
	s3 =	srdreg.scid  }
0x3: {  	s5 =	stileid.u32;
	s2 =	simm.s32 $0x0;
	s13 =	simm.s32 $0x3  }
0x4: {  	s19 =	simm.s32 $0x6000;
	s12 =	simm.s32 $0x13000;
	s14 =	simm.s32 $0x13800  }
0x5: {  	s15 =	simm.s32 $0x14000;
	s16 =	simm.s32 $0x14800;
	s17 =	simm.s32 $0x15000  }
0x6: {  	s18 =	simm.s32 $0x15800;
	s20 =	simm.s32 $0x16000;
	s21 =	simm.s32 $0x16800  }
0x7: {  	s22 =	simm.s32 $0x17000;
	s23 =	simm.s32 $0x17800;
	s24 =	simm.s32 $0x1  }
0x8: {  	s25 =	simm.s32 $0x2;
	s26 =	simm.s32 $0x0;
	s4 =	sand.u32 $0x1, s3  }
0x9: {  	s29 =	sshll.u32 s5, $0x1;
	[smem:$0x7FF] =	sst s2;
	s3 =	sadd.s32 $0xA1400, s0  }
0xa: {  	s7 =	sor.u32 s4, s29;
	_ =	strace $0x8000004A;
	s4 =	ssub.s32 $0x2, s4  }
0xb: {  	s30 =	sshll.u32 s7, $0x5;
	s6 =	sshll.u32 s7, $0xA;
	s9 =	smul.u32 $0xC000, s7  }
0xc: {  	s8 =	sshrl.u32 s4, $0x1;
	s10 =	smul.u32 $0x1800, s7;
	s7 =	sadd.s32 $0xA1500, s0  }
0xd: {  	s5 =	sadd.s32 s30, s0;
	s6 =	sadd.s32 s6, s0;
	s11 =	ssub.s32 s4, s8  }
0xe: {  	v2 =	vlaneseq.u32;
	s8 =	sadd.s32 $0xA1600, s0;
	s4 =	sadd.s32 $0x11000, s5;
	s9 =	sshrl.u32 s9, $0x3  }
0xf: {  	vm0 =	vmmov $0xffff;
	v1 =	vshrl.u32 v2, $0x3;
	s5 =	sadd.s32 $0x10C00, s5;
	s6 =	sadd.s32 $0xC00, s6;
	s31 =	sadd.s32 s1, s9  }
0x10: {  	v0 =	vand.u32 $0x7, v2;
	v2 =	vor.u32 $0x8, v2;
	v1 =	vmul.u32 $0x8, v1;
	s11 =	smax.u32 s11, $0x1;
	s9 =	sadd.s32 s1, s10;
	s10 =	sadd.s32 $0xC00, s31  }
.LBB2_1:
0x11: {  	s0 =	simm.s32 $0x1A000  }
0x12: {  	[tilespmem:s0], [sflag:$0x3] =	stream.linear.gather [hbm4b:s4+s2], $0x100, $0x38;
	[tilespmem:$0x1A200] =	vst v63  }
0x13: {  	_ =	swait.ge [sflag:s13], $0x100  }
0x14: {  	[sflag:s13] =	ssyncset.done $0x0  }
0x15: {  	s1 =	simm.s32 $0x1A100;
	[sflag:s13] =	ssyncadd.s32 $0xFFFFFF00  }
0x16: {  	[tilespmem:s1], [sflag:$0x3] =	stream.linear.gather [hbm4b:s5+s2], $0x100, $0x38;
	[tilespmem:$0x1A200] =	vst v63  }
0x17: {  	_ =	swait.ge [sflag:s13], $0x100  }
0x18: {  	[sflag:s13] =	ssyncset.done $0x0  }
0x19: {  	s1 =	simm.s32 $0x18000;
	[sflag:s13] =	ssyncadd.s32 $0xFFFFFF00  }
0x1a: {  	[tilespmem:s1], [sflag:$0x3] =	stream.linear.gather [hbm4b:s6+s2], $0x2000, $0x38;
	[tilespmem:$0x1A200] =	vst v63  }
0x1b: {  	_ =	swait.ge [sflag:s13], $0x2000  }
0x1c: {  	[sflag:s13] =	ssyncset.done $0x0  }
0x1d: {  	[sflag:s13] =	ssyncadd.s32 $0xFFFFE000  }
0x1e: {  	v3 =	vld [tilespmem:$0x1A000];
	_ =	sdelay $0x4  }
0x1f: {  	v4 =	vshrl.u32 v3, $0x3  }
0x20: {  	v4 =	vmul.u32 $0x30, v4  }
0x21: {  	v3 =	vand.u32 $0x7, v3  }
0x22: {  	v3 =	vor.u32 v3, v4  }
0x23: {  	v4 =	vperm.xlane v3, v0;
	_ =	sdelay $0x1  }
0x24: {  	v4 =	vadd.s32 v1, v4;
	_ =	sdelay $0x3  }
0x25: {  	v3 =	vperm.xlane v3, v2  }
0x26: {  	[tilespmem:s2], [sflag:$0x1] =	stream.indirect_vreg.gather [hbm4b:s3+s2], $0x80, v4, vm0, $0xb8;
	[tilespmem:$0x1A200] =	vst v63  }
0x27: {  	s1 =	simm.s32 $0x800;
	v3 =	vadd.s32 v1, v3  }
0x28: {  	[tilespmem:s1], [sflag:$0x1] =	stream.indirect_vreg.gather [hbm4b:s7+s2], $0x80, v4, vm0, $0xb8;
	[tilespmem:$0x1A200] =	vst v63  }
0x29: {  	s1 =	simm.s32 $0x1000  }
0x2a: {  	[tilespmem:s1], [sflag:$0x1] =	stream.indirect_vreg.gather [hbm4b:s8+s2], $0x80, v4, vm0, $0xb8;
	[tilespmem:$0x1A200] =	vst v63  }
0x2b: {  	s1 =	simm.s32 $0x1800  }
0x2c: {  	[tilespmem:s1], [sflag:$0x1] =	stream.indirect_vreg.gather [hbm4b:s3+s2], $0x80, v3, vm0, $0xb8;
	[tilespmem:$0x1A200] =	vst v63  }
0x2d: {  	s1 =	simm.s32 $0x2000  }
0x2e: {  	[tilespmem:s1], [sflag:$0x1] =	stream.indirect_vreg.gather [hbm4b:s7+s2], $0x80, v3, vm0, $0xb8;
	[tilespmem:$0x1A200] =	vst v63  }
0x2f: {  	s1 =	simm.s32 $0x2800  }
0x30: {  	[tilespmem:s1], [sflag:$0x1] =	stream.indirect_vreg.gather [hbm4b:s8+s2], $0x80, v3, vm0, $0xb8;
	[tilespmem:$0x1A200] =	vst v63  }
0x31: {  	v3 =	vld [tilespmem:$0x1A010];
	_ =	sdelay $0x4  }
0x32: {  	v4 =	vshrl.u32 v3, $0x3  }
0x33: {  	v4 =	vmul.u32 $0x30, v4  }
0x34: {  	v3 =	vand.u32 $0x7, v3  }
0x35: {  	v3 =	vor.u32 v3, v4  }
0x36: {  	v4 =	vperm.xlane v3, v0;
	_ =	sdelay $0x1  }
0x37: {  	v4 =	vadd.s32 v1, v4;
	_ =	sdelay $0x3  }
0x38: {  	s1 =	simm.s32 $0x3000;
	v3 =	vperm.xlane v3, v2  }
0x39: {  	[tilespmem:s1], [sflag:$0x1] =	stream.indirect_vreg.gather [hbm4b:s3+s2], $0x80, v4, vm0, $0xb8;
	[tilespmem:$0x1A200] =	vst v63  }
0x3a: {  	v3 =	vadd.s32 v1, v3;
	s1 =	simm.s32 $0x3800  }
0x3b: {  	[tilespmem:s1], [sflag:$0x1] =	stream.indirect_vreg.gather [hbm4b:s7+s2], $0x80, v4, vm0, $0xb8;
	[tilespmem:$0x1A200] =	vst v63  }
0x3c: {  	s1 =	simm.s32 $0x4000  }
0x3d: {  	[tilespmem:s1], [sflag:$0x1] =	stream.indirect_vreg.gather [hbm4b:s8+s2], $0x80, v4, vm0, $0xb8;
	[tilespmem:$0x1A200] =	vst v63  }
0x3e: {  	s1 =	simm.s32 $0x4800  }
0x3f: {  	[tilespmem:s1], [sflag:$0x1] =	stream.indirect_vreg.gather [hbm4b:s3+s2], $0x80, v3, vm0, $0xb8;
	[tilespmem:$0x1A200] =	vst v63  }
0x40: {  	s1 =	simm.s32 $0x5000  }
0x41: {  	[tilespmem:s1], [sflag:$0x1] =	stream.indirect_vreg.gather [hbm4b:s7+s2], $0x80, v3, vm0, $0xb8;
	[tilespmem:$0x1A200] =	vst v63  }
0x42: {  	s1 =	simm.s32 $0x5800  }
0x43: {  	[tilespmem:s1], [sflag:$0x1] =	stream.indirect_vreg.gather [hbm4b:s8+s2], $0x80, v3, vm0, $0xb8;
	[tilespmem:$0x1A200] =	vst v63  }
0x44: {  	v3 =	vld [tilespmem:$0x1A100];
	_ =	sdelay $0x4  }
0x45: {  	v4 =	vshrl.u32 v3, $0x3  }
0x46: {  	v4 =	vmul.u32 $0x30, v4  }
0x47: {  	v3 =	vand.u32 $0x7, v3  }
0x48: {  	v3 =	vor.u32 v3, v4  }
0x49: {  	v4 =	vperm.xlane v3, v0;
	_ =	sdelay $0x1  }
0x4a: {  	v4 =	vadd.s32 v1, v4;
	_ =	sdelay $0x3  }
0x4b: {  	s1 =	simm.s32 $0xC000;
	v3 =	vperm.xlane v3, v2  }
0x4c: {  	[tilespmem:s1], [sflag:$0x1] =	stream.indirect_vreg.gather [hbm4b:s3+s2], $0x80, v4, vm0, $0xb8;
	[tilespmem:$0x1A200] =	vst v63  }
0x4d: {  	v3 =	vadd.s32 v1, v3;
	s1 =	simm.s32 $0xC800  }
0x4e: {  	[tilespmem:s1], [sflag:$0x1] =	stream.indirect_vreg.gather [hbm4b:s7+s2], $0x80, v4, vm0, $0xb8;
	[tilespmem:$0x1A200] =	vst v63  }
0x4f: {  	s1 =	simm.s32 $0xD000  }
0x50: {  	[tilespmem:s1], [sflag:$0x1] =	stream.indirect_vreg.gather [hbm4b:s8+s2], $0x80, v4, vm0, $0xb8;
	[tilespmem:$0x1A200] =	vst v63  }
0x51: {  	s1 =	simm.s32 $0xD800  }
0x52: {  	[tilespmem:s1], [sflag:$0x1] =	stream.indirect_vreg.gather [hbm4b:s3+s2], $0x80, v3, vm0, $0xb8;
	[tilespmem:$0x1A200] =	vst v63  }
0x53: {  	s1 =	simm.s32 $0xE000  }
0x54: {  	[tilespmem:s1], [sflag:$0x1] =	stream.indirect_vreg.gather [hbm4b:s7+s2], $0x80, v3, vm0, $0xb8;
	[tilespmem:$0x1A200] =	vst v63  }
0x55: {  	s1 =	simm.s32 $0xE800  }
0x56: {  	[tilespmem:s1], [sflag:$0x1] =	stream.indirect_vreg.gather [hbm4b:s8+s2], $0x80, v3, vm0, $0xb8;
	[tilespmem:$0x1A200] =	vst v63  }
0x57: {  	v3 =	vld [tilespmem:$0x1A110];
	_ =	sdelay $0x4  }
0x58: {  	v4 =	vshrl.u32 v3, $0x3  }
0x59: {  	v4 =	vmul.u32 $0x30, v4  }
0x5a: {  	v3 =	vand.u32 $0x7, v3  }
0x5b: {  	v3 =	vor.u32 v3, v4  }
0x5c: {  	v4 =	vperm.xlane v3, v0;
	_ =	sdelay $0x1  }
0x5d: {  	v4 =	vadd.s32 v1, v4;
	_ =	sdelay $0x3  }
0x5e: {  	s1 =	simm.s32 $0xF000;
	v3 =	vperm.xlane v3, v2  }
0x5f: {  	[tilespmem:s1], [sflag:$0x1] =	stream.indirect_vreg.gather [hbm4b:s3+s2], $0x80, v4, vm0, $0xb8;
	[tilespmem:$0x1A200] =	vst v63  }
0x60: {  	v3 =	vadd.s32 v1, v3;
	s1 =	simm.s32 $0xF800  }
0x61: {  	[tilespmem:s1], [sflag:$0x1] =	stream.indirect_vreg.gather [hbm4b:s7+s2], $0x80, v4, vm0, $0xb8;
	[tilespmem:$0x1A200] =	vst v63  }
0x62: {  	s1 =	simm.s32 $0x10000  }
0x63: {  	[tilespmem:s1], [sflag:$0x1] =	stream.indirect_vreg.gather [hbm4b:s8+s2], $0x80, v4, vm0, $0xb8;
	[tilespmem:$0x1A200] =	vst v63  }
0x64: {  	s1 =	simm.s32 $0x10800  }
0x65: {  	[tilespmem:s1], [sflag:$0x1] =	stream.indirect_vreg.gather [hbm4b:s3+s2], $0x80, v3, vm0, $0xb8;
	[tilespmem:$0x1A200] =	vst v63  }
0x66: {  	s1 =	simm.s32 $0x11000  }
0x67: {  	[tilespmem:s1], [sflag:$0x1] =	stream.indirect_vreg.gather [hbm4b:s7+s2], $0x80, v3, vm0, $0xb8;
	[tilespmem:$0x1A200] =	vst v63  }
0x68: {  	s1 =	simm.s32 $0x11800  }
0x69: {  	[tilespmem:s1], [sflag:$0x1] =	stream.indirect_vreg.gather [hbm4b:s8+s2], $0x80, v3, vm0, $0xb8;
	[tilespmem:$0x1A200] =	vst v63  }
0x6a: {  	v3 =	vld [tilespmem:$0x1A080];
	_ =	sdelay $0x4  }
0x6b: {  	v4 =	vshrl.u32 v3, $0x3  }
0x6c: {  	v4 =	vmul.u32 $0x30, v4  }
0x6d: {  	v3 =	vand.u32 $0x7, v3  }
0x6e: {  	v3 =	vor.u32 v3, v4  }
0x6f: {  	v4 =	vperm.xlane v3, v0;
	_ =	sdelay $0x1  }
0x70: {  	v4 =	vadd.s32 v1, v4;
	_ =	sdelay $0x3  }
0x71: {  	v3 =	vperm.xlane v3, v2  }
0x72: {  	[tilespmem:s19], [sflag:$0x2] =	stream.indirect_vreg.gather [hbm4b:s3+s2], $0x80, v4, vm0, $0xb8;
	[tilespmem:$0x1A200] =	vst v63  }
0x73: {  	s1 =	simm.s32 $0x6800;
	v3 =	vadd.s32 v1, v3  }
0x74: {  	[tilespmem:s1], [sflag:$0x2] =	stream.indirect_vreg.gather [hbm4b:s7+s2], $0x80, v4, vm0, $0xb8;
	[tilespmem:$0x1A200] =	vst v63  }
0x75: {  	s1 =	simm.s32 $0x7000  }
0x76: {  	[tilespmem:s1], [sflag:$0x2] =	stream.indirect_vreg.gather [hbm4b:s8+s2], $0x80, v4, vm0, $0xb8;
	[tilespmem:$0x1A200] =	vst v63  }
0x77: {  	s1 =	simm.s32 $0x7800  }
0x78: {  	[tilespmem:s1], [sflag:$0x2] =	stream.indirect_vreg.gather [hbm4b:s3+s2], $0x80, v3, vm0, $0xb8;
	[tilespmem:$0x1A200] =	vst v63  }
0x79: {  	s1 =	simm.s32 $0x8000  }
0x7a: {  	[tilespmem:s1], [sflag:$0x2] =	stream.indirect_vreg.gather [hbm4b:s7+s2], $0x80, v3, vm0, $0xb8;
	[tilespmem:$0x1A200] =	vst v63  }
0x7b: {  	s1 =	simm.s32 $0x8800  }
0x7c: {  	[tilespmem:s1], [sflag:$0x2] =	stream.indirect_vreg.gather [hbm4b:s8+s2], $0x80, v3, vm0, $0xb8;
	[tilespmem:$0x1A200] =	vst v63  }
0x7d: {  	v3 =	vld [tilespmem:$0x1A090];
	_ =	sdelay $0x4  }
0x7e: {  	v4 =	vshrl.u32 v3, $0x3  }
0x7f: {  	v4 =	vmul.u32 $0x30, v4  }
0x80: {  	v3 =	vand.u32 $0x7, v3  }
0x81: {  	v3 =	vor.u32 v3, v4  }
0x82: {  	v4 =	vperm.xlane v3, v0;
	_ =	sdelay $0x1  }
0x83: {  	v4 =	vadd.s32 v1, v4;
	_ =	sdelay $0x3  }
0x84: {  	s1 =	simm.s32 $0x9000;
	v3 =	vperm.xlane v3, v2  }
0x85: {  	[tilespmem:s1], [sflag:$0x2] =	stream.indirect_vreg.gather [hbm4b:s3+s2], $0x80, v4, vm0, $0xb8;
	[tilespmem:$0x1A200] =	vst v63  }
0x86: {  	v3 =	vadd.s32 v1, v3;
	s1 =	simm.s32 $0x9800  }
0x87: {  	[tilespmem:s1], [sflag:$0x2] =	stream.indirect_vreg.gather [hbm4b:s7+s2], $0x80, v4, vm0, $0xb8;
	[tilespmem:$0x1A200] =	vst v63  }
0x88: {  	s1 =	simm.s32 $0xA000  }
0x89: {  	[tilespmem:s1], [sflag:$0x2] =	stream.indirect_vreg.gather [hbm4b:s8+s2], $0x80, v4, vm0, $0xb8;
	[tilespmem:$0x1A200] =	vst v63  }
0x8a: {  	s1 =	simm.s32 $0xA800  }
0x8b: {  	[tilespmem:s1], [sflag:$0x2] =	stream.indirect_vreg.gather [hbm4b:s3+s2], $0x80, v3, vm0, $0xb8;
	[tilespmem:$0x1A200] =	vst v63  }
0x8c: {  	s1 =	simm.s32 $0xB000  }
0x8d: {  	[tilespmem:s1], [sflag:$0x2] =	stream.indirect_vreg.gather [hbm4b:s7+s2], $0x80, v3, vm0, $0xb8;
	[tilespmem:$0x1A200] =	vst v63  }
0x8e: {  	s1 =	simm.s32 $0xB800  }
0x8f: {  	[tilespmem:s1], [sflag:$0x2] =	stream.indirect_vreg.gather [hbm4b:s8+s2], $0x80, v3, vm0, $0xb8;
	[tilespmem:$0x1A200] =	vst v63  }
0x90: {  	v3 =	vld [tilespmem:$0x1A180];
	_ =	sdelay $0x4  }
0x91: {  	v4 =	vshrl.u32 v3, $0x3  }
0x92: {  	v4 =	vmul.u32 $0x30, v4  }
0x93: {  	v3 =	vand.u32 $0x7, v3  }
0x94: {  	v3 =	vor.u32 v3, v4  }
0x95: {  	v4 =	vperm.xlane v3, v0;
	_ =	sdelay $0x1  }
0x96: {  	v4 =	vadd.s32 v1, v4;
	_ =	sdelay $0x3  }
0x97: {  	s1 =	simm.s32 $0x12000;
	v3 =	vperm.xlane v3, v2  }
0x98: {  	[tilespmem:s1], [sflag:$0x2] =	stream.indirect_vreg.gather [hbm4b:s3+s2], $0x80, v4, vm0, $0xb8;
	[tilespmem:$0x1A200] =	vst v63  }
0x99: {  	v3 =	vadd.s32 v1, v3;
	s1 =	simm.s32 $0x12800  }
0x9a: {  	[tilespmem:s1], [sflag:$0x2] =	stream.indirect_vreg.gather [hbm4b:s7+s2], $0x80, v4, vm0, $0xb8;
	[tilespmem:$0x1A200] =	vst v63  }
0x9b: {  	_ = 	snop  }
0x9c: {  	[tilespmem:s12], [sflag:$0x2] =	stream.indirect_vreg.gather [hbm4b:s8+s2], $0x80, v4, vm0, $0xb8;
	[tilespmem:$0x1A200] =	vst v63  }
0x9d: {  	_ = 	snop  }
0x9e: {  	[tilespmem:s14], [sflag:$0x2] =	stream.indirect_vreg.gather [hbm4b:s3+s2], $0x80, v3, vm0, $0xb8;
	[tilespmem:$0x1A200] =	vst v63  }
0x9f: {  	_ = 	snop  }
0xa0: {  	[tilespmem:s15], [sflag:$0x2] =	stream.indirect_vreg.gather [hbm4b:s7+s2], $0x80, v3, vm0, $0xb8;
	[tilespmem:$0x1A200] =	vst v63  }
0xa1: {  	_ = 	snop  }
0xa2: {  	[tilespmem:s16], [sflag:$0x2] =	stream.indirect_vreg.gather [hbm4b:s8+s2], $0x80, v3, vm0, $0xb8;
	[tilespmem:$0x1A200] =	vst v63  }
0xa3: {  	v3 =	vld [tilespmem:$0x1A190];
	_ =	sdelay $0x4  }
0xa4: {  	v4 =	vshrl.u32 v3, $0x3  }
0xa5: {  	v4 =	vmul.u32 $0x30, v4  }
0xa6: {  	v3 =	vand.u32 $0x7, v3  }
0xa7: {  	v3 =	vor.u32 v3, v4  }
0xa8: {  	v4 =	vperm.xlane v3, v0;
	_ =	sdelay $0x1  }
0xa9: {  	v4 =	vadd.s32 v1, v4;
	_ =	sdelay $0x3  }
0xaa: {  	v3 =	vperm.xlane v3, v2  }
0xab: {  	[tilespmem:s17], [sflag:$0x2] =	stream.indirect_vreg.gather [hbm4b:s3+s2], $0x80, v4, vm0, $0xb8;
	[tilespmem:$0x1A200] =	vst v63  }
0xac: {  	v3 =	vadd.s32 v1, v3  }
0xad: {  	[tilespmem:s18], [sflag:$0x2] =	stream.indirect_vreg.gather [hbm4b:s7+s2], $0x80, v4, vm0, $0xb8;
	[tilespmem:$0x1A200] =	vst v63  }
0xae: {  	_ = 	snop  }
0xaf: {  	[tilespmem:s20], [sflag:$0x2] =	stream.indirect_vreg.gather [hbm4b:s8+s2], $0x80, v4, vm0, $0xb8;
	[tilespmem:$0x1A200] =	vst v63  }
0xb0: {  	_ = 	snop  }
0xb1: {  	[tilespmem:s21], [sflag:$0x2] =	stream.indirect_vreg.gather [hbm4b:s3+s2], $0x80, v3, vm0, $0xb8;
	[tilespmem:$0x1A200] =	vst v63  }
0xb2: {  	_ = 	snop  }
0xb3: {  	[tilespmem:s22], [sflag:$0x2] =	stream.indirect_vreg.gather [hbm4b:s7+s2], $0x80, v3, vm0, $0xb8;
	[tilespmem:$0x1A200] =	vst v63  }
0xb4: {  	_ = 	snop  }
0xb5: {  	[tilespmem:s23], [sflag:$0x2] =	stream.indirect_vreg.gather [hbm4b:s8+s2], $0x80, v3, vm0, $0xb8;
	[tilespmem:$0x1A200] =	vst v63  }
0xb6: {  	_ =	swait.ge [sflag:s24], $0x6000  }
0xb7: {  	[sflag:s24] =	ssyncset.done $0x0  }
0xb8: {  	s28 =	simm.s32 $0x0;
	[sflag:s24] =	ssyncadd.s32 $0xFFFFA000  }
0xb9: {  	s28 =	smul.u32 $0x1800, s28;
	_ =	swait.ge [sflag:s24], $0x6000  }
0xba: {  	s29 =	sand.u32 $0x380, s2;
	[sflag:s24] =	ssyncset.done $0x0  }
0xbb: {  	s31 =	sor.u32 s29, s28;
	[sflag:s24] =	ssyncadd.s32 $0xFFFFA000  }
0xbc: {  	v4 =	vld [tilespmem:s31+$0x10]  }
0xbd: {  	v3 =	vld [tilespmem:s31+$0xC010]  }
0xbe: {  	v6 =	vld [tilespmem:s31+$0x20]  }
0xbf: {  	v5 =	vld [tilespmem:s31+$0xC020]  }
0xc0: {  	v10 =	vld [tilespmem:s31+$0x30]  }
0xc1: {  	v7 =	vld [tilespmem:s31+$0xC030]  }
0xc2: {  	v12 =	vld [tilespmem:s31+$0x40]  }
0xc3: {  	v11 =	vld [tilespmem:s31+$0xC040]  }
0xc4: {  	v13 =	vld [tilespmem:s31+$0x60]  }
0xc5: {  	v14 =	vld [tilespmem:s31+$0x70]  }
0xc6: {  	v15 =	vld [tilespmem:s31+$0x400]  }
0xc7: {  	v16 =	vld [tilespmem:s31+$0x410]  }
0xc8: {  	v17 =	vld [tilespmem:s31+$0x420]  }
0xc9: {  	v18 =	vld [tilespmem:s31+$0x430]  }
0xca: {  	v19 =	vld [tilespmem:s31+$0x440]  }
0xcb: {  	v20 =	vld [tilespmem:s31+$0x450]  }
0xcc: {  	v21 =	vld [tilespmem:s31+$0x460]  }
0xcd: {  	v22 =	vld [tilespmem:s31+$0x470]  }
0xce: {  	v23 =	vld [tilespmem:s31+$0x800]  }
0xcf: {  	v24 =	vld [tilespmem:s31+$0x810]  }
0xd0: {  	v25 =	vld [tilespmem:s31+$0x820]  }
0xd1: {  	v26 =	vld [tilespmem:s31+$0x830]  }
0xd2: {  	v27 =	vld [tilespmem:s31+$0x840]  }
0xd3: {  	v28 =	vld [tilespmem:s31+$0x850]  }
0xd4: {  	v29 =	vld [tilespmem:s31+$0x860]  }
0xd5: {  	v30 =	vld [tilespmem:s31+$0x870]  }
0xd6: {  	v31 =	vld [tilespmem:s31+$0xC00]  }
0xd7: {  	v32 =	vld [tilespmem:s31+$0xC10]  }
0xd8: {  	v33 =	vld [tilespmem:s31+$0xC20]  }
0xd9: {  	v34 =	vld [tilespmem:s31+$0xC30]  }
0xda: {  	v35 =	vld [tilespmem:s31+$0xC40]  }
0xdb: {  	v36 =	vld [tilespmem:s31+$0xC50]  }
0xdc: {  	v37 =	vld [tilespmem:s31+$0xC60]  }
0xdd: {  	v38 =	vld [tilespmem:s31+$0xC70]  }
0xde: {  	v39 =	vld [tilespmem:s31+$0x1000]  }
0xdf: {  	v40 =	vld [tilespmem:s31+$0x1010]  }
0xe0: {  	v41 =	vld [tilespmem:s31+$0x1020]  }
0xe1: {  	v42 =	vld [tilespmem:s31+$0x1030]  }
0xe2: {  	v43 =	vld [tilespmem:s31+$0x1040]  }
0xe3: {  	v44 =	vld [tilespmem:s31+$0x1050]  }
0xe4: {  	v45 =	vld [tilespmem:s31+$0x1060]  }
0xe5: {  	v46 =	vld [tilespmem:s31+$0x1400]  }
0xe6: {  	v47 =	vld [tilespmem:s31+$0x1410]  }
0xe7: {  	v48 =	vld [tilespmem:s31+$0xD410]  }
0xe8: {  	v49 =	vld [tilespmem:s31+$0xD430]  }
0xe9: {  	v50 =	vld [tilespmem:s31+$0x1430]  }
0xea: {  	s29 =	simm.s32 $0x18010;
	v51 =	vld [tilespmem:s31+$0x1420]  }
0xeb: {  	v8 =	vld [tilespmem:s29+$0xFFFFFFF0]  }
0xec: {  	v9 =	vld [tilespmem:s29+$0x0]  }
0xed: {  	v52 =	vld [tilespmem:s31+$0xD420]  }
0xee: {  	v53 =	vld [tilespmem:s31+$0xD400]  }
0xef: {  	v54 =	vld [tilespmem:s31+$0x1070]  }
0xf0: {  	v55 =	vld [tilespmem:s31+$0xD070];
	v50 =	vmul.f32 v50, v8  }
0xf1: {  	v56 =	vld [tilespmem:s31+$0xD060];
	v49 =	vmul.f32 v49, v9;
	v51 =	vmul.f32 v51, v8  }
0xf2: {  	v61 =	vld [tilespmem:s31+$0xD000];
	v52 =	vmul.f32 v52, v9;
	v47 =	vmul.f32 v47, v8  }
0xf3: {  	v57 =	vld [tilespmem:s31+$0xD050];
	v48 =	vmul.f32 v48, v9;
	v46 =	vmul.f32 v46, v8;
	v49 =	vadd.f32 v49, v50  }
0xf4: {  	v58 =	vld [tilespmem:s31+$0xD040];
	v62 =	vmul.f32 v53, v9;
	v63 =	vmul.f32 v54, v8;
	v51 =	vadd.f32 v52, v51  }
0xf5: {  	v53 =	vld [tilespmem:s31+$0xD030];
	v59 =	vmul.f32 v55, v9;
	v45 =	vmul.f32 v45, v8;
	v47 =	vadd.f32 v48, v47;
	[tilespmem:s31+$0x1430] =	vst v49  }
0xf6: {  	v60 =	vmul.f32 v56, v9;
	v56 =	vld [tilespmem:s31+$0xCC60];
	v39 =	vmul.f32 v39, v8;
	v46 =	vadd.f32 v62, v46;
	[tilespmem:s31+$0x1420] =	vst v51  }
0xf7: {  	v61 =	vmul.f32 v61, v9;
	v55 =	vld [tilespmem:s31+$0xC870];
	v12 =	vmul.f32 v12, v8;
	v52 =	vadd.f32 v59, v63;
	[tilespmem:s31+$0x1410] =	vst v47  }
0xf8: {  	v11 =	vmul.f32 v11, v9;
	v10 =	vmul.f32 v10, v8;
	v48 =	vld [tilespmem:s31+$0xD020];
	v45 =	vadd.f32 v60, v45;
	[tilespmem:s31+$0x1400] =	vst v46  }
0xf9: {  	v7 =	vmul.f32 v7, v9;
	v63 =	vmul.f32 v58, v9;
	v58 =	vld [tilespmem:s31+$0xCC50];
	v39 =	vadd.f32 v61, v39;
	[tilespmem:s31+$0x1070] =	vst v52  }
0xfa: {  	v44 =	vmul.f32 v44, v8;
	v62 =	vmul.f32 v57, v9;
	v59 =	vld [tilespmem:s31+$0xCC40];
	v11 =	vadd.f32 v11, v12;
	[tilespmem:s31+$0x1060] =	vst v45  }
0xfb: {  	v43 =	vmul.f32 v43, v8;
	v60 =	vld [tilespmem:s31+$0xCC30];
	v7 =	vadd.f32 v7, v10;
	[tilespmem:s31+$0x1000] =	vst v39  }
0xfc: {  	v42 =	vmul.f32 v42, v8;
	v61 =	vld [tilespmem:s31+$0xC810];
	v44 =	vadd.f32 v62, v44;
	[tilespmem:s31+$0x40] =	vst v11;
	v57 =	vmul.f32 v53, v9  }
0xfd: {  	v37 =	vmul.f32 v37, v8;
	v49 =	vld [tilespmem:s31+$0xD010];
	v43 =	vadd.f32 v63, v43;
	[tilespmem:s31+$0x30] =	vst v7;
	v46 =	vmul.f32 v56, v9  }
0xfe: {  	v41 =	vmul.f32 v41, v8;
	v47 =	vld [tilespmem:s31+$0xCC70];
	[tilespmem:s31+$0x1050] =	vst v44;
	v48 =	vmul.f32 v48, v9;
	v42 =	vadd.f32 v57, v42  }
0xff: {  	v36 =	vmul.f32 v36, v8;
	v62 =	vld [tilespmem:s31+$0xCC20];
	[tilespmem:s31+$0x1040] =	vst v43;
	v54 =	vmul.f32 v58, v9;
	v37 =	vadd.f32 v46, v37  }
0x100: {  	v35 =	vmul.f32 v35, v8;
	v63 =	vld [tilespmem:s31+$0xCC10];
	v45 =	vmul.f32 v59, v9;
	v41 =	vadd.f32 v48, v41;
	[tilespmem:s31+$0x1030] =	vst v42  }
0x101: {  	v34 =	vmul.f32 v34, v8;
	v56 =	vld [tilespmem:s31+$0xC860];
	v44 =	vmul.f32 v60, v9;
	v36 =	vadd.f32 v54, v36;
	[tilespmem:s31+$0xC60] =	vst v37  }
0x102: {  	v40 =	vmul.f32 v40, v8;
	v53 =	vld [tilespmem:s31+$0xCC00];
	v49 =	vmul.f32 v49, v9;
	v35 =	vadd.f32 v45, v35;
	[tilespmem:s31+$0x1020] =	vst v41  }
0x103: {  	v38 =	vmul.f32 v38, v8;
	v12 =	vld [tilespmem:s31+$0x1460];
	v47 =	vmul.f32 v47, v9;
	v34 =	vadd.f32 v44, v34;
	[tilespmem:s31+$0xC50] =	vst v36  }
0x104: {  	v33 =	vmul.f32 v33, v8;
	v58 =	vld [tilespmem:s31+$0xC840];
	v43 =	vmul.f32 v62, v9;
	v40 =	vadd.f32 v49, v40;
	[tilespmem:s31+$0xC40] =	vst v35  }
0x105: {  	v32 =	vmul.f32 v32, v8;
	v57 =	vld [tilespmem:s31+$0xC850];
	v42 =	vmul.f32 v63, v9;
	v38 =	vadd.f32 v47, v38;
	[tilespmem:s31+$0xC30] =	vst v34  }
0x106: {  	v29 =	vmul.f32 v29, v8;
	v60 =	vld [tilespmem:s31+$0xC820];
	v39 =	vmul.f32 v56, v9;
	v33 =	vadd.f32 v43, v33;
	[tilespmem:s31+$0x1010] =	vst v40  }
0x107: {  	v31 =	vmul.f32 v31, v8;
	v59 =	vld [tilespmem:s31+$0xC830];
	v41 =	vmul.f32 v53, v9;
	v32 =	vadd.f32 v42, v32;
	[tilespmem:s31+$0xC70] =	vst v38  }
0x108: {  	v24 =	vmul.f32 v24, v8;
	v62 =	vld [tilespmem:s31+$0xC800];
	v34 =	vmul.f32 v61, v9;
	v29 =	vadd.f32 v39, v29;
	[tilespmem:s31+$0xC20] =	vst v33  }
0x109: {  	v27 =	vmul.f32 v27, v8;
	v63 =	vld [tilespmem:s31+$0xC470];
	v37 =	vmul.f32 v58, v9;
	v31 =	vadd.f32 v41, v31;
	[tilespmem:s31+$0xC10] =	vst v32  }
0x10a: {  	v30 =	vmul.f32 v30, v8;
	v40 =	vmul.f32 v55, v9;
	v24 =	vadd.f32 v34, v24;
	[tilespmem:s31+$0x860] =	vst v29;
	v29 =	vld [tilespmem:s31+$0xC440]  }
0x10b: {  	v25 =	vmul.f32 v25, v8;
	v35 =	vmul.f32 v60, v9;
	v27 =	vadd.f32 v37, v27;
	[tilespmem:s31+$0xC00] =	vst v31;
	v31 =	vld [tilespmem:s31+$0xC460]  }
0x10c: {  	v28 =	vmul.f32 v28, v8;
	v38 =	vmul.f32 v57, v9;
	v30 =	vadd.f32 v40, v30;
	[tilespmem:s31+$0x810] =	vst v24;
	v24 =	vld [tilespmem:s31+$0xC070]  }
0x10d: {  	v23 =	vmul.f32 v23, v8;
	v33 =	vmul.f32 v62, v9;
	v25 =	vadd.f32 v35, v25;
	[tilespmem:s31+$0x840] =	vst v27;
	v27 =	vld [tilespmem:s31+$0xC420]  }
0x10e: {  	v26 =	vmul.f32 v26, v8;
	v36 =	vmul.f32 v59, v9;
	v28 =	vadd.f32 v38, v28;
	[tilespmem:s31+$0x870] =	vst v30;
	v30 =	vld [tilespmem:s31+$0xC450]  }
0x10f: {  	v22 =	vmul.f32 v22, v8;
	v32 =	vmul.f32 v63, v9;
	v23 =	vadd.f32 v33, v23;
	[tilespmem:s31+$0x820] =	vst v25;
	v25 =	vld [tilespmem:s31+$0xC400]  }
0x110: {  	v19 =	vmul.f32 v19, v8;
	v26 =	vadd.f32 v36, v26;
	[tilespmem:s31+$0x850] =	vst v28;
	v28 =	vld [tilespmem:s31+$0xC430];
	v29 =	vmul.f32 v29, v9  }
0x111: {  	v21 =	vmul.f32 v21, v8;
	v22 =	vadd.f32 v32, v22;
	[tilespmem:s31+$0x800] =	vst v23;
	v23 =	vld [tilespmem:s31+$0xC060];
	v31 =	vmul.f32 v31, v9  }
0x112: {  	v17 =	vmul.f32 v17, v8;
	[tilespmem:s31+$0x830] =	vst v26;
	v26 =	vld [tilespmem:s31+$0xC410];
	v27 =	vmul.f32 v27, v9;
	v19 =	vadd.f32 v29, v19  }
0x113: {  	v20 =	vmul.f32 v20, v8;
	[tilespmem:s31+$0x470] =	vst v22;
	v22 =	vld [tilespmem:s31+$0x50];
	v30 =	vmul.f32 v30, v9;
	v21 =	vadd.f32 v31, v21  }
0x114: {  	v15 =	vmul.f32 v15, v8;
	v25 =	vmul.f32 v25, v9;
	v17 =	vadd.f32 v27, v17;
	[tilespmem:s31+$0x440] =	vst v19;
	v19 =	vld [tilespmem:s31+$0xD450]  }
0x115: {  	v18 =	vmul.f32 v18, v8;
	v28 =	vmul.f32 v28, v9;
	v20 =	vadd.f32 v30, v20;
	[tilespmem:s31+$0x460] =	vst v21;
	v21 =	vld [tilespmem:s31+$0xC050]  }
0x116: {  	v13 =	vmul.f32 v13, v8;
	v23 =	vmul.f32 v23, v9;
	v15 =	vadd.f32 v25, v15;
	[tilespmem:s31+$0x420] =	vst v17;
	v17 =	vld [tilespmem:s31+$0x1440]  }
0x117: {  	v6 =	vmul.f32 v6, v8;
	v5 =	vmul.f32 v5, v9;
	v18 =	vadd.f32 v28, v18;
	[tilespmem:s31+$0x450] =	vst v20;
	v20 =	vld [tilespmem:s31+$0xD440]  }
0x118: {  	v14 =	vmul.f32 v14, v8;
	v24 =	vmul.f32 v24, v9;
	v13 =	vadd.f32 v23, v13;
	[tilespmem:s31+$0x400] =	vst v15;
	v15 =	vld [tilespmem:s31+$0x1450]  }
0x119: {  	v4 =	vmul.f32 v4, v8;
	v3 =	vmul.f32 v3, v9;
	v5 =	vadd.f32 v5, v6;
	[tilespmem:s31+$0x430] =	vst v18;
	v18 =	vld [tilespmem:s31+$0xD460]  }
0x11a: {  	v6 =	vld [tilespmem:s31+$0x0];
	v14 =	vadd.f32 v24, v14;
	v10 =	vmul.f32 v22, v8;
	[tilespmem:s31+$0x60] =	vst v13;
	v13 =	vmul.f32 v21, v9  }
0x11b: {  	s28 =	simm.s32 $0x0;
	v16 =	vmul.f32 v16, v8;
	v3 =	vadd.f32 v3, v4;
	v7 =	vld [tilespmem:s31+$0xC000];
	[tilespmem:s31+$0x20] =	vst v5;
	v26 =	vmul.f32 v26, v9  }
0x11c: {  	s30 =	simm.s32 $0x80;
	s28 =	smul.u32 $0x1800, s28;
	[tilespmem:s31+$0x70] =	vst v14;
	v14 =	vld [tilespmem:s31+$0x1470];
	v11 =	vmul.f32 v17, v8;
	v17 =	vmul.f32 v20, v9;
	v4 =	vadd.f32 v13, v10  }
0x11d: {  	s1 =	sand.u32 $0x380, s30;
	[tilespmem:s31+$0x10] =	vst v3;
	v16 =	vadd.f32 v26, v16;
	v5 =	vmul.f32 v15, v8;
	v10 =	vmul.f32 v19, v9  }
0x11e: {  	s28 =	sor.u32 s1, s28;
	v11 =	vadd.f32 v17, v11;
	[tilespmem:s31+$0x50] =	vst v4;
	v4 =	vmul.f32 v12, v8;
	v12 =	vmul.f32 v18, v9  }
0x11f: {  	v3 =	vld [tilespmem:s28+$0x10];
	[tilespmem:s31+$0x410] =	vst v16;
	v5 =	vadd.f32 v10, v5  }
0x120: {  	v7 =	vmul.f32 v7, v9;
	v16 =	vld [tilespmem:s31+$0xD470];
	[tilespmem:s31+$0x1440] =	vst v11;
	v12 =	vadd.f32 v12, v4  }
0x121: {  	v10 =	vmul.f32 v14, v8;
	v8 =	vmul.f32 v6, v8;
	v4 =	vld [tilespmem:s28+$0xC010];
	[tilespmem:s31+$0x1450] =	vst v5  }
0x122: {  	v6 =	vld [tilespmem:s28+$0x20];
	[tilespmem:s31+$0x1460] =	vst v12  }
0x123: {  	v7 =	vadd.f32 v7, v8;
	v5 =	vld [tilespmem:s28+$0xC020]  }
0x124: {  	v8 =	vld [tilespmem:s28+$0x30]  }
0x125: {  	[tilespmem:s31+$0x0] =	vst v7;
	v18 =	vld [tilespmem:s28+$0x430]  }
0x126: {  	v11 =	vmul.f32 v16, v9;
	v26 =	vld [tilespmem:s28+$0x830]  }
0x127: {  	v36 =	vld [tilespmem:s28+$0xC30]  }
0x128: {  	v9 =	vadd.f32 v11, v10;
	v44 =	vld [tilespmem:s28+$0x1030]  }
0x129: {  	v48 =	vld [tilespmem:s28+$0x1400]  }
0x12a: {  	[tilespmem:s31+$0x1470] =	vst v9;
	v50 =	vld [tilespmem:s28+$0x1410]  }
0x12b: {  	v7 =	vld [tilespmem:s28+$0xC030]  }
0x12c: {  	v10 =	vld [tilespmem:s28+$0x40]  }
0x12d: {  	v9 =	vld [tilespmem:s28+$0xC040]  }
0x12e: {  	v12 =	vld [tilespmem:s28+$0x50]  }
0x12f: {  	v11 =	vld [tilespmem:s28+$0xC050]  }
0x130: {  	v13 =	vld [tilespmem:s28+$0x60]  }
0x131: {  	v14 =	vld [tilespmem:s28+$0x70]  }
0x132: {  	v15 =	vld [tilespmem:s28+$0x400]  }
0x133: {  	v16 =	vld [tilespmem:s28+$0x410]  }
0x134: {  	v17 =	vld [tilespmem:s28+$0x420]  }
0x135: {  	v19 =	vld [tilespmem:s28+$0x440]  }
0x136: {  	v20 =	vld [tilespmem:s28+$0x450]  }
0x137: {  	v21 =	vld [tilespmem:s28+$0x460]  }
0x138: {  	v22 =	vld [tilespmem:s28+$0x470]  }
0x139: {  	v23 =	vld [tilespmem:s28+$0x800]  }
0x13a: {  	v24 =	vld [tilespmem:s28+$0x810]  }
0x13b: {  	v25 =	vld [tilespmem:s28+$0x820]  }
0x13c: {  	v27 =	vld [tilespmem:s28+$0x840]  }
0x13d: {  	v28 =	vld [tilespmem:s28+$0x850]  }
0x13e: {  	v29 =	vld [tilespmem:s28+$0x860]  }
0x13f: {  	v30 =	vld [tilespmem:s28+$0x870]  }
0x140: {  	v32 =	vld [tilespmem:s28+$0xC00]  }
0x141: {  	v34 =	vld [tilespmem:s28+$0xC10]  }
0x142: {  	v35 =	vld [tilespmem:s28+$0xC20]  }
0x143: {  	v37 =	vld [tilespmem:s28+$0xC40]  }
0x144: {  	v38 =	vld [tilespmem:s28+$0xC50]  }
0x145: {  	v39 =	vld [tilespmem:s28+$0xC60]  }
0x146: {  	v40 =	vld [tilespmem:s28+$0xC70]  }
0x147: {  	v41 =	vld [tilespmem:s28+$0x1000]  }
0x148: {  	v42 =	vld [tilespmem:s28+$0x1010]  }
0x149: {  	v43 =	vld [tilespmem:s28+$0x1020]  }
0x14a: {  	v45 =	vld [tilespmem:s28+$0x1040]  }
0x14b: {  	v46 =	vld [tilespmem:s28+$0x1050]  }
0x14c: {  	v47 =	vld [tilespmem:s28+$0x1060]  }
0x14d: {  	v49 =	vld [tilespmem:s28+$0xD410]  }
0x14e: {  	s31 =	simm.s32 $0x2;
	v51 =	vld [tilespmem:s28+$0xD430]  }
.LBB2_2:
0x14f: {  	p0 =	sne.s32 s31, $0x1F;
	v52 =	vld [tilespmem:s28+$0x1430]  }
0x150: {  	s29 =	sadd.s32 $0x80, s29;
	v53 =	vld [tilespmem:s28+$0x1420]  }
0x151: {  	v33 =	vld [tilespmem:s29+$0xFFFFFFF0]  }
0x152: {  	v31 =	vld [tilespmem:s29+$0x0]  }
0x153: {  	v54 =	vld [tilespmem:s28+$0xD420]  }
0x154: {  	v55 =	vld [tilespmem:s28+$0xD400]  }
0x155: {  	v56 =	vld [tilespmem:s28+$0x1070]  }
0x156: {  	v57 =	vld [tilespmem:s28+$0xD070];
	v50 =	vmul.f32 v50, v33;
	v53 =	vmul.f32 v53, v33  }
0x157: {  	v52 =	vmul.f32 v52, v33;
	v58 =	vld [tilespmem:s28+$0xD060];
	v51 =	vmul.f32 v51, v31  }
0x158: {  	v49 =	vmul.f32 v49, v31;
	v59 =	vld [tilespmem:s28+$0xD050];
	v54 =	vmul.f32 v54, v31  }
0x159: {  	v48 =	vmul.f32 v48, v33;
	v60 =	vld [tilespmem:s28+$0xD040];
	v55 =	vmul.f32 v55, v31;
	v51 =	vadd.f32 v51, v52  }
0x15a: {  	v49 =	vadd.f32 v49, v50;
	v52 =	vld [tilespmem:s28+$0xD030];
	v56 =	vmul.f32 v56, v33;
	v50 =	vadd.f32 v54, v53  }
0x15b: {  	v47 =	vmul.f32 v47, v33;
	v53 =	vld [tilespmem:s28+$0xD020];
	v54 =	vmul.f32 v57, v31;
	v48 =	vadd.f32 v55, v48;
	[tilespmem:s28+$0x1430] =	vst v51  }
0x15c: {  	v46 =	vmul.f32 v46, v33;
	v51 =	vld [tilespmem:s28+$0xD010];
	v55 =	vmul.f32 v58, v31;
	[tilespmem:s28+$0x1420] =	vst v50  }
0x15d: {  	v45 =	vmul.f32 v45, v33;
	v50 =	vld [tilespmem:s28+$0xD000];
	v57 =	vmul.f32 v59, v31;
	v54 =	vadd.f32 v54, v56;
	[tilespmem:s28+$0x1410] =	vst v49  }
0x15e: {  	v44 =	vmul.f32 v44, v33;
	v49 =	vld [tilespmem:s28+$0xCC70];
	v56 =	vmul.f32 v60, v31;
	v47 =	vadd.f32 v55, v47;
	[tilespmem:s28+$0x1400] =	vst v48  }
0x15f: {  	v43 =	vmul.f32 v43, v33;
	v48 =	vld [tilespmem:s28+$0xCC60];
	v52 =	vmul.f32 v52, v31;
	v46 =	vadd.f32 v57, v46;
	[tilespmem:s28+$0x1070] =	vst v54  }
0x160: {  	v42 =	vmul.f32 v42, v33;
	v54 =	vld [tilespmem:s28+$0xCC50];
	v53 =	vmul.f32 v53, v31;
	v45 =	vadd.f32 v56, v45;
	[tilespmem:s28+$0x1060] =	vst v47  }
0x161: {  	v41 =	vmul.f32 v41, v33;
	v47 =	vld [tilespmem:s28+$0xCC40];
	v51 =	vmul.f32 v51, v31;
	v44 =	vadd.f32 v52, v44;
	[tilespmem:s28+$0x1050] =	vst v46  }
0x162: {  	v40 =	vmul.f32 v40, v33;
	v46 =	vld [tilespmem:s28+$0xCC30];
	v50 =	vmul.f32 v50, v31;
	v43 =	vadd.f32 v53, v43;
	[tilespmem:s28+$0x1040] =	vst v45  }
0x163: {  	v39 =	vmul.f32 v39, v33;
	v45 =	vld [tilespmem:s28+$0xCC20];
	v49 =	vmul.f32 v49, v31;
	v42 =	vadd.f32 v51, v42;
	[tilespmem:s28+$0x1030] =	vst v44  }
0x164: {  	v38 =	vmul.f32 v38, v33;
	v44 =	vld [tilespmem:s28+$0xCC10];
	v48 =	vmul.f32 v48, v31;
	v41 =	vadd.f32 v50, v41;
	[tilespmem:s28+$0x1020] =	vst v43  }
0x165: {  	v37 =	vmul.f32 v37, v33;
	v43 =	vld [tilespmem:s28+$0xCC00];
	v50 =	vmul.f32 v54, v31;
	v40 =	vadd.f32 v49, v40;
	[tilespmem:s28+$0x1010] =	vst v42  }
0x166: {  	v36 =	vmul.f32 v36, v33;
	v42 =	vld [tilespmem:s28+$0xC870];
	v47 =	vmul.f32 v47, v31;
	v39 =	vadd.f32 v48, v39;
	[tilespmem:s28+$0x1000] =	vst v41  }
0x167: {  	v35 =	vmul.f32 v35, v33;
	v41 =	vld [tilespmem:s28+$0xC860];
	v46 =	vmul.f32 v46, v31;
	v38 =	vadd.f32 v50, v38;
	[tilespmem:s28+$0xC70] =	vst v40  }
0x168: {  	v34 =	vmul.f32 v34, v33;
	v40 =	vld [tilespmem:s28+$0xC850];
	v45 =	vmul.f32 v45, v31;
	v37 =	vadd.f32 v47, v37;
	[tilespmem:s28+$0xC60] =	vst v39  }
0x169: {  	v32 =	vmul.f32 v32, v33;
	v39 =	vld [tilespmem:s28+$0xC840];
	v44 =	vmul.f32 v44, v31;
	v36 =	vadd.f32 v46, v36;
	[tilespmem:s28+$0xC50] =	vst v38  }
0x16a: {  	v30 =	vmul.f32 v30, v33;
	v38 =	vld [tilespmem:s28+$0xC830];
	v43 =	vmul.f32 v43, v31;
	v35 =	vadd.f32 v45, v35;
	[tilespmem:s28+$0xC40] =	vst v37  }
0x16b: {  	v29 =	vmul.f32 v29, v33;
	v37 =	vld [tilespmem:s28+$0xC820];
	v42 =	vmul.f32 v42, v31;
	v34 =	vadd.f32 v44, v34;
	[tilespmem:s28+$0xC30] =	vst v36  }
0x16c: {  	v28 =	vmul.f32 v28, v33;
	v36 =	vld [tilespmem:s28+$0xC810];
	v41 =	vmul.f32 v41, v31;
	v32 =	vadd.f32 v43, v32;
	[tilespmem:s28+$0xC20] =	vst v35  }
0x16d: {  	v27 =	vmul.f32 v27, v33;
	v35 =	vld [tilespmem:s28+$0xC800];
	v40 =	vmul.f32 v40, v31;
	v30 =	vadd.f32 v42, v30;
	[tilespmem:s28+$0xC10] =	vst v34  }
0x16e: {  	v26 =	vmul.f32 v26, v33;
	v34 =	vld [tilespmem:s28+$0xC470];
	v39 =	vmul.f32 v39, v31;
	v29 =	vadd.f32 v41, v29;
	[tilespmem:s28+$0xC00] =	vst v32  }
0x16f: {  	v25 =	vmul.f32 v25, v33;
	v32 =	vld [tilespmem:s28+$0xC460];
	v38 =	vmul.f32 v38, v31;
	v28 =	vadd.f32 v40, v28;
	[tilespmem:s28+$0x870] =	vst v30  }
0x170: {  	v24 =	vmul.f32 v24, v33;
	v30 =	vld [tilespmem:s28+$0xC450];
	v37 =	vmul.f32 v37, v31;
	v27 =	vadd.f32 v39, v27;
	[tilespmem:s28+$0x860] =	vst v29  }
0x171: {  	v23 =	vmul.f32 v23, v33;
	v29 =	vld [tilespmem:s28+$0xC440];
	v36 =	vmul.f32 v36, v31;
	v26 =	vadd.f32 v38, v26;
	[tilespmem:s28+$0x850] =	vst v28  }
0x172: {  	v22 =	vmul.f32 v22, v33;
	v28 =	vld [tilespmem:s28+$0xC430];
	v35 =	vmul.f32 v35, v31;
	v25 =	vadd.f32 v37, v25;
	[tilespmem:s28+$0x840] =	vst v27  }
0x173: {  	v21 =	vmul.f32 v21, v33;
	v27 =	vld [tilespmem:s28+$0xC420];
	v34 =	vmul.f32 v34, v31;
	v24 =	vadd.f32 v36, v24;
	[tilespmem:s28+$0x830] =	vst v26  }
0x174: {  	v20 =	vmul.f32 v20, v33;
	v26 =	vld [tilespmem:s28+$0xC410];
	v32 =	vmul.f32 v32, v31;
	v23 =	vadd.f32 v35, v23;
	[tilespmem:s28+$0x820] =	vst v25  }
0x175: {  	v19 =	vmul.f32 v19, v33;
	v25 =	vld [tilespmem:s28+$0xC400];
	v30 =	vmul.f32 v30, v31;
	v22 =	vadd.f32 v34, v22;
	[tilespmem:s28+$0x810] =	vst v24  }
0x176: {  	v18 =	vmul.f32 v18, v33;
	v24 =	vld [tilespmem:s28+$0xC070];
	v29 =	vmul.f32 v29, v31;
	v21 =	vadd.f32 v32, v21;
	[tilespmem:s28+$0x800] =	vst v23  }
0x177: {  	v17 =	vmul.f32 v17, v33;
	v23 =	vld [tilespmem:s28+$0xC060];
	v28 =	vmul.f32 v28, v31;
	v20 =	vadd.f32 v30, v20;
	[tilespmem:s28+$0x470] =	vst v22  }
0x178: {  	v16 =	vmul.f32 v16, v33;
	v22 =	vmul.f32 v27, v31;
	v19 =	vadd.f32 v29, v19;
	[tilespmem:s28+$0x460] =	vst v21;
	v21 =	vld [tilespmem:s28+$0xD440]  }
0x179: {  	v15 =	vmul.f32 v15, v33;
	v26 =	vmul.f32 v26, v31;
	v18 =	vadd.f32 v28, v18;
	[tilespmem:s28+$0x450] =	vst v20;
	v20 =	vld [tilespmem:s28+$0xD450]  }
0x17a: {  	v14 =	vmul.f32 v14, v33;
	v25 =	vmul.f32 v25, v31;
	v17 =	vadd.f32 v22, v17;
	[tilespmem:s28+$0x440] =	vst v19;
	v19 =	vld [tilespmem:s28+$0xD460]  }
0x17b: {  	v13 =	vmul.f32 v13, v33;
	v22 =	vmul.f32 v24, v31;
	v16 =	vadd.f32 v26, v16;
	[tilespmem:s28+$0x430] =	vst v18;
	v18 =	vld [tilespmem:s28+$0xD470]  }
0x17c: {  	v12 =	vmul.f32 v12, v33;
	v23 =	vmul.f32 v23, v31;
	v15 =	vadd.f32 v25, v15;
	[tilespmem:s28+$0x420] =	vst v17;
	v17 =	vld [tilespmem:s28+$0x1440]  }
0x17d: {  	v10 =	vmul.f32 v10, v33;
	v11 =	vmul.f32 v11, v31;
	v14 =	vadd.f32 v22, v14;
	[tilespmem:s28+$0x410] =	vst v16;
	v16 =	vld [tilespmem:s28+$0x1450]  }
0x17e: {  	v8 =	vmul.f32 v8, v33;
	v9 =	vmul.f32 v9, v31;
	v13 =	vadd.f32 v23, v13;
	[tilespmem:s28+$0x400] =	vst v15;
	v15 =	vld [tilespmem:s28+$0x1460]  }
0x17f: {  	v6 =	vmul.f32 v6, v33;
	v7 =	vmul.f32 v7, v31;
	v11 =	vadd.f32 v11, v12;
	[tilespmem:s28+$0x70] =	vst v14;
	v12 =	vld [tilespmem:s28+$0x1470]  }
0x180: {  	v3 =	vmul.f32 v3, v33;
	v5 =	vmul.f32 v5, v31;
	v9 =	vadd.f32 v9, v10;
	v14 =	vld [tilespmem:s28+$0x0];
	[tilespmem:s28+$0x60] =	vst v13  }
0x181: {  	v4 =	vmul.f32 v4, v31;
	v7 =	vadd.f32 v7, v8;
	v10 =	vld [tilespmem:s28+$0xC000];
	[tilespmem:s28+$0x50] =	vst v11;
	v8 =	vmul.f32 v17, v33  }
0x182: {  	s0 =	sshrl.u32 s31, $0x3;
	v5 =	vadd.f32 v5, v6;
	v6 =	vmul.f32 v21, v31;
	[tilespmem:s28+$0x40] =	vst v9;
	v9 =	vmul.f32 v16, v33  }
0x183: {  	s30 =	sadd.s32 $0x80, s30;
	s0 =	smul.u32 $0x1800, s0;
	v3 =	vadd.f32 v4, v3;
	v4 =	vmul.f32 v20, v31;
	[tilespmem:s28+$0x30] =	vst v7;
	v7 =	vmul.f32 v15, v33  }
0x184: {  	s1 =	sand.u32 $0x380, s30;
	[tilespmem:s28+$0x20] =	vst v5;
	v5 =	vadd.f32 v6, v8;
	v6 =	vmul.f32 v19, v31;
	v8 =	vmul.f32 v12, v33  }
0x185: {  	s0 =	sor.u32 s1, s0;
	v9 =	vadd.f32 v4, v9;
	v12 =	vmul.f32 v18, v31;
	v11 =	vmul.f32 v14, v33;
	[tilespmem:s28+$0x10] =	vst v3  }
0x186: {  	v3 =	vld [tilespmem:s0+$0x10];
	v10 =	vmul.f32 v10, v31;
	[tilespmem:s28+$0x1440] =	vst v5;
	v5 =	vadd.f32 v6, v7  }
0x187: {  	v7 =	vadd.f32 v12, v8;
	v4 =	vld [tilespmem:s0+$0xC010];
	[tilespmem:s28+$0x1450] =	vst v9  }
0x188: {  	v6 =	vld [tilespmem:s0+$0x20];
	v9 =	vadd.f32 v10, v11;
	[tilespmem:s28+$0x1460] =	vst v5  }
0x189: {  	v5 =	vld [tilespmem:s0+$0xC020];
	[tilespmem:s28+$0x1470] =	vst v7  }
0x18a: {  	v8 =	vld [tilespmem:s0+$0x30];
	[tilespmem:s28+$0x0] =	vst v9;
	s28 =	smov.u32 s0  }
0x18b: {  	v7 =	vld [tilespmem:s28+$0xC030]  }
0x18c: {  	v10 =	vld [tilespmem:s28+$0x40]  }
0x18d: {  	v9 =	vld [tilespmem:s28+$0xC040]  }
0x18e: {  	v12 =	vld [tilespmem:s28+$0x50]  }
0x18f: {  	v11 =	vld [tilespmem:s28+$0xC050]  }
0x190: {  	v13 =	vld [tilespmem:s28+$0x60]  }
0x191: {  	v14 =	vld [tilespmem:s28+$0x70]  }
0x192: {  	v15 =	vld [tilespmem:s28+$0x400]  }
0x193: {  	v16 =	vld [tilespmem:s28+$0x410]  }
0x194: {  	v17 =	vld [tilespmem:s28+$0x420]  }
0x195: {  	v18 =	vld [tilespmem:s28+$0x430]  }
0x196: {  	v19 =	vld [tilespmem:s28+$0x440]  }
0x197: {  	v20 =	vld [tilespmem:s28+$0x450]  }
0x198: {  	v21 =	vld [tilespmem:s28+$0x460]  }
0x199: {  	v22 =	vld [tilespmem:s28+$0x470]  }
0x19a: {  	v23 =	vld [tilespmem:s28+$0x800]  }
0x19b: {  	v24 =	vld [tilespmem:s28+$0x810]  }
0x19c: {  	v25 =	vld [tilespmem:s28+$0x820]  }
0x19d: {  	v26 =	vld [tilespmem:s28+$0x830]  }
0x19e: {  	v27 =	vld [tilespmem:s28+$0x840]  }
0x19f: {  	v28 =	vld [tilespmem:s28+$0x850]  }
0x1a0: {  	v29 =	vld [tilespmem:s28+$0x860]  }
0x1a1: {  	v30 =	vld [tilespmem:s28+$0x870]  }
0x1a2: {  	v32 =	vld [tilespmem:s28+$0xC00]  }
0x1a3: {  	v34 =	vld [tilespmem:s28+$0xC10]  }
0x1a4: {  	v35 =	vld [tilespmem:s28+$0xC20]  }
0x1a5: {  	v36 =	vld [tilespmem:s28+$0xC30]  }
0x1a6: {  	v37 =	vld [tilespmem:s28+$0xC40]  }
0x1a7: {  	v38 =	vld [tilespmem:s28+$0xC50]  }
0x1a8: {  	v39 =	vld [tilespmem:s28+$0xC60]  }
0x1a9: {  	v40 =	vld [tilespmem:s28+$0xC70]  }
0x1aa: {  	v41 =	vld [tilespmem:s28+$0x1000]  }
0x1ab: {  	v42 =	vld [tilespmem:s28+$0x1010]  }
0x1ac: {  	v43 =	vld [tilespmem:s28+$0x1020]  }
0x1ad: {  	v44 =	vld [tilespmem:s28+$0x1030]  }
0x1ae: {  	v45 =	vld [tilespmem:s28+$0x1040]  }
0x1af: {  	v46 =	vld [tilespmem:s28+$0x1050]  }
.Ltmp0:
0x1b0: {  	v47 =	vld [tilespmem:s28+$0x1060];
	(pc) =	sbr.rel @p0 .LBB2_2-.Ltmp0, $4  }
0x1b1: {  	v48 =	vld [tilespmem:s28+$0x1400]  }
0x1b2: {  	v50 =	vld [tilespmem:s28+$0x1410]  }
0x1b3: {  	v49 =	vld [tilespmem:s28+$0xD410]  }
0x1b4: {  	s31 =	sadd.s32 $0x1, s31;
	v51 =	vld [tilespmem:s28+$0xD430]  }
0x1b5: {  	v52 =	vld [tilespmem:s28+$0x1430]  }
0x1b6: {  	v53 =	vld [tilespmem:s28+$0x1420];
	s0 =	sadd.s32 $0x80, s29  }
0x1b7: {  	v31 =	vld [tilespmem:s0+$0xFFFFFFF0]  }
0x1b8: {  	v33 =	vld [tilespmem:s0+$0x0]  }
0x1b9: {  	v54 =	vld [tilespmem:s28+$0xD420]  }
0x1ba: {  	v55 =	vld [tilespmem:s28+$0xD400]  }
0x1bb: {  	v56 =	vld [tilespmem:s28+$0x1070]  }
0x1bc: {  	v57 =	vld [tilespmem:s28+$0xD070];
	v52 =	vmul.f32 v52, v31  }
0x1bd: {  	v58 =	vld [tilespmem:s28+$0xD060];
	v51 =	vmul.f32 v51, v33;
	v53 =	vmul.f32 v53, v31  }
0x1be: {  	v54 =	vmul.f32 v54, v33;
	v50 =	vmul.f32 v50, v31  }
0x1bf: {  	v49 =	vmul.f32 v49, v33;
	v48 =	vmul.f32 v48, v31  }
0x1c0: {  	v59 =	vld [tilespmem:s28+$0xD050];
	v62 =	vmul.f32 v55, v33;
	v63 =	vmul.f32 v56, v31  }
0x1c1: {  	v60 =	vld [tilespmem:s28+$0xD040];
	v57 =	vmul.f32 v57, v33;
	v47 =	vmul.f32 v47, v31;
	v51 =	vadd.f32 v51, v52  }
0x1c2: {  	v61 =	vld [tilespmem:s28+$0xD020];
	v58 =	vmul.f32 v58, v33;
	v46 =	vmul.f32 v46, v31;
	v53 =	vadd.f32 v54, v53  }
0x1c3: {  	v45 =	vmul.f32 v45, v31;
	v44 =	vmul.f32 v44, v31;
	v52 =	vld [tilespmem:s28+$0xD030];
	v49 =	vadd.f32 v49, v50;
	[tilespmem:s28+$0x1430] =	vst v51  }
0x1c4: {  	v43 =	vmul.f32 v43, v31;
	v42 =	vmul.f32 v42, v31;
	v50 =	vld [tilespmem:s28+$0xD000];
	v48 =	vadd.f32 v62, v48;
	[tilespmem:s28+$0x1420] =	vst v53  }
0x1c5: {  	v41 =	vmul.f32 v41, v31;
	v62 =	vmul.f32 v59, v33;
	v47 =	vadd.f32 v58, v47;
	v59 =	vld [tilespmem:s28+$0xCC20];
	[tilespmem:s28+$0x1410] =	vst v49  }
0x1c6: {  	v40 =	vmul.f32 v40, v31;
	v51 =	vld [tilespmem:s28+$0xD010];
	v53 =	vadd.f32 v57, v63;
	[tilespmem:s28+$0x1400] =	vst v48;
	v63 =	vmul.f32 v60, v33  }
0x1c7: {  	v39 =	vmul.f32 v39, v31;
	v58 =	vmul.f32 v61, v33;
	v49 =	vld [tilespmem:s28+$0xCC70];
	v46 =	vadd.f32 v62, v46;
	[tilespmem:s28+$0x1060] =	vst v47  }
0x1c8: {  	v38 =	vmul.f32 v38, v31;
	v48 =	vld [tilespmem:s28+$0xCC60];
	[tilespmem:s28+$0x1070] =	vst v53;
	v45 =	vadd.f32 v63, v45;
	v52 =	vmul.f32 v52, v33  }
0x1c9: {  	v37 =	vmul.f32 v37, v31;
	v47 =	vld [tilespmem:s28+$0xCC40];
	v43 =	vadd.f32 v58, v43;
	[tilespmem:s28+$0x1050] =	vst v46;
	v50 =	vmul.f32 v50, v33  }
0x1ca: {  	v35 =	vmul.f32 v35, v31;
	v57 =	vld [tilespmem:s28+$0xCC30];
	[tilespmem:s28+$0x1040] =	vst v45;
	v45 =	vmul.f32 v59, v33;
	v44 =	vadd.f32 v52, v44  }
0x1cb: {  	v36 =	vmul.f32 v36, v31;
	v53 =	vld [tilespmem:s28+$0xCC50];
	[tilespmem:s28+$0x1020] =	vst v43;
	v51 =	vmul.f32 v51, v33;
	v41 =	vadd.f32 v50, v41  }
0x1cc: {  	v34 =	vmul.f32 v34, v31;
	v60 =	vld [tilespmem:s28+$0xCC10];
	v49 =	vmul.f32 v49, v33;
	v35 =	vadd.f32 v45, v35;
	[tilespmem:s28+$0x1030] =	vst v44  }
0x1cd: {  	v30 =	vmul.f32 v30, v31;
	v63 =	vld [tilespmem:s28+$0xC860];
	v48 =	vmul.f32 v48, v33;
	v42 =	vadd.f32 v51, v42;
	[tilespmem:s28+$0x1000] =	vst v41  }
0x1ce: {  	v29 =	vmul.f32 v29, v31;
	v58 =	vld [tilespmem:s28+$0xC800];
	v47 =	vmul.f32 v47, v33;
	v40 =	vadd.f32 v49, v40;
	[tilespmem:s28+$0xC20] =	vst v35  }
0x1cf: {  	v28 =	vmul.f32 v28, v31;
	v62 =	vld [tilespmem:s28+$0xC870];
	v46 =	vmul.f32 v57, v33;
	v39 =	vadd.f32 v48, v39;
	[tilespmem:s28+$0x1010] =	vst v42  }
0x1d0: {  	v27 =	vmul.f32 v27, v31;
	v54 =	vld [tilespmem:s28+$0xC840];
	v52 =	vmul.f32 v53, v33;
	v37 =	vadd.f32 v47, v37;
	[tilespmem:s28+$0xC70] =	vst v40  }
0x1d1: {  	v26 =	vmul.f32 v26, v31;
	v53 =	vld [tilespmem:s28+$0xC850];
	v36 =	vadd.f32 v46, v36;
	v44 =	vmul.f32 v60, v33;
	[tilespmem:s28+$0xC60] =	vst v39  }
0x1d2: {  	v25 =	vmul.f32 v25, v31;
	v57 =	vld [tilespmem:s28+$0xC810];
	v41 =	vmul.f32 v63, v33;
	v38 =	vadd.f32 v52, v38;
	[tilespmem:s28+$0xC40] =	vst v37  }
0x1d3: {  	v55 =	vld [tilespmem:s28+$0xC830];
	v23 =	vmul.f32 v23, v31;
	v35 =	vmul.f32 v58, v33;
	[tilespmem:s28+$0xC30] =	vst v36;
	v34 =	vadd.f32 v44, v34  }
0x1d4: {  	v24 =	vmul.f32 v24, v31;
	v59 =	vld [tilespmem:s28+$0xC470];
	v42 =	vmul.f32 v62, v33;
	v29 =	vadd.f32 v41, v29;
	[tilespmem:s28+$0xC50] =	vst v38  }
0x1d5: {  	v56 =	vld [tilespmem:s28+$0xC820];
	v22 =	vmul.f32 v22, v31;
	v39 =	vmul.f32 v54, v33;
	v23 =	vadd.f32 v35, v23;
	[tilespmem:s28+$0xC10] =	vst v34  }
0x1d6: {  	v21 =	vmul.f32 v21, v31;
	v60 =	vld [tilespmem:s28+$0xC460];
	v30 =	vadd.f32 v42, v30;
	[tilespmem:s28+$0x860] =	vst v29;
	v40 =	vmul.f32 v53, v33  }
0x1d7: {  	v20 =	vmul.f32 v20, v31;
	v36 =	vmul.f32 v57, v33;
	v29 =	vld [tilespmem:s28+$0xC440];
	v27 =	vadd.f32 v39, v27;
	[tilespmem:s28+$0x800] =	vst v23  }
0x1d8: {  	v19 =	vmul.f32 v19, v31;
	v38 =	vmul.f32 v55, v33;
	[tilespmem:s28+$0x870] =	vst v30;
	v30 =	vld [tilespmem:s28+$0xC450];
	v28 =	vadd.f32 v40, v28  }
0x1d9: {  	v10 =	vmul.f32 v10, v31;
	v61 =	vld [tilespmem:s28+$0xCC00];
	v34 =	vmul.f32 v59, v33;
	v24 =	vadd.f32 v36, v24;
	[tilespmem:s28+$0x840] =	vst v27  }
0x1da: {  	v9 =	vmul.f32 v9, v33;
	v37 =	vmul.f32 v56, v33;
	v26 =	vadd.f32 v38, v26;
	[tilespmem:s28+$0x850] =	vst v28;
	v28 =	vld [tilespmem:s28+$0xC430]  }
0x1db: {  	v12 =	vmul.f32 v12, v31;
	v11 =	vmul.f32 v11, v33;
	v27 =	vld [tilespmem:s28+$0xC420];
	v22 =	vadd.f32 v34, v22;
	[tilespmem:s28+$0x810] =	vst v24  }
0x1dc: {  	v9 =	vadd.f32 v9, v10;
	v10 =	vld [tilespmem:s28+$0xC000];
	v25 =	vadd.f32 v37, v25;
	v24 =	vmul.f32 v60, v33;
	[tilespmem:s28+$0x830] =	vst v26  }
0x1dd: {  	v11 =	vadd.f32 v11, v12;
	v26 =	vld [tilespmem:s28+$0xC410];
	[tilespmem:s28+$0x470] =	vst v22;
	v22 =	vmul.f32 v29, v33;
	v23 =	vmul.f32 v30, v33  }
0x1de: {  	v18 =	vmul.f32 v18, v31;
	v43 =	vmul.f32 v61, v33;
	[tilespmem:s28+$0x820] =	vst v25;
	v25 =	vld [tilespmem:s28+$0xC400];
	v21 =	vadd.f32 v24, v21  }
0x1df: {  	[tilespmem:s28+$0x50] =	vst v11;
	v61 =	vld [tilespmem:s28+$0xC070];
	v19 =	vadd.f32 v22, v19;
	v20 =	vadd.f32 v23, v20;
	v23 =	vmul.f32 v28, v33  }
0x1e0: {  	v17 =	vmul.f32 v17, v31;
	v24 =	vld [tilespmem:s28+$0xC060];
	[tilespmem:s28+$0x460] =	vst v21;
	v22 =	vmul.f32 v27, v33  }
0x1e1: {  	v21 =	vld [tilespmem:s28+$0xD440];
	[tilespmem:s28+$0x440] =	vst v19;
	v18 =	vadd.f32 v23, v18  }
0x1e2: {  	v16 =	vmul.f32 v16, v31;
	v19 =	vld [tilespmem:s28+$0xD460];
	v17 =	vadd.f32 v22, v17;
	[tilespmem:s28+$0x450] =	vst v20;
	v23 =	vmul.f32 v26, v33  }
0x1e3: {  	v15 =	vmul.f32 v15, v31;
	v22 =	vld [tilespmem:s28+$0xD470];
	[tilespmem:s28+$0x430] =	vst v18;
	v18 =	vmul.f32 v25, v33  }
0x1e4: {  	v14 =	vmul.f32 v14, v31;
	v20 =	vld [tilespmem:s28+$0xD450];
	[tilespmem:s28+$0x420] =	vst v17;
	v17 =	vmul.f32 v61, v33;
	v16 =	vadd.f32 v23, v16  }
0x1e5: {  	v8 =	vmul.f32 v8, v31;
	v7 =	vmul.f32 v7, v33;
	[tilespmem:s28+$0x40] =	vst v9;
	v15 =	vadd.f32 v18, v15;
	v18 =	vld [tilespmem:s28+$0x1440]  }
0x1e6: {  	v6 =	vmul.f32 v6, v31;
	v5 =	vmul.f32 v5, v33;
	v14 =	vadd.f32 v17, v14;
	[tilespmem:s28+$0x410] =	vst v16;
	v16 =	vld [tilespmem:s28+$0x1450]  }
0x1e7: {  	v3 =	vmul.f32 v3, v31;
	v4 =	vmul.f32 v4, v33;
	v7 =	vadd.f32 v7, v8;
	[tilespmem:s28+$0x400] =	vst v15;
	v15 =	vld [tilespmem:s28+$0x1460]  }
0x1e8: {  	v32 =	vmul.f32 v32, v31;
	v5 =	vadd.f32 v5, v6;
	[tilespmem:s28+$0x70] =	vst v14;
	v14 =	vld [tilespmem:s28+$0x1470]  }
0x1e9: {  	v13 =	vmul.f32 v13, v31;
	v12 =	vld [tilespmem:s28+$0x0];
	v3 =	vadd.f32 v4, v3;
	[tilespmem:s28+$0x30] =	vst v7;
	v23 =	vmul.f32 v24, v33  }
0x1ea: {  	[tilespmem:s28+$0x20] =	vst v5;
	v32 =	vadd.f32 v43, v32;
	v6 =	vmul.f32 v21, v33;
	v8 =	vmul.f32 v18, v31  }
0x1eb: {  	[tilespmem:s28+$0x10] =	vst v3;
	v13 =	vadd.f32 v23, v13;
	v4 =	vmul.f32 v20, v33;
	v9 =	vmul.f32 v16, v31  }
0x1ec: {  	[tilespmem:s28+$0xC00] =	vst v32;
	v7 =	vmul.f32 v15, v31;
	v5 =	vadd.f32 v6, v8;
	v6 =	vmul.f32 v19, v33  }
0x1ed: {  	[tilespmem:s28+$0x60] =	vst v13;
	v8 =	vmul.f32 v14, v31;
	v3 =	vadd.f32 v4, v9;
	v4 =	vmul.f32 v22, v33  }
0x1ee: {  	v10 =	vmul.f32 v10, v33;
	v9 =	vmul.f32 v12, v31;
	[tilespmem:s28+$0x1440] =	vst v5;
	v5 =	vadd.f32 v6, v7  }
0x1ef: {  	[tilespmem:s28+$0x1450] =	vst v3;
	v3 =	vadd.f32 v4, v8  }
0x1f0: {  	v4 =	vadd.f32 v10, v9;
	[tilespmem:s28+$0x1460] =	vst v5  }
0x1f1: {  	[tilespmem:s28+$0x1470] =	vst v3  }
0x1f2: {  	[tilespmem:s28+$0x0] =	vst v4  }
0x1f3: {  	[hbm4b:s9+s2] =	stream.linear.scatter [tilespmem:s2], [sflag:$0x3], $0x6000, $0x38;
	[tilespmem:$0x1A200] =	vst v63  }
0x1f4: {  	_ =	swait.ge [sflag:s13], $0x6000  }
0x1f5: {  	[sflag:s13] =	ssyncset.done $0x0  }
0x1f6: {  	[sflag:s13] =	ssyncadd.s32 $0xFFFFA000  }
0x1f7: {  	_ =	swait.ge [sflag:s25], $0x6000  }
0x1f8: {  	[sflag:s25] =	ssyncset.done $0x0  }
0x1f9: {  	s0 =	simm.s32 $0x4;
	[sflag:s25] =	ssyncadd.s32 $0xFFFFA000  }
0x1fa: {  	s1 =	simm.s32 $0x1000;
	s0 =	smul.u32 $0x1800, s0;
	_ =	swait.ge [sflag:s25], $0x6000  }
0x1fb: {  	s1 =	sand.u32 $0x380, s1;
	[sflag:s25] =	ssyncset.done $0x0  }
0x1fc: {  	s30 =	sor.u32 s1, s0;
	[sflag:s25] =	ssyncadd.s32 $0xFFFFA000  }
0x1fd: {  	v4 =	vld [tilespmem:s30+$0x10]  }
0x1fe: {  	v3 =	vld [tilespmem:s30+$0xC010]  }
0x1ff: {  	v6 =	vld [tilespmem:s30+$0x20]  }
0x200: {  	v5 =	vld [tilespmem:s30+$0xC020]  }
0x201: {  	v10 =	vld [tilespmem:s30+$0x30]  }
0x202: {  	v7 =	vld [tilespmem:s30+$0xC030]  }
0x203: {  	v12 =	vld [tilespmem:s30+$0x40]  }
0x204: {  	v11 =	vld [tilespmem:s30+$0xC040]  }
0x205: {  	v13 =	vld [tilespmem:s30+$0x60]  }
0x206: {  	v14 =	vld [tilespmem:s30+$0x70]  }
0x207: {  	v15 =	vld [tilespmem:s30+$0x400]  }
0x208: {  	v16 =	vld [tilespmem:s30+$0x410]  }
0x209: {  	v17 =	vld [tilespmem:s30+$0x420]  }
0x20a: {  	v18 =	vld [tilespmem:s30+$0x430]  }
0x20b: {  	v19 =	vld [tilespmem:s30+$0x440]  }
0x20c: {  	v20 =	vld [tilespmem:s30+$0x450]  }
0x20d: {  	v21 =	vld [tilespmem:s30+$0x460]  }
0x20e: {  	v22 =	vld [tilespmem:s30+$0x470]  }
0x20f: {  	v23 =	vld [tilespmem:s30+$0x800]  }
0x210: {  	v24 =	vld [tilespmem:s30+$0x810]  }
0x211: {  	v25 =	vld [tilespmem:s30+$0x820]  }
0x212: {  	v26 =	vld [tilespmem:s30+$0x830]  }
0x213: {  	v27 =	vld [tilespmem:s30+$0x840]  }
0x214: {  	v28 =	vld [tilespmem:s30+$0x850]  }
0x215: {  	v29 =	vld [tilespmem:s30+$0x860]  }
0x216: {  	v30 =	vld [tilespmem:s30+$0x870]  }
0x217: {  	v31 =	vld [tilespmem:s30+$0xC00]  }
0x218: {  	v32 =	vld [tilespmem:s30+$0xC10]  }
0x219: {  	v33 =	vld [tilespmem:s30+$0xC20]  }
0x21a: {  	v34 =	vld [tilespmem:s30+$0xC30]  }
0x21b: {  	v35 =	vld [tilespmem:s30+$0xC40]  }
0x21c: {  	v36 =	vld [tilespmem:s30+$0xC50]  }
0x21d: {  	v37 =	vld [tilespmem:s30+$0xC60]  }
0x21e: {  	v38 =	vld [tilespmem:s30+$0xC70]  }
0x21f: {  	v39 =	vld [tilespmem:s30+$0x1000]  }
0x220: {  	v40 =	vld [tilespmem:s30+$0x1010]  }
0x221: {  	v41 =	vld [tilespmem:s30+$0x1020]  }
0x222: {  	v42 =	vld [tilespmem:s30+$0x1030]  }
0x223: {  	v43 =	vld [tilespmem:s30+$0x1040]  }
0x224: {  	v44 =	vld [tilespmem:s30+$0x1050]  }
0x225: {  	v45 =	vld [tilespmem:s30+$0x1060]  }
0x226: {  	v46 =	vld [tilespmem:s30+$0x1400]  }
0x227: {  	v47 =	vld [tilespmem:s30+$0x1410]  }
0x228: {  	v48 =	vld [tilespmem:s30+$0xD410]  }
0x229: {  	v49 =	vld [tilespmem:s30+$0xD430]  }
0x22a: {  	v50 =	vld [tilespmem:s30+$0x1430]  }
0x22b: {  	s29 =	simm.s32 $0x19010;
	v51 =	vld [tilespmem:s30+$0x1420]  }
0x22c: {  	v8 =	vld [tilespmem:s29+$0xFFFFFFF0]  }
0x22d: {  	v9 =	vld [tilespmem:s29+$0x0]  }
0x22e: {  	v52 =	vld [tilespmem:s30+$0xD420]  }
0x22f: {  	v62 =	vld [tilespmem:s30+$0xD400]  }
0x230: {  	v63 =	vld [tilespmem:s30+$0x1070]  }
0x231: {  	v60 =	vld [tilespmem:s30+$0xD070];
	v50 =	vmul.f32 v50, v8  }
0x232: {  	v61 =	vld [tilespmem:s30+$0xD060];
	v49 =	vmul.f32 v49, v9;
	v51 =	vmul.f32 v51, v8  }
0x233: {  	v57 =	vld [tilespmem:s30+$0xD050];
	v52 =	vmul.f32 v52, v9;
	v47 =	vmul.f32 v47, v8  }
0x234: {  	v58 =	vld [tilespmem:s30+$0xD040];
	v48 =	vmul.f32 v48, v9;
	v46 =	vmul.f32 v46, v8;
	v49 =	vadd.f32 v49, v50  }
0x235: {  	v53 =	vld [tilespmem:s30+$0xD030];
	v62 =	vmul.f32 v62, v9;
	v63 =	vmul.f32 v63, v8;
	v51 =	vadd.f32 v52, v51  }
0x236: {  	v56 =	vld [tilespmem:s30+$0xCC60];
	v59 =	vmul.f32 v60, v9;
	v45 =	vmul.f32 v45, v8;
	v47 =	vadd.f32 v48, v47;
	[tilespmem:s30+$0x1430] =	vst v49  }
0x237: {  	v55 =	vld [tilespmem:s30+$0xC870];
	v60 =	vmul.f32 v61, v9;
	v44 =	vmul.f32 v44, v8;
	v46 =	vadd.f32 v62, v46;
	[tilespmem:s30+$0x1420] =	vst v51  }
0x238: {  	v61 =	vld [tilespmem:s30+$0xD000];
	v12 =	vmul.f32 v12, v8;
	v11 =	vmul.f32 v11, v9;
	v52 =	vadd.f32 v59, v63;
	[tilespmem:s30+$0x1410] =	vst v47  }
0x239: {  	v10 =	vmul.f32 v10, v8;
	v7 =	vmul.f32 v7, v9;
	v48 =	vld [tilespmem:s30+$0xD020];
	v45 =	vadd.f32 v60, v45;
	[tilespmem:s30+$0x1400] =	vst v46  }
0x23a: {  	v62 =	vmul.f32 v57, v9;
	v63 =	vmul.f32 v58, v9;
	v58 =	vld [tilespmem:s30+$0xCC50];
	v11 =	vadd.f32 v11, v12;
	[tilespmem:s30+$0x1070] =	vst v52  }
0x23b: {  	v43 =	vmul.f32 v43, v8;
	v59 =	vld [tilespmem:s30+$0xCC40];
	v7 =	vadd.f32 v7, v10;
	[tilespmem:s30+$0x1060] =	vst v45  }
0x23c: {  	v42 =	vmul.f32 v42, v8;
	v57 =	vmul.f32 v53, v9;
	v60 =	vld [tilespmem:s30+$0xCC30];
	v44 =	vadd.f32 v62, v44;
	[tilespmem:s30+$0x40] =	vst v11  }
0x23d: {  	v37 =	vmul.f32 v37, v8;
	v53 =	vld [tilespmem:s30+$0xCC00];
	v43 =	vadd.f32 v63, v43;
	v46 =	vmul.f32 v56, v9;
	[tilespmem:s30+$0x30] =	vst v7  }
0x23e: {  	v39 =	vmul.f32 v39, v8;
	v49 =	vld [tilespmem:s30+$0xD010];
	v42 =	vadd.f32 v57, v42;
	v61 =	vmul.f32 v61, v9;
	[tilespmem:s30+$0x1050] =	vst v44  }
0x23f: {  	v41 =	vmul.f32 v41, v8;
	v47 =	vld [tilespmem:s30+$0xCC70];
	[tilespmem:s30+$0x1040] =	vst v43;
	v37 =	vadd.f32 v46, v37;
	v48 =	vmul.f32 v48, v9  }
0x240: {  	v36 =	vmul.f32 v36, v8;
	v62 =	vld [tilespmem:s30+$0xCC20];
	[tilespmem:s30+$0x1030] =	vst v42;
	v39 =	vadd.f32 v61, v39;
	v54 =	vmul.f32 v58, v9  }
0x241: {  	v35 =	vmul.f32 v35, v8;
	v63 =	vld [tilespmem:s30+$0xCC10];
	v45 =	vmul.f32 v59, v9;
	[tilespmem:s30+$0xC60] =	vst v37;
	v41 =	vadd.f32 v48, v41  }
0x242: {  	v34 =	vmul.f32 v34, v8;
	v56 =	vld [tilespmem:s30+$0xC860];
	v44 =	vmul.f32 v60, v9;
	[tilespmem:s30+$0x1000] =	vst v39;
	v36 =	vadd.f32 v54, v36  }
0x243: {  	v40 =	vmul.f32 v40, v8;
	v12 =	vld [tilespmem:s30+$0x1460];
	v49 =	vmul.f32 v49, v9;
	v35 =	vadd.f32 v45, v35;
	[tilespmem:s30+$0x1020] =	vst v41  }
0x244: {  	v38 =	vmul.f32 v38, v8;
	v58 =	vld [tilespmem:s30+$0xC840];
	v47 =	vmul.f32 v47, v9;
	v34 =	vadd.f32 v44, v34;
	[tilespmem:s30+$0xC50] =	vst v36  }
0x245: {  	v33 =	vmul.f32 v33, v8;
	v59 =	vld [tilespmem:s30+$0xC830];
	v43 =	vmul.f32 v62, v9;
	v40 =	vadd.f32 v49, v40;
	[tilespmem:s30+$0xC40] =	vst v35  }
0x246: {  	v32 =	vmul.f32 v32, v8;
	v57 =	vld [tilespmem:s30+$0xC850];
	v42 =	vmul.f32 v63, v9;
	v38 =	vadd.f32 v47, v38;
	[tilespmem:s30+$0xC30] =	vst v34  }
0x247: {  	v29 =	vmul.f32 v29, v8;
	v60 =	vld [tilespmem:s30+$0xC820];
	v39 =	vmul.f32 v56, v9;
	v33 =	vadd.f32 v43, v33;
	[tilespmem:s30+$0x1010] =	vst v40  }
0x248: {  	v31 =	vmul.f32 v31, v8;
	v61 =	vld [tilespmem:s30+$0xC810];
	v41 =	vmul.f32 v53, v9;
	v32 =	vadd.f32 v42, v32;
	[tilespmem:s30+$0xC70] =	vst v38  }
0x249: {  	v27 =	vmul.f32 v27, v8;
	v62 =	vld [tilespmem:s30+$0xC800];
	v29 =	vadd.f32 v39, v29;
	v37 =	vmul.f32 v58, v9;
	[tilespmem:s30+$0xC20] =	vst v33  }
0x24a: {  	v26 =	vmul.f32 v26, v8;
	v63 =	vld [tilespmem:s30+$0xC470];
	v36 =	vmul.f32 v59, v9;
	v31 =	vadd.f32 v41, v31;
	[tilespmem:s30+$0xC10] =	vst v32  }
0x24b: {  	v30 =	vmul.f32 v30, v8;
	v40 =	vmul.f32 v55, v9;
	[tilespmem:s30+$0x860] =	vst v29;
	v29 =	vld [tilespmem:s30+$0xC440];
	v27 =	vadd.f32 v37, v27  }
0x24c: {  	v25 =	vmul.f32 v25, v8;
	v35 =	vmul.f32 v60, v9;
	v26 =	vadd.f32 v36, v26;
	[tilespmem:s30+$0xC00] =	vst v31;
	v31 =	vld [tilespmem:s30+$0xC460]  }
0x24d: {  	v28 =	vmul.f32 v28, v8;
	v38 =	vmul.f32 v57, v9;
	v30 =	vadd.f32 v40, v30;
	[tilespmem:s30+$0x840] =	vst v27;
	v27 =	vld [tilespmem:s30+$0xC420]  }
0x24e: {  	v23 =	vmul.f32 v23, v8;
	v33 =	vmul.f32 v62, v9;
	v25 =	vadd.f32 v35, v25;
	[tilespmem:s30+$0x830] =	vst v26;
	v26 =	vld [tilespmem:s30+$0xC410]  }
0x24f: {  	v24 =	vmul.f32 v24, v8;
	v34 =	vmul.f32 v61, v9;
	v28 =	vadd.f32 v38, v28;
	[tilespmem:s30+$0x870] =	vst v30;
	v30 =	vld [tilespmem:s30+$0xC450]  }
0x250: {  	v22 =	vmul.f32 v22, v8;
	v32 =	vmul.f32 v63, v9;
	v23 =	vadd.f32 v33, v23;
	[tilespmem:s30+$0x820] =	vst v25;
	v25 =	vld [tilespmem:s30+$0xC400]  }
0x251: {  	v19 =	vmul.f32 v19, v8;
	v24 =	vadd.f32 v34, v24;
	[tilespmem:s30+$0x850] =	vst v28;
	v28 =	vld [tilespmem:s30+$0xC430];
	v29 =	vmul.f32 v29, v9  }
0x252: {  	v21 =	vmul.f32 v21, v8;
	v22 =	vadd.f32 v32, v22;
	[tilespmem:s30+$0x800] =	vst v23;
	v23 =	vld [tilespmem:s30+$0xC060];
	v31 =	vmul.f32 v31, v9  }
0x253: {  	v17 =	vmul.f32 v17, v8;
	[tilespmem:s30+$0x810] =	vst v24;
	v24 =	vld [tilespmem:s30+$0xC070];
	v19 =	vadd.f32 v29, v19;
	v27 =	vmul.f32 v27, v9  }
0x254: {  	v20 =	vmul.f32 v20, v8;
	[tilespmem:s30+$0x470] =	vst v22;
	v22 =	vld [tilespmem:s30+$0x50];
	v30 =	vmul.f32 v30, v9;
	v21 =	vadd.f32 v31, v21  }
0x255: {  	v15 =	vmul.f32 v15, v8;
	v25 =	vmul.f32 v25, v9;
	[tilespmem:s30+$0x440] =	vst v19;
	v19 =	vld [tilespmem:s30+$0xD450];
	v17 =	vadd.f32 v27, v17  }
0x256: {  	v18 =	vmul.f32 v18, v8;
	v28 =	vmul.f32 v28, v9;
	v20 =	vadd.f32 v30, v20;
	[tilespmem:s30+$0x460] =	vst v21;
	v21 =	vld [tilespmem:s30+$0xC050]  }
0x257: {  	v13 =	vmul.f32 v13, v8;
	v23 =	vmul.f32 v23, v9;
	v15 =	vadd.f32 v25, v15;
	[tilespmem:s30+$0x420] =	vst v17;
	v17 =	vld [tilespmem:s30+$0x1440]  }
0x258: {  	v6 =	vmul.f32 v6, v8;
	v5 =	vmul.f32 v5, v9;
	v18 =	vadd.f32 v28, v18;
	[tilespmem:s30+$0x450] =	vst v20;
	v20 =	vld [tilespmem:s30+$0xD440]  }
0x259: {  	v14 =	vmul.f32 v14, v8;
	v24 =	vmul.f32 v24, v9;
	v13 =	vadd.f32 v23, v13;
	[tilespmem:s30+$0x400] =	vst v15;
	v15 =	vld [tilespmem:s30+$0x1450]  }
0x25a: {  	v4 =	vmul.f32 v4, v8;
	v3 =	vmul.f32 v3, v9;
	v5 =	vadd.f32 v5, v6;
	[tilespmem:s30+$0x430] =	vst v18;
	v18 =	vld [tilespmem:s30+$0xD460]  }
0x25b: {  	v6 =	vld [tilespmem:s30+$0x0];
	v14 =	vadd.f32 v24, v14;
	v10 =	vmul.f32 v22, v8;
	[tilespmem:s30+$0x60] =	vst v13;
	v13 =	vmul.f32 v21, v9  }
0x25c: {  	s0 =	simm.s32 $0x4;
	v16 =	vmul.f32 v16, v8;
	v3 =	vadd.f32 v3, v4;
	v7 =	vld [tilespmem:s30+$0xC000];
	[tilespmem:s30+$0x20] =	vst v5;
	v26 =	vmul.f32 v26, v9  }
0x25d: {  	s1 =	simm.s32 $0x1080;
	s0 =	smul.u32 $0x1800, s0;
	[tilespmem:s30+$0x70] =	vst v14;
	v14 =	vld [tilespmem:s30+$0x1470];
	v11 =	vmul.f32 v17, v8;
	v17 =	vmul.f32 v20, v9;
	v4 =	vadd.f32 v13, v10  }
0x25e: {  	s1 =	sand.u32 $0x380, s1;
	[tilespmem:s30+$0x10] =	vst v3;
	v16 =	vadd.f32 v26, v16;
	v5 =	vmul.f32 v15, v8;
	v10 =	vmul.f32 v19, v9  }
0x25f: {  	s28 =	sor.u32 s1, s0;
	v11 =	vadd.f32 v17, v11;
	[tilespmem:s30+$0x50] =	vst v4;
	v4 =	vmul.f32 v12, v8;
	v12 =	vmul.f32 v18, v9  }
0x260: {  	v3 =	vld [tilespmem:s28+$0x10];
	[tilespmem:s30+$0x410] =	vst v16;
	v5 =	vadd.f32 v10, v5  }
0x261: {  	v7 =	vmul.f32 v7, v9;
	v16 =	vld [tilespmem:s30+$0xD470];
	[tilespmem:s30+$0x1440] =	vst v11;
	v12 =	vadd.f32 v12, v4  }
0x262: {  	v10 =	vmul.f32 v14, v8;
	v8 =	vmul.f32 v6, v8;
	v4 =	vld [tilespmem:s28+$0xC010];
	[tilespmem:s30+$0x1450] =	vst v5  }
0x263: {  	v6 =	vld [tilespmem:s28+$0x20];
	[tilespmem:s30+$0x1460] =	vst v12  }
0x264: {  	v7 =	vadd.f32 v7, v8;
	v5 =	vld [tilespmem:s28+$0xC020]  }
0x265: {  	v8 =	vld [tilespmem:s28+$0x30]  }
0x266: {  	[tilespmem:s30+$0x0] =	vst v7;
	v18 =	vld [tilespmem:s28+$0x430]  }
0x267: {  	v11 =	vmul.f32 v16, v9;
	v26 =	vld [tilespmem:s28+$0x830]  }
0x268: {  	v36 =	vld [tilespmem:s28+$0xC30]  }
0x269: {  	v9 =	vadd.f32 v11, v10;
	v44 =	vld [tilespmem:s28+$0x1030]  }
0x26a: {  	v48 =	vld [tilespmem:s28+$0x1400]  }
0x26b: {  	[tilespmem:s30+$0x1470] =	vst v9;
	v50 =	vld [tilespmem:s28+$0x1410]  }
0x26c: {  	v7 =	vld [tilespmem:s28+$0xC030]  }
0x26d: {  	v10 =	vld [tilespmem:s28+$0x40]  }
0x26e: {  	v9 =	vld [tilespmem:s28+$0xC040]  }
0x26f: {  	v12 =	vld [tilespmem:s28+$0x50]  }
0x270: {  	v11 =	vld [tilespmem:s28+$0xC050]  }
0x271: {  	v13 =	vld [tilespmem:s28+$0x60]  }
0x272: {  	v14 =	vld [tilespmem:s28+$0x70]  }
0x273: {  	v15 =	vld [tilespmem:s28+$0x400]  }
0x274: {  	v16 =	vld [tilespmem:s28+$0x410]  }
0x275: {  	v17 =	vld [tilespmem:s28+$0x420]  }
0x276: {  	v19 =	vld [tilespmem:s28+$0x440]  }
0x277: {  	v20 =	vld [tilespmem:s28+$0x450]  }
0x278: {  	v21 =	vld [tilespmem:s28+$0x460]  }
0x279: {  	v22 =	vld [tilespmem:s28+$0x470]  }
0x27a: {  	v23 =	vld [tilespmem:s28+$0x800]  }
0x27b: {  	v24 =	vld [tilespmem:s28+$0x810]  }
0x27c: {  	v25 =	vld [tilespmem:s28+$0x820]  }
0x27d: {  	v27 =	vld [tilespmem:s28+$0x840]  }
0x27e: {  	v28 =	vld [tilespmem:s28+$0x850]  }
0x27f: {  	v29 =	vld [tilespmem:s28+$0x860]  }
0x280: {  	v30 =	vld [tilespmem:s28+$0x870]  }
0x281: {  	v31 =	vld [tilespmem:s28+$0xC00]  }
0x282: {  	v34 =	vld [tilespmem:s28+$0xC10]  }
0x283: {  	v35 =	vld [tilespmem:s28+$0xC20]  }
0x284: {  	v37 =	vld [tilespmem:s28+$0xC40]  }
0x285: {  	v38 =	vld [tilespmem:s28+$0xC50]  }
0x286: {  	v39 =	vld [tilespmem:s28+$0xC60]  }
0x287: {  	v40 =	vld [tilespmem:s28+$0xC70]  }
0x288: {  	v41 =	vld [tilespmem:s28+$0x1000]  }
0x289: {  	v42 =	vld [tilespmem:s28+$0x1010]  }
0x28a: {  	v43 =	vld [tilespmem:s28+$0x1020]  }
0x28b: {  	v45 =	vld [tilespmem:s28+$0x1040]  }
0x28c: {  	v46 =	vld [tilespmem:s28+$0x1050]  }
0x28d: {  	v47 =	vld [tilespmem:s28+$0x1060]  }
0x28e: {  	v49 =	vld [tilespmem:s28+$0xD410]  }
0x28f: {  	s31 =	simm.s32 $0x1100;
	s30 =	simm.s32 $0x21;
	v51 =	vld [tilespmem:s28+$0xD430]  }
.LBB2_4:
0x290: {  	p0 =	sne.s32 s31, $0x1F80;
	v52 =	vld [tilespmem:s28+$0x1430]  }
0x291: {  	s29 =	sadd.s32 $0x80, s29;
	v53 =	vld [tilespmem:s28+$0x1420]  }
0x292: {  	v33 =	vld [tilespmem:s29+$0xFFFFFFF0]  }
0x293: {  	v32 =	vld [tilespmem:s29+$0x0]  }
0x294: {  	v54 =	vld [tilespmem:s28+$0xD420]  }
0x295: {  	v55 =	vld [tilespmem:s28+$0xD400]  }
0x296: {  	v56 =	vld [tilespmem:s28+$0x1070]  }
0x297: {  	v57 =	vld [tilespmem:s28+$0xD070];
	v50 =	vmul.f32 v50, v33;
	v53 =	vmul.f32 v53, v33  }
0x298: {  	v52 =	vmul.f32 v52, v33;
	v58 =	vld [tilespmem:s28+$0xD060];
	v51 =	vmul.f32 v51, v32  }
0x299: {  	v49 =	vmul.f32 v49, v32;
	v59 =	vld [tilespmem:s28+$0xD050];
	v54 =	vmul.f32 v54, v32  }
0x29a: {  	v48 =	vmul.f32 v48, v33;
	v60 =	vld [tilespmem:s28+$0xD040];
	v55 =	vmul.f32 v55, v32;
	v51 =	vadd.f32 v51, v52  }
0x29b: {  	v49 =	vadd.f32 v49, v50;
	v52 =	vld [tilespmem:s28+$0xD030];
	v56 =	vmul.f32 v56, v33;
	v50 =	vadd.f32 v54, v53  }
0x29c: {  	v47 =	vmul.f32 v47, v33;
	v53 =	vld [tilespmem:s28+$0xD020];
	v54 =	vmul.f32 v57, v32;
	v48 =	vadd.f32 v55, v48;
	[tilespmem:s28+$0x1430] =	vst v51  }
0x29d: {  	v46 =	vmul.f32 v46, v33;
	v51 =	vld [tilespmem:s28+$0xD010];
	v55 =	vmul.f32 v58, v32;
	[tilespmem:s28+$0x1420] =	vst v50  }
0x29e: {  	v45 =	vmul.f32 v45, v33;
	v50 =	vld [tilespmem:s28+$0xD000];
	v57 =	vmul.f32 v59, v32;
	v54 =	vadd.f32 v54, v56;
	[tilespmem:s28+$0x1410] =	vst v49  }
0x29f: {  	v44 =	vmul.f32 v44, v33;
	v49 =	vld [tilespmem:s28+$0xCC70];
	v56 =	vmul.f32 v60, v32;
	v47 =	vadd.f32 v55, v47;
	[tilespmem:s28+$0x1400] =	vst v48  }
0x2a0: {  	v43 =	vmul.f32 v43, v33;
	v48 =	vld [tilespmem:s28+$0xCC60];
	v52 =	vmul.f32 v52, v32;
	v46 =	vadd.f32 v57, v46;
	[tilespmem:s28+$0x1070] =	vst v54  }
0x2a1: {  	v42 =	vmul.f32 v42, v33;
	v54 =	vld [tilespmem:s28+$0xCC50];
	v53 =	vmul.f32 v53, v32;
	v45 =	vadd.f32 v56, v45;
	[tilespmem:s28+$0x1060] =	vst v47  }
0x2a2: {  	v41 =	vmul.f32 v41, v33;
	v47 =	vld [tilespmem:s28+$0xCC40];
	v51 =	vmul.f32 v51, v32;
	v44 =	vadd.f32 v52, v44;
	[tilespmem:s28+$0x1050] =	vst v46  }
0x2a3: {  	v40 =	vmul.f32 v40, v33;
	v46 =	vld [tilespmem:s28+$0xCC30];
	v50 =	vmul.f32 v50, v32;
	v43 =	vadd.f32 v53, v43;
	[tilespmem:s28+$0x1040] =	vst v45  }
0x2a4: {  	v39 =	vmul.f32 v39, v33;
	v45 =	vld [tilespmem:s28+$0xCC20];
	v49 =	vmul.f32 v49, v32;
	v42 =	vadd.f32 v51, v42;
	[tilespmem:s28+$0x1030] =	vst v44  }
0x2a5: {  	v38 =	vmul.f32 v38, v33;
	v44 =	vld [tilespmem:s28+$0xCC10];
	v48 =	vmul.f32 v48, v32;
	v41 =	vadd.f32 v50, v41;
	[tilespmem:s28+$0x1020] =	vst v43  }
0x2a6: {  	v37 =	vmul.f32 v37, v33;
	v43 =	vld [tilespmem:s28+$0xCC00];
	v50 =	vmul.f32 v54, v32;
	v40 =	vadd.f32 v49, v40;
	[tilespmem:s28+$0x1010] =	vst v42  }
0x2a7: {  	v36 =	vmul.f32 v36, v33;
	v42 =	vld [tilespmem:s28+$0xC870];
	v47 =	vmul.f32 v47, v32;
	v39 =	vadd.f32 v48, v39;
	[tilespmem:s28+$0x1000] =	vst v41  }
0x2a8: {  	v35 =	vmul.f32 v35, v33;
	v41 =	vld [tilespmem:s28+$0xC860];
	v46 =	vmul.f32 v46, v32;
	v38 =	vadd.f32 v50, v38;
	[tilespmem:s28+$0xC70] =	vst v40  }
0x2a9: {  	v34 =	vmul.f32 v34, v33;
	v40 =	vld [tilespmem:s28+$0xC850];
	v45 =	vmul.f32 v45, v32;
	v37 =	vadd.f32 v47, v37;
	[tilespmem:s28+$0xC60] =	vst v39  }
0x2aa: {  	v31 =	vmul.f32 v31, v33;
	v39 =	vld [tilespmem:s28+$0xC840];
	v44 =	vmul.f32 v44, v32;
	v36 =	vadd.f32 v46, v36;
	[tilespmem:s28+$0xC50] =	vst v38  }
0x2ab: {  	v30 =	vmul.f32 v30, v33;
	v38 =	vld [tilespmem:s28+$0xC830];
	v43 =	vmul.f32 v43, v32;
	v35 =	vadd.f32 v45, v35;
	[tilespmem:s28+$0xC40] =	vst v37  }
0x2ac: {  	v29 =	vmul.f32 v29, v33;
	v37 =	vld [tilespmem:s28+$0xC820];
	v42 =	vmul.f32 v42, v32;
	v34 =	vadd.f32 v44, v34;
	[tilespmem:s28+$0xC30] =	vst v36  }
0x2ad: {  	v28 =	vmul.f32 v28, v33;
	v36 =	vld [tilespmem:s28+$0xC810];
	v41 =	vmul.f32 v41, v32;
	v31 =	vadd.f32 v43, v31;
	[tilespmem:s28+$0xC20] =	vst v35  }
0x2ae: {  	v27 =	vmul.f32 v27, v33;
	v35 =	vld [tilespmem:s28+$0xC800];
	v40 =	vmul.f32 v40, v32;
	v30 =	vadd.f32 v42, v30;
	[tilespmem:s28+$0xC10] =	vst v34  }
0x2af: {  	v26 =	vmul.f32 v26, v33;
	v34 =	vld [tilespmem:s28+$0xC470];
	v39 =	vmul.f32 v39, v32;
	v29 =	vadd.f32 v41, v29;
	[tilespmem:s28+$0xC00] =	vst v31  }
0x2b0: {  	v25 =	vmul.f32 v25, v33;
	v31 =	vld [tilespmem:s28+$0xC460];
	v38 =	vmul.f32 v38, v32;
	v28 =	vadd.f32 v40, v28;
	[tilespmem:s28+$0x870] =	vst v30  }
0x2b1: {  	v24 =	vmul.f32 v24, v33;
	v30 =	vld [tilespmem:s28+$0xC450];
	v37 =	vmul.f32 v37, v32;
	v27 =	vadd.f32 v39, v27;
	[tilespmem:s28+$0x860] =	vst v29  }
0x2b2: {  	v23 =	vmul.f32 v23, v33;
	v29 =	vld [tilespmem:s28+$0xC440];
	v36 =	vmul.f32 v36, v32;
	v26 =	vadd.f32 v38, v26;
	[tilespmem:s28+$0x850] =	vst v28  }
0x2b3: {  	v22 =	vmul.f32 v22, v33;
	v28 =	vld [tilespmem:s28+$0xC430];
	v35 =	vmul.f32 v35, v32;
	v25 =	vadd.f32 v37, v25;
	[tilespmem:s28+$0x840] =	vst v27  }
0x2b4: {  	v21 =	vmul.f32 v21, v33;
	v27 =	vld [tilespmem:s28+$0xC420];
	v34 =	vmul.f32 v34, v32;
	v24 =	vadd.f32 v36, v24;
	[tilespmem:s28+$0x830] =	vst v26  }
0x2b5: {  	v20 =	vmul.f32 v20, v33;
	v26 =	vld [tilespmem:s28+$0xC410];
	v31 =	vmul.f32 v31, v32;
	v23 =	vadd.f32 v35, v23;
	[tilespmem:s28+$0x820] =	vst v25  }
0x2b6: {  	v19 =	vmul.f32 v19, v33;
	v25 =	vld [tilespmem:s28+$0xC400];
	v30 =	vmul.f32 v30, v32;
	v22 =	vadd.f32 v34, v22;
	[tilespmem:s28+$0x810] =	vst v24  }
0x2b7: {  	v18 =	vmul.f32 v18, v33;
	v24 =	vld [tilespmem:s28+$0xC070];
	v29 =	vmul.f32 v29, v32;
	v21 =	vadd.f32 v31, v21;
	[tilespmem:s28+$0x800] =	vst v23  }
0x2b8: {  	v17 =	vmul.f32 v17, v33;
	v23 =	vld [tilespmem:s28+$0xC060];
	v28 =	vmul.f32 v28, v32;
	v20 =	vadd.f32 v30, v20;
	[tilespmem:s28+$0x470] =	vst v22  }
0x2b9: {  	v16 =	vmul.f32 v16, v33;
	v22 =	vmul.f32 v27, v32;
	v19 =	vadd.f32 v29, v19;
	[tilespmem:s28+$0x460] =	vst v21;
	v21 =	vld [tilespmem:s28+$0xD440]  }
0x2ba: {  	v15 =	vmul.f32 v15, v33;
	v26 =	vmul.f32 v26, v32;
	v18 =	vadd.f32 v28, v18;
	[tilespmem:s28+$0x450] =	vst v20;
	v20 =	vld [tilespmem:s28+$0xD450]  }
0x2bb: {  	v14 =	vmul.f32 v14, v33;
	v25 =	vmul.f32 v25, v32;
	v17 =	vadd.f32 v22, v17;
	[tilespmem:s28+$0x440] =	vst v19;
	v19 =	vld [tilespmem:s28+$0xD460]  }
0x2bc: {  	v13 =	vmul.f32 v13, v33;
	v22 =	vmul.f32 v24, v32;
	v16 =	vadd.f32 v26, v16;
	[tilespmem:s28+$0x430] =	vst v18;
	v18 =	vld [tilespmem:s28+$0xD470]  }
0x2bd: {  	v12 =	vmul.f32 v12, v33;
	v23 =	vmul.f32 v23, v32;
	v15 =	vadd.f32 v25, v15;
	[tilespmem:s28+$0x420] =	vst v17;
	v17 =	vld [tilespmem:s28+$0x1440]  }
0x2be: {  	v10 =	vmul.f32 v10, v33;
	v11 =	vmul.f32 v11, v32;
	v14 =	vadd.f32 v22, v14;
	[tilespmem:s28+$0x410] =	vst v16;
	v16 =	vld [tilespmem:s28+$0x1450]  }
0x2bf: {  	v8 =	vmul.f32 v8, v33;
	v9 =	vmul.f32 v9, v32;
	v13 =	vadd.f32 v23, v13;
	[tilespmem:s28+$0x400] =	vst v15;
	v15 =	vld [tilespmem:s28+$0x1460]  }
0x2c0: {  	v6 =	vmul.f32 v6, v33;
	v7 =	vmul.f32 v7, v32;
	v11 =	vadd.f32 v11, v12;
	[tilespmem:s28+$0x70] =	vst v14;
	v12 =	vld [tilespmem:s28+$0x1470]  }
0x2c1: {  	v3 =	vmul.f32 v3, v33;
	v5 =	vmul.f32 v5, v32;
	v9 =	vadd.f32 v9, v10;
	v14 =	vld [tilespmem:s28+$0x0];
	[tilespmem:s28+$0x60] =	vst v13  }
0x2c2: {  	s30 =	sadd.s32 $0x1, s30;
	v4 =	vmul.f32 v4, v32;
	v7 =	vadd.f32 v7, v8;
	v10 =	vld [tilespmem:s28+$0xC000];
	[tilespmem:s28+$0x50] =	vst v11;
	v8 =	vmul.f32 v17, v33  }
0x2c3: {  	s0 =	sshrl.u32 s30, $0x3;
	v5 =	vadd.f32 v5, v6;
	v6 =	vmul.f32 v21, v32;
	[tilespmem:s28+$0x40] =	vst v9;
	v9 =	vmul.f32 v16, v33  }
0x2c4: {  	s0 =	smul.u32 $0x1800, s0;
	v3 =	vadd.f32 v4, v3;
	v4 =	vmul.f32 v20, v32;
	[tilespmem:s28+$0x30] =	vst v7;
	v7 =	vmul.f32 v15, v33  }
0x2c5: {  	s1 =	sand.u32 $0x380, s31;
	[tilespmem:s28+$0x20] =	vst v5;
	v5 =	vadd.f32 v6, v8;
	v6 =	vmul.f32 v19, v32;
	v8 =	vmul.f32 v12, v33  }
0x2c6: {  	s0 =	sor.u32 s1, s0;
	v9 =	vadd.f32 v4, v9;
	v12 =	vmul.f32 v18, v32;
	v11 =	vmul.f32 v14, v33;
	[tilespmem:s28+$0x10] =	vst v3  }
0x2c7: {  	v3 =	vld [tilespmem:s0+$0x10];
	v10 =	vmul.f32 v10, v32;
	[tilespmem:s28+$0x1440] =	vst v5;
	v5 =	vadd.f32 v6, v7  }
0x2c8: {  	v7 =	vadd.f32 v12, v8;
	v4 =	vld [tilespmem:s0+$0xC010];
	[tilespmem:s28+$0x1450] =	vst v9  }
0x2c9: {  	v6 =	vld [tilespmem:s0+$0x20];
	v9 =	vadd.f32 v10, v11;
	[tilespmem:s28+$0x1460] =	vst v5  }
0x2ca: {  	v5 =	vld [tilespmem:s0+$0xC020];
	[tilespmem:s28+$0x1470] =	vst v7  }
0x2cb: {  	v8 =	vld [tilespmem:s0+$0x30];
	[tilespmem:s28+$0x0] =	vst v9;
	s28 =	smov.u32 s0  }
0x2cc: {  	v7 =	vld [tilespmem:s28+$0xC030]  }
0x2cd: {  	v10 =	vld [tilespmem:s28+$0x40]  }
0x2ce: {  	v9 =	vld [tilespmem:s28+$0xC040]  }
0x2cf: {  	v12 =	vld [tilespmem:s28+$0x50]  }
0x2d0: {  	v11 =	vld [tilespmem:s28+$0xC050]  }
0x2d1: {  	v13 =	vld [tilespmem:s28+$0x60]  }
0x2d2: {  	v14 =	vld [tilespmem:s28+$0x70]  }
0x2d3: {  	v15 =	vld [tilespmem:s28+$0x400]  }
0x2d4: {  	v16 =	vld [tilespmem:s28+$0x410]  }
0x2d5: {  	v17 =	vld [tilespmem:s28+$0x420]  }
0x2d6: {  	v18 =	vld [tilespmem:s28+$0x430]  }
0x2d7: {  	v19 =	vld [tilespmem:s28+$0x440]  }
0x2d8: {  	v20 =	vld [tilespmem:s28+$0x450]  }
0x2d9: {  	v21 =	vld [tilespmem:s28+$0x460]  }
0x2da: {  	v22 =	vld [tilespmem:s28+$0x470]  }
0x2db: {  	v23 =	vld [tilespmem:s28+$0x800]  }
0x2dc: {  	v24 =	vld [tilespmem:s28+$0x810]  }
0x2dd: {  	v25 =	vld [tilespmem:s28+$0x820]  }
0x2de: {  	v26 =	vld [tilespmem:s28+$0x830]  }
0x2df: {  	v27 =	vld [tilespmem:s28+$0x840]  }
0x2e0: {  	v28 =	vld [tilespmem:s28+$0x850]  }
0x2e1: {  	v29 =	vld [tilespmem:s28+$0x860]  }
0x2e2: {  	v30 =	vld [tilespmem:s28+$0x870]  }
0x2e3: {  	v31 =	vld [tilespmem:s28+$0xC00]  }
0x2e4: {  	v34 =	vld [tilespmem:s28+$0xC10]  }
0x2e5: {  	v35 =	vld [tilespmem:s28+$0xC20]  }
0x2e6: {  	v36 =	vld [tilespmem:s28+$0xC30]  }
0x2e7: {  	v37 =	vld [tilespmem:s28+$0xC40]  }
0x2e8: {  	v38 =	vld [tilespmem:s28+$0xC50]  }
0x2e9: {  	v39 =	vld [tilespmem:s28+$0xC60]  }
0x2ea: {  	v40 =	vld [tilespmem:s28+$0xC70]  }
0x2eb: {  	v41 =	vld [tilespmem:s28+$0x1000]  }
0x2ec: {  	v42 =	vld [tilespmem:s28+$0x1010]  }
0x2ed: {  	v43 =	vld [tilespmem:s28+$0x1020]  }
0x2ee: {  	v44 =	vld [tilespmem:s28+$0x1030]  }
0x2ef: {  	v45 =	vld [tilespmem:s28+$0x1040]  }
0x2f0: {  	v46 =	vld [tilespmem:s28+$0x1050]  }
.Ltmp1:
0x2f1: {  	v47 =	vld [tilespmem:s28+$0x1060];
	(pc) =	sbr.rel @p0 .LBB2_4-.Ltmp1, $4  }
0x2f2: {  	v48 =	vld [tilespmem:s28+$0x1400]  }
0x2f3: {  	v50 =	vld [tilespmem:s28+$0x1410]  }
0x2f4: {  	v49 =	vld [tilespmem:s28+$0xD410]  }
0x2f5: {  	s31 =	sadd.s32 $0x80, s31;
	v51 =	vld [tilespmem:s28+$0xD430]  }
0x2f6: {  	v52 =	vld [tilespmem:s28+$0x1430]  }
0x2f7: {  	v53 =	vld [tilespmem:s28+$0x1420];
	s0 =	sadd.s32 $0x80, s29  }
0x2f8: {  	v32 =	vld [tilespmem:s0+$0xFFFFFFF0]  }
0x2f9: {  	v33 =	vld [tilespmem:s0+$0x0]  }
0x2fa: {  	v54 =	vld [tilespmem:s28+$0xD420];
	_ =	sdelay $0x1  }
0x2fb: {  	v55 =	vld [tilespmem:s28+$0xD400]  }
0x2fc: {  	v56 =	vld [tilespmem:s28+$0x1070]  }
0x2fd: {  	v58 =	vld [tilespmem:s28+$0xD060];
	v52 =	vmul.f32 v52, v32;
	v51 =	vmul.f32 v51, v33  }
0x2fe: {  	v57 =	vld [tilespmem:s28+$0xD070];
	v53 =	vmul.f32 v53, v32;
	v54 =	vmul.f32 v54, v33  }
0x2ff: {  	v59 =	vld [tilespmem:s28+$0xD050];
	v50 =	vmul.f32 v50, v32;
	v49 =	vmul.f32 v49, v33  }
0x300: {  	v60 =	vld [tilespmem:s28+$0xD040];
	v48 =	vmul.f32 v48, v32;
	v62 =	vmul.f32 v55, v33;
	v51 =	vadd.f32 v51, v52  }
0x301: {  	v61 =	vld [tilespmem:s28+$0xD020];
	v63 =	vmul.f32 v56, v32;
	v47 =	vmul.f32 v47, v32;
	v53 =	vadd.f32 v54, v53  }
0x302: {  	v58 =	vmul.f32 v58, v33;
	v55 =	vld [tilespmem:s28+$0xC460];
	v12 =	vmul.f32 v12, v32;
	v49 =	vadd.f32 v49, v50;
	[tilespmem:s28+$0x1430] =	vst v51  }
0x303: {  	v56 =	vld [tilespmem:s28+$0xC450];
	v11 =	vmul.f32 v11, v33;
	v10 =	vmul.f32 v10, v32;
	v48 =	vadd.f32 v62, v48;
	[tilespmem:s28+$0x1420] =	vst v53  }
0x304: {  	v9 =	vmul.f32 v9, v33;
	v8 =	vmul.f32 v8, v32;
	v52 =	vld [tilespmem:s28+$0xD030];
	v47 =	vadd.f32 v58, v47;
	[tilespmem:s28+$0x1410] =	vst v49  }
0x305: {  	v7 =	vmul.f32 v7, v33;
	v6 =	vmul.f32 v6, v32;
	v50 =	vld [tilespmem:s28+$0xD000];
	v11 =	vadd.f32 v11, v12;
	[tilespmem:s28+$0x1400] =	vst v48  }
0x306: {  	v5 =	vmul.f32 v5, v33;
	v3 =	vmul.f32 v3, v32;
	v58 =	vld [tilespmem:s28+$0xCC20];
	v9 =	vadd.f32 v9, v10;
	[tilespmem:s28+$0x1060] =	vst v47  }
0x307: {  	v4 =	vmul.f32 v4, v33;
	v62 =	vmul.f32 v59, v33;
	v59 =	vld [tilespmem:s28+$0xCC10];
	v7 =	vadd.f32 v7, v8;
	[tilespmem:s28+$0x50] =	vst v11  }
0x308: {  	v57 =	vmul.f32 v57, v33;
	v54 =	vld [tilespmem:s28+$0xC470];
	v5 =	vadd.f32 v5, v6;
	[tilespmem:s28+$0x40] =	vst v9  }
0x309: {  	v46 =	vmul.f32 v46, v32;
	v3 =	vadd.f32 v4, v3;
	v51 =	vld [tilespmem:s28+$0xD010];
	[tilespmem:s28+$0x30] =	vst v7  }
0x30a: {  	v45 =	vmul.f32 v45, v32;
	v49 =	vld [tilespmem:s28+$0xCC70];
	v53 =	vadd.f32 v57, v63;
	v63 =	vmul.f32 v60, v33;
	[tilespmem:s28+$0x20] =	vst v5  }
0x30b: {  	v43 =	vmul.f32 v43, v32;
	v48 =	vld [tilespmem:s28+$0xCC60];
	v46 =	vadd.f32 v62, v46;
	v57 =	vmul.f32 v61, v33;
	[tilespmem:s28+$0x10] =	vst v3  }
0x30c: {  	v44 =	vmul.f32 v44, v32;
	v47 =	vld [tilespmem:s28+$0xCC40];
	[tilespmem:s28+$0x1070] =	vst v53;
	v45 =	vadd.f32 v63, v45;
	v52 =	vmul.f32 v52, v33  }
0x30d: {  	v41 =	vmul.f32 v41, v32;
	v60 =	vld [tilespmem:s28+$0xCC00];
	[tilespmem:s28+$0x1050] =	vst v46;
	v43 =	vadd.f32 v57, v43;
	v50 =	vmul.f32 v50, v33  }
0x30e: {  	v35 =	vmul.f32 v35, v32;
	v61 =	vld [tilespmem:s28+$0xC870];
	[tilespmem:s28+$0x1040] =	vst v45;
	v45 =	vmul.f32 v58, v33;
	v44 =	vadd.f32 v52, v44  }
0x30f: {  	v42 =	vmul.f32 v42, v32;
	v53 =	vld [tilespmem:s28+$0xCC50];
	[tilespmem:s28+$0x1020] =	vst v43;
	v51 =	vmul.f32 v51, v33;
	v41 =	vadd.f32 v50, v41  }
0x310: {  	v40 =	vmul.f32 v40, v32;
	v46 =	vld [tilespmem:s28+$0xCC30];
	v49 =	vmul.f32 v49, v33;
	v35 =	vadd.f32 v45, v35;
	[tilespmem:s28+$0x1030] =	vst v44  }
0x311: {  	v39 =	vmul.f32 v39, v32;
	v62 =	vld [tilespmem:s28+$0xC860];
	v48 =	vmul.f32 v48, v33;
	v42 =	vadd.f32 v51, v42;
	[tilespmem:s28+$0x1000] =	vst v41  }
0x312: {  	v37 =	vmul.f32 v37, v32;
	v57 =	vld [tilespmem:s28+$0xC440];
	v47 =	vmul.f32 v47, v33;
	v40 =	vadd.f32 v49, v40;
	[tilespmem:s28+$0xC20] =	vst v35  }
0x313: {  	v31 =	vmul.f32 v31, v32;
	v58 =	vld [tilespmem:s28+$0xC430];
	v43 =	vmul.f32 v60, v33;
	v39 =	vadd.f32 v48, v39;
	[tilespmem:s28+$0x1010] =	vst v42  }
0x314: {  	v38 =	vmul.f32 v38, v32;
	v50 =	vld [tilespmem:s28+$0xC830];
	v63 =	vmul.f32 v53, v33;
	v37 =	vadd.f32 v47, v37;
	[tilespmem:s28+$0xC70] =	vst v40  }
0x315: {  	v36 =	vmul.f32 v36, v32;
	v60 =	vld [tilespmem:s28+$0xC410];
	v46 =	vmul.f32 v46, v33;
	v31 =	vadd.f32 v43, v31;
	[tilespmem:s28+$0xC60] =	vst v39  }
0x316: {  	v34 =	vmul.f32 v34, v32;
	v52 =	vld [tilespmem:s28+$0xC810];
	v44 =	vmul.f32 v59, v33;
	v38 =	vadd.f32 v63, v38;
	[tilespmem:s28+$0xC40] =	vst v37  }
0x317: {  	v29 =	vmul.f32 v29, v32;
	v45 =	vld [tilespmem:s28+$0x1440];
	v41 =	vmul.f32 v62, v33;
	v36 =	vadd.f32 v46, v36;
	[tilespmem:s28+$0xC00] =	vst v31  }
0x318: {  	v21 =	vmul.f32 v21, v32;
	v48 =	vld [tilespmem:s28+$0xC850];
	v62 =	vmul.f32 v55, v33;
	v34 =	vadd.f32 v44, v34;
	[tilespmem:s28+$0xC50] =	vst v38  }
0x319: {  	v30 =	vmul.f32 v30, v32;
	v49 =	vld [tilespmem:s28+$0xC840];
	v42 =	vmul.f32 v61, v33;
	v29 =	vadd.f32 v41, v29;
	[tilespmem:s28+$0xC30] =	vst v36  }
0x31a: {  	v16 =	vmul.f32 v16, v32;
	v51 =	vld [tilespmem:s28+$0xC820];
	v21 =	vadd.f32 v62, v21;
	v41 =	vmul.f32 v60, v33;
	[tilespmem:s28+$0xC10] =	vst v34  }
0x31b: {  	v26 =	vmul.f32 v26, v32;
	v53 =	vld [tilespmem:s28+$0xC800];
	v30 =	vadd.f32 v42, v30;
	[tilespmem:s28+$0x860] =	vst v29;
	v38 =	vmul.f32 v50, v33  }
0x31c: {  	v24 =	vmul.f32 v24, v32;
	v59 =	vld [tilespmem:s28+$0xC420];
	v36 =	vmul.f32 v52, v33;
	[tilespmem:s28+$0x460] =	vst v21;
	v16 =	vadd.f32 v41, v16  }
0x31d: {  	v22 =	vmul.f32 v22, v32;
	v43 =	vld [tilespmem:s28+$0xD470];
	v34 =	vmul.f32 v54, v33;
	[tilespmem:s28+$0x870] =	vst v30;
	v26 =	vadd.f32 v38, v26  }
0x31e: {  	v28 =	vmul.f32 v28, v32;
	v61 =	vld [tilespmem:s28+$0xC400];
	v40 =	vmul.f32 v48, v33;
	v24 =	vadd.f32 v36, v24;
	[tilespmem:s28+$0x410] =	vst v16  }
0x31f: {  	v27 =	vmul.f32 v27, v32;
	v63 =	vld [tilespmem:s28+$0xC070];
	v39 =	vmul.f32 v49, v33;
	v22 =	vadd.f32 v34, v22;
	[tilespmem:s28+$0x830] =	vst v26  }
0x320: {  	v25 =	vmul.f32 v25, v32;
	v46 =	vld [tilespmem:s28+$0x1450];
	v37 =	vmul.f32 v51, v33;
	v28 =	vadd.f32 v40, v28;
	[tilespmem:s28+$0x810] =	vst v24  }
0x321: {  	v23 =	vmul.f32 v23, v32;
	v50 =	vld [tilespmem:s28+$0xC000];
	v35 =	vmul.f32 v53, v33;
	v27 =	vadd.f32 v39, v27;
	[tilespmem:s28+$0x470] =	vst v22  }
0x322: {  	v20 =	vmul.f32 v20, v32;
	v48 =	vld [tilespmem:s28+$0x1460];
	v30 =	vmul.f32 v56, v33;
	v25 =	vadd.f32 v37, v25;
	[tilespmem:s28+$0x850] =	vst v28  }
0x323: {  	v19 =	vmul.f32 v19, v32;
	v51 =	vld [tilespmem:s28+$0x0];
	v23 =	vadd.f32 v35, v23;
	v35 =	vmul.f32 v57, v33;
	[tilespmem:s28+$0x840] =	vst v27  }
0x324: {  	v18 =	vmul.f32 v18, v32;
	v34 =	vld [tilespmem:s28+$0xC060];
	v37 =	vmul.f32 v58, v33;
	v20 =	vadd.f32 v30, v20;
	[tilespmem:s28+$0x820] =	vst v25  }
0x325: {  	v17 =	vmul.f32 v17, v32;
	v36 =	vld [tilespmem:s28+$0xD440];
	v39 =	vmul.f32 v59, v33;
	[tilespmem:s28+$0x800] =	vst v23;
	v19 =	vadd.f32 v35, v19  }
0x326: {  	v15 =	vmul.f32 v15, v32;
	v38 =	vld [tilespmem:s28+$0xD450];
	v42 =	vmul.f32 v61, v33;
	v18 =	vadd.f32 v37, v18;
	[tilespmem:s28+$0x450] =	vst v20  }
0x327: {  	v14 =	vmul.f32 v14, v32;
	v40 =	vld [tilespmem:s28+$0xD460];
	v44 =	vmul.f32 v63, v33;
	v17 =	vadd.f32 v39, v17;
	[tilespmem:s28+$0x440] =	vst v19  }
0x328: {  	v49 =	vld [tilespmem:s28+$0x1470];
	v15 =	vadd.f32 v42, v15;
	v10 =	vmul.f32 v50, v33;
	v61 =	vmul.f32 v51, v32;
	[tilespmem:s28+$0x430] =	vst v18  }
0x329: {  	v13 =	vmul.f32 v13, v32;
	v14 =	vadd.f32 v44, v14;
	[tilespmem:s28+$0x420] =	vst v17;
	v47 =	vmul.f32 v34, v33  }
0x32a: {  	v52 =	vmul.f32 v45, v32;
	[tilespmem:s28+$0x400] =	vst v15;
	v53 =	vmul.f32 v36, v33;
	v63 =	vadd.f32 v10, v61  }
0x32b: {  	v54 =	vmul.f32 v46, v32;
	[tilespmem:s28+$0x70] =	vst v14;
	v55 =	vmul.f32 v38, v33;
	v13 =	vadd.f32 v47, v13  }
0x32c: {  	v56 =	vmul.f32 v48, v32;
	v58 =	vmul.f32 v40, v33;
	v57 =	vadd.f32 v53, v52;
	[tilespmem:s28+$0x0] =	vst v63  }
0x32d: {  	v60 =	vmul.f32 v43, v33;
	v59 =	vmul.f32 v49, v32;
	v3 =	vadd.f32 v55, v54;
	[tilespmem:s28+$0x60] =	vst v13  }
0x32e: {  	v62 =	vadd.f32 v58, v56;
	[tilespmem:s28+$0x1440] =	vst v57  }
0x32f: {  	s26 =	sadd.s32 $0x1, s26;
	[tilespmem:s28+$0x1450] =	vst v3;
	v3 =	vadd.f32 v60, v59  }
0x330: {  	p0 =	sne.s32 s26, s11;
	[tilespmem:s28+$0x1460] =	vst v62  }
.Ltmp2:
0x331: {  	[tilespmem:s28+$0x1470] =	vst v3;
	(pc) =	sbr.rel @p0 .LBB2_1-.Ltmp2, $4  }
0x332: {  	[hbm4b:s10+s2] =	stream.linear.scatter [tilespmem:s19], [sflag:$0x3], $0x6000, $0x38;
	[tilespmem:$0x1A200] =	vst v63  }
0x333: {  	_ =	swait.ge [sflag:s13], $0x6000  }
0x334: {  	[sflag:s13] =	ssyncset.done $0x0  }
0x335: {  	[sflag:s13] =	ssyncadd.s32 $0xFFFFA000  }
0x336: {  	_ =	sfence.sel $0x180000  }
0x337: {  	[bflag:$0x0] =	sbarrier.arrive $0xFFFF  }
0x338: {  	_ =	strace $0x9000004A  }
0x339: {  	s0 =	stileid.u32;
	[bflag:$0x2] =	sbarrier.arrive $0xFFFF  }
0x33a: {  	p0 =	sne.s32 s0, $0x0;
	s0 =	rddreg [dreg:$0x2]  }
0x33b: {  	s0 =	sadd.s32 @!p0 $0x100000, s0  }
0x33c: {  	[sflag:s0] =	ssyncadd.tile.s32 @!p0 $0x1;
	_ =	shalt  }
.Lfunc_end2:
_tile_overlayer_lowered:
.L_overlay_start_2:
0x33d: {  	(tag) =	ssettag $0x2  }
0x33e: {  	s0 =	rddreg [dreg:$0x0];
	s2 =	stileid.u32  }
0x33f: {  	s1 =	rddreg [dreg:$0x1];
	p0 =	sne.s32 s2, $0x0  }
0x340: {  	s3 =	rddreg [dreg:$0x2];
	[bflag:$0x3] =	sbarrier.arrive $0xFFFF;
	s2 =	simm.s32 @!p0 $0x1C03  }
0x341: {  	[timem:s3], [sflag:s2] =	dma.local @!p0 [hbm:s0], s1  }
0x342: {  	s0 =	simm.s32 @!p0 $0x3  }
0x343: {  	_ =	swait.ge @!p0 [sflag:s0], s1  }
0x344: {  	s1 =	ssub.s32 @!p0 $0x0, s1;
	[sflag:s0] =	ssyncset.done @!p0 $0x0  }
0x345: {  	[sflag:s0] =	ssyncadd.s32 @!p0 s1  }
0x346: {  	[bflag:$0x3] =	sbarrier.arrive $0xFFFF  }
0x347: {  	_ =	shalt  }

</sc_bundles>
